<compile_context>
chip_gen: v7x
topology: tpu7x:2x2x1
jax: 0.10.2.dev20260603
libtpu: 0.0.44.dev20260713+nightly
codegen_flags: <defaults>
</compile_context>

<pallas_src>
import functools

import jax
import jax.numpy as jnp
from jax import lax
from jax.experimental import pallas as pl
from jax.experimental.pallas import tpu as pltpu
from jax.experimental.pallas import tpu_sc as plsc

B, C = 16384, 1000
BR = 1024

NT = 16
CHUNK = B // NT
NV = CHUNK // 16
CP = 1024
CPT = CP // NT
SORTSP = B + 15 * CP + 512
WIN = SORTSP


def _rows_kernel(aw_ref, as_ref, conf_ref, tgt_ref, per_ref):
    aw = aw_ref[...]
    e1 = jnp.exp(aw)
    s1 = jnp.sum(e1, axis=1)
    m1 = jnp.max(e1, axis=1)
    conf_ref[...] = m1 / s1
    iota = lax.broadcasted_iota(jnp.int32, (BR, C), 1)
    tgt = jnp.min(jnp.where(e1 == m1[:, None], iota, C), axis=1).astype(jnp.int32)
    tgt_ref[...] = tgt
    as_ = as_ref[...]
    e2 = jnp.exp(as_)
    s2 = jnp.sum(e2, axis=1)
    r2 = 1.0 / s2
    sstrong = e2 * r2[:, None]
    lse3 = jnp.log(jnp.sum(jnp.exp(sstrong), axis=1))
    e2_at = jnp.sum(jnp.where(iota == tgt[:, None], e2, 0.0), axis=1)
    per_ref[...] = lse3 - e2_at * r2


def _dense(aw, as_):
    return pl.pallas_call(
        _rows_kernel,
        grid=(B // BR,),
        in_specs=[
            pl.BlockSpec((BR, C), lambda i: (i, 0)),
            pl.BlockSpec((BR, C), lambda i: (i, 0)),
        ],
        out_specs=[
            pl.BlockSpec((BR,), lambda i: (i,)),
            pl.BlockSpec((BR,), lambda i: (i,)),
            pl.BlockSpec((BR,), lambda i: (i,)),
        ],
        out_shape=[
            jax.ShapeDtypeStruct((B,), jnp.float32),
            jax.ShapeDtypeStruct((B,), jnp.int32),
            jax.ShapeDtypeStruct((B,), jnp.float32),
        ],
    )(aw, as_)


_IOTA = lambda: lax.iota(jnp.int32, 16)
_Z16F = lambda: jnp.zeros((16,), jnp.float32)
_Z16I = lambda: jnp.zeros((16,), jnp.int32)

_mesh = plsc.VectorSubcoreMesh(
    core_axis_name="c", subcore_axis_name="s", num_cores=1)


def _extract_i32(vec16, lane):
    return jnp.sum(jnp.where(_IOTA() == lane, vec16, 0))


@functools.partial(
    pl.kernel,
    mesh=_mesh,
    compiler_params=pltpu.CompilerParams(needs_layout_passes=False),
    out_type=jax.ShapeDtypeStruct((16,), jnp.float32),
    scratch_types=[
        pltpu.VMEM((CHUNK,), jnp.int32),
        pltpu.VMEM((CHUNK,), jnp.float32),
        pltpu.VMEM((CHUNK,), jnp.float32),
        pltpu.VMEM((CP,), jnp.int32),
        pltpu.VMEM((CP,), jnp.int32),
        pltpu.VMEM((8, 128), jnp.int32),
        pltpu.VMEM((16, CP), jnp.int32),
        pltpu.VMEM((CPT,), jnp.int32),
        pltpu.VMEM((80,), jnp.int32),
        pltpu.VMEM((16,), jnp.int32),
        pltpu.VMEM((16,), jnp.float32),
        pltpu.VMEM((WIN,), jnp.float32),
        pltpu.VMEM((WIN,), jnp.float32),
        pltpu.VMEM((16, 16), jnp.float32),
        pltpu.VMEM_SHARED((16, CP), jnp.int32),
        pltpu.VMEM_SHARED((16, CP), jnp.int32),
        pltpu.VMEM_SHARED((CP + 16,), jnp.int32),
        pltpu.VMEM_SHARED((CP,), jnp.int32),
        pltpu.VMEM_SHARED((SORTSP,), jnp.float32),
        pltpu.VMEM_SHARED((SORTSP,), jnp.float32),
        pltpu.VMEM_SHARED((16, 16), jnp.float32),
    ],
)
def _sc_select(conf_hbm, tgt_hbm, per_hbm, kv_hbm, out_hbm,
               tgt_v, conf_v, per_v, hist_v, off_v, pos_v, hall_v,
               sizes64_v, start72_v, kv_v, tmp16f_v, wconf_v, wper_v, acc2_v,
               hall_sp, o_sp, start_sp, sizes_sp, sconf_sp, sper_sp, acc_sp):
    wid = lax.axis_index("s")
    cbase = pl.multiple_of(wid * CHUNK, CHUNK)
    iota = _IOTA()
    ones = jnp.ones((16,), jnp.int32)

    pltpu.sync_copy(tgt_hbm.at[pl.ds(cbase, CHUNK)], tgt_v)
    pltpu.sync_copy(kv_hbm, kv_v)
    for i in range(NV):
        hist_v[pl.ds(i * 16, 16)] = _Z16I()
    for i in range(NV):
        plsc.addupdate_scatter(hist_v, [tgt_v[pl.ds(i * 16, 16)]], ones)
    pltpu.sync_copy(hist_v, hall_sp.at[wid])
    plsc.subcore_barrier()

    @pl.when(wid == 0)
    def _p2():
        pltpu.sync_copy(hall_sp, hall_v)

        def chunk_body(j, _):
            def tile_body(run, t):
                h = hall_v[t, pl.ds(j * 16, 16)]
                hall_v[t, pl.ds(j * 16, 16)] = run
                return run + h

            run = _Z16I()
            for t in range(NT):
                run = tile_body(run, t)
            hist_v[pl.ds(j * 16, 16)] = run
            return 0

        lax.fori_loop(0, NV, chunk_body, 0)

        def scan_body(j, c0):
            sz = hist_v[pl.ds(j * 16, 16)]
            pad = jnp.bitwise_and(sz + 15, -16)
            cum = jnp.cumsum(pad)
            excl = cum - pad + c0
            off_v[pl.ds(j * 16, 16)] = excl
            return c0 + jnp.sum(pad)

        c0 = lax.fori_loop(0, NV, scan_body, jnp.int32(0))

        def adj_body(j, _):
            st = off_v[pl.ds(j * 16, 16)]
            for t in range(NT):
                hall_v[t, pl.ds(j * 16, 16)] = hall_v[t, pl.ds(j * 16, 16)] + st
            return 0

        lax.fori_loop(0, NV, adj_body, 0)
        pltpu.sync_copy(hall_v, o_sp)
        pltpu.sync_copy(off_v, start_sp.at[pl.ds(0, CP)])
        tgt_v[pl.ds(0, 16)] = _Z16I() + c0
        pltpu.sync_copy(tgt_v.at[pl.ds(0, 16)], start_sp.at[pl.ds(CP, 16)])
        pltpu.sync_copy(hist_v, sizes_sp)
        pltpu.sync_copy(tgt_hbm.at[pl.ds(pl.multiple_of(wid * CHUNK, CHUNK), 16)], tgt_v.at[pl.ds(0, 16)])

    plsc.subcore_barrier()

    pltpu.sync_copy(o_sp.at[wid], off_v)
    pltpu.sync_copy(conf_hbm.at[pl.ds(cbase, CHUNK)], conf_v)
    pltpu.sync_copy(per_hbm.at[pl.ds(cbase, CHUNK)], per_v)
    for i in range(NV):
        t = tgt_v[pl.ds(i * 16, 16)]
        base = plsc.load_gather(off_v, [t])
        occ, _last = plsc.scan_count(t)
        pos_v[i // 8, pl.ds((i % 8) * 16, 16)] = base + occ - 1
        plsc.addupdate_scatter(off_v, [t], ones)
    for r in range(8):
        pltpu.sync_copy(conf_v.at[pl.ds(r * 128, 128)], sconf_sp.at[pos_v.at[r]])
        pltpu.sync_copy(per_v.at[pl.ds(r * 128, 128)], sper_sp.at[pos_v.at[r]])
    plsc.subcore_barrier()

    base_c = pl.multiple_of(wid * CPT, CPT)
    pltpu.sync_copy(sizes_sp.at[pl.ds(base_c, CPT)], sizes64_v)
    pltpu.sync_copy(start_sp.at[pl.ds(base_c, 72)], start72_v.at[pl.ds(0, 72)])
    ws = pl.multiple_of(start72_v[pl.ds(0, 16)][0], 16)
    we = start72_v[pl.ds(56, 16)][8]
    span = we - ws
    nblk = (span + 511) >> 9

    def blk_body(b, _):
        pltpu.sync_copy(sconf_sp.at[pl.ds(pl.multiple_of(ws + b * 512, 16), 512)],
                        wconf_v.at[pl.ds(pl.multiple_of(b * 512, 512), 512)])
        pltpu.sync_copy(sper_sp.at[pl.ds(pl.multiple_of(ws + b * 512, 16), 512)],
                        wper_v.at[pl.ds(pl.multiple_of(b * 512, 512), 512)])
        return 0

    lax.fori_loop(0, nblk, blk_body, 0)

    kk = kv_v[pl.ds(0, 16)][0]
    kkf = kk.astype(jnp.float32)

    def cls_body(cl, carry):
        num_acc, pcnt = carry
        cchunk = pl.multiple_of(jnp.bitwise_and(cl, -16), 16)
        lane = cl - cchunk
        sz = _extract_i32(sizes64_v[pl.ds(cchunk, 16)], lane)
        st = _extract_i32(start72_v[pl.ds(cchunk, 16)], lane)
        loc = pl.multiple_of(st - ws, 16)
        nv = (sz + 15) >> 4

        def small_path(_):
            def sum_body(v, acc):
                pv = wper_v[pl.ds(pl.multiple_of(loc + v * 16, 16), 16)]
                msk = (v * 16 + iota) < sz
                return acc + jnp.where(msk, pv, 0.0)

            svec = lax.fori_loop(0, nv, sum_body, _Z16F())
            den = jnp.maximum(sz, 1).astype(jnp.float32)
            return svec / (_Z16F() + den)

        def topk_path(_):
            def round_body(_r, sacc):
                def max_body(v, mv):
                    cv = wconf_v[pl.ds(pl.multiple_of(loc + v * 16, 16), 16)]
                    msk = (v * 16 + iota) < sz
                    return jnp.maximum(mv, jnp.where(msk, cv, -1.0))

                mvec = lax.fori_loop(0, nv, max_body, _Z16F() - 1.0)
                m = jnp.max(mvec)

                def rm_body(v, c2):
                    found, sa = c2
                    vo = pl.multiple_of(loc + v * 16, 16)
                    cv = wconf_v[pl.ds(vo, 16)]
                    msk = (v * 16 + iota) < sz
                    hit = msk & (cv == m) & (found == 0)
                    ffs = plsc.all_reduce_ffs(hit)
                    sel = hit & (iota == ffs)
                    pv = wper_v[pl.ds(vo, 16)]
                    sa = sa + jnp.where(sel, pv, 0.0)
                    wconf_v[pl.ds(vo, 16)] = jnp.where(sel, -2.0, cv)
                    anyhit = jnp.max(hit.astype(jnp.int32))
                    return (found | anyhit, sa)

                _f, sacc = lax.fori_loop(0, nv, rm_body, (jnp.int32(0), sacc))
                return sacc

            svec = lax.fori_loop(0, kk, round_body, _Z16F())
            return svec / (_Z16F() + kkf)

        contrib = lax.cond(sz <= kk, small_path, topk_path, 0)
        return (num_acc + contrib, pcnt + (sz > 0).astype(jnp.int32))

    num_acc, pcnt = lax.fori_loop(0, CPT, cls_body, (_Z16F(), jnp.int32(0)))

    tmp16f_v[...] = jnp.where(iota == 0, _Z16F() + jnp.sum(num_acc),
                              jnp.where(iota == 1,
                                        _Z16F() + pcnt.astype(jnp.float32),
                                        _Z16F()))
    pltpu.sync_copy(tmp16f_v, acc_sp.at[wid])
    plsc.subcore_barrier()

    @pl.when(wid == 0)
    def _p5():
        pltpu.sync_copy(acc_sp, acc2_v)
        tot = _Z16F()
        for t in range(NT):
            tot = tot + acc2_v[t, :]
        num = jnp.sum(jnp.where(iota == 0, tot, 0.0))
        pp = jnp.sum(jnp.where(iota == 1, tot, 0.0))
        tmp16f_v[...] = (_Z16F() + num) / (_Z16F() + pp)
        pltpu.sync_copy(tmp16f_v, out_hbm)


def kernel(epoch, anchors_weak, anchors_strong):
    conf, tgt, per = _dense(anchors_weak, anchors_strong)
    ratio = 0.7 + 0.7 * (1 - (200 - epoch) / 200)
    k = jnp.ceil(B / C * ratio).astype(jnp.int32)
    kv = jnp.full((16,), k, jnp.int32)
    out = _sc_select(conf, tgt, per, kv)
    return out[0]

# --- scband reference (transcript-rebuilt; emitter-appended) ---
"""Pipeline reference for scband-cluster-boosting-loss-88072599372558 (READ-ONLY COPY).

The authoritative reference and input builder live on the scoring server;
editing this copy changes nothing except your own understanding.
"""

import jax, jax.numpy as jnp
import numpy as np

THRESHOLD = 0.99
APPLY_CLASS_BALANCING = True


def setup_inputs(seed: int = 0) -> dict:
    key = jax.random.key(seed)
    k1, k2 = jax.random.split(key)
    B, C = 16384, 1000
    anchors_weak = jax.random.normal(k1, (B, C), dtype=jnp.float32)
    anchors_strong = jax.random.normal(k2, (B, C), dtype=jnp.float32)
    return {"epoch": 100, "anchors_weak": anchors_weak, "anchors_strong": anchors_strong}


def _pseudo_labels(max_prob, target, b, c, pseudo_per_class):
    # Equivalent to the per-class loop in the torch reference: for each class,
    # the top-`pseudo_per_class` most confident samples get pseudo label = class,
    # everything else gets -1. Done exactly with stable lexsort (class asc, conf desc).
    order = jnp.lexsort((-max_prob, target))  # primary key: class asc; secondary: confidence desc
    sorted_t = target[order]
    starts = jnp.searchsorted(sorted_t, jnp.arange(c), side='left')
    rank = jnp.arange(b) - starts[sorted_t]
    lab_sorted = jnp.where(rank < pseudo_per_class, sorted_t, -1)
    pseudo = jnp.full(b, -1, dtype=sorted_t.dtype).at[order].set(lab_sorted)
    return pseudo


def reference(epoch, anchors_weak, anchors_strong):
    weak_anchors_prob = jax.nn.softmax(anchors_weak, axis=1)
    max_prob = jnp.max(weak_anchors_prob, axis=1)
    target = jnp.argmax(weak_anchors_prob, axis=1)
    b, c = weak_anchors_prob.shape
    # NOTE: the initial threshold mask in the torch code is computed but then
    # overwritten by the pseudo-label mask, so THRESHOLD does not affect output.
    start_ratio = 0.7
    ratio = start_ratio + start_ratio * (1 - (200 - epoch) / 200)
    pseudo_per_class = jnp.ceil(b / c * ratio)
    pseudo = _pseudo_labels(max_prob, target, b, c, pseudo_per_class)
    mask = pseudo != -1
    n = jnp.sum(mask)
    input_ = jax.nn.softmax(anchors_strong, axis=1)
    if APPLY_CLASS_BALANCING:
        counts = jnp.zeros(c, dtype=jnp.int32).at[target].add(mask.astype(jnp.int32))
        present = counts > 0
        weight = jnp.where(present, n / jnp.where(present, counts, 1), 1.0).astype(jnp.float32)
    else:
        weight = jnp.ones(c, dtype=jnp.float32)
    # MaskedCrossEntropyLoss: masked rows contribute to F.cross_entropy(probs, tgt, weight)
    logp = jax.nn.log_softmax(input_, axis=1)  # cross_entropy applies log_softmax again (faithful)
    per = -jnp.take_along_axis(logp, target[:, None], axis=1)[:, 0]
    w = weight[target]
    mf = mask.astype(per.dtype)
    loss = jnp.sum(mf * w * per) / jnp.sum(mf * w)
    return loss

if __name__ == "__main__":
    import jax
    _d = setup_inputs()
    print(jax.jit(kernel)(*tuple(_d.values())))

</pallas_src>

<mosaic_0001>
#map = affine_map<(d0, d1) -> (0)>
module attributes {stable_mosaic.version = 14 : i64} {
  func.func @_sc_select(%arg0: i32, %arg1: i32, %arg2: memref<16384xf32, #tpu.memory_space<hbm>>, %arg3: memref<16384xi32, #tpu.memory_space<hbm>>, %arg4: memref<16384xf32, #tpu.memory_space<hbm>>, %arg5: memref<16xi32, #tpu.memory_space<hbm>>, %arg6: memref<16xf32, #tpu.memory_space<hbm>>, %arg7: memref<1024xi32, #tpu.memory_space<vmem>>, %arg8: memref<1024xf32, #tpu.memory_space<vmem>>, %arg9: memref<1024xf32, #tpu.memory_space<vmem>>, %arg10: memref<1024xi32, #tpu.memory_space<vmem>>, %arg11: memref<1024xi32, #tpu.memory_space<vmem>>, %arg12: memref<8x128xi32, #tpu.memory_space<vmem>>, %arg13: memref<16x1024xi32, #tpu.memory_space<vmem>>, %arg14: memref<64xi32, #tpu.memory_space<vmem>>, %arg15: memref<80xi32, #tpu.memory_space<vmem>>, %arg16: memref<16xi32, #tpu.memory_space<vmem>>, %arg17: memref<16xf32, #tpu.memory_space<vmem>>, %arg18: memref<32256xf32, #tpu.memory_space<vmem>>, %arg19: memref<32256xf32, #tpu.memory_space<vmem>>, %arg20: memref<16x16xf32, #tpu.memory_space<vmem>>, %arg21: memref<16x1024xi32, #tpu.memory_space<vmem_shared>>, %arg22: memref<16x1024xi32, #tpu.memory_space<vmem_shared>>, %arg23: memref<1040xi32, #tpu.memory_space<vmem_shared>>, %arg24: memref<1024xi32, #tpu.memory_space<vmem_shared>>, %arg25: memref<32256xf32, #tpu.memory_space<vmem_shared>>, %arg26: memref<32256xf32, #tpu.memory_space<vmem_shared>>, %arg27: memref<16x16xf32, #tpu.memory_space<vmem_shared>>) attributes {dimension_semantics = [#tpu.dimension_semantics<core_parallel>, #tpu.dimension_semantics<subcore_parallel>], iteration_bounds = array<i64: 1, 16>, scalar_prefetch = 0 : i64, scratch_operands = 21 : i64, tpu.core_type = #tpu.core_type<sc_vector_subcore>, window_params = [{transform_indices = #map}, {transform_indices = #map}, {transform_indices = #map}, {transform_indices = #map}, {transform_indices = #map}]} {
    %mul3A = arith.constant 1024 : i32
    %mul3A_0 = arith.muli %arg1, %mul3A : i32
    %multiple_of3A = tpu.assume_multiple %mul3A_0, 1024 : i32
    %iota3A = tpu.iota {dimensions = array<i32: 0>} : vector<16xi32>
    %broadcast_in_dim3A = arith.constant 1 : i32
    %broadcast_in_dim3A_1 = vector.broadcast %broadcast_in_dim3A : i32 to vector<16xi32>
    "tpu.region"() ({
      %run_scoped3A_1426 = tpu.sem_alloc : memref<!tpu.dma_semaphore, #tpu.memory_space<semaphore_mem>>
      %dma_start3A = tpu.memref_slice %arg3[%multiple_of3A] : memref<16384xi32, #tpu.memory_space<hbm>> -> memref<1024xi32, #tpu.memory_space<hbm>>
      %dma_start3A_1427 = tpu.memref_slice %arg3[%multiple_of3A] : memref<16384xi32, #tpu.memory_space<hbm>> -> memref<1024xi32, #tpu.memory_space<hbm>>
      tpu.enqueue_dma source(%dma_start3A_1427 : memref<1024xi32, #tpu.memory_space<hbm>>) target(%arg7 : memref<1024xi32, #tpu.memory_space<vmem>>) target_semaphore(%run_scoped3A_1426 : memref<!tpu.dma_semaphore, #tpu.memory_space<semaphore_mem>>)
      %dma_wait3A = tpu.memref_slice %arg3[%multiple_of3A] : memref<16384xi32, #tpu.memory_space<hbm>> -> memref<1024xi32, #tpu.memory_space<hbm>>
      %dma_wait3A_1428 = tpu.memref_slice %arg3[%multiple_of3A] : memref<16384xi32, #tpu.memory_space<hbm>> -> memref<1024xi32, #tpu.memory_space<hbm>>
      tpu.wait_dma2 semaphore(%run_scoped3A_1426 : memref<!tpu.dma_semaphore, #tpu.memory_space<semaphore_mem>>) src(%dma_wait3A_1428 : memref<1024xi32, #tpu.memory_space<hbm>>) dst(%arg7 : memref<1024xi32, #tpu.memory_space<vmem>>)
      tpu.yield
    }) : () -> ()
    "tpu.region"() ({
      %run_scoped3A_1426 = tpu.sem_alloc : memref<!tpu.dma_semaphore, #tpu.memory_space<semaphore_mem>>
      tpu.enqueue_dma source(%arg5 : memref<16xi32, #tpu.memory_space<hbm>>) target(%arg16 : memref<16xi32, #tpu.memory_space<vmem>>) target_semaphore(%run_scoped3A_1426 : memref<!tpu.dma_semaphore, #tpu.memory_space<semaphore_mem>>)
      tpu.wait_dma2 semaphore(%run_scoped3A_1426 : memref<!tpu.dma_semaphore, #tpu.memory_space<semaphore_mem>>) src(%arg5 : memref<16xi32, #tpu.memory_space<hbm>>) dst(%arg16 : memref<16xi32, #tpu.memory_space<vmem>>)
      tpu.yield
    }) : () -> ()
    %broadcast_in_dim3A_2 = arith.constant 0 : i32
    %broadcast_in_dim3A_3 = vector.broadcast %broadcast_in_dim3A_2 : i32 to vector<16xi32>
    %swap3A = arith.constant 0 : index
    %swap3A_4 = tpu.vector_load %arg10[%swap3A] {strides = array<i32>} : memref<1024xi32, #tpu.memory_space<vmem>>, vector<16xi32>,
    tpu.vector_store %arg10[%swap3A], %broadcast_in_dim3A_3 {strides = array<i32>} : memref<1024xi32, #tpu.memory_space<vmem>>, vector<16xi32>,
    %broadcast_in_dim3A_5 = arith.constant 0 : i32
    %broadcast_in_dim3A_6 = vector.broadcast %broadcast_in_dim3A_5 : i32 to vector<16xi32>
    %swap3A_7 = arith.constant 16 : index
    %swap3A_8 = tpu.vector_load %arg10[%swap3A_7] {strides = array<i32>} : memref<1024xi32, #tpu.memory_space<vmem>>, vector<16xi32>,
    tpu.vector_store %arg10[%swap3A_7], %broadcast_in_dim3A_6 {strides = array<i32>} : memref<1024xi32, #tpu.memory_space<vmem>>, vector<16xi32>,
    %broadcast_in_dim3A_9 = arith.constant 0 : i32
    %broadcast_in_dim3A_10 = vector.broadcast %broadcast_in_dim3A_9 : i32 to vector<16xi32>
    %swap3A_11 = arith.constant 32 : index
    %swap3A_12 = tpu.vector_load %arg10[%swap3A_11] {strides = array<i32>} : memref<1024xi32, #tpu.memory_space<vmem>>, vector<16xi32>,
    tpu.vector_store %arg10[%swap3A_11], %broadcast_in_dim3A_10 {strides = array<i32>} : memref<1024xi32, #tpu.memory_space<vmem>>, vector<16xi32>,
    %broadcast_in_dim3A_13 = arith.constant 0 : i32
    %broadcast_in_dim3A_14 = vector.broadcast %broadcast_in_dim3A_13 : i32 to vector<16xi32>
    %swap3A_15 = arith.constant 48 : index
    %swap3A_16 = tpu.vector_load %arg10[%swap3A_15] {strides = array<i32>} : memref<1024xi32, #tpu.memory_space<vmem>>, vector<16xi32>,
    tpu.vector_store %arg10[%swap3A_15], %broadcast_in_dim3A_14 {strides = array<i32>} : memref<1024xi32, #tpu.memory_space<vmem>>, vector<16xi32>,
    %broadcast_in_dim3A_17 = arith.constant 0 : i32
    %broadcast_in_dim3A_18 = vector.broadcast %broadcast_in_dim3A_17 : i32 to vector<16xi32>
    %swap3A_19 = arith.constant 64 : index
    %swap3A_20 = tpu.vector_load %arg10[%swap3A_19] {strides = array<i32>} : memref<1024xi32, #tpu.memory_space<vmem>>, vector<16xi32>,
    tpu.vector_store %arg10[%swap3A_19], %broadcast_in_dim3A_18 {strides = array<i32>} : memref<1024xi32, #tpu.memory_space<vmem>>, vector<16xi32>,
    %broadcast_in_dim3A_21 = arith.constant 0 : i32
    %broadcast_in_dim3A_22 = vector.broadcast %broadcast_in_dim3A_21 : i32 to vector<16xi32>
    %swap3A_23 = arith.constant 80 : index
    %swap3A_24 = tpu.vector_load %arg10[%swap3A_23] {strides = array<i32>} : memref<1024xi32, #tpu.memory_space<vmem>>, vector<16xi32>,
    tpu.vector_store %arg10[%swap3A_23], %broadcast_in_dim3A_22 {strides = array<i32>} : memref<1024xi32, #tpu.memory_space<vmem>>, vector<16xi32>,
    %broadcast_in_dim3A_25 = arith.constant 0 : i32
    %broadcast_in_dim3A_26 = vector.broadcast %broadcast_in_dim3A_25 : i32 to vector<16xi32>
    %swap3A_27 = arith.constant 96 : index
    %swap3A_28 = tpu.vector_load %arg10[%swap3A_27] {strides = array<i32>} : memref<1024xi32, #tpu.memory_space<vmem>>, vector<16xi32>,
    tpu.vector_store %arg10[%swap3A_27], %broadcast_in_dim3A_26 {strides = array<i32>} : memref<1024xi32, #tpu.memory_space<vmem>>, vector<16xi32>,
    %broadcast_in_dim3A_29 = arith.constant 0 : i32
    %broadcast_in_dim3A_30 = vector.broadcast %broadcast_in_dim3A_29 : i32 to vector<16xi32>
    %swap3A_31 = arith.constant 112 : index
    %swap3A_32 = tpu.vector_load %arg10[%swap3A_31] {strides = array<i32>} : memref<1024xi32, #tpu.memory_space<vmem>>, vector<16xi32>,
    tpu.vector_store %arg10[%swap3A_31], %broadcast_in_dim3A_30 {strides = array<i32>} : memref<1024xi32, #tpu.memory_space<vmem>>, vector<16xi32>,
    %broadcast_in_dim3A_33 = arith.constant 0 : i32
    %broadcast_in_dim3A_34 = vector.broadcast %broadcast_in_dim3A_33 : i32 to vector<16xi32>
    %swap3A_35 = arith.constant 128 : index
    %swap3A_36 = tpu.vector_load %arg10[%swap3A_35] {strides = array<i32>} : memref<1024xi32, #tpu.memory_space<vmem>>, vector<16xi32>,
    tpu.vector_store %arg10[%swap3A_35], %broadcast_in_dim3A_34 {strides = array<i32>} : memref<1024xi32, #tpu.memory_space<vmem>>, vector<16xi32>,
    %broadcast_in_dim3A_37 = arith.constant 0 : i32
    %broadcast_in_dim3A_38 = vector.broadcast %broadcast_in_dim3A_37 : i32 to vector<16xi32>
    %swap3A_39 = arith.constant 144 : index
    %swap3A_40 = tpu.vector_load %arg10[%swap3A_39] {strides = array<i32>} : memref<1024xi32, #tpu.memory_space<vmem>>, vector<16xi32>,
    tpu.vector_store %arg10[%swap3A_39], %broadcast_in_dim3A_38 {strides = array<i32>} : memref<1024xi32, #tpu.memory_space<vmem>>, vector<16xi32>,
    %broadcast_in_dim3A_41 = arith.constant 0 : i32
    %broadcast_in_dim3A_42 = vector.broadcast %broadcast_in_dim3A_41 : i32 to vector<16xi32>
    %swap3A_43 = arith.constant 160 : index
    %swap3A_44 = tpu.vector_load %arg10[%swap3A_43] {strides = array<i32>} : memref<1024xi32, #tpu.memory_space<vmem>>, vector<16xi32>,
    tpu.vector_store %arg10[%swap3A_43], %broadcast_in_dim3A_42 {strides = array<i32>} : memref<1024xi32, #tpu.memory_space<vmem>>, vector<16xi32>,
    %broadcast_in_dim3A_45 = arith.constant 0 : i32
    %broadcast_in_dim3A_46 = vector.broadcast %broadcast_in_dim3A_45 : i32 to vector<16xi32>
    %swap3A_47 = arith.constant 176 : index
    %swap3A_48 = tpu.vector_load %arg10[%swap3A_47] {strides = array<i32>} : memref<1024xi32, #tpu.memory_space<vmem>>, vector<16xi32>,
    tpu.vector_store %arg10[%swap3A_47], %broadcast_in_dim3A_46 {strides = array<i32>} : memref<1024xi32, #tpu.memory_space<vmem>>, vector<16xi32>,
    %broadcast_in_dim3A_49 = arith.constant 0 : i32
    %broadcast_in_dim3A_50 = vector.broadcast %broadcast_in_dim3A_49 : i32 to vector<16xi32>
    %swap3A_51 = arith.constant 192 : index
    %swap3A_52 = tpu.vector_load %arg10[%swap3A_51] {strides = array<i32>} : memref<1024xi32, #tpu.memory_space<vmem>>, vector<16xi32>,
    tpu.vector_store %arg10[%swap3A_51], %broadcast_in_dim3A_50 {strides = array<i32>} : memref<1024xi32, #tpu.memory_space<vmem>>, vector<16xi32>,
    %broadcast_in_dim3A_53 = arith.constant 0 : i32
    %broadcast_in_dim3A_54 = vector.broadcast %broadcast_in_dim3A_53 : i32 to vector<16xi32>
    %swap3A_55 = arith.constant 208 : index
    %swap3A_56 = tpu.vector_load %arg10[%swap3A_55] {strides = array<i32>} : memref<1024xi32, #tpu.memory_space<vmem>>, vector<16xi32>,
    tpu.vector_store %arg10[%swap3A_55], %broadcast_in_dim3A_54 {strides = array<i32>} : memref<1024xi32, #tpu.memory_space<vmem>>, vector<16xi32>,
    %broadcast_in_dim3A_57 = arith.constant 0 : i32
    %broadcast_in_dim3A_58 = vector.broadcast %broadcast_in_dim3A_57 : i32 to vector<16xi32>
    %swap3A_59 = arith.constant 224 : index
    %swap3A_60 = tpu.vector_load %arg10[%swap3A_59] {strides = array<i32>} : memref<1024xi32, #tpu.memory_space<vmem>>, vector<16xi32>,
    tpu.vector_store %arg10[%swap3A_59], %broadcast_in_dim3A_58 {strides = array<i32>} : memref<1024xi32, #tpu.memory_space<vmem>>, vector<16xi32>,
    %broadcast_in_dim3A_61 = arith.constant 0 : i32
    %broadcast_in_dim3A_62 = vector.broadcast %broadcast_in_dim3A_61 : i32 to vector<16xi32>
    %swap3A_63 = arith.constant 240 : index
    %swap3A_64 = tpu.vector_load %arg10[%swap3A_63] {strides = array<i32>} : memref<1024xi32, #tpu.memory_space<vmem>>, vector<16xi32>,
    tpu.vector_store %arg10[%swap3A_63], %broadcast_in_dim3A_62 {strides = array<i32>} : memref<1024xi32, #tpu.memory_space<vmem>>, vector<16xi32>,
    %broadcast_in_dim3A_65 = arith.constant 0 : i32
    %broadcast_in_dim3A_66 = vector.broadcast %broadcast_in_dim3A_65 : i32 to vector<16xi32>
    %swap3A_67 = arith.constant 256 : index
    %swap3A_68 = tpu.vector_load %arg10[%swap3A_67] {strides = array<i32>} : memref<1024xi32, #tpu.memory_space<vmem>>, vector<16xi32>,
    tpu.vector_store %arg10[%swap3A_67], %broadcast_in_dim3A_66 {strides = array<i32>} : memref<1024xi32, #tpu.memory_space<vmem>>, vector<16xi32>,
    %broadcast_in_dim3A_69 = arith.constant 0 : i32
    %broadcast_in_dim3A_70 = vector.broadcast %broadcast_in_dim3A_69 : i32 to vector<16xi32>
    %swap3A_71 = arith.constant 272 : index
    %swap3A_72 = tpu.vector_load %arg10[%swap3A_71] {strides = array<i32>} : memref<1024xi32, #tpu.memory_space<vmem>>, vector<16xi32>,
    tpu.vector_store %arg10[%swap3A_71], %broadcast_in_dim3A_70 {strides = array<i32>} : memref<1024xi32, #tpu.memory_space<vmem>>, vector<16xi32>,
    %broadcast_in_dim3A_73 = arith.constant 0 : i32
    %broadcast_in_dim3A_74 = vector.broadcast %broadcast_in_dim3A_73 : i32 to vector<16xi32>
    %swap3A_75 = arith.constant 288 : index
    %swap3A_76 = tpu.vector_load %arg10[%swap3A_75] {strides = array<i32>} : memref<1024xi32, #tpu.memory_space<vmem>>, vector<16xi32>,
    tpu.vector_store %arg10[%swap3A_75], %broadcast_in_dim3A_74 {strides = array<i32>} : memref<1024xi32, #tpu.memory_space<vmem>>, vector<16xi32>,
    %broadcast_in_dim3A_77 = arith.constant 0 : i32
    %broadcast_in_dim3A_78 = vector.broadcast %broadcast_in_dim3A_77 : i32 to vector<16xi32>
    %swap3A_79 = arith.constant 304 : index
    %swap3A_80 = tpu.vector_load %arg10[%swap3A_79] {strides = array<i32>} : memref<1024xi32, #tpu.memory_space<vmem>>, vector<16xi32>,
    tpu.vector_store %arg10[%swap3A_79], %broadcast_in_dim3A_78 {strides = array<i32>} : memref<1024xi32, #tpu.memory_space<vmem>>, vector<16xi32>,
    %broadcast_in_dim3A_81 = arith.constant 0 : i32
    %broadcast_in_dim3A_82 = vector.broadcast %broadcast_in_dim3A_81 : i32 to vector<16xi32>
    %swap3A_83 = arith.constant 320 : index
    %swap3A_84 = tpu.vector_load %arg10[%swap3A_83] {strides = array<i32>} : memref<1024xi32, #tpu.memory_space<vmem>>, vector<16xi32>,
    tpu.vector_store %arg10[%swap3A_83], %broadcast_in_dim3A_82 {strides = array<i32>} : memref<1024xi32, #tpu.memory_space<vmem>>, vector<16xi32>,
    %broadcast_in_dim3A_85 = arith.constant 0 : i32
    %broadcast_in_dim3A_86 = vector.broadcast %broadcast_in_dim3A_85 : i32 to vector<16xi32>
    %swap3A_87 = arith.constant 336 : index
    %swap3A_88 = tpu.vector_load %arg10[%swap3A_87] {strides = array<i32>} : memref<1024xi32, #tpu.memory_space<vmem>>, vector<16xi32>,
    tpu.vector_store %arg10[%swap3A_87], %broadcast_in_dim3A_86 {strides = array<i32>} : memref<1024xi32, #tpu.memory_space<vmem>>, vector<16xi32>,
    %broadcast_in_dim3A_89 = arith.constant 0 : i32
    %broadcast_in_dim3A_90 = vector.broadcast %broadcast_in_dim3A_89 : i32 to vector<16xi32>
    %swap3A_91 = arith.constant 352 : index
    %swap3A_92 = tpu.vector_load %arg10[%swap3A_91] {strides = array<i32>} : memref<1024xi32, #tpu.memory_space<vmem>>, vector<16xi32>,
    tpu.vector_store %arg10[%swap3A_91], %broadcast_in_dim3A_90 {strides = array<i32>} : memref<1024xi32, #tpu.memory_space<vmem>>, vector<16xi32>,
    %broadcast_in_dim3A_93 = arith.constant 0 : i32
    %broadcast_in_dim3A_94 = vector.broadcast %broadcast_in_dim3A_93 : i32 to vector<16xi32>
    %swap3A_95 = arith.constant 368 : index
    %swap3A_96 = tpu.vector_load %arg10[%swap3A_95] {strides = array<i32>} : memref<1024xi32, #tpu.memory_space<vmem>>, vector<16xi32>,
    tpu.vector_store %arg10[%swap3A_95], %broadcast_in_dim3A_94 {strides = array<i32>} : memref<1024xi32, #tpu.memory_space<vmem>>, vector<16xi32>,
    %broadcast_in_dim3A_97 = arith.constant 0 : i32
    %broadcast_in_dim3A_98 = vector.broadcast %broadcast_in_dim3A_97 : i32 to vector<16xi32>
    %swap3A_99 = arith.constant 384 : index
    %swap3A_100 = tpu.vector_load %arg10[%swap3A_99] {strides = array<i32>} : memref<1024xi32, #tpu.memory_space<vmem>>, vector<16xi32>,
    tpu.vector_store %arg10[%swap3A_99], %broadcast_in_dim3A_98 {strides = array<i32>} : memref<1024xi32, #tpu.memory_space<vmem>>, vector<16xi32>,
    %broadcast_in_dim3A_101 = arith.constant 0 : i32
    %broadcast_in_dim3A_102 = vector.broadcast %broadcast_in_dim3A_101 : i32 to vector<16xi32>
    %swap3A_103 = arith.constant 400 : index
    %swap3A_104 = tpu.vector_load %arg10[%swap3A_103] {strides = array<i32>} : memref<1024xi32, #tpu.memory_space<vmem>>, vector<16xi32>,
    tpu.vector_store %arg10[%swap3A_103], %broadcast_in_dim3A_102 {strides = array<i32>} : memref<1024xi32, #tpu.memory_space<vmem>>, vector<16xi32>,
    %broadcast_in_dim3A_105 = arith.constant 0 : i32
    %broadcast_in_dim3A_106 = vector.broadcast %broadcast_in_dim3A_105 : i32 to vector<16xi32>
    %swap3A_107 = arith.constant 416 : index
    %swap3A_108 = tpu.vector_load %arg10[%swap3A_107] {strides = array<i32>} : memref<1024xi32, #tpu.memory_space<vmem>>, vector<16xi32>,
    tpu.vector_store %arg10[%swap3A_107], %broadcast_in_dim3A_106 {strides = array<i32>} : memref<1024xi32, #tpu.memory_space<vmem>>, vector<16xi32>,
    %broadcast_in_dim3A_109 = arith.constant 0 : i32
    %broadcast_in_dim3A_110 = vector.broadcast %broadcast_in_dim3A_109 : i32 to vector<16xi32>
    %swap3A_111 = arith.constant 432 : index
    %swap3A_112 = tpu.vector_load %arg10[%swap3A_111] {strides = array<i32>} : memref<1024xi32, #tpu.memory_space<vmem>>, vector<16xi32>,
    tpu.vector_store %arg10[%swap3A_111], %broadcast_in_dim3A_110 {strides = array<i32>} : memref<1024xi32, #tpu.memory_space<vmem>>, vector<16xi32>,
    %broadcast_in_dim3A_113 = arith.constant 0 : i32
    %broadcast_in_dim3A_114 = vector.broadcast %broadcast_in_dim3A_113 : i32 to vector<16xi32>
    %swap3A_115 = arith.constant 448 : index
    %swap3A_116 = tpu.vector_load %arg10[%swap3A_115] {strides = array<i32>} : memref<1024xi32, #tpu.memory_space<vmem>>, vector<16xi32>,
    tpu.vector_store %arg10[%swap3A_115], %broadcast_in_dim3A_114 {strides = array<i32>} : memref<1024xi32, #tpu.memory_space<vmem>>, vector<16xi32>,
    %broadcast_in_dim3A_117 = arith.constant 0 : i32
    %broadcast_in_dim3A_118 = vector.broadcast %broadcast_in_dim3A_117 : i32 to vector<16xi32>
    %swap3A_119 = arith.constant 464 : index
    %swap3A_120 = tpu.vector_load %arg10[%swap3A_119] {strides = array<i32>} : memref<1024xi32, #tpu.memory_space<vmem>>, vector<16xi32>,
    tpu.vector_store %arg10[%swap3A_119], %broadcast_in_dim3A_118 {strides = array<i32>} : memref<1024xi32, #tpu.memory_space<vmem>>, vector<16xi32>,
    %broadcast_in_dim3A_121 = arith.constant 0 : i32
    %broadcast_in_dim3A_122 = vector.broadcast %broadcast_in_dim3A_121 : i32 to vector<16xi32>
    %swap3A_123 = arith.constant 480 : index
    %swap3A_124 = tpu.vector_load %arg10[%swap3A_123] {strides = array<i32>} : memref<1024xi32, #tpu.memory_space<vmem>>, vector<16xi32>,
    tpu.vector_store %arg10[%swap3A_123], %broadcast_in_dim3A_122 {strides = array<i32>} : memref<1024xi32, #tpu.memory_space<vmem>>, vector<16xi32>,
    %broadcast_in_dim3A_125 = arith.constant 0 : i32
    %broadcast_in_dim3A_126 = vector.broadcast %broadcast_in_dim3A_125 : i32 to vector<16xi32>
    %swap3A_127 = arith.constant 496 : index
    %swap3A_128 = tpu.vector_load %arg10[%swap3A_127] {strides = array<i32>} : memref<1024xi32, #tpu.memory_space<vmem>>, vector<16xi32>,
    tpu.vector_store %arg10[%swap3A_127], %broadcast_in_dim3A_126 {strides = array<i32>} : memref<1024xi32, #tpu.memory_space<vmem>>, vector<16xi32>,
    %broadcast_in_dim3A_129 = arith.constant 0 : i32
    %broadcast_in_dim3A_130 = vector.broadcast %broadcast_in_dim3A_129 : i32 to vector<16xi32>
    %swap3A_131 = arith.constant 512 : index
    %swap3A_132 = tpu.vector_load %arg10[%swap3A_131] {strides = array<i32>} : memref<1024xi32, #tpu.memory_space<vmem>>, vector<16xi32>,
    tpu.vector_store %arg10[%swap3A_131], %broadcast_in_dim3A_130 {strides = array<i32>} : memref<1024xi32, #tpu.memory_space<vmem>>, vector<16xi32>,
    %broadcast_in_dim3A_133 = arith.constant 0 : i32
    %broadcast_in_dim3A_134 = vector.broadcast %broadcast_in_dim3A_133 : i32 to vector<16xi32>
    %swap3A_135 = arith.constant 528 : index
    %swap3A_136 = tpu.vector_load %arg10[%swap3A_135] {strides = array<i32>} : memref<1024xi32, #tpu.memory_space<vmem>>, vector<16xi32>,
    tpu.vector_store %arg10[%swap3A_135], %broadcast_in_dim3A_134 {strides = array<i32>} : memref<1024xi32, #tpu.memory_space<vmem>>, vector<16xi32>,
    %broadcast_in_dim3A_137 = arith.constant 0 : i32
    %broadcast_in_dim3A_138 = vector.broadcast %broadcast_in_dim3A_137 : i32 to vector<16xi32>
    %swap3A_139 = arith.constant 544 : index
    %swap3A_140 = tpu.vector_load %arg10[%swap3A_139] {strides = array<i32>} : memref<1024xi32, #tpu.memory_space<vmem>>, vector<16xi32>,
    tpu.vector_store %arg10[%swap3A_139], %broadcast_in_dim3A_138 {strides = array<i32>} : memref<1024xi32, #tpu.memory_space<vmem>>, vector<16xi32>,
    %broadcast_in_dim3A_141 = arith.constant 0 : i32
    %broadcast_in_dim3A_142 = vector.broadcast %broadcast_in_dim3A_141 : i32 to vector<16xi32>
    %swap3A_143 = arith.constant 560 : index
    %swap3A_144 = tpu.vector_load %arg10[%swap3A_143] {strides = array<i32>} : memref<1024xi32, #tpu.memory_space<vmem>>, vector<16xi32>,
    tpu.vector_store %arg10[%swap3A_143], %broadcast_in_dim3A_142 {strides = array<i32>} : memref<1024xi32, #tpu.memory_space<vmem>>, vector<16xi32>,
    %broadcast_in_dim3A_145 = arith.constant 0 : i32
    %broadcast_in_dim3A_146 = vector.broadcast %broadcast_in_dim3A_145 : i32 to vector<16xi32>
    %swap3A_147 = arith.constant 576 : index
    %swap3A_148 = tpu.vector_load %arg10[%swap3A_147] {strides = array<i32>} : memref<1024xi32, #tpu.memory_space<vmem>>, vector<16xi32>,
    tpu.vector_store %arg10[%swap3A_147], %broadcast_in_dim3A_146 {strides = array<i32>} : memref<1024xi32, #tpu.memory_space<vmem>>, vector<16xi32>,
    %broadcast_in_dim3A_149 = arith.constant 0 : i32
    %broadcast_in_dim3A_150 = vector.broadcast %broadcast_in_dim3A_149 : i32 to vector<16xi32>
    %swap3A_151 = arith.constant 592 : index
    %swap3A_152 = tpu.vector_load %arg10[%swap3A_151] {strides = array<i32>} : memref<1024xi32, #tpu.memory_space<vmem>>, vector<16xi32>,
    tpu.vector_store %arg10[%swap3A_151], %broadcast_in_dim3A_150 {strides = array<i32>} : memref<1024xi32, #tpu.memory_space<vmem>>, vector<16xi32>,
    %broadcast_in_dim3A_153 = arith.constant 0 : i32
    %broadcast_in_dim3A_154 = vector.broadcast %broadcast_in_dim3A_153 : i32 to vector<16xi32>
    %swap3A_155 = arith.constant 608 : index
    %swap3A_156 = tpu.vector_load %arg10[%swap3A_155] {strides = array<i32>} : memref<1024xi32, #tpu.memory_space<vmem>>, vector<16xi32>,
    tpu.vector_store %arg10[%swap3A_155], %broadcast_in_dim3A_154 {strides = array<i32>} : memref<1024xi32, #tpu.memory_space<vmem>>, vector<16xi32>,
    %broadcast_in_dim3A_157 = arith.constant 0 : i32
    %broadcast_in_dim3A_158 = vector.broadcast %broadcast_in_dim3A_157 : i32 to vector<16xi32>
    %swap3A_159 = arith.constant 624 : index
    %swap3A_160 = tpu.vector_load %arg10[%swap3A_159] {strides = array<i32>} : memref<1024xi32, #tpu.memory_space<vmem>>, vector<16xi32>,
    tpu.vector_store %arg10[%swap3A_159], %broadcast_in_dim3A_158 {strides = array<i32>} : memref<1024xi32, #tpu.memory_space<vmem>>, vector<16xi32>,
    %broadcast_in_dim3A_161 = arith.constant 0 : i32
    %broadcast_in_dim3A_162 = vector.broadcast %broadcast_in_dim3A_161 : i32 to vector<16xi32>
    %swap3A_163 = arith.constant 640 : index
    %swap3A_164 = tpu.vector_load %arg10[%swap3A_163] {strides = array<i32>} : memref<1024xi32, #tpu.memory_space<vmem>>, vector<16xi32>,
    tpu.vector_store %arg10[%swap3A_163], %broadcast_in_dim3A_162 {strides = array<i32>} : memref<1024xi32, #tpu.memory_space<vmem>>, vector<16xi32>,
    %broadcast_in_dim3A_165 = arith.constant 0 : i32
    %broadcast_in_dim3A_166 = vector.broadcast %broadcast_in_dim3A_165 : i32 to vector<16xi32>
    %swap3A_167 = arith.constant 656 : index
    %swap3A_168 = tpu.vector_load %arg10[%swap3A_167] {strides = array<i32>} : memref<1024xi32, #tpu.memory_space<vmem>>, vector<16xi32>,
    tpu.vector_store %arg10[%swap3A_167], %broadcast_in_dim3A_166 {strides = array<i32>} : memref<1024xi32, #tpu.memory_space<vmem>>, vector<16xi32>,
    %broadcast_in_dim3A_169 = arith.constant 0 : i32
    %broadcast_in_dim3A_170 = vector.broadcast %broadcast_in_dim3A_169 : i32 to vector<16xi32>
    %swap3A_171 = arith.constant 672 : index
    %swap3A_172 = tpu.vector_load %arg10[%swap3A_171] {strides = array<i32>} : memref<1024xi32, #tpu.memory_space<vmem>>, vector<16xi32>,
    tpu.vector_store %arg10[%swap3A_171], %broadcast_in_dim3A_170 {strides = array<i32>} : memref<1024xi32, #tpu.memory_space<vmem>>, vector<16xi32>,
    %broadcast_in_dim3A_173 = arith.constant 0 : i32
    %broadcast_in_dim3A_174 = vector.broadcast %broadcast_in_dim3A_173 : i32 to vector<16xi32>
    %swap3A_175 = arith.constant 688 : index
    %swap3A_176 = tpu.vector_load %arg10[%swap3A_175] {strides = array<i32>} : memref<1024xi32, #tpu.memory_space<vmem>>, vector<16xi32>,
    tpu.vector_store %arg10[%swap3A_175], %broadcast_in_dim3A_174 {strides = array<i32>} : memref<1024xi32, #tpu.memory_space<vmem>>, vector<16xi32>,
    %broadcast_in_dim3A_177 = arith.constant 0 : i32
    %broadcast_in_dim3A_178 = vector.broadcast %broadcast_in_dim3A_177 : i32 to vector<16xi32>
    %swap3A_179 = arith.constant 704 : index
    %swap3A_180 = tpu.vector_load %arg10[%swap3A_179] {strides = array<i32>} : memref<1024xi32, #tpu.memory_space<vmem>>, vector<16xi32>,
    tpu.vector_store %arg10[%swap3A_179], %broadcast_in_dim3A_178 {strides = array<i32>} : memref<1024xi32, #tpu.memory_space<vmem>>, vector<16xi32>,
    %broadcast_in_dim3A_181 = arith.constant 0 : i32
    %broadcast_in_dim3A_182 = vector.broadcast %broadcast_in_dim3A_181 : i32 to vector<16xi32>
    %swap3A_183 = arith.constant 720 : index
    %swap3A_184 = tpu.vector_load %arg10[%swap3A_183] {strides = array<i32>} : memref<1024xi32, #tpu.memory_space<vmem>>, vector<16xi32>,
    tpu.vector_store %arg10[%swap3A_183], %broadcast_in_dim3A_182 {strides = array<i32>} : memref<1024xi32, #tpu.memory_space<vmem>>, vector<16xi32>,
    %broadcast_in_dim3A_185 = arith.constant 0 : i32
    %broadcast_in_dim3A_186 = vector.broadcast %broadcast_in_dim3A_185 : i32 to vector<16xi32>
    %swap3A_187 = arith.constant 736 : index
    %swap3A_188 = tpu.vector_load %arg10[%swap3A_187] {strides = array<i32>} : memref<1024xi32, #tpu.memory_space<vmem>>, vector<16xi32>,
    tpu.vector_store %arg10[%swap3A_187], %broadcast_in_dim3A_186 {strides = array<i32>} : memref<1024xi32, #tpu.memory_space<vmem>>, vector<16xi32>,
    %broadcast_in_dim3A_189 = arith.constant 0 : i32
    %broadcast_in_dim3A_190 = vector.broadcast %broadcast_in_dim3A_189 : i32 to vector<16xi32>
    %swap3A_191 = arith.constant 752 : index
    %swap3A_192 = tpu.vector_load %arg10[%swap3A_191] {strides = array<i32>} : memref<1024xi32, #tpu.memory_space<vmem>>, vector<16xi32>,
    tpu.vector_store %arg10[%swap3A_191], %broadcast_in_dim3A_190 {strides = array<i32>} : memref<1024xi32, #tpu.memory_space<vmem>>, vector<16xi32>,
    %broadcast_in_dim3A_193 = arith.constant 0 : i32
    %broadcast_in_dim3A_194 = vector.broadcast %broadcast_in_dim3A_193 : i32 to vector<16xi32>
    %swap3A_195 = arith.constant 768 : index
    %swap3A_196 = tpu.vector_load %arg10[%swap3A_195] {strides = array<i32>} : memref<1024xi32, #tpu.memory_space<vmem>>, vector<16xi32>,
    tpu.vector_store %arg10[%swap3A_195], %broadcast_in_dim3A_194 {strides = array<i32>} : memref<1024xi32, #tpu.memory_space<vmem>>, vector<16xi32>,
    %broadcast_in_dim3A_197 = arith.constant 0 : i32
    %broadcast_in_dim3A_198 = vector.broadcast %broadcast_in_dim3A_197 : i32 to vector<16xi32>
    %swap3A_199 = arith.constant 784 : index
    %swap3A_200 = tpu.vector_load %arg10[%swap3A_199] {strides = array<i32>} : memref<1024xi32, #tpu.memory_space<vmem>>, vector<16xi32>,
    tpu.vector_store %arg10[%swap3A_199], %broadcast_in_dim3A_198 {strides = array<i32>} : memref<1024xi32, #tpu.memory_space<vmem>>, vector<16xi32>,
    %broadcast_in_dim3A_201 = arith.constant 0 : i32
    %broadcast_in_dim3A_202 = vector.broadcast %broadcast_in_dim3A_201 : i32 to vector<16xi32>
    %swap3A_203 = arith.constant 800 : index
    %swap3A_204 = tpu.vector_load %arg10[%swap3A_203] {strides = array<i32>} : memref<1024xi32, #tpu.memory_space<vmem>>, vector<16xi32>,
    tpu.vector_store %arg10[%swap3A_203], %broadcast_in_dim3A_202 {strides = array<i32>} : memref<1024xi32, #tpu.memory_space<vmem>>, vector<16xi32>,
    %broadcast_in_dim3A_205 = arith.constant 0 : i32
    %broadcast_in_dim3A_206 = vector.broadcast %broadcast_in_dim3A_205 : i32 to vector<16xi32>
    %swap3A_207 = arith.constant 816 : index
    %swap3A_208 = tpu.vector_load %arg10[%swap3A_207] {strides = array<i32>} : memref<1024xi32, #tpu.memory_space<vmem>>, vector<16xi32>,
    tpu.vector_store %arg10[%swap3A_207], %broadcast_in_dim3A_206 {strides = array<i32>} : memref<1024xi32, #tpu.memory_space<vmem>>, vector<16xi32>,
    %broadcast_in_dim3A_209 = arith.constant 0 : i32
    %broadcast_in_dim3A_210 = vector.broadcast %broadcast_in_dim3A_209 : i32 to vector<16xi32>
    %swap3A_211 = arith.constant 832 : index
    %swap3A_212 = tpu.vector_load %arg10[%swap3A_211] {strides = array<i32>} : memref<1024xi32, #tpu.memory_space<vmem>>, vector<16xi32>,
    tpu.vector_store %arg10[%swap3A_211], %broadcast_in_dim3A_210 {strides = array<i32>} : memref<1024xi32, #tpu.memory_space<vmem>>, vector<16xi32>,
    %broadcast_in_dim3A_213 = arith.constant 0 : i32
    %broadcast_in_dim3A_214 = vector.broadcast %broadcast_in_dim3A_213 : i32 to vector<16xi32>
    %swap3A_215 = arith.constant 848 : index
    %swap3A_216 = tpu.vector_load %arg10[%swap3A_215] {strides = array<i32>} : memref<1024xi32, #tpu.memory_space<vmem>>, vector<16xi32>,
    tpu.vector_store %arg10[%swap3A_215], %broadcast_in_dim3A_214 {strides = array<i32>} : memref<1024xi32, #tpu.memory_space<vmem>>, vector<16xi32>,
    %broadcast_in_dim3A_217 = arith.constant 0 : i32
    %broadcast_in_dim3A_218 = vector.broadcast %broadcast_in_dim3A_217 : i32 to vector<16xi32>
    %swap3A_219 = arith.constant 864 : index
    %swap3A_220 = tpu.vector_load %arg10[%swap3A_219] {strides = array<i32>} : memref<1024xi32, #tpu.memory_space<vmem>>, vector<16xi32>,
    tpu.vector_store %arg10[%swap3A_219], %broadcast_in_dim3A_218 {strides = array<i32>} : memref<1024xi32, #tpu.memory_space<vmem>>, vector<16xi32>,
    %broadcast_in_dim3A_221 = arith.constant 0 : i32
    %broadcast_in_dim3A_222 = vector.broadcast %broadcast_in_dim3A_221 : i32 to vector<16xi32>
    %swap3A_223 = arith.constant 880 : index
    %swap3A_224 = tpu.vector_load %arg10[%swap3A_223] {strides = array<i32>} : memref<1024xi32, #tpu.memory_space<vmem>>, vector<16xi32>,
    tpu.vector_store %arg10[%swap3A_223], %broadcast_in_dim3A_222 {strides = array<i32>} : memref<1024xi32, #tpu.memory_space<vmem>>, vector<16xi32>,
    %broadcast_in_dim3A_225 = arith.constant 0 : i32
    %broadcast_in_dim3A_226 = vector.broadcast %broadcast_in_dim3A_225 : i32 to vector<16xi32>
    %swap3A_227 = arith.constant 896 : index
    %swap3A_228 = tpu.vector_load %arg10[%swap3A_227] {strides = array<i32>} : memref<1024xi32, #tpu.memory_space<vmem>>, vector<16xi32>,
    tpu.vector_store %arg10[%swap3A_227], %broadcast_in_dim3A_226 {strides = array<i32>} : memref<1024xi32, #tpu.memory_space<vmem>>, vector<16xi32>,
    %broadcast_in_dim3A_229 = arith.constant 0 : i32
    %broadcast_in_dim3A_230 = vector.broadcast %broadcast_in_dim3A_229 : i32 to vector<16xi32>
    %swap3A_231 = arith.constant 912 : index
    %swap3A_232 = tpu.vector_load %arg10[%swap3A_231] {strides = array<i32>} : memref<1024xi32, #tpu.memory_space<vmem>>, vector<16xi32>,
    tpu.vector_store %arg10[%swap3A_231], %broadcast_in_dim3A_230 {strides = array<i32>} : memref<1024xi32, #tpu.memory_space<vmem>>, vector<16xi32>,
    %broadcast_in_dim3A_233 = arith.constant 0 : i32
    %broadcast_in_dim3A_234 = vector.broadcast %broadcast_in_dim3A_233 : i32 to vector<16xi32>
    %swap3A_235 = arith.constant 928 : index
    %swap3A_236 = tpu.vector_load %arg10[%swap3A_235] {strides = array<i32>} : memref<1024xi32, #tpu.memory_space<vmem>>, vector<16xi32>,
    tpu.vector_store %arg10[%swap3A_235], %broadcast_in_dim3A_234 {strides = array<i32>} : memref<1024xi32, #tpu.memory_space<vmem>>, vector<16xi32>,
    %broadcast_in_dim3A_237 = arith.constant 0 : i32
    %broadcast_in_dim3A_238 = vector.broadcast %broadcast_in_dim3A_237 : i32 to vector<16xi32>
    %swap3A_239 = arith.constant 944 : index
    %swap3A_240 = tpu.vector_load %arg10[%swap3A_239] {strides = array<i32>} : memref<1024xi32, #tpu.memory_space<vmem>>, vector<16xi32>,
    tpu.vector_store %arg10[%swap3A_239], %broadcast_in_dim3A_238 {strides = array<i32>} : memref<1024xi32, #tpu.memory_space<vmem>>, vector<16xi32>,
    %broadcast_in_dim3A_241 = arith.constant 0 : i32
    %broadcast_in_dim3A_242 = vector.broadcast %broadcast_in_dim3A_241 : i32 to vector<16xi32>
    %swap3A_243 = arith.constant 960 : index
    %swap3A_244 = tpu.vector_load %arg10[%swap3A_243] {strides = array<i32>} : memref<1024xi32, #tpu.memory_space<vmem>>, vector<16xi32>,
    tpu.vector_store %arg10[%swap3A_243], %broadcast_in_dim3A_242 {strides = array<i32>} : memref<1024xi32, #tpu.memory_space<vmem>>, vector<16xi32>,
    %broadcast_in_dim3A_245 = arith.constant 0 : i32
    %broadcast_in_dim3A_246 = vector.broadcast %broadcast_in_dim3A_245 : i32 to vector<16xi32>
    %swap3A_247 = arith.constant 976 : index
    %swap3A_248 = tpu.vector_load %arg10[%swap3A_247] {strides = array<i32>} : memref<1024xi32, #tpu.memory_space<vmem>>, vector<16xi32>,
    tpu.vector_store %arg10[%swap3A_247], %broadcast_in_dim3A_246 {strides = array<i32>} : memref<1024xi32, #tpu.memory_space<vmem>>, vector<16xi32>,
    %broadcast_in_dim3A_249 = arith.constant 0 : i32
    %broadcast_in_dim3A_250 = vector.broadcast %broadcast_in_dim3A_249 : i32 to vector<16xi32>
    %swap3A_251 = arith.constant 992 : index
    %swap3A_252 = tpu.vector_load %arg10[%swap3A_251] {strides = array<i32>} : memref<1024xi32, #tpu.memory_space<vmem>>, vector<16xi32>,
    tpu.vector_store %arg10[%swap3A_251], %broadcast_in_dim3A_250 {strides = array<i32>} : memref<1024xi32, #tpu.memory_space<vmem>>, vector<16xi32>,
    %broadcast_in_dim3A_253 = arith.constant 0 : i32
    %broadcast_in_dim3A_254 = vector.broadcast %broadcast_in_dim3A_253 : i32 to vector<16xi32>
    %swap3A_255 = arith.constant 1008 : index
    %swap3A_256 = tpu.vector_load %arg10[%swap3A_255] {strides = array<i32>} : memref<1024xi32, #tpu.memory_space<vmem>>, vector<16xi32>,
    tpu.vector_store %arg10[%swap3A_255], %broadcast_in_dim3A_254 {strides = array<i32>} : memref<1024xi32, #tpu.memory_space<vmem>>, vector<16xi32>,
    %get3A = arith.constant 0 : index
    %get3A_257 = tpu.vector_load %arg7[%get3A] {strides = array<i32>} : memref<1024xi32, #tpu.memory_space<vmem>>, vector<16xi32>,
    tpu.vector_store_idx %arg10[%get3A_257], %broadcast_in_dim3A_1 {add = true} : memref<1024xi32, #tpu.memory_space<vmem>>[vector<16xi32>], vector<16xi32>,
    %get3A_258 = arith.constant 16 : index
    %get3A_259 = tpu.vector_load %arg7[%get3A_258] {strides = array<i32>} : memref<1024xi32, #tpu.memory_space<vmem>>, vector<16xi32>,
    tpu.vector_store_idx %arg10[%get3A_259], %broadcast_in_dim3A_1 {add = true} : memref<1024xi32, #tpu.memory_space<vmem>>[vector<16xi32>], vector<16xi32>,
    %get3A_260 = arith.constant 32 : index
    %get3A_261 = tpu.vector_load %arg7[%get3A_260] {strides = array<i32>} : memref<1024xi32, #tpu.memory_space<vmem>>, vector<16xi32>,
    tpu.vector_store_idx %arg10[%get3A_261], %broadcast_in_dim3A_1 {add = true} : memref<1024xi32, #tpu.memory_space<vmem>>[vector<16xi32>], vector<16xi32>,
    %get3A_262 = arith.constant 48 : index
    %get3A_263 = tpu.vector_load %arg7[%get3A_262] {strides = array<i32>} : memref<1024xi32, #tpu.memory_space<vmem>>, vector<16xi32>,
    tpu.vector_store_idx %arg10[%get3A_263], %broadcast_in_dim3A_1 {add = true} : memref<1024xi32, #tpu.memory_space<vmem>>[vector<16xi32>], vector<16xi32>,
    %get3A_264 = arith.constant 64 : index
    %get3A_265 = tpu.vector_load %arg7[%get3A_264] {strides = array<i32>} : memref<1024xi32, #tpu.memory_space<vmem>>, vector<16xi32>,
    tpu.vector_store_idx %arg10[%get3A_265], %broadcast_in_dim3A_1 {add = true} : memref<1024xi32, #tpu.memory_space<vmem>>[vector<16xi32>], vector<16xi32>,
    %get3A_266 = arith.constant 80 : index
    %get3A_267 = tpu.vector_load %arg7[%get3A_266] {strides = array<i32>} : memref<1024xi32, #tpu.memory_space<vmem>>, vector<16xi32>,
    tpu.vector_store_idx %arg10[%get3A_267], %broadcast_in_dim3A_1 {add = true} : memref<1024xi32, #tpu.memory_space<vmem>>[vector<16xi32>], vector<16xi32>,
    %get3A_268 = arith.constant 96 : index
    %get3A_269 = tpu.vector_load %arg7[%get3A_268] {strides = array<i32>} : memref<1024xi32, #tpu.memory_space<vmem>>, vector<16xi32>,
    tpu.vector_store_idx %arg10[%get3A_269], %broadcast_in_dim3A_1 {add = true} : memref<1024xi32, #tpu.memory_space<vmem>>[vector<16xi32>], vector<16xi32>,
    %get3A_270 = arith.constant 112 : index
    %get3A_271 = tpu.vector_load %arg7[%get3A_270] {strides = array<i32>} : memref<1024xi32, #tpu.memory_space<vmem>>, vector<16xi32>,
    tpu.vector_store_idx %arg10[%get3A_271], %broadcast_in_dim3A_1 {add = true} : memref<1024xi32, #tpu.memory_space<vmem>>[vector<16xi32>], vector<16xi32>,
    %get3A_272 = arith.constant 128 : index
    %get3A_273 = tpu.vector_load %arg7[%get3A_272] {strides = array<i32>} : memref<1024xi32, #tpu.memory_space<vmem>>, vector<16xi32>,
    tpu.vector_store_idx %arg10[%get3A_273], %broadcast_in_dim3A_1 {add = true} : memref<1024xi32, #tpu.memory_space<vmem>>[vector<16xi32>], vector<16xi32>,
    %get3A_274 = arith.constant 144 : index
    %get3A_275 = tpu.vector_load %arg7[%get3A_274] {strides = array<i32>} : memref<1024xi32, #tpu.memory_space<vmem>>, vector<16xi32>,
    tpu.vector_store_idx %arg10[%get3A_275], %broadcast_in_dim3A_1 {add = true} : memref<1024xi32, #tpu.memory_space<vmem>>[vector<16xi32>], vector<16xi32>,
    %get3A_276 = arith.constant 160 : index
    %get3A_277 = tpu.vector_load %arg7[%get3A_276] {strides = array<i32>} : memref<1024xi32, #tpu.memory_space<vmem>>, vector<16xi32>,
    tpu.vector_store_idx %arg10[%get3A_277], %broadcast_in_dim3A_1 {add = true} : memref<1024xi32, #tpu.memory_space<vmem>>[vector<16xi32>], vector<16xi32>,
    %get3A_278 = arith.constant 176 : index
    %get3A_279 = tpu.vector_load %arg7[%get3A_278] {strides = array<i32>} : memref<1024xi32, #tpu.memory_space<vmem>>, vector<16xi32>,
    tpu.vector_store_idx %arg10[%get3A_279], %broadcast_in_dim3A_1 {add = true} : memref<1024xi32, #tpu.memory_space<vmem>>[vector<16xi32>], vector<16xi32>,
    %get3A_280 = arith.constant 192 : index
    %get3A_281 = tpu.vector_load %arg7[%get3A_280] {strides = array<i32>} : memref<1024xi32, #tpu.memory_space<vmem>>, vector<16xi32>,
    tpu.vector_store_idx %arg10[%get3A_281], %broadcast_in_dim3A_1 {add = true} : memref<1024xi32, #tpu.memory_space<vmem>>[vector<16xi32>], vector<16xi32>,
    %get3A_282 = arith.constant 208 : index
    %get3A_283 = tpu.vector_load %arg7[%get3A_282] {strides = array<i32>} : memref<1024xi32, #tpu.memory_space<vmem>>, vector<16xi32>,
    tpu.vector_store_idx %arg10[%get3A_283], %broadcast_in_dim3A_1 {add = true} : memref<1024xi32, #tpu.memory_space<vmem>>[vector<16xi32>], vector<16xi32>,
    %get3A_284 = arith.constant 224 : index
    %get3A_285 = tpu.vector_load %arg7[%get3A_284] {strides = array<i32>} : memref<1024xi32, #tpu.memory_space<vmem>>, vector<16xi32>,
    tpu.vector_store_idx %arg10[%get3A_285], %broadcast_in_dim3A_1 {add = true} : memref<1024xi32, #tpu.memory_space<vmem>>[vector<16xi32>], vector<16xi32>,
    %get3A_286 = arith.constant 240 : index
    %get3A_287 = tpu.vector_load %arg7[%get3A_286] {strides = array<i32>} : memref<1024xi32, #tpu.memory_space<vmem>>, vector<16xi32>,
    tpu.vector_store_idx %arg10[%get3A_287], %broadcast_in_dim3A_1 {add = true} : memref<1024xi32, #tpu.memory_space<vmem>>[vector<16xi32>], vector<16xi32>,
    %get3A_288 = arith.constant 256 : index
    %get3A_289 = tpu.vector_load %arg7[%get3A_288] {strides = array<i32>} : memref<1024xi32, #tpu.memory_space<vmem>>, vector<16xi32>,
    tpu.vector_store_idx %arg10[%get3A_289], %broadcast_in_dim3A_1 {add = true} : memref<1024xi32, #tpu.memory_space<vmem>>[vector<16xi32>], vector<16xi32>,
    %get3A_290 = arith.constant 272 : index
    %get3A_291 = tpu.vector_load %arg7[%get3A_290] {strides = array<i32>} : memref<1024xi32, #tpu.memory_space<vmem>>, vector<16xi32>,
    tpu.vector_store_idx %arg10[%get3A_291], %broadcast_in_dim3A_1 {add = true} : memref<1024xi32, #tpu.memory_space<vmem>>[vector<16xi32>], vector<16xi32>,
    %get3A_292 = arith.constant 288 : index
    %get3A_293 = tpu.vector_load %arg7[%get3A_292] {strides = array<i32>} : memref<1024xi32, #tpu.memory_space<vmem>>, vector<16xi32>,
    tpu.vector_store_idx %arg10[%get3A_293], %broadcast_in_dim3A_1 {add = true} : memref<1024xi32, #tpu.memory_space<vmem>>[vector<16xi32>], vector<16xi32>,
    %get3A_294 = arith.constant 304 : index
    %get3A_295 = tpu.vector_load %arg7[%get3A_294] {strides = array<i32>} : memref<1024xi32, #tpu.memory_space<vmem>>, vector<16xi32>,
    tpu.vector_store_idx %arg10[%get3A_295], %broadcast_in_dim3A_1 {add = true} : memref<1024xi32, #tpu.memory_space<vmem>>[vector<16xi32>], vector<16xi32>,
    %get3A_296 = arith.constant 320 : index
    %get3A_297 = tpu.vector_load %arg7[%get3A_296] {strides = array<i32>} : memref<1024xi32, #tpu.memory_space<vmem>>, vector<16xi32>,
    tpu.vector_store_idx %arg10[%get3A_297], %broadcast_in_dim3A_1 {add = true} : memref<1024xi32, #tpu.memory_space<vmem>>[vector<16xi32>], vector<16xi32>,
    %get3A_298 = arith.constant 336 : index
    %get3A_299 = tpu.vector_load %arg7[%get3A_298] {strides = array<i32>} : memref<1024xi32, #tpu.memory_space<vmem>>, vector<16xi32>,
    tpu.vector_store_idx %arg10[%get3A_299], %broadcast_in_dim3A_1 {add = true} : memref<1024xi32, #tpu.memory_space<vmem>>[vector<16xi32>], vector<16xi32>,
    %get3A_300 = arith.constant 352 : index
    %get3A_301 = tpu.vector_load %arg7[%get3A_300] {strides = array<i32>} : memref<1024xi32, #tpu.memory_space<vmem>>, vector<16xi32>,
    tpu.vector_store_idx %arg10[%get3A_301], %broadcast_in_dim3A_1 {add = true} : memref<1024xi32, #tpu.memory_space<vmem>>[vector<16xi32>], vector<16xi32>,
    %get3A_302 = arith.constant 368 : index
    %get3A_303 = tpu.vector_load %arg7[%get3A_302] {strides = array<i32>} : memref<1024xi32, #tpu.memory_space<vmem>>, vector<16xi32>,
    tpu.vector_store_idx %arg10[%get3A_303], %broadcast_in_dim3A_1 {add = true} : memref<1024xi32, #tpu.memory_space<vmem>>[vector<16xi32>], vector<16xi32>,
    %get3A_304 = arith.constant 384 : index
    %get3A_305 = tpu.vector_load %arg7[%get3A_304] {strides = array<i32>} : memref<1024xi32, #tpu.memory_space<vmem>>, vector<16xi32>,
    tpu.vector_store_idx %arg10[%get3A_305], %broadcast_in_dim3A_1 {add = true} : memref<1024xi32, #tpu.memory_space<vmem>>[vector<16xi32>], vector<16xi32>,
    %get3A_306 = arith.constant 400 : index
    %get3A_307 = tpu.vector_load %arg7[%get3A_306] {strides = array<i32>} : memref<1024xi32, #tpu.memory_space<vmem>>, vector<16xi32>,
    tpu.vector_store_idx %arg10[%get3A_307], %broadcast_in_dim3A_1 {add = true} : memref<1024xi32, #tpu.memory_space<vmem>>[vector<16xi32>], vector<16xi32>,
    %get3A_308 = arith.constant 416 : index
    %get3A_309 = tpu.vector_load %arg7[%get3A_308] {strides = array<i32>} : memref<1024xi32, #tpu.memory_space<vmem>>, vector<16xi32>,
    tpu.vector_store_idx %arg10[%get3A_309], %broadcast_in_dim3A_1 {add = true} : memref<1024xi32, #tpu.memory_space<vmem>>[vector<16xi32>], vector<16xi32>,
    %get3A_310 = arith.constant 432 : index
    %get3A_311 = tpu.vector_load %arg7[%get3A_310] {strides = array<i32>} : memref<1024xi32, #tpu.memory_space<vmem>>, vector<16xi32>,
    tpu.vector_store_idx %arg10[%get3A_311], %broadcast_in_dim3A_1 {add = true} : memref<1024xi32, #tpu.memory_space<vmem>>[vector<16xi32>], vector<16xi32>,
    %get3A_312 = arith.constant 448 : index
    %get3A_313 = tpu.vector_load %arg7[%get3A_312] {strides = array<i32>} : memref<1024xi32, #tpu.memory_space<vmem>>, vector<16xi32>,
    tpu.vector_store_idx %arg10[%get3A_313], %broadcast_in_dim3A_1 {add = true} : memref<1024xi32, #tpu.memory_space<vmem>>[vector<16xi32>], vector<16xi32>,
    %get3A_314 = arith.constant 464 : index
    %get3A_315 = tpu.vector_load %arg7[%get3A_314] {strides = array<i32>} : memref<1024xi32, #tpu.memory_space<vmem>>, vector<16xi32>,
    tpu.vector_store_idx %arg10[%get3A_315], %broadcast_in_dim3A_1 {add = true} : memref<1024xi32, #tpu.memory_space<vmem>>[vector<16xi32>], vector<16xi32>,
    %get3A_316 = arith.constant 480 : index
    %get3A_317 = tpu.vector_load %arg7[%get3A_316] {strides = array<i32>} : memref<1024xi32, #tpu.memory_space<vmem>>, vector<16xi32>,
    tpu.vector_store_idx %arg10[%get3A_317], %broadcast_in_dim3A_1 {add = true} : memref<1024xi32, #tpu.memory_space<vmem>>[vector<16xi32>], vector<16xi32>,
    %get3A_318 = arith.constant 496 : index
    %get3A_319 = tpu.vector_load %arg7[%get3A_318] {strides = array<i32>} : memref<1024xi32, #tpu.memory_space<vmem>>, vector<16xi32>,
    tpu.vector_store_idx %arg10[%get3A_319], %broadcast_in_dim3A_1 {add = true} : memref<1024xi32, #tpu.memory_space<vmem>>[vector<16xi32>], vector<16xi32>,
    %get3A_320 = arith.constant 512 : index
    %get3A_321 = tpu.vector_load %arg7[%get3A_320] {strides = array<i32>} : memref<1024xi32, #tpu.memory_space<vmem>>, vector<16xi32>,
    tpu.vector_store_idx %arg10[%get3A_321], %broadcast_in_dim3A_1 {add = true} : memref<1024xi32, #tpu.memory_space<vmem>>[vector<16xi32>], vector<16xi32>,
    %get3A_322 = arith.constant 528 : index
    %get3A_323 = tpu.vector_load %arg7[%get3A_322] {strides = array<i32>} : memref<1024xi32, #tpu.memory_space<vmem>>, vector<16xi32>,
    tpu.vector_store_idx %arg10[%get3A_323], %broadcast_in_dim3A_1 {add = true} : memref<1024xi32, #tpu.memory_space<vmem>>[vector<16xi32>], vector<16xi32>,
    %get3A_324 = arith.constant 544 : index
    %get3A_325 = tpu.vector_load %arg7[%get3A_324] {strides = array<i32>} : memref<1024xi32, #tpu.memory_space<vmem>>, vector<16xi32>,
    tpu.vector_store_idx %arg10[%get3A_325], %broadcast_in_dim3A_1 {add = true} : memref<1024xi32, #tpu.memory_space<vmem>>[vector<16xi32>], vector<16xi32>,
    %get3A_326 = arith.constant 560 : index
    %get3A_327 = tpu.vector_load %arg7[%get3A_326] {strides = array<i32>} : memref<1024xi32, #tpu.memory_space<vmem>>, vector<16xi32>,
    tpu.vector_store_idx %arg10[%get3A_327], %broadcast_in_dim3A_1 {add = true} : memref<1024xi32, #tpu.memory_space<vmem>>[vector<16xi32>], vector<16xi32>,
    %get3A_328 = arith.constant 576 : index
    %get3A_329 = tpu.vector_load %arg7[%get3A_328] {strides = array<i32>} : memref<1024xi32, #tpu.memory_space<vmem>>, vector<16xi32>,
    tpu.vector_store_idx %arg10[%get3A_329], %broadcast_in_dim3A_1 {add = true} : memref<1024xi32, #tpu.memory_space<vmem>>[vector<16xi32>], vector<16xi32>,
    %get3A_330 = arith.constant 592 : index
    %get3A_331 = tpu.vector_load %arg7[%get3A_330] {strides = array<i32>} : memref<1024xi32, #tpu.memory_space<vmem>>, vector<16xi32>,
    tpu.vector_store_idx %arg10[%get3A_331], %broadcast_in_dim3A_1 {add = true} : memref<1024xi32, #tpu.memory_space<vmem>>[vector<16xi32>], vector<16xi32>,
    %get3A_332 = arith.constant 608 : index
    %get3A_333 = tpu.vector_load %arg7[%get3A_332] {strides = array<i32>} : memref<1024xi32, #tpu.memory_space<vmem>>, vector<16xi32>,
    tpu.vector_store_idx %arg10[%get3A_333], %broadcast_in_dim3A_1 {add = true} : memref<1024xi32, #tpu.memory_space<vmem>>[vector<16xi32>], vector<16xi32>,
    %get3A_334 = arith.constant 624 : index
    %get3A_335 = tpu.vector_load %arg7[%get3A_334] {strides = array<i32>} : memref<1024xi32, #tpu.memory_space<vmem>>, vector<16xi32>,
    tpu.vector_store_idx %arg10[%get3A_335], %broadcast_in_dim3A_1 {add = true} : memref<1024xi32, #tpu.memory_space<vmem>>[vector<16xi32>], vector<16xi32>,
    %get3A_336 = arith.constant 640 : index
    %get3A_337 = tpu.vector_load %arg7[%get3A_336] {strides = array<i32>} : memref<1024xi32, #tpu.memory_space<vmem>>, vector<16xi32>,
    tpu.vector_store_idx %arg10[%get3A_337], %broadcast_in_dim3A_1 {add = true} : memref<1024xi32, #tpu.memory_space<vmem>>[vector<16xi32>], vector<16xi32>,
    %get3A_338 = arith.constant 656 : index
    %get3A_339 = tpu.vector_load %arg7[%get3A_338] {strides = array<i32>} : memref<1024xi32, #tpu.memory_space<vmem>>, vector<16xi32>,
    tpu.vector_store_idx %arg10[%get3A_339], %broadcast_in_dim3A_1 {add = true} : memref<1024xi32, #tpu.memory_space<vmem>>[vector<16xi32>], vector<16xi32>,
    %get3A_340 = arith.constant 672 : index
    %get3A_341 = tpu.vector_load %arg7[%get3A_340] {strides = array<i32>} : memref<1024xi32, #tpu.memory_space<vmem>>, vector<16xi32>,
    tpu.vector_store_idx %arg10[%get3A_341], %broadcast_in_dim3A_1 {add = true} : memref<1024xi32, #tpu.memory_space<vmem>>[vector<16xi32>], vector<16xi32>,
    %get3A_342 = arith.constant 688 : index
    %get3A_343 = tpu.vector_load %arg7[%get3A_342] {strides = array<i32>} : memref<1024xi32, #tpu.memory_space<vmem>>, vector<16xi32>,
    tpu.vector_store_idx %arg10[%get3A_343], %broadcast_in_dim3A_1 {add = true} : memref<1024xi32, #tpu.memory_space<vmem>>[vector<16xi32>], vector<16xi32>,
    %get3A_344 = arith.constant 704 : index
    %get3A_345 = tpu.vector_load %arg7[%get3A_344] {strides = array<i32>} : memref<1024xi32, #tpu.memory_space<vmem>>, vector<16xi32>,
    tpu.vector_store_idx %arg10[%get3A_345], %broadcast_in_dim3A_1 {add = true} : memref<1024xi32, #tpu.memory_space<vmem>>[vector<16xi32>], vector<16xi32>,
    %get3A_346 = arith.constant 720 : index
    %get3A_347 = tpu.vector_load %arg7[%get3A_346] {strides = array<i32>} : memref<1024xi32, #tpu.memory_space<vmem>>, vector<16xi32>,
    tpu.vector_store_idx %arg10[%get3A_347], %broadcast_in_dim3A_1 {add = true} : memref<1024xi32, #tpu.memory_space<vmem>>[vector<16xi32>], vector<16xi32>,
    %get3A_348 = arith.constant 736 : index
    %get3A_349 = tpu.vector_load %arg7[%get3A_348] {strides = array<i32>} : memref<1024xi32, #tpu.memory_space<vmem>>, vector<16xi32>,
    tpu.vector_store_idx %arg10[%get3A_349], %broadcast_in_dim3A_1 {add = true} : memref<1024xi32, #tpu.memory_space<vmem>>[vector<16xi32>], vector<16xi32>,
    %get3A_350 = arith.constant 752 : index
    %get3A_351 = tpu.vector_load %arg7[%get3A_350] {strides = array<i32>} : memref<1024xi32, #tpu.memory_space<vmem>>, vector<16xi32>,
    tpu.vector_store_idx %arg10[%get3A_351], %broadcast_in_dim3A_1 {add = true} : memref<1024xi32, #tpu.memory_space<vmem>>[vector<16xi32>], vector<16xi32>,
    %get3A_352 = arith.constant 768 : index
    %get3A_353 = tpu.vector_load %arg7[%get3A_352] {strides = array<i32>} : memref<1024xi32, #tpu.memory_space<vmem>>, vector<16xi32>,
    tpu.vector_store_idx %arg10[%get3A_353], %broadcast_in_dim3A_1 {add = true} : memref<1024xi32, #tpu.memory_space<vmem>>[vector<16xi32>], vector<16xi32>,
    %get3A_354 = arith.constant 784 : index
    %get3A_355 = tpu.vector_load %arg7[%get3A_354] {strides = array<i32>} : memref<1024xi32, #tpu.memory_space<vmem>>, vector<16xi32>,
    tpu.vector_store_idx %arg10[%get3A_355], %broadcast_in_dim3A_1 {add = true} : memref<1024xi32, #tpu.memory_space<vmem>>[vector<16xi32>], vector<16xi32>,
    %get3A_356 = arith.constant 800 : index
    %get3A_357 = tpu.vector_load %arg7[%get3A_356] {strides = array<i32>} : memref<1024xi32, #tpu.memory_space<vmem>>, vector<16xi32>,
    tpu.vector_store_idx %arg10[%get3A_357], %broadcast_in_dim3A_1 {add = true} : memref<1024xi32, #tpu.memory_space<vmem>>[vector<16xi32>], vector<16xi32>,
    %get3A_358 = arith.constant 816 : index
    %get3A_359 = tpu.vector_load %arg7[%get3A_358] {strides = array<i32>} : memref<1024xi32, #tpu.memory_space<vmem>>, vector<16xi32>,
    tpu.vector_store_idx %arg10[%get3A_359], %broadcast_in_dim3A_1 {add = true} : memref<1024xi32, #tpu.memory_space<vmem>>[vector<16xi32>], vector<16xi32>,
    %get3A_360 = arith.constant 832 : index
    %get3A_361 = tpu.vector_load %arg7[%get3A_360] {strides = array<i32>} : memref<1024xi32, #tpu.memory_space<vmem>>, vector<16xi32>,
    tpu.vector_store_idx %arg10[%get3A_361], %broadcast_in_dim3A_1 {add = true} : memref<1024xi32, #tpu.memory_space<vmem>>[vector<16xi32>], vector<16xi32>,
    %get3A_362 = arith.constant 848 : index
    %get3A_363 = tpu.vector_load %arg7[%get3A_362] {strides = array<i32>} : memref<1024xi32, #tpu.memory_space<vmem>>, vector<16xi32>,
    tpu.vector_store_idx %arg10[%get3A_363], %broadcast_in_dim3A_1 {add = true} : memref<1024xi32, #tpu.memory_space<vmem>>[vector<16xi32>], vector<16xi32>,
    %get3A_364 = arith.constant 864 : index
    %get3A_365 = tpu.vector_load %arg7[%get3A_364] {strides = array<i32>} : memref<1024xi32, #tpu.memory_space<vmem>>, vector<16xi32>,
    tpu.vector_store_idx %arg10[%get3A_365], %broadcast_in_dim3A_1 {add = true} : memref<1024xi32, #tpu.memory_space<vmem>>[vector<16xi32>], vector<16xi32>,
    %get3A_366 = arith.constant 880 : index
    %get3A_367 = tpu.vector_load %arg7[%get3A_366] {strides = array<i32>} : memref<1024xi32, #tpu.memory_space<vmem>>, vector<16xi32>,
    tpu.vector_store_idx %arg10[%get3A_367], %broadcast_in_dim3A_1 {add = true} : memref<1024xi32, #tpu.memory_space<vmem>>[vector<16xi32>], vector<16xi32>,
    %get3A_368 = arith.constant 896 : index
    %get3A_369 = tpu.vector_load %arg7[%get3A_368] {strides = array<i32>} : memref<1024xi32, #tpu.memory_space<vmem>>, vector<16xi32>,
    tpu.vector_store_idx %arg10[%get3A_369], %broadcast_in_dim3A_1 {add = true} : memref<1024xi32, #tpu.memory_space<vmem>>[vector<16xi32>], vector<16xi32>,
    %get3A_370 = arith.constant 912 : index
    %get3A_371 = tpu.vector_load %arg7[%get3A_370] {strides = array<i32>} : memref<1024xi32, #tpu.memory_space<vmem>>, vector<16xi32>,
    tpu.vector_store_idx %arg10[%get3A_371], %broadcast_in_dim3A_1 {add = true} : memref<1024xi32, #tpu.memory_space<vmem>>[vector<16xi32>], vector<16xi32>,
    %get3A_372 = arith.constant 928 : index
    %get3A_373 = tpu.vector_load %arg7[%get3A_372] {strides = array<i32>} : memref<1024xi32, #tpu.memory_space<vmem>>, vector<16xi32>,
    tpu.vector_store_idx %arg10[%get3A_373], %broadcast_in_dim3A_1 {add = true} : memref<1024xi32, #tpu.memory_space<vmem>>[vector<16xi32>], vector<16xi32>,
    %get3A_374 = arith.constant 944 : index
    %get3A_375 = tpu.vector_load %arg7[%get3A_374] {strides = array<i32>} : memref<1024xi32, #tpu.memory_space<vmem>>, vector<16xi32>,
    tpu.vector_store_idx %arg10[%get3A_375], %broadcast_in_dim3A_1 {add = true} : memref<1024xi32, #tpu.memory_space<vmem>>[vector<16xi32>], vector<16xi32>,
    %get3A_376 = arith.constant 960 : index
    %get3A_377 = tpu.vector_load %arg7[%get3A_376] {strides = array<i32>} : memref<1024xi32, #tpu.memory_space<vmem>>, vector<16xi32>,
    tpu.vector_store_idx %arg10[%get3A_377], %broadcast_in_dim3A_1 {add = true} : memref<1024xi32, #tpu.memory_space<vmem>>[vector<16xi32>], vector<16xi32>,
    %get3A_378 = arith.constant 976 : index
    %get3A_379 = tpu.vector_load %arg7[%get3A_378] {strides = array<i32>} : memref<1024xi32, #tpu.memory_space<vmem>>, vector<16xi32>,
    tpu.vector_store_idx %arg10[%get3A_379], %broadcast_in_dim3A_1 {add = true} : memref<1024xi32, #tpu.memory_space<vmem>>[vector<16xi32>], vector<16xi32>,
    %get3A_380 = arith.constant 992 : index
    %get3A_381 = tpu.vector_load %arg7[%get3A_380] {strides = array<i32>} : memref<1024xi32, #tpu.memory_space<vmem>>, vector<16xi32>,
    tpu.vector_store_idx %arg10[%get3A_381], %broadcast_in_dim3A_1 {add = true} : memref<1024xi32, #tpu.memory_space<vmem>>[vector<16xi32>], vector<16xi32>,
    %get3A_382 = arith.constant 1008 : index
    %get3A_383 = tpu.vector_load %arg7[%get3A_382] {strides = array<i32>} : memref<1024xi32, #tpu.memory_space<vmem>>, vector<16xi32>,
    tpu.vector_store_idx %arg10[%get3A_383], %broadcast_in_dim3A_1 {add = true} : memref<1024xi32, #tpu.memory_space<vmem>>[vector<16xi32>], vector<16xi32>,
    "tpu.region"() ({
      %run_scoped3A_1426 = tpu.sem_alloc : memref<!tpu.dma_semaphore, #tpu.memory_space<semaphore_mem>>
      %dma_start3A = arith.constant 0 : i32
      %dma_start3A_1427 = tpu.memref_slice %arg21[%arg1, %dma_start3A] : memref<16x1024xi32, #tpu.memory_space<vmem_shared>> -> memref<1x1024xi32, #tpu.memory_space<vmem_shared>>
      %dma_start3A_1428 = tpu.memref_squeeze %dma_start3A_1427 : memref<1x1024xi32, #tpu.memory_space<vmem_shared>> -> memref<1024xi32, #tpu.memory_space<vmem_shared>>
      %dma_start3A_1429 = arith.constant 0 : i32
      %dma_start3A_1430 = tpu.memref_slice %arg21[%arg1, %dma_start3A_1429] : memref<16x1024xi32, #tpu.memory_space<vmem_shared>> -> memref<1x1024xi32, #tpu.memory_space<vmem_shared>>
      %dma_start3A_1431 = tpu.memref_squeeze %dma_start3A_1430 : memref<1x1024xi32, #tpu.memory_space<vmem_shared>> -> memref<1024xi32, #tpu.memory_space<vmem_shared>>
      tpu.enqueue_dma source(%arg10 : memref<1024xi32, #tpu.memory_space<vmem>>) target(%dma_start3A_1431 : memref<1024xi32, #tpu.memory_space<vmem_shared>>) target_semaphore(%run_scoped3A_1426 : memref<!tpu.dma_semaphore, #tpu.memory_space<semaphore_mem>>)
      %dma_wait3A = arith.constant 0 : i32
      %dma_wait3A_1432 = tpu.memref_slice %arg21[%arg1, %dma_wait3A] : memref<16x1024xi32, #tpu.memory_space<vmem_shared>> -> memref<1x1024xi32, #tpu.memory_space<vmem_shared>>
      %dma_wait3A_1433 = tpu.memref_squeeze %dma_wait3A_1432 : memref<1x1024xi32, #tpu.memory_space<vmem_shared>> -> memref<1024xi32, #tpu.memory_space<vmem_shared>>
      %dma_wait3A_1434 = arith.constant 0 : i32
      %dma_wait3A_1435 = tpu.memref_slice %arg21[%arg1, %dma_wait3A_1434] : memref<16x1024xi32, #tpu.memory_space<vmem_shared>> -> memref<1x1024xi32, #tpu.memory_space<vmem_shared>>
      %dma_wait3A_1436 = tpu.memref_squeeze %dma_wait3A_1435 : memref<1x1024xi32, #tpu.memory_space<vmem_shared>> -> memref<1024xi32, #tpu.memory_space<vmem_shared>>
      tpu.wait_dma2 semaphore(%run_scoped3A_1426 : memref<!tpu.dma_semaphore, #tpu.memory_space<semaphore_mem>>) src(%arg10 : memref<1024xi32, #tpu.memory_space<vmem>>) dst(%dma_wait3A_1436 : memref<1024xi32, #tpu.memory_space<vmem_shared>>)
      tpu.yield
    }) : () -> ()
    %barrier3A = arith.constant 0 : index
    tpu.barrier barrier_id(%barrier3A)
    %eq3A = arith.constant 0 : i32
    %eq3A_384 = arith.cmpi eq, %arg1, %eq3A : i32
    %convert_element_type3A = arith.extui %eq3A_384 : i1 to i32
    %cond3A = arith.constant 0 : i32
    %cond3A_385 = arith.cmpi ne, %convert_element_type3A, %cond3A : i32
    scf.if %cond3A_385 {
      "tpu.region"() ({
        %run_scoped3A_1456 = tpu.sem_alloc : memref<!tpu.dma_semaphore, #tpu.memory_space<semaphore_mem>>
        tpu.enqueue_dma source(%arg21 : memref<16x1024xi32, #tpu.memory_space<vmem_shared>>) target(%arg13 : memref<16x1024xi32, #tpu.memory_space<vmem>>) target_semaphore(%run_scoped3A_1456 : memref<!tpu.dma_semaphore, #tpu.memory_space<semaphore_mem>>)
        tpu.wait_dma2 semaphore(%run_scoped3A_1456 : memref<!tpu.dma_semaphore, #tpu.memory_space<semaphore_mem>>) src(%arg21 : memref<16x1024xi32, #tpu.memory_space<vmem_shared>>) dst(%arg13 : memref<16x1024xi32, #tpu.memory_space<vmem>>)
        tpu.yield
      }) : () -> ()
      %scan3A_1426 = arith.constant 0 : i32
      %scan3A_1427 = arith.constant 0 : i32
      %scan3A_1428 = arith.constant 64 : i32
      %scan3A_1429 = arith.addi %scan3A_1427, %scan3A_1428 : i32
      %scan3A_1430 = arith.constant 1 : i32
      %scan3A_1431 = scf.for %scan3A_1456 = %scan3A_1427 to %scan3A_1429 step %scan3A_1430 iter_args(%scan3A_1457 = %scan3A_1426) -> (i32)  : i32 {
        %broadcast_in_dim3A_1458 = arith.constant 0 : i32
        %broadcast_in_dim3A_1459 = vector.broadcast %broadcast_in_dim3A_1458 : i32 to vector<16xi32>
        %mul3A_1460 = arith.constant 16 : i32
        %mul3A_1461 = arith.muli %scan3A_1456, %mul3A_1460 : i32
        %get3A_1462 = arith.constant 0 : i32
        %get3A_1463 = arith.index_cast %get3A_1462 : i32 to index
        %get3A_1464 = arith.index_cast %mul3A_1461 : i32 to index
        %get3A_1465 = tpu.vector_load %arg13[%get3A_1463, %get3A_1464] {strides = array<i32>} : memref<16x1024xi32, #tpu.memory_space<vmem>>, vector<16xi32>,
        %mul3A_1466 = arith.constant 16 : i32
        %mul3A_1467 = arith.muli %scan3A_1456, %mul3A_1466 : i32
        %swap3A_1468 = arith.constant 0 : i32
        %swap3A_1469 = arith.index_cast %swap3A_1468 : i32 to index
        %swap3A_1470 = arith.index_cast %mul3A_1467 : i32 to index
        %swap3A_1471 = tpu.vector_load %arg13[%swap3A_1469, %swap3A_1470] {strides = array<i32>} : memref<16x1024xi32, #tpu.memory_space<vmem>>, vector<16xi32>,
        tpu.vector_store %arg13[%swap3A_1469, %swap3A_1470], %broadcast_in_dim3A_1459 {strides = array<i32>} : memref<16x1024xi32, #tpu.memory_space<vmem>>, vector<16xi32>,
        %add3A_1472 = arith.addi %broadcast_in_dim3A_1459, %get3A_1465 : vector<16xi32>
        %mul3A_1473 = arith.constant 16 : i32
        %mul3A_1474 = arith.muli %scan3A_1456, %mul3A_1473 : i32
        %get3A_1475 = arith.constant 1 : i32
        %get3A_1476 = arith.index_cast %get3A_1475 : i32 to index
        %get3A_1477 = arith.index_cast %mul3A_1474 : i32 to index
        %get3A_1478 = tpu.vector_load %arg13[%get3A_1476, %get3A_1477] {strides = array<i32>} : memref<16x1024xi32, #tpu.memory_space<vmem>>, vector<16xi32>,
        %mul3A_1479 = arith.constant 16 : i32
        %mul3A_1480 = arith.muli %scan3A_1456, %mul3A_1479 : i32
        %swap3A_1481 = arith.constant 1 : i32
        %swap3A_1482 = arith.index_cast %swap3A_1481 : i32 to index
        %swap3A_1483 = arith.index_cast %mul3A_1480 : i32 to index
        %swap3A_1484 = tpu.vector_load %arg13[%swap3A_1482, %swap3A_1483] {strides = array<i32>} : memref<16x1024xi32, #tpu.memory_space<vmem>>, vector<16xi32>,
        tpu.vector_store %arg13[%swap3A_1482, %swap3A_1483], %add3A_1472 {strides = array<i32>} : memref<16x1024xi32, #tpu.memory_space<vmem>>, vector<16xi32>,
        %add3A_1485 = arith.addi %add3A_1472, %get3A_1478 : vector<16xi32>
        %mul3A_1486 = arith.constant 16 : i32
        %mul3A_1487 = arith.muli %scan3A_1456, %mul3A_1486 : i32
        %get3A_1488 = arith.constant 2 : i32
        %get3A_1489 = arith.index_cast %get3A_1488 : i32 to index
        %get3A_1490 = arith.index_cast %mul3A_1487 : i32 to index
        %get3A_1491 = tpu.vector_load %arg13[%get3A_1489, %get3A_1490] {strides = array<i32>} : memref<16x1024xi32, #tpu.memory_space<vmem>>, vector<16xi32>,
        %mul3A_1492 = arith.constant 16 : i32
        %mul3A_1493 = arith.muli %scan3A_1456, %mul3A_1492 : i32
        %swap3A_1494 = arith.constant 2 : i32
        %swap3A_1495 = arith.index_cast %swap3A_1494 : i32 to index
        %swap3A_1496 = arith.index_cast %mul3A_1493 : i32 to index
        %swap3A_1497 = tpu.vector_load %arg13[%swap3A_1495, %swap3A_1496] {strides = array<i32>} : memref<16x1024xi32, #tpu.memory_space<vmem>>, vector<16xi32>,
        tpu.vector_store %arg13[%swap3A_1495, %swap3A_1496], %add3A_1485 {strides = array<i32>} : memref<16x1024xi32, #tpu.memory_space<vmem>>, vector<16xi32>,
        %add3A_1498 = arith.addi %add3A_1485, %get3A_1491 : vector<16xi32>
        %mul3A_1499 = arith.constant 16 : i32
        %mul3A_1500 = arith.muli %scan3A_1456, %mul3A_1499 : i32
        %get3A_1501 = arith.constant 3 : i32
        %get3A_1502 = arith.index_cast %get3A_1501 : i32 to index
        %get3A_1503 = arith.index_cast %mul3A_1500 : i32 to index
        %get3A_1504 = tpu.vector_load %arg13[%get3A_1502, %get3A_1503] {strides = array<i32>} : memref<16x1024xi32, #tpu.memory_space<vmem>>, vector<16xi32>,
        %mul3A_1505 = arith.constant 16 : i32
        %mul3A_1506 = arith.muli %scan3A_1456, %mul3A_1505 : i32
        %swap3A_1507 = arith.constant 3 : i32
        %swap3A_1508 = arith.index_cast %swap3A_1507 : i32 to index
        %swap3A_1509 = arith.index_cast %mul3A_1506 : i32 to index
        %swap3A_1510 = tpu.vector_load %arg13[%swap3A_1508, %swap3A_1509] {strides = array<i32>} : memref<16x1024xi32, #tpu.memory_space<vmem>>, vector<16xi32>,
        tpu.vector_store %arg13[%swap3A_1508, %swap3A_1509], %add3A_1498 {strides = array<i32>} : memref<16x1024xi32, #tpu.memory_space<vmem>>, vector<16xi32>,
        %add3A_1511 = arith.addi %add3A_1498, %get3A_1504 : vector<16xi32>
        %mul3A_1512 = arith.constant 16 : i32
        %mul3A_1513 = arith.muli %scan3A_1456, %mul3A_1512 : i32
        %get3A_1514 = arith.constant 4 : i32
        %get3A_1515 = arith.index_cast %get3A_1514 : i32 to index
        %get3A_1516 = arith.index_cast %mul3A_1513 : i32 to index
        %get3A_1517 = tpu.vector_load %arg13[%get3A_1515, %get3A_1516] {strides = array<i32>} : memref<16x1024xi32, #tpu.memory_space<vmem>>, vector<16xi32>,
        %mul3A_1518 = arith.constant 16 : i32
        %mul3A_1519 = arith.muli %scan3A_1456, %mul3A_1518 : i32
        %swap3A_1520 = arith.constant 4 : i32
        %swap3A_1521 = arith.index_cast %swap3A_1520 : i32 to index
        %swap3A_1522 = arith.index_cast %mul3A_1519 : i32 to index
        %swap3A_1523 = tpu.vector_load %arg13[%swap3A_1521, %swap3A_1522] {strides = array<i32>} : memref<16x1024xi32, #tpu.memory_space<vmem>>, vector<16xi32>,
        tpu.vector_store %arg13[%swap3A_1521, %swap3A_1522], %add3A_1511 {strides = array<i32>} : memref<16x1024xi32, #tpu.memory_space<vmem>>, vector<16xi32>,
        %add3A_1524 = arith.addi %add3A_1511, %get3A_1517 : vector<16xi32>
        %mul3A_1525 = arith.constant 16 : i32
        %mul3A_1526 = arith.muli %scan3A_1456, %mul3A_1525 : i32
        %get3A_1527 = arith.constant 5 : i32
        %get3A_1528 = arith.index_cast %get3A_1527 : i32 to index
        %get3A_1529 = arith.index_cast %mul3A_1526 : i32 to index
        %get3A_1530 = tpu.vector_load %arg13[%get3A_1528, %get3A_1529] {strides = array<i32>} : memref<16x1024xi32, #tpu.memory_space<vmem>>, vector<16xi32>,
        %mul3A_1531 = arith.constant 16 : i32
        %mul3A_1532 = arith.muli %scan3A_1456, %mul3A_1531 : i32
        %swap3A_1533 = arith.constant 5 : i32
        %swap3A_1534 = arith.index_cast %swap3A_1533 : i32 to index
        %swap3A_1535 = arith.index_cast %mul3A_1532 : i32 to index
        %swap3A_1536 = tpu.vector_load %arg13[%swap3A_1534, %swap3A_1535] {strides = array<i32>} : memref<16x1024xi32, #tpu.memory_space<vmem>>, vector<16xi32>,
        tpu.vector_store %arg13[%swap3A_1534, %swap3A_1535], %add3A_1524 {strides = array<i32>} : memref<16x1024xi32, #tpu.memory_space<vmem>>, vector<16xi32>,
        %add3A_1537 = arith.addi %add3A_1524, %get3A_1530 : vector<16xi32>
        %mul3A_1538 = arith.constant 16 : i32
        %mul3A_1539 = arith.muli %scan3A_1456, %mul3A_1538 : i32
        %get3A_1540 = arith.constant 6 : i32
        %get3A_1541 = arith.index_cast %get3A_1540 : i32 to index
        %get3A_1542 = arith.index_cast %mul3A_1539 : i32 to index
        %get3A_1543 = tpu.vector_load %arg13[%get3A_1541, %get3A_1542] {strides = array<i32>} : memref<16x1024xi32, #tpu.memory_space<vmem>>, vector<16xi32>,
        %mul3A_1544 = arith.constant 16 : i32
        %mul3A_1545 = arith.muli %scan3A_1456, %mul3A_1544 : i32
        %swap3A_1546 = arith.constant 6 : i32
        %swap3A_1547 = arith.index_cast %swap3A_1546 : i32 to index
        %swap3A_1548 = arith.index_cast %mul3A_1545 : i32 to index
        %swap3A_1549 = tpu.vector_load %arg13[%swap3A_1547, %swap3A_1548] {strides = array<i32>} : memref<16x1024xi32, #tpu.memory_space<vmem>>, vector<16xi32>,
        tpu.vector_store %arg13[%swap3A_1547, %swap3A_1548], %add3A_1537 {strides = array<i32>} : memref<16x1024xi32, #tpu.memory_space<vmem>>, vector<16xi32>,
        %add3A_1550 = arith.addi %add3A_1537, %get3A_1543 : vector<16xi32>
        %mul3A_1551 = arith.constant 16 : i32
        %mul3A_1552 = arith.muli %scan3A_1456, %mul3A_1551 : i32
        %get3A_1553 = arith.constant 7 : i32
        %get3A_1554 = arith.index_cast %get3A_1553 : i32 to index
        %get3A_1555 = arith.index_cast %mul3A_1552 : i32 to index
        %get3A_1556 = tpu.vector_load %arg13[%get3A_1554, %get3A_1555] {strides = array<i32>} : memref<16x1024xi32, #tpu.memory_space<vmem>>, vector<16xi32>,
        %mul3A_1557 = arith.constant 16 : i32
        %mul3A_1558 = arith.muli %scan3A_1456, %mul3A_1557 : i32
        %swap3A_1559 = arith.constant 7 : i32
        %swap3A_1560 = arith.index_cast %swap3A_1559 : i32 to index
        %swap3A_1561 = arith.index_cast %mul3A_1558 : i32 to index
        %swap3A_1562 = tpu.vector_load %arg13[%swap3A_1560, %swap3A_1561] {strides = array<i32>} : memref<16x1024xi32, #tpu.memory_space<vmem>>, vector<16xi32>,
        tpu.vector_store %arg13[%swap3A_1560, %swap3A_1561], %add3A_1550 {strides = array<i32>} : memref<16x1024xi32, #tpu.memory_space<vmem>>, vector<16xi32>,
        %add3A_1563 = arith.addi %add3A_1550, %get3A_1556 : vector<16xi32>
        %mul3A_1564 = arith.constant 16 : i32
        %mul3A_1565 = arith.muli %scan3A_1456, %mul3A_1564 : i32
        %get3A_1566 = arith.constant 8 : i32
        %get3A_1567 = arith.index_cast %get3A_1566 : i32 to index
        %get3A_1568 = arith.index_cast %mul3A_1565 : i32 to index
        %get3A_1569 = tpu.vector_load %arg13[%get3A_1567, %get3A_1568] {strides = array<i32>} : memref<16x1024xi32, #tpu.memory_space<vmem>>, vector<16xi32>,
        %mul3A_1570 = arith.constant 16 : i32
        %mul3A_1571 = arith.muli %scan3A_1456, %mul3A_1570 : i32
        %swap3A_1572 = arith.constant 8 : i32
        %swap3A_1573 = arith.index_cast %swap3A_1572 : i32 to index
        %swap3A_1574 = arith.index_cast %mul3A_1571 : i32 to index
        %swap3A_1575 = tpu.vector_load %arg13[%swap3A_1573, %swap3A_1574] {strides = array<i32>} : memref<16x1024xi32, #tpu.memory_space<vmem>>, vector<16xi32>,
        tpu.vector_store %arg13[%swap3A_1573, %swap3A_1574], %add3A_1563 {strides = array<i32>} : memref<16x1024xi32, #tpu.memory_space<vmem>>, vector<16xi32>,
        %add3A_1576 = arith.addi %add3A_1563, %get3A_1569 : vector<16xi32>
        %mul3A_1577 = arith.constant 16 : i32
        %mul3A_1578 = arith.muli %scan3A_1456, %mul3A_1577 : i32
        %get3A_1579 = arith.constant 9 : i32
        %get3A_1580 = arith.index_cast %get3A_1579 : i32 to index
        %get3A_1581 = arith.index_cast %mul3A_1578 : i32 to index
        %get3A_1582 = tpu.vector_load %arg13[%get3A_1580, %get3A_1581] {strides = array<i32>} : memref<16x1024xi32, #tpu.memory_space<vmem>>, vector<16xi32>,
        %mul3A_1583 = arith.constant 16 : i32
        %mul3A_1584 = arith.muli %scan3A_1456, %mul3A_1583 : i32
        %swap3A_1585 = arith.constant 9 : i32
        %swap3A_1586 = arith.index_cast %swap3A_1585 : i32 to index
        %swap3A_1587 = arith.index_cast %mul3A_1584 : i32 to index
        %swap3A_1588 = tpu.vector_load %arg13[%swap3A_1586, %swap3A_1587] {strides = array<i32>} : memref<16x1024xi32, #tpu.memory_space<vmem>>, vector<16xi32>,
        tpu.vector_store %arg13[%swap3A_1586, %swap3A_1587], %add3A_1576 {strides = array<i32>} : memref<16x1024xi32, #tpu.memory_space<vmem>>, vector<16xi32>,
        %add3A_1589 = arith.addi %add3A_1576, %get3A_1582 : vector<16xi32>
        %mul3A_1590 = arith.constant 16 : i32
        %mul3A_1591 = arith.muli %scan3A_1456, %mul3A_1590 : i32
        %get3A_1592 = arith.constant 10 : i32
        %get3A_1593 = arith.index_cast %get3A_1592 : i32 to index
        %get3A_1594 = arith.index_cast %mul3A_1591 : i32 to index
        %get3A_1595 = tpu.vector_load %arg13[%get3A_1593, %get3A_1594] {strides = array<i32>} : memref<16x1024xi32, #tpu.memory_space<vmem>>, vector<16xi32>,
        %mul3A_1596 = arith.constant 16 : i32
        %mul3A_1597 = arith.muli %scan3A_1456, %mul3A_1596 : i32
        %swap3A_1598 = arith.constant 10 : i32
        %swap3A_1599 = arith.index_cast %swap3A_1598 : i32 to index
        %swap3A_1600 = arith.index_cast %mul3A_1597 : i32 to index
        %swap3A_1601 = tpu.vector_load %arg13[%swap3A_1599, %swap3A_1600] {strides = array<i32>} : memref<16x1024xi32, #tpu.memory_space<vmem>>, vector<16xi32>,
        tpu.vector_store %arg13[%swap3A_1599, %swap3A_1600], %add3A_1589 {strides = array<i32>} : memref<16x1024xi32, #tpu.memory_space<vmem>>, vector<16xi32>,
        %add3A_1602 = arith.addi %add3A_1589, %get3A_1595 : vector<16xi32>
        %mul3A_1603 = arith.constant 16 : i32
        %mul3A_1604 = arith.muli %scan3A_1456, %mul3A_1603 : i32
        %get3A_1605 = arith.constant 11 : i32
        %get3A_1606 = arith.index_cast %get3A_1605 : i32 to index
        %get3A_1607 = arith.index_cast %mul3A_1604 : i32 to index
        %get3A_1608 = tpu.vector_load %arg13[%get3A_1606, %get3A_1607] {strides = array<i32>} : memref<16x1024xi32, #tpu.memory_space<vmem>>, vector<16xi32>,
        %mul3A_1609 = arith.constant 16 : i32
        %mul3A_1610 = arith.muli %scan3A_1456, %mul3A_1609 : i32
        %swap3A_1611 = arith.constant 11 : i32
        %swap3A_1612 = arith.index_cast %swap3A_1611 : i32 to index
        %swap3A_1613 = arith.index_cast %mul3A_1610 : i32 to index
        %swap3A_1614 = tpu.vector_load %arg13[%swap3A_1612, %swap3A_1613] {strides = array<i32>} : memref<16x1024xi32, #tpu.memory_space<vmem>>, vector<16xi32>,
        tpu.vector_store %arg13[%swap3A_1612, %swap3A_1613], %add3A_1602 {strides = array<i32>} : memref<16x1024xi32, #tpu.memory_space<vmem>>, vector<16xi32>,
        %add3A_1615 = arith.addi %add3A_1602, %get3A_1608 : vector<16xi32>
        %mul3A_1616 = arith.constant 16 : i32
        %mul3A_1617 = arith.muli %scan3A_1456, %mul3A_1616 : i32
        %get3A_1618 = arith.constant 12 : i32
        %get3A_1619 = arith.index_cast %get3A_1618 : i32 to index
        %get3A_1620 = arith.index_cast %mul3A_1617 : i32 to index
        %get3A_1621 = tpu.vector_load %arg13[%get3A_1619, %get3A_1620] {strides = array<i32>} : memref<16x1024xi32, #tpu.memory_space<vmem>>, vector<16xi32>,
        %mul3A_1622 = arith.constant 16 : i32
        %mul3A_1623 = arith.muli %scan3A_1456, %mul3A_1622 : i32
        %swap3A_1624 = arith.constant 12 : i32
        %swap3A_1625 = arith.index_cast %swap3A_1624 : i32 to index
        %swap3A_1626 = arith.index_cast %mul3A_1623 : i32 to index
        %swap3A_1627 = tpu.vector_load %arg13[%swap3A_1625, %swap3A_1626] {strides = array<i32>} : memref<16x1024xi32, #tpu.memory_space<vmem>>, vector<16xi32>,
        tpu.vector_store %arg13[%swap3A_1625, %swap3A_1626], %add3A_1615 {strides = array<i32>} : memref<16x1024xi32, #tpu.memory_space<vmem>>, vector<16xi32>,
        %add3A_1628 = arith.addi %add3A_1615, %get3A_1621 : vector<16xi32>
        %mul3A_1629 = arith.constant 16 : i32
        %mul3A_1630 = arith.muli %scan3A_1456, %mul3A_1629 : i32
        %get3A_1631 = arith.constant 13 : i32
        %get3A_1632 = arith.index_cast %get3A_1631 : i32 to index
        %get3A_1633 = arith.index_cast %mul3A_1630 : i32 to index
        %get3A_1634 = tpu.vector_load %arg13[%get3A_1632, %get3A_1633] {strides = array<i32>} : memref<16x1024xi32, #tpu.memory_space<vmem>>, vector<16xi32>,
        %mul3A_1635 = arith.constant 16 : i32
        %mul3A_1636 = arith.muli %scan3A_1456, %mul3A_1635 : i32
        %swap3A_1637 = arith.constant 13 : i32
        %swap3A_1638 = arith.index_cast %swap3A_1637 : i32 to index
        %swap3A_1639 = arith.index_cast %mul3A_1636 : i32 to index
        %swap3A_1640 = tpu.vector_load %arg13[%swap3A_1638, %swap3A_1639] {strides = array<i32>} : memref<16x1024xi32, #tpu.memory_space<vmem>>, vector<16xi32>,
        tpu.vector_store %arg13[%swap3A_1638, %swap3A_1639], %add3A_1628 {strides = array<i32>} : memref<16x1024xi32, #tpu.memory_space<vmem>>, vector<16xi32>,
        %add3A_1641 = arith.addi %add3A_1628, %get3A_1634 : vector<16xi32>
        %mul3A_1642 = arith.constant 16 : i32
        %mul3A_1643 = arith.muli %scan3A_1456, %mul3A_1642 : i32
        %get3A_1644 = arith.constant 14 : i32
        %get3A_1645 = arith.index_cast %get3A_1644 : i32 to index
        %get3A_1646 = arith.index_cast %mul3A_1643 : i32 to index
        %get3A_1647 = tpu.vector_load %arg13[%get3A_1645, %get3A_1646] {strides = array<i32>} : memref<16x1024xi32, #tpu.memory_space<vmem>>, vector<16xi32>,
        %mul3A_1648 = arith.constant 16 : i32
        %mul3A_1649 = arith.muli %scan3A_1456, %mul3A_1648 : i32
        %swap3A_1650 = arith.constant 14 : i32
        %swap3A_1651 = arith.index_cast %swap3A_1650 : i32 to index
        %swap3A_1652 = arith.index_cast %mul3A_1649 : i32 to index
        %swap3A_1653 = tpu.vector_load %arg13[%swap3A_1651, %swap3A_1652] {strides = array<i32>} : memref<16x1024xi32, #tpu.memory_space<vmem>>, vector<16xi32>,
        tpu.vector_store %arg13[%swap3A_1651, %swap3A_1652], %add3A_1641 {strides = array<i32>} : memref<16x1024xi32, #tpu.memory_space<vmem>>, vector<16xi32>,
        %add3A_1654 = arith.addi %add3A_1641, %get3A_1647 : vector<16xi32>
        %mul3A_1655 = arith.constant 16 : i32
        %mul3A_1656 = arith.muli %scan3A_1456, %mul3A_1655 : i32
        %get3A_1657 = arith.constant 15 : i32
        %get3A_1658 = arith.index_cast %get3A_1657 : i32 to index
        %get3A_1659 = arith.index_cast %mul3A_1656 : i32 to index
        %get3A_1660 = tpu.vector_load %arg13[%get3A_1658, %get3A_1659] {strides = array<i32>} : memref<16x1024xi32, #tpu.memory_space<vmem>>, vector<16xi32>,
        %mul3A_1661 = arith.constant 16 : i32
        %mul3A_1662 = arith.muli %scan3A_1456, %mul3A_1661 : i32
        %swap3A_1663 = arith.constant 15 : i32
        %swap3A_1664 = arith.index_cast %swap3A_1663 : i32 to index
        %swap3A_1665 = arith.index_cast %mul3A_1662 : i32 to index
        %swap3A_1666 = tpu.vector_load %arg13[%swap3A_1664, %swap3A_1665] {strides = array<i32>} : memref<16x1024xi32, #tpu.memory_space<vmem>>, vector<16xi32>,
        tpu.vector_store %arg13[%swap3A_1664, %swap3A_1665], %add3A_1654 {strides = array<i32>} : memref<16x1024xi32, #tpu.memory_space<vmem>>, vector<16xi32>,
        %add3A_1667 = arith.addi %add3A_1654, %get3A_1660 : vector<16xi32>
        %mul3A_1668 = arith.constant 16 : i32
        %mul3A_1669 = arith.muli %scan3A_1456, %mul3A_1668 : i32
        %swap3A_1670 = arith.index_cast %mul3A_1669 : i32 to index
        %swap3A_1671 = tpu.vector_load %arg10[%swap3A_1670] {strides = array<i32>} : memref<1024xi32, #tpu.memory_space<vmem>>, vector<16xi32>,
        tpu.vector_store %arg10[%swap3A_1670], %add3A_1667 {strides = array<i32>} : memref<1024xi32, #tpu.memory_space<vmem>>, vector<16xi32>,
        %scan3A_1672 = arith.constant 0 : i32
        scf.yield %scan3A_1672 : i32
      }
      %scan3A_1432 = arith.constant 64 : i32
      %scan3A_1433 = arith.constant 0 : i32
      %scan3A_1434 = arith.constant 0 : i32
      %scan3A_1435 = arith.constant 64 : i32
      %scan3A_1436 = arith.addi %scan3A_1434, %scan3A_1435 : i32
      %scan3A_1437 = arith.constant 1 : i32
      %scan3A_1438 = scf.for %scan3A_1456 = %scan3A_1434 to %scan3A_1436 step %scan3A_1437 iter_args(%scan3A_1457 = %scan3A_1433) -> (i32)  : i32 {
        %mul3A_1458 = arith.constant 16 : i32
        %mul3A_1459 = arith.muli %scan3A_1456, %mul3A_1458 : i32
        %get3A_1460 = arith.index_cast %mul3A_1459 : i32 to index
        %get3A_1461 = tpu.vector_load %arg10[%get3A_1460] {strides = array<i32>} : memref<1024xi32, #tpu.memory_space<vmem>>, vector<16xi32>,
        %add3A_1462 = arith.constant 15 : i32
        %add3A_1463 = vector.broadcast %add3A_1462 : i32 to vector<16xi32>
        %add3A_1464 = arith.addi %get3A_1461, %add3A_1463 : vector<16xi32>
        %and3A = arith.constant -16 : i32
        %and3A_1465 = vector.broadcast %and3A : i32 to vector<16xi32>
        %and3A_1466 = arith.andi %add3A_1464, %and3A_1465 : vector<16xi32>
        %cumsum3A = arith.constant true
        %cumsum3A_1467 = vector.broadcast %cumsum3A : i1 to vector<16xi1>
        %cumsum3A_1468 = tpu.scan <sum>, %and3A_1466 masked %cumsum3A_1467 : vector<16xi32>, vector<16xi1> -> vector<16xi32>
        %sub3A_1469 = arith.subi %cumsum3A_1468, %and3A_1466 : vector<16xi32>
        %add3A_1470 = vector.broadcast %scan3A_1457 : i32 to vector<16xi32>
        %add3A_1471 = arith.addi %sub3A_1469, %add3A_1470 : vector<16xi32>
        %mul3A_1472 = arith.constant 16 : i32
        %mul3A_1473 = arith.muli %scan3A_1456, %mul3A_1472 : i32
        %swap3A_1474 = arith.index_cast %mul3A_1473 : i32 to index
        %swap3A_1475 = tpu.vector_load %arg11[%swap3A_1474] {strides = array<i32>} : memref<1024xi32, #tpu.memory_space<vmem>>, vector<16xi32>,
        tpu.vector_store %arg11[%swap3A_1474], %add3A_1471 {strides = array<i32>} : memref<1024xi32, #tpu.memory_space<vmem>>, vector<16xi32>,
        %reduce_sum3A_1476 = arith.constant true
        %reduce_sum3A_1477 = vector.broadcast %reduce_sum3A_1476 : i1 to vector<16xi1>
        %reduce_sum3A_1478 = tpu.scan <sum>, %and3A_1466 masked %reduce_sum3A_1477 : vector<16xi32>, vector<16xi1> -> vector<16xi32>
        %reduce_sum3A_1479 = vector.extract %reduce_sum3A_1478[15] : i32 from vector<16xi32>
        %add3A_1480 = arith.addi %scan3A_1457, %reduce_sum3A_1479 : i32
        scf.yield %add3A_1480 : i32
      }
      %scan3A_1439 = arith.constant 64 : i32
      %scan3A_1440 = arith.constant 0 : i32
      %scan3A_1441 = arith.constant 0 : i32
      %scan3A_1442 = arith.constant 64 : i32
      %scan3A_1443 = arith.addi %scan3A_1441, %scan3A_1442 : i32
      %scan3A_1444 = arith.constant 1 : i32
      %scan3A_1445 = scf.for %scan3A_1456 = %scan3A_1441 to %scan3A_1443 step %scan3A_1444 iter_args(%scan3A_1457 = %scan3A_1440) -> (i32)  : i32 {
        %mul3A_1458 = arith.constant 16 : i32
        %mul3A_1459 = arith.muli %scan3A_1456, %mul3A_1458 : i32
        %get3A_1460 = arith.index_cast %mul3A_1459 : i32 to index
        %get3A_1461 = tpu.vector_load %arg11[%get3A_1460] {strides = array<i32>} : memref<1024xi32, #tpu.memory_space<vmem>>, vector<16xi32>,
        %mul3A_1462 = arith.constant 16 : i32
        %mul3A_1463 = arith.muli %scan3A_1456, %mul3A_1462 : i32
        %get3A_1464 = arith.constant 0 : i32
        %get3A_1465 = arith.index_cast %get3A_1464 : i32 to index
        %get3A_1466 = arith.index_cast %mul3A_1463 : i32 to index
        %get3A_1467 = tpu.vector_load %arg13[%get3A_1465, %get3A_1466] {strides = array<i32>} : memref<16x1024xi32, #tpu.memory_space<vmem>>, vector<16xi32>,
        %add3A_1468 = arith.addi %get3A_1467, %get3A_1461 : vector<16xi32>
        %mul3A_1469 = arith.constant 16 : i32
        %mul3A_1470 = arith.muli %scan3A_1456, %mul3A_1469 : i32
        %swap3A_1471 = arith.constant 0 : i32
        %swap3A_1472 = arith.index_cast %swap3A_1471 : i32 to index
        %swap3A_1473 = arith.index_cast %mul3A_1470 : i32 to index
        %swap3A_1474 = tpu.vector_load %arg13[%swap3A_1472, %swap3A_1473] {strides = array<i32>} : memref<16x1024xi32, #tpu.memory_space<vmem>>, vector<16xi32>,
        tpu.vector_store %arg13[%swap3A_1472, %swap3A_1473], %add3A_1468 {strides = array<i32>} : memref<16x1024xi32, #tpu.memory_space<vmem>>, vector<16xi32>,
        %mul3A_1475 = arith.constant 16 : i32
        %mul3A_1476 = arith.muli %scan3A_1456, %mul3A_1475 : i32
        %get3A_1477 = arith.constant 1 : i32
        %get3A_1478 = arith.index_cast %get3A_1477 : i32 to index
        %get3A_1479 = arith.index_cast %mul3A_1476 : i32 to index
        %get3A_1480 = tpu.vector_load %arg13[%get3A_1478, %get3A_1479] {strides = array<i32>} : memref<16x1024xi32, #tpu.memory_space<vmem>>, vector<16xi32>,
        %add3A_1481 = arith.addi %get3A_1480, %get3A_1461 : vector<16xi32>
        %mul3A_1482 = arith.constant 16 : i32
        %mul3A_1483 = arith.muli %scan3A_1456, %mul3A_1482 : i32
        %swap3A_1484 = arith.constant 1 : i32
        %swap3A_1485 = arith.index_cast %swap3A_1484 : i32 to index
        %swap3A_1486 = arith.index_cast %mul3A_1483 : i32 to index
        %swap3A_1487 = tpu.vector_load %arg13[%swap3A_1485, %swap3A_1486] {strides = array<i32>} : memref<16x1024xi32, #tpu.memory_space<vmem>>, vector<16xi32>,
        tpu.vector_store %arg13[%swap3A_1485, %swap3A_1486], %add3A_1481 {strides = array<i32>} : memref<16x1024xi32, #tpu.memory_space<vmem>>, vector<16xi32>,
        %mul3A_1488 = arith.constant 16 : i32
        %mul3A_1489 = arith.muli %scan3A_1456, %mul3A_1488 : i32
        %get3A_1490 = arith.constant 2 : i32
        %get3A_1491 = arith.index_cast %get3A_1490 : i32 to index
        %get3A_1492 = arith.index_cast %mul3A_1489 : i32 to index
        %get3A_1493 = tpu.vector_load %arg13[%get3A_1491, %get3A_1492] {strides = array<i32>} : memref<16x1024xi32, #tpu.memory_space<vmem>>, vector<16xi32>,
        %add3A_1494 = arith.addi %get3A_1493, %get3A_1461 : vector<16xi32>
        %mul3A_1495 = arith.constant 16 : i32
        %mul3A_1496 = arith.muli %scan3A_1456, %mul3A_1495 : i32
        %swap3A_1497 = arith.constant 2 : i32
        %swap3A_1498 = arith.index_cast %swap3A_1497 : i32 to index
        %swap3A_1499 = arith.index_cast %mul3A_1496 : i32 to index
        %swap3A_1500 = tpu.vector_load %arg13[%swap3A_1498, %swap3A_1499] {strides = array<i32>} : memref<16x1024xi32, #tpu.memory_space<vmem>>, vector<16xi32>,
        tpu.vector_store %arg13[%swap3A_1498, %swap3A_1499], %add3A_1494 {strides = array<i32>} : memref<16x1024xi32, #tpu.memory_space<vmem>>, vector<16xi32>,
        %mul3A_1501 = arith.constant 16 : i32
        %mul3A_1502 = arith.muli %scan3A_1456, %mul3A_1501 : i32
        %get3A_1503 = arith.constant 3 : i32
        %get3A_1504 = arith.index_cast %get3A_1503 : i32 to index
        %get3A_1505 = arith.index_cast %mul3A_1502 : i32 to index
        %get3A_1506 = tpu.vector_load %arg13[%get3A_1504, %get3A_1505] {strides = array<i32>} : memref<16x1024xi32, #tpu.memory_space<vmem>>, vector<16xi32>,
        %add3A_1507 = arith.addi %get3A_1506, %get3A_1461 : vector<16xi32>
        %mul3A_1508 = arith.constant 16 : i32
        %mul3A_1509 = arith.muli %scan3A_1456, %mul3A_1508 : i32
        %swap3A_1510 = arith.constant 3 : i32
        %swap3A_1511 = arith.index_cast %swap3A_1510 : i32 to index
        %swap3A_1512 = arith.index_cast %mul3A_1509 : i32 to index
        %swap3A_1513 = tpu.vector_load %arg13[%swap3A_1511, %swap3A_1512] {strides = array<i32>} : memref<16x1024xi32, #tpu.memory_space<vmem>>, vector<16xi32>,
        tpu.vector_store %arg13[%swap3A_1511, %swap3A_1512], %add3A_1507 {strides = array<i32>} : memref<16x1024xi32, #tpu.memory_space<vmem>>, vector<16xi32>,
        %mul3A_1514 = arith.constant 16 : i32
        %mul3A_1515 = arith.muli %scan3A_1456, %mul3A_1514 : i32
        %get3A_1516 = arith.constant 4 : i32
        %get3A_1517 = arith.index_cast %get3A_1516 : i32 to index
        %get3A_1518 = arith.index_cast %mul3A_1515 : i32 to index
        %get3A_1519 = tpu.vector_load %arg13[%get3A_1517, %get3A_1518] {strides = array<i32>} : memref<16x1024xi32, #tpu.memory_space<vmem>>, vector<16xi32>,
        %add3A_1520 = arith.addi %get3A_1519, %get3A_1461 : vector<16xi32>
        %mul3A_1521 = arith.constant 16 : i32
        %mul3A_1522 = arith.muli %scan3A_1456, %mul3A_1521 : i32
        %swap3A_1523 = arith.constant 4 : i32
        %swap3A_1524 = arith.index_cast %swap3A_1523 : i32 to index
        %swap3A_1525 = arith.index_cast %mul3A_1522 : i32 to index
        %swap3A_1526 = tpu.vector_load %arg13[%swap3A_1524, %swap3A_1525] {strides = array<i32>} : memref<16x1024xi32, #tpu.memory_space<vmem>>, vector<16xi32>,
        tpu.vector_store %arg13[%swap3A_1524, %swap3A_1525], %add3A_1520 {strides = array<i32>} : memref<16x1024xi32, #tpu.memory_space<vmem>>, vector<16xi32>,
        %mul3A_1527 = arith.constant 16 : i32
        %mul3A_1528 = arith.muli %scan3A_1456, %mul3A_1527 : i32
        %get3A_1529 = arith.constant 5 : i32
        %get3A_1530 = arith.index_cast %get3A_1529 : i32 to index
        %get3A_1531 = arith.index_cast %mul3A_1528 : i32 to index
        %get3A_1532 = tpu.vector_load %arg13[%get3A_1530, %get3A_1531] {strides = array<i32>} : memref<16x1024xi32, #tpu.memory_space<vmem>>, vector<16xi32>,
        %add3A_1533 = arith.addi %get3A_1532, %get3A_1461 : vector<16xi32>
        %mul3A_1534 = arith.constant 16 : i32
        %mul3A_1535 = arith.muli %scan3A_1456, %mul3A_1534 : i32
        %swap3A_1536 = arith.constant 5 : i32
        %swap3A_1537 = arith.index_cast %swap3A_1536 : i32 to index
        %swap3A_1538 = arith.index_cast %mul3A_1535 : i32 to index
        %swap3A_1539 = tpu.vector_load %arg13[%swap3A_1537, %swap3A_1538] {strides = array<i32>} : memref<16x1024xi32, #tpu.memory_space<vmem>>, vector<16xi32>,
        tpu.vector_store %arg13[%swap3A_1537, %swap3A_1538], %add3A_1533 {strides = array<i32>} : memref<16x1024xi32, #tpu.memory_space<vmem>>, vector<16xi32>,
        %mul3A_1540 = arith.constant 16 : i32
        %mul3A_1541 = arith.muli %scan3A_1456, %mul3A_1540 : i32
        %get3A_1542 = arith.constant 6 : i32
        %get3A_1543 = arith.index_cast %get3A_1542 : i32 to index
        %get3A_1544 = arith.index_cast %mul3A_1541 : i32 to index
        %get3A_1545 = tpu.vector_load %arg13[%get3A_1543, %get3A_1544] {strides = array<i32>} : memref<16x1024xi32, #tpu.memory_space<vmem>>, vector<16xi32>,
        %add3A_1546 = arith.addi %get3A_1545, %get3A_1461 : vector<16xi32>
        %mul3A_1547 = arith.constant 16 : i32
        %mul3A_1548 = arith.muli %scan3A_1456, %mul3A_1547 : i32
        %swap3A_1549 = arith.constant 6 : i32
        %swap3A_1550 = arith.index_cast %swap3A_1549 : i32 to index
        %swap3A_1551 = arith.index_cast %mul3A_1548 : i32 to index
        %swap3A_1552 = tpu.vector_load %arg13[%swap3A_1550, %swap3A_1551] {strides = array<i32>} : memref<16x1024xi32, #tpu.memory_space<vmem>>, vector<16xi32>,
        tpu.vector_store %arg13[%swap3A_1550, %swap3A_1551], %add3A_1546 {strides = array<i32>} : memref<16x1024xi32, #tpu.memory_space<vmem>>, vector<16xi32>,
        %mul3A_1553 = arith.constant 16 : i32
        %mul3A_1554 = arith.muli %scan3A_1456, %mul3A_1553 : i32
        %get3A_1555 = arith.constant 7 : i32
        %get3A_1556 = arith.index_cast %get3A_1555 : i32 to index
        %get3A_1557 = arith.index_cast %mul3A_1554 : i32 to index
        %get3A_1558 = tpu.vector_load %arg13[%get3A_1556, %get3A_1557] {strides = array<i32>} : memref<16x1024xi32, #tpu.memory_space<vmem>>, vector<16xi32>,
        %add3A_1559 = arith.addi %get3A_1558, %get3A_1461 : vector<16xi32>
        %mul3A_1560 = arith.constant 16 : i32
        %mul3A_1561 = arith.muli %scan3A_1456, %mul3A_1560 : i32
        %swap3A_1562 = arith.constant 7 : i32
        %swap3A_1563 = arith.index_cast %swap3A_1562 : i32 to index
        %swap3A_1564 = arith.index_cast %mul3A_1561 : i32 to index
        %swap3A_1565 = tpu.vector_load %arg13[%swap3A_1563, %swap3A_1564] {strides = array<i32>} : memref<16x1024xi32, #tpu.memory_space<vmem>>, vector<16xi32>,
        tpu.vector_store %arg13[%swap3A_1563, %swap3A_1564], %add3A_1559 {strides = array<i32>} : memref<16x1024xi32, #tpu.memory_space<vmem>>, vector<16xi32>,
        %mul3A_1566 = arith.constant 16 : i32
        %mul3A_1567 = arith.muli %scan3A_1456, %mul3A_1566 : i32
        %get3A_1568 = arith.constant 8 : i32
        %get3A_1569 = arith.index_cast %get3A_1568 : i32 to index
        %get3A_1570 = arith.index_cast %mul3A_1567 : i32 to index
        %get3A_1571 = tpu.vector_load %arg13[%get3A_1569, %get3A_1570] {strides = array<i32>} : memref<16x1024xi32, #tpu.memory_space<vmem>>, vector<16xi32>,
        %add3A_1572 = arith.addi %get3A_1571, %get3A_1461 : vector<16xi32>
        %mul3A_1573 = arith.constant 16 : i32
        %mul3A_1574 = arith.muli %scan3A_1456, %mul3A_1573 : i32
        %swap3A_1575 = arith.constant 8 : i32
        %swap3A_1576 = arith.index_cast %swap3A_1575 : i32 to index
        %swap3A_1577 = arith.index_cast %mul3A_1574 : i32 to index
        %swap3A_1578 = tpu.vector_load %arg13[%swap3A_1576, %swap3A_1577] {strides = array<i32>} : memref<16x1024xi32, #tpu.memory_space<vmem>>, vector<16xi32>,
        tpu.vector_store %arg13[%swap3A_1576, %swap3A_1577], %add3A_1572 {strides = array<i32>} : memref<16x1024xi32, #tpu.memory_space<vmem>>, vector<16xi32>,
        %mul3A_1579 = arith.constant 16 : i32
        %mul3A_1580 = arith.muli %scan3A_1456, %mul3A_1579 : i32
        %get3A_1581 = arith.constant 9 : i32
        %get3A_1582 = arith.index_cast %get3A_1581 : i32 to index
        %get3A_1583 = arith.index_cast %mul3A_1580 : i32 to index
        %get3A_1584 = tpu.vector_load %arg13[%get3A_1582, %get3A_1583] {strides = array<i32>} : memref<16x1024xi32, #tpu.memory_space<vmem>>, vector<16xi32>,
        %add3A_1585 = arith.addi %get3A_1584, %get3A_1461 : vector<16xi32>
        %mul3A_1586 = arith.constant 16 : i32
        %mul3A_1587 = arith.muli %scan3A_1456, %mul3A_1586 : i32
        %swap3A_1588 = arith.constant 9 : i32
        %swap3A_1589 = arith.index_cast %swap3A_1588 : i32 to index
        %swap3A_1590 = arith.index_cast %mul3A_1587 : i32 to index
        %swap3A_1591 = tpu.vector_load %arg13[%swap3A_1589, %swap3A_1590] {strides = array<i32>} : memref<16x1024xi32, #tpu.memory_space<vmem>>, vector<16xi32>,
        tpu.vector_store %arg13[%swap3A_1589, %swap3A_1590], %add3A_1585 {strides = array<i32>} : memref<16x1024xi32, #tpu.memory_space<vmem>>, vector<16xi32>,
        %mul3A_1592 = arith.constant 16 : i32
        %mul3A_1593 = arith.muli %scan3A_1456, %mul3A_1592 : i32
        %get3A_1594 = arith.constant 10 : i32
        %get3A_1595 = arith.index_cast %get3A_1594 : i32 to index
        %get3A_1596 = arith.index_cast %mul3A_1593 : i32 to index
        %get3A_1597 = tpu.vector_load %arg13[%get3A_1595, %get3A_1596] {strides = array<i32>} : memref<16x1024xi32, #tpu.memory_space<vmem>>, vector<16xi32>,
        %add3A_1598 = arith.addi %get3A_1597, %get3A_1461 : vector<16xi32>
        %mul3A_1599 = arith.constant 16 : i32
        %mul3A_1600 = arith.muli %scan3A_1456, %mul3A_1599 : i32
        %swap3A_1601 = arith.constant 10 : i32
        %swap3A_1602 = arith.index_cast %swap3A_1601 : i32 to index
        %swap3A_1603 = arith.index_cast %mul3A_1600 : i32 to index
        %swap3A_1604 = tpu.vector_load %arg13[%swap3A_1602, %swap3A_1603] {strides = array<i32>} : memref<16x1024xi32, #tpu.memory_space<vmem>>, vector<16xi32>,
        tpu.vector_store %arg13[%swap3A_1602, %swap3A_1603], %add3A_1598 {strides = array<i32>} : memref<16x1024xi32, #tpu.memory_space<vmem>>, vector<16xi32>,
        %mul3A_1605 = arith.constant 16 : i32
        %mul3A_1606 = arith.muli %scan3A_1456, %mul3A_1605 : i32
        %get3A_1607 = arith.constant 11 : i32
        %get3A_1608 = arith.index_cast %get3A_1607 : i32 to index
        %get3A_1609 = arith.index_cast %mul3A_1606 : i32 to index
        %get3A_1610 = tpu.vector_load %arg13[%get3A_1608, %get3A_1609] {strides = array<i32>} : memref<16x1024xi32, #tpu.memory_space<vmem>>, vector<16xi32>,
        %add3A_1611 = arith.addi %get3A_1610, %get3A_1461 : vector<16xi32>
        %mul3A_1612 = arith.constant 16 : i32
        %mul3A_1613 = arith.muli %scan3A_1456, %mul3A_1612 : i32
        %swap3A_1614 = arith.constant 11 : i32
        %swap3A_1615 = arith.index_cast %swap3A_1614 : i32 to index
        %swap3A_1616 = arith.index_cast %mul3A_1613 : i32 to index
        %swap3A_1617 = tpu.vector_load %arg13[%swap3A_1615, %swap3A_1616] {strides = array<i32>} : memref<16x1024xi32, #tpu.memory_space<vmem>>, vector<16xi32>,
        tpu.vector_store %arg13[%swap3A_1615, %swap3A_1616], %add3A_1611 {strides = array<i32>} : memref<16x1024xi32, #tpu.memory_space<vmem>>, vector<16xi32>,
        %mul3A_1618 = arith.constant 16 : i32
        %mul3A_1619 = arith.muli %scan3A_1456, %mul3A_1618 : i32
        %get3A_1620 = arith.constant 12 : i32
        %get3A_1621 = arith.index_cast %get3A_1620 : i32 to index
        %get3A_1622 = arith.index_cast %mul3A_1619 : i32 to index
        %get3A_1623 = tpu.vector_load %arg13[%get3A_1621, %get3A_1622] {strides = array<i32>} : memref<16x1024xi32, #tpu.memory_space<vmem>>, vector<16xi32>,
        %add3A_1624 = arith.addi %get3A_1623, %get3A_1461 : vector<16xi32>
        %mul3A_1625 = arith.constant 16 : i32
        %mul3A_1626 = arith.muli %scan3A_1456, %mul3A_1625 : i32
        %swap3A_1627 = arith.constant 12 : i32
        %swap3A_1628 = arith.index_cast %swap3A_1627 : i32 to index
        %swap3A_1629 = arith.index_cast %mul3A_1626 : i32 to index
        %swap3A_1630 = tpu.vector_load %arg13[%swap3A_1628, %swap3A_1629] {strides = array<i32>} : memref<16x1024xi32, #tpu.memory_space<vmem>>, vector<16xi32>,
        tpu.vector_store %arg13[%swap3A_1628, %swap3A_1629], %add3A_1624 {strides = array<i32>} : memref<16x1024xi32, #tpu.memory_space<vmem>>, vector<16xi32>,
        %mul3A_1631 = arith.constant 16 : i32
        %mul3A_1632 = arith.muli %scan3A_1456, %mul3A_1631 : i32
        %get3A_1633 = arith.constant 13 : i32
        %get3A_1634 = arith.index_cast %get3A_1633 : i32 to index
        %get3A_1635 = arith.index_cast %mul3A_1632 : i32 to index
        %get3A_1636 = tpu.vector_load %arg13[%get3A_1634, %get3A_1635] {strides = array<i32>} : memref<16x1024xi32, #tpu.memory_space<vmem>>, vector<16xi32>,
        %add3A_1637 = arith.addi %get3A_1636, %get3A_1461 : vector<16xi32>
        %mul3A_1638 = arith.constant 16 : i32
        %mul3A_1639 = arith.muli %scan3A_1456, %mul3A_1638 : i32
        %swap3A_1640 = arith.constant 13 : i32
        %swap3A_1641 = arith.index_cast %swap3A_1640 : i32 to index
        %swap3A_1642 = arith.index_cast %mul3A_1639 : i32 to index
        %swap3A_1643 = tpu.vector_load %arg13[%swap3A_1641, %swap3A_1642] {strides = array<i32>} : memref<16x1024xi32, #tpu.memory_space<vmem>>, vector<16xi32>,
        tpu.vector_store %arg13[%swap3A_1641, %swap3A_1642], %add3A_1637 {strides = array<i32>} : memref<16x1024xi32, #tpu.memory_space<vmem>>, vector<16xi32>,
        %mul3A_1644 = arith.constant 16 : i32
        %mul3A_1645 = arith.muli %scan3A_1456, %mul3A_1644 : i32
        %get3A_1646 = arith.constant 14 : i32
        %get3A_1647 = arith.index_cast %get3A_1646 : i32 to index
        %get3A_1648 = arith.index_cast %mul3A_1645 : i32 to index
        %get3A_1649 = tpu.vector_load %arg13[%get3A_1647, %get3A_1648] {strides = array<i32>} : memref<16x1024xi32, #tpu.memory_space<vmem>>, vector<16xi32>,
        %add3A_1650 = arith.addi %get3A_1649, %get3A_1461 : vector<16xi32>
        %mul3A_1651 = arith.constant 16 : i32
        %mul3A_1652 = arith.muli %scan3A_1456, %mul3A_1651 : i32
        %swap3A_1653 = arith.constant 14 : i32
        %swap3A_1654 = arith.index_cast %swap3A_1653 : i32 to index
        %swap3A_1655 = arith.index_cast %mul3A_1652 : i32 to index
        %swap3A_1656 = tpu.vector_load %arg13[%swap3A_1654, %swap3A_1655] {strides = array<i32>} : memref<16x1024xi32, #tpu.memory_space<vmem>>, vector<16xi32>,
        tpu.vector_store %arg13[%swap3A_1654, %swap3A_1655], %add3A_1650 {strides = array<i32>} : memref<16x1024xi32, #tpu.memory_space<vmem>>, vector<16xi32>,
        %mul3A_1657 = arith.constant 16 : i32
        %mul3A_1658 = arith.muli %scan3A_1456, %mul3A_1657 : i32
        %get3A_1659 = arith.constant 15 : i32
        %get3A_1660 = arith.index_cast %get3A_1659 : i32 to index
        %get3A_1661 = arith.index_cast %mul3A_1658 : i32 to index
        %get3A_1662 = tpu.vector_load %arg13[%get3A_1660, %get3A_1661] {strides = array<i32>} : memref<16x1024xi32, #tpu.memory_space<vmem>>, vector<16xi32>,
        %add3A_1663 = arith.addi %get3A_1662, %get3A_1461 : vector<16xi32>
        %mul3A_1664 = arith.constant 16 : i32
        %mul3A_1665 = arith.muli %scan3A_1456, %mul3A_1664 : i32
        %swap3A_1666 = arith.constant 15 : i32
        %swap3A_1667 = arith.index_cast %swap3A_1666 : i32 to index
        %swap3A_1668 = arith.index_cast %mul3A_1665 : i32 to index
        %swap3A_1669 = tpu.vector_load %arg13[%swap3A_1667, %swap3A_1668] {strides = array<i32>} : memref<16x1024xi32, #tpu.memory_space<vmem>>, vector<16xi32>,
        tpu.vector_store %arg13[%swap3A_1667, %swap3A_1668], %add3A_1663 {strides = array<i32>} : memref<16x1024xi32, #tpu.memory_space<vmem>>, vector<16xi32>,
        %scan3A_1670 = arith.constant 0 : i32
        scf.yield %scan3A_1670 : i32
      }
      %scan3A_1446 = arith.constant 64 : i32
      "tpu.region"() ({
        %run_scoped3A_1456 = tpu.sem_alloc : memref<!tpu.dma_semaphore, #tpu.memory_space<semaphore_mem>>
        tpu.enqueue_dma source(%arg13 : memref<16x1024xi32, #tpu.memory_space<vmem>>) target(%arg22 : memref<16x1024xi32, #tpu.memory_space<vmem_shared>>) target_semaphore(%run_scoped3A_1456 : memref<!tpu.dma_semaphore, #tpu.memory_space<semaphore_mem>>)
        tpu.wait_dma2 semaphore(%run_scoped3A_1456 : memref<!tpu.dma_semaphore, #tpu.memory_space<semaphore_mem>>) src(%arg13 : memref<16x1024xi32, #tpu.memory_space<vmem>>) dst(%arg22 : memref<16x1024xi32, #tpu.memory_space<vmem_shared>>)
        tpu.yield
      }) : () -> ()
      "tpu.region"() ({
        %run_scoped3A_1456 = tpu.sem_alloc : memref<!tpu.dma_semaphore, #tpu.memory_space<semaphore_mem>>
        %dma_start3A = arith.constant 0 : i32
        %dma_start3A_1457 = tpu.memref_slice %arg23[%dma_start3A] : memref<1040xi32, #tpu.memory_space<vmem_shared>> -> memref<1024xi32, #tpu.memory_space<vmem_shared>>
        %dma_start3A_1458 = arith.constant 0 : i32
        %dma_start3A_1459 = tpu.memref_slice %arg23[%dma_start3A_1458] : memref<1040xi32, #tpu.memory_space<vmem_shared>> -> memref<1024xi32, #tpu.memory_space<vmem_shared>>
        tpu.enqueue_dma source(%arg11 : memref<1024xi32, #tpu.memory_space<vmem>>) target(%dma_start3A_1459 : memref<1024xi32, #tpu.memory_space<vmem_shared>>) target_semaphore(%run_scoped3A_1456 : memref<!tpu.dma_semaphore, #tpu.memory_space<semaphore_mem>>)
        %dma_wait3A = arith.constant 0 : i32
        %dma_wait3A_1460 = tpu.memref_slice %arg23[%dma_wait3A] : memref<1040xi32, #tpu.memory_space<vmem_shared>> -> memref<1024xi32, #tpu.memory_space<vmem_shared>>
        %dma_wait3A_1461 = arith.constant 0 : i32
        %dma_wait3A_1462 = tpu.memref_slice %arg23[%dma_wait3A_1461] : memref<1040xi32, #tpu.memory_space<vmem_shared>> -> memref<1024xi32, #tpu.memory_space<vmem_shared>>
        tpu.wait_dma2 semaphore(%run_scoped3A_1456 : memref<!tpu.dma_semaphore, #tpu.memory_space<semaphore_mem>>) src(%arg11 : memref<1024xi32, #tpu.memory_space<vmem>>) dst(%dma_wait3A_1462 : memref<1024xi32, #tpu.memory_space<vmem_shared>>)
        tpu.yield
      }) : () -> ()
      %broadcast_in_dim3A_1447 = arith.constant 0 : i32
      %broadcast_in_dim3A_1448 = vector.broadcast %broadcast_in_dim3A_1447 : i32 to vector<16xi32>
      %add3A_1449 = vector.broadcast %scan3A_1438 : i32 to vector<16xi32>
      %add3A_1450 = arith.addi %broadcast_in_dim3A_1448, %add3A_1449 : vector<16xi32>
      %swap3A_1451 = arith.constant 0 : index
      %swap3A_1452 = tpu.vector_load %arg7[%swap3A_1451] {strides = array<i32>} : memref<1024xi32, #tpu.memory_space<vmem>>, vector<16xi32>,
      tpu.vector_store %arg7[%swap3A_1451], %add3A_1450 {strides = array<i32>} : memref<1024xi32, #tpu.memory_space<vmem>>, vector<16xi32>,
      "tpu.region"() ({
        %run_scoped3A_1456 = tpu.sem_alloc : memref<!tpu.dma_semaphore, #tpu.memory_space<semaphore_mem>>
        %dma_start3A = arith.constant 0 : i32
        %dma_start3A_1457 = tpu.memref_slice %arg7[%dma_start3A] : memref<1024xi32, #tpu.memory_space<vmem>> -> memref<16xi32, #tpu.memory_space<vmem>>
        %dma_start3A_1458 = arith.constant 1024 : i32
        %dma_start3A_1459 = tpu.memref_slice %arg23[%dma_start3A_1458] : memref<1040xi32, #tpu.memory_space<vmem_shared>> -> memref<16xi32, #tpu.memory_space<vmem_shared>>
        %dma_start3A_1460 = arith.constant 1024 : i32
        %dma_start3A_1461 = tpu.memref_slice %arg23[%dma_start3A_1460] : memref<1040xi32, #tpu.memory_space<vmem_shared>> -> memref<16xi32, #tpu.memory_space<vmem_shared>>
        %dma_start3A_1462 = arith.constant 0 : i32
        %dma_start3A_1463 = tpu.memref_slice %arg7[%dma_start3A_1462] : memref<1024xi32, #tpu.memory_space<vmem>> -> memref<16xi32, #tpu.memory_space<vmem>>
        tpu.enqueue_dma source(%dma_start3A_1463 : memref<16xi32, #tpu.memory_space<vmem>>) target(%dma_start3A_1461 : memref<16xi32, #tpu.memory_space<vmem_shared>>) target_semaphore(%run_scoped3A_1456 : memref<!tpu.dma_semaphore, #tpu.memory_space<semaphore_mem>>)
        %dma_wait3A = arith.constant 0 : i32
        %dma_wait3A_1464 = tpu.memref_slice %arg7[%dma_wait3A] : memref<1024xi32, #tpu.memory_space<vmem>> -> memref<16xi32, #tpu.memory_space<vmem>>
        %dma_wait3A_1465 = arith.constant 1024 : i32
        %dma_wait3A_1466 = tpu.memref_slice %arg23[%dma_wait3A_1465] : memref<1040xi32, #tpu.memory_space<vmem_shared>> -> memref<16xi32, #tpu.memory_space<vmem_shared>>
        %dma_wait3A_1467 = arith.constant 1024 : i32
        %dma_wait3A_1468 = tpu.memref_slice %arg23[%dma_wait3A_1467] : memref<1040xi32, #tpu.memory_space<vmem_shared>> -> memref<16xi32, #tpu.memory_space<vmem_shared>>
        %dma_wait3A_1469 = arith.constant 0 : i32
        %dma_wait3A_1470 = tpu.memref_slice %arg7[%dma_wait3A_1469] : memref<1024xi32, #tpu.memory_space<vmem>> -> memref<16xi32, #tpu.memory_space<vmem>>
        tpu.wait_dma2 semaphore(%run_scoped3A_1456 : memref<!tpu.dma_semaphore, #tpu.memory_space<semaphore_mem>>) src(%dma_wait3A_1470 : memref<16xi32, #tpu.memory_space<vmem>>) dst(%dma_wait3A_1468 : memref<16xi32, #tpu.memory_space<vmem_shared>>)
        tpu.yield
      }) : () -> ()
      "tpu.region"() ({
        %run_scoped3A_1456 = tpu.sem_alloc : memref<!tpu.dma_semaphore, #tpu.memory_space<semaphore_mem>>
        tpu.enqueue_dma source(%arg10 : memref<1024xi32, #tpu.memory_space<vmem>>) target(%arg24 : memref<1024xi32, #tpu.memory_space<vmem_shared>>) target_semaphore(%run_scoped3A_1456 : memref<!tpu.dma_semaphore, #tpu.memory_space<semaphore_mem>>)
        tpu.wait_dma2 semaphore(%run_scoped3A_1456 : memref<!tpu.dma_semaphore, #tpu.memory_space<semaphore_mem>>) src(%arg10 : memref<1024xi32, #tpu.memory_space<vmem>>) dst(%arg24 : memref<1024xi32, #tpu.memory_space<vmem_shared>>)
        tpu.yield
      }) : () -> ()
      %mul3A_1453 = arith.constant 1024 : i32
      %mul3A_1454 = arith.muli %arg1, %mul3A_1453 : i32
      %multiple_of3A_1455 = tpu.assume_multiple %mul3A_1454, 1024 : i32
      "tpu.region"() ({
        %run_scoped3A_1456 = tpu.sem_alloc : memref<!tpu.dma_semaphore, #tpu.memory_space<semaphore_mem>>
        %dma_start3A = arith.constant 0 : i32
        %dma_start3A_1457 = tpu.memref_slice %arg7[%dma_start3A] : memref<1024xi32, #tpu.memory_space<vmem>> -> memref<16xi32, #tpu.memory_space<vmem>>
        %dma_start3A_1458 = tpu.memref_slice %arg3[%multiple_of3A_1455] : memref<16384xi32, #tpu.memory_space<hbm>> -> memref<16xi32, #tpu.memory_space<hbm>>
        %dma_start3A_1459 = arith.constant 0 : i32
        %dma_start3A_1460 = tpu.memref_slice %arg7[%dma_start3A_1459] : memref<1024xi32, #tpu.memory_space<vmem>> -> memref<16xi32, #tpu.memory_space<vmem>>
        %dma_start3A_1461 = tpu.memref_slice %arg3[%multiple_of3A_1455] : memref<16384xi32, #tpu.memory_space<hbm>> -> memref<16xi32, #tpu.memory_space<hbm>>
        tpu.enqueue_dma source(%dma_start3A_1461 : memref<16xi32, #tpu.memory_space<hbm>>) target(%dma_start3A_1460 : memref<16xi32, #tpu.memory_space<vmem>>) target_semaphore(%run_scoped3A_1456 : memref<!tpu.dma_semaphore, #tpu.memory_space<semaphore_mem>>)
        %dma_wait3A = arith.constant 0 : i32
        %dma_wait3A_1462 = tpu.memref_slice %arg7[%dma_wait3A] : memref<1024xi32, #tpu.memory_space<vmem>> -> memref<16xi32, #tpu.memory_space<vmem>>
        %dma_wait3A_1463 = tpu.memref_slice %arg3[%multiple_of3A_1455] : memref<16384xi32, #tpu.memory_space<hbm>> -> memref<16xi32, #tpu.memory_space<hbm>>
        %dma_wait3A_1464 = arith.constant 0 : i32
        %dma_wait3A_1465 = tpu.memref_slice %arg7[%dma_wait3A_1464] : memref<1024xi32, #tpu.memory_space<vmem>> -> memref<16xi32, #tpu.memory_space<vmem>>
        %dma_wait3A_1466 = tpu.memref_slice %arg3[%multiple_of3A_1455] : memref<16384xi32, #tpu.memory_space<hbm>> -> memref<16xi32, #tpu.memory_space<hbm>>
        tpu.wait_dma2 semaphore(%run_scoped3A_1456 : memref<!tpu.dma_semaphore, #tpu.memory_space<semaphore_mem>>) src(%dma_wait3A_1466 : memref<16xi32, #tpu.memory_space<hbm>>) dst(%dma_wait3A_1465 : memref<16xi32, #tpu.memory_space<vmem>>)
        tpu.yield
      }) : () -> ()
    } else {
    }
    %barrier3A_386 = arith.constant 0 : index
    tpu.barrier barrier_id(%barrier3A_386)
    "tpu.region"() ({
      %run_scoped3A_1426 = tpu.sem_alloc : memref<!tpu.dma_semaphore, #tpu.memory_space<semaphore_mem>>
      %dma_start3A = arith.constant 0 : i32
      %dma_start3A_1427 = tpu.memref_slice %arg22[%arg1, %dma_start3A] : memref<16x1024xi32, #tpu.memory_space<vmem_shared>> -> memref<1x1024xi32, #tpu.memory_space<vmem_shared>>
      %dma_start3A_1428 = tpu.memref_squeeze %dma_start3A_1427 : memref<1x1024xi32, #tpu.memory_space<vmem_shared>> -> memref<1024xi32, #tpu.memory_space<vmem_shared>>
      %dma_start3A_1429 = arith.constant 0 : i32
      %dma_start3A_1430 = tpu.memref_slice %arg22[%arg1, %dma_start3A_1429] : memref<16x1024xi32, #tpu.memory_space<vmem_shared>> -> memref<1x1024xi32, #tpu.memory_space<vmem_shared>>
      %dma_start3A_1431 = tpu.memref_squeeze %dma_start3A_1430 : memref<1x1024xi32, #tpu.memory_space<vmem_shared>> -> memref<1024xi32, #tpu.memory_space<vmem_shared>>
      tpu.enqueue_dma source(%dma_start3A_1431 : memref<1024xi32, #tpu.memory_space<vmem_shared>>) target(%arg11 : memref<1024xi32, #tpu.memory_space<vmem>>) target_semaphore(%run_scoped3A_1426 : memref<!tpu.dma_semaphore, #tpu.memory_space<semaphore_mem>>)
      %dma_wait3A = arith.constant 0 : i32
      %dma_wait3A_1432 = tpu.memref_slice %arg22[%arg1, %dma_wait3A] : memref<16x1024xi32, #tpu.memory_space<vmem_shared>> -> memref<1x1024xi32, #tpu.memory_space<vmem_shared>>
      %dma_wait3A_1433 = tpu.memref_squeeze %dma_wait3A_1432 : memref<1x1024xi32, #tpu.memory_space<vmem_shared>> -> memref<1024xi32, #tpu.memory_space<vmem_shared>>
      %dma_wait3A_1434 = arith.constant 0 : i32
      %dma_wait3A_1435 = tpu.memref_slice %arg22[%arg1, %dma_wait3A_1434] : memref<16x1024xi32, #tpu.memory_space<vmem_shared>> -> memref<1x1024xi32, #tpu.memory_space<vmem_shared>>
      %dma_wait3A_1436 = tpu.memref_squeeze %dma_wait3A_1435 : memref<1x1024xi32, #tpu.memory_space<vmem_shared>> -> memref<1024xi32, #tpu.memory_space<vmem_shared>>
      tpu.wait_dma2 semaphore(%run_scoped3A_1426 : memref<!tpu.dma_semaphore, #tpu.memory_space<semaphore_mem>>) src(%dma_wait3A_1436 : memref<1024xi32, #tpu.memory_space<vmem_shared>>) dst(%arg11 : memref<1024xi32, #tpu.memory_space<vmem>>)
      tpu.yield
    }) : () -> ()
    "tpu.region"() ({
      %run_scoped3A_1426 = tpu.sem_alloc : memref<!tpu.dma_semaphore, #tpu.memory_space<semaphore_mem>>
      %dma_start3A = tpu.memref_slice %arg2[%multiple_of3A] : memref<16384xf32, #tpu.memory_space<hbm>> -> memref<1024xf32, #tpu.memory_space<hbm>>
      %dma_start3A_1427 = tpu.memref_slice %arg2[%multiple_of3A] : memref<16384xf32, #tpu.memory_space<hbm>> -> memref<1024xf32, #tpu.memory_space<hbm>>
      tpu.enqueue_dma source(%dma_start3A_1427 : memref<1024xf32, #tpu.memory_space<hbm>>) target(%arg8 : memref<1024xf32, #tpu.memory_space<vmem>>) target_semaphore(%run_scoped3A_1426 : memref<!tpu.dma_semaphore, #tpu.memory_space<semaphore_mem>>)
      %dma_wait3A = tpu.memref_slice %arg2[%multiple_of3A] : memref<16384xf32, #tpu.memory_space<hbm>> -> memref<1024xf32, #tpu.memory_space<hbm>>
      %dma_wait3A_1428 = tpu.memref_slice %arg2[%multiple_of3A] : memref<16384xf32, #tpu.memory_space<hbm>> -> memref<1024xf32, #tpu.memory_space<hbm>>
      tpu.wait_dma2 semaphore(%run_scoped3A_1426 : memref<!tpu.dma_semaphore, #tpu.memory_space<semaphore_mem>>) src(%dma_wait3A_1428 : memref<1024xf32, #tpu.memory_space<hbm>>) dst(%arg8 : memref<1024xf32, #tpu.memory_space<vmem>>)
      tpu.yield
    }) : () -> ()
    "tpu.region"() ({
      %run_scoped3A_1426 = tpu.sem_alloc : memref<!tpu.dma_semaphore, #tpu.memory_space<semaphore_mem>>
      %dma_start3A = tpu.memref_slice %arg4[%multiple_of3A] : memref<16384xf32, #tpu.memory_space<hbm>> -> memref<1024xf32, #tpu.memory_space<hbm>>
      %dma_start3A_1427 = tpu.memref_slice %arg4[%multiple_of3A] : memref<16384xf32, #tpu.memory_space<hbm>> -> memref<1024xf32, #tpu.memory_space<hbm>>
      tpu.enqueue_dma source(%dma_start3A_1427 : memref<1024xf32, #tpu.memory_space<hbm>>) target(%arg9 : memref<1024xf32, #tpu.memory_space<vmem>>) target_semaphore(%run_scoped3A_1426 : memref<!tpu.dma_semaphore, #tpu.memory_space<semaphore_mem>>)
      %dma_wait3A = tpu.memref_slice %arg4[%multiple_of3A] : memref<16384xf32, #tpu.memory_space<hbm>> -> memref<1024xf32, #tpu.memory_space<hbm>>
      %dma_wait3A_1428 = tpu.memref_slice %arg4[%multiple_of3A] : memref<16384xf32, #tpu.memory_space<hbm>> -> memref<1024xf32, #tpu.memory_space<hbm>>
      tpu.wait_dma2 semaphore(%run_scoped3A_1426 : memref<!tpu.dma_semaphore, #tpu.memory_space<semaphore_mem>>) src(%dma_wait3A_1428 : memref<1024xf32, #tpu.memory_space<hbm>>) dst(%arg9 : memref<1024xf32, #tpu.memory_space<vmem>>)
      tpu.yield
    }) : () -> ()
    %get3A_387 = arith.constant 0 : index
    %get3A_388 = tpu.vector_load %arg7[%get3A_387] {strides = array<i32>} : memref<1024xi32, #tpu.memory_space<vmem>>, vector<16xi32>,
    %gather3A = tpu.vector_load_idx %arg11[%get3A_388] : memref<1024xi32, #tpu.memory_space<vmem>>[vector<16xi32>], vector<16xi32>,
    %broadcast_in_dim3A_389 = arith.constant true
    %broadcast_in_dim3A_390 = vector.broadcast %broadcast_in_dim3A_389 : i1 to vector<16xi1>
    %unique3A, %unique3A_391 = tpu.scan_count mask(%broadcast_in_dim3A_390 : vector<16xi1>) value(%get3A_388 : vector<16xi32>) : vector<16xi1>, vector<16xi32>
    %add3A = arith.addi %gather3A, %unique3A_391 : vector<16xi32>
    %sub3A = arith.constant 1 : i32
    %sub3A_392 = vector.broadcast %sub3A : i32 to vector<16xi32>
    %sub3A_393 = arith.subi %add3A, %sub3A_392 : vector<16xi32>
    %swap3A_394 = arith.constant 0 : i32
    %swap3A_395 = arith.index_cast %swap3A_394 : i32 to index
    %swap3A_396 = arith.constant 0 : index
    %swap3A_397 = tpu.vector_load %arg12[%swap3A_395, %swap3A_396] {strides = array<i32>} : memref<8x128xi32, #tpu.memory_space<vmem>>, vector<16xi32>,
    tpu.vector_store %arg12[%swap3A_395, %swap3A_396], %sub3A_393 {strides = array<i32>} : memref<8x128xi32, #tpu.memory_space<vmem>>, vector<16xi32>,
    tpu.vector_store_idx %arg11[%get3A_388], %broadcast_in_dim3A_1 {add = true} : memref<1024xi32, #tpu.memory_space<vmem>>[vector<16xi32>], vector<16xi32>,
    %get3A_398 = arith.constant 16 : index
    %get3A_399 = tpu.vector_load %arg7[%get3A_398] {strides = array<i32>} : memref<1024xi32, #tpu.memory_space<vmem>>, vector<16xi32>,
    %gather3A_400 = tpu.vector_load_idx %arg11[%get3A_399] : memref<1024xi32, #tpu.memory_space<vmem>>[vector<16xi32>], vector<16xi32>,
    %broadcast_in_dim3A_401 = arith.constant true
    %broadcast_in_dim3A_402 = vector.broadcast %broadcast_in_dim3A_401 : i1 to vector<16xi1>
    %unique3A_403, %unique3A_404 = tpu.scan_count mask(%broadcast_in_dim3A_402 : vector<16xi1>) value(%get3A_399 : vector<16xi32>) : vector<16xi1>, vector<16xi32>
    %add3A_405 = arith.addi %gather3A_400, %unique3A_404 : vector<16xi32>
    %sub3A_406 = arith.constant 1 : i32
    %sub3A_407 = vector.broadcast %sub3A_406 : i32 to vector<16xi32>
    %sub3A_408 = arith.subi %add3A_405, %sub3A_407 : vector<16xi32>
    %swap3A_409 = arith.constant 0 : i32
    %swap3A_410 = arith.index_cast %swap3A_409 : i32 to index
    %swap3A_411 = arith.constant 16 : index
    %swap3A_412 = tpu.vector_load %arg12[%swap3A_410, %swap3A_411] {strides = array<i32>} : memref<8x128xi32, #tpu.memory_space<vmem>>, vector<16xi32>,
    tpu.vector_store %arg12[%swap3A_410, %swap3A_411], %sub3A_408 {strides = array<i32>} : memref<8x128xi32, #tpu.memory_space<vmem>>, vector<16xi32>,
    tpu.vector_store_idx %arg11[%get3A_399], %broadcast_in_dim3A_1 {add = true} : memref<1024xi32, #tpu.memory_space<vmem>>[vector<16xi32>], vector<16xi32>,
    %get3A_413 = arith.constant 32 : index
    %get3A_414 = tpu.vector_load %arg7[%get3A_413] {strides = array<i32>} : memref<1024xi32, #tpu.memory_space<vmem>>, vector<16xi32>,
    %gather3A_415 = tpu.vector_load_idx %arg11[%get3A_414] : memref<1024xi32, #tpu.memory_space<vmem>>[vector<16xi32>], vector<16xi32>,
    %broadcast_in_dim3A_416 = arith.constant true
    %broadcast_in_dim3A_417 = vector.broadcast %broadcast_in_dim3A_416 : i1 to vector<16xi1>
    %unique3A_418, %unique3A_419 = tpu.scan_count mask(%broadcast_in_dim3A_417 : vector<16xi1>) value(%get3A_414 : vector<16xi32>) : vector<16xi1>, vector<16xi32>
    %add3A_420 = arith.addi %gather3A_415, %unique3A_419 : vector<16xi32>
    %sub3A_421 = arith.constant 1 : i32
    %sub3A_422 = vector.broadcast %sub3A_421 : i32 to vector<16xi32>
    %sub3A_423 = arith.subi %add3A_420, %sub3A_422 : vector<16xi32>
    %swap3A_424 = arith.constant 0 : i32
    %swap3A_425 = arith.index_cast %swap3A_424 : i32 to index
    %swap3A_426 = arith.constant 32 : index
    %swap3A_427 = tpu.vector_load %arg12[%swap3A_425, %swap3A_426] {strides = array<i32>} : memref<8x128xi32, #tpu.memory_space<vmem>>, vector<16xi32>,
    tpu.vector_store %arg12[%swap3A_425, %swap3A_426], %sub3A_423 {strides = array<i32>} : memref<8x128xi32, #tpu.memory_space<vmem>>, vector<16xi32>,
    tpu.vector_store_idx %arg11[%get3A_414], %broadcast_in_dim3A_1 {add = true} : memref<1024xi32, #tpu.memory_space<vmem>>[vector<16xi32>], vector<16xi32>,
    %get3A_428 = arith.constant 48 : index
    %get3A_429 = tpu.vector_load %arg7[%get3A_428] {strides = array<i32>} : memref<1024xi32, #tpu.memory_space<vmem>>, vector<16xi32>,
    %gather3A_430 = tpu.vector_load_idx %arg11[%get3A_429] : memref<1024xi32, #tpu.memory_space<vmem>>[vector<16xi32>], vector<16xi32>,
    %broadcast_in_dim3A_431 = arith.constant true
    %broadcast_in_dim3A_432 = vector.broadcast %broadcast_in_dim3A_431 : i1 to vector<16xi1>
    %unique3A_433, %unique3A_434 = tpu.scan_count mask(%broadcast_in_dim3A_432 : vector<16xi1>) value(%get3A_429 : vector<16xi32>) : vector<16xi1>, vector<16xi32>
    %add3A_435 = arith.addi %gather3A_430, %unique3A_434 : vector<16xi32>
    %sub3A_436 = arith.constant 1 : i32
    %sub3A_437 = vector.broadcast %sub3A_436 : i32 to vector<16xi32>
    %sub3A_438 = arith.subi %add3A_435, %sub3A_437 : vector<16xi32>
    %swap3A_439 = arith.constant 0 : i32
    %swap3A_440 = arith.index_cast %swap3A_439 : i32 to index
    %swap3A_441 = arith.constant 48 : index
    %swap3A_442 = tpu.vector_load %arg12[%swap3A_440, %swap3A_441] {strides = array<i32>} : memref<8x128xi32, #tpu.memory_space<vmem>>, vector<16xi32>,
    tpu.vector_store %arg12[%swap3A_440, %swap3A_441], %sub3A_438 {strides = array<i32>} : memref<8x128xi32, #tpu.memory_space<vmem>>, vector<16xi32>,
    tpu.vector_store_idx %arg11[%get3A_429], %broadcast_in_dim3A_1 {add = true} : memref<1024xi32, #tpu.memory_space<vmem>>[vector<16xi32>], vector<16xi32>,
    %get3A_443 = arith.constant 64 : index
    %get3A_444 = tpu.vector_load %arg7[%get3A_443] {strides = array<i32>} : memref<1024xi32, #tpu.memory_space<vmem>>, vector<16xi32>,
    %gather3A_445 = tpu.vector_load_idx %arg11[%get3A_444] : memref<1024xi32, #tpu.memory_space<vmem>>[vector<16xi32>], vector<16xi32>,
    %broadcast_in_dim3A_446 = arith.constant true
    %broadcast_in_dim3A_447 = vector.broadcast %broadcast_in_dim3A_446 : i1 to vector<16xi1>
    %unique3A_448, %unique3A_449 = tpu.scan_count mask(%broadcast_in_dim3A_447 : vector<16xi1>) value(%get3A_444 : vector<16xi32>) : vector<16xi1>, vector<16xi32>
    %add3A_450 = arith.addi %gather3A_445, %unique3A_449 : vector<16xi32>
    %sub3A_451 = arith.constant 1 : i32
    %sub3A_452 = vector.broadcast %sub3A_451 : i32 to vector<16xi32>
    %sub3A_453 = arith.subi %add3A_450, %sub3A_452 : vector<16xi32>
    %swap3A_454 = arith.constant 0 : i32
    %swap3A_455 = arith.index_cast %swap3A_454 : i32 to index
    %swap3A_456 = arith.constant 64 : index
    %swap3A_457 = tpu.vector_load %arg12[%swap3A_455, %swap3A_456] {strides = array<i32>} : memref<8x128xi32, #tpu.memory_space<vmem>>, vector<16xi32>,
    tpu.vector_store %arg12[%swap3A_455, %swap3A_456], %sub3A_453 {strides = array<i32>} : memref<8x128xi32, #tpu.memory_space<vmem>>, vector<16xi32>,
    tpu.vector_store_idx %arg11[%get3A_444], %broadcast_in_dim3A_1 {add = true} : memref<1024xi32, #tpu.memory_space<vmem>>[vector<16xi32>], vector<16xi32>,
    %get3A_458 = arith.constant 80 : index
    %get3A_459 = tpu.vector_load %arg7[%get3A_458] {strides = array<i32>} : memref<1024xi32, #tpu.memory_space<vmem>>, vector<16xi32>,
    %gather3A_460 = tpu.vector_load_idx %arg11[%get3A_459] : memref<1024xi32, #tpu.memory_space<vmem>>[vector<16xi32>], vector<16xi32>,
    %broadcast_in_dim3A_461 = arith.constant true
    %broadcast_in_dim3A_462 = vector.broadcast %broadcast_in_dim3A_461 : i1 to vector<16xi1>
    %unique3A_463, %unique3A_464 = tpu.scan_count mask(%broadcast_in_dim3A_462 : vector<16xi1>) value(%get3A_459 : vector<16xi32>) : vector<16xi1>, vector<16xi32>
    %add3A_465 = arith.addi %gather3A_460, %unique3A_464 : vector<16xi32>
    %sub3A_466 = arith.constant 1 : i32
    %sub3A_467 = vector.broadcast %sub3A_466 : i32 to vector<16xi32>
    %sub3A_468 = arith.subi %add3A_465, %sub3A_467 : vector<16xi32>
    %swap3A_469 = arith.constant 0 : i32
    %swap3A_470 = arith.index_cast %swap3A_469 : i32 to index
    %swap3A_471 = arith.constant 80 : index
    %swap3A_472 = tpu.vector_load %arg12[%swap3A_470, %swap3A_471] {strides = array<i32>} : memref<8x128xi32, #tpu.memory_space<vmem>>, vector<16xi32>,
    tpu.vector_store %arg12[%swap3A_470, %swap3A_471], %sub3A_468 {strides = array<i32>} : memref<8x128xi32, #tpu.memory_space<vmem>>, vector<16xi32>,
    tpu.vector_store_idx %arg11[%get3A_459], %broadcast_in_dim3A_1 {add = true} : memref<1024xi32, #tpu.memory_space<vmem>>[vector<16xi32>], vector<16xi32>,
    %get3A_473 = arith.constant 96 : index
    %get3A_474 = tpu.vector_load %arg7[%get3A_473] {strides = array<i32>} : memref<1024xi32, #tpu.memory_space<vmem>>, vector<16xi32>,
    %gather3A_475 = tpu.vector_load_idx %arg11[%get3A_474] : memref<1024xi32, #tpu.memory_space<vmem>>[vector<16xi32>], vector<16xi32>,
    %broadcast_in_dim3A_476 = arith.constant true
    %broadcast_in_dim3A_477 = vector.broadcast %broadcast_in_dim3A_476 : i1 to vector<16xi1>
    %unique3A_478, %unique3A_479 = tpu.scan_count mask(%broadcast_in_dim3A_477 : vector<16xi1>) value(%get3A_474 : vector<16xi32>) : vector<16xi1>, vector<16xi32>
    %add3A_480 = arith.addi %gather3A_475, %unique3A_479 : vector<16xi32>
    %sub3A_481 = arith.constant 1 : i32
    %sub3A_482 = vector.broadcast %sub3A_481 : i32 to vector<16xi32>
    %sub3A_483 = arith.subi %add3A_480, %sub3A_482 : vector<16xi32>
    %swap3A_484 = arith.constant 0 : i32
    %swap3A_485 = arith.index_cast %swap3A_484 : i32 to index
    %swap3A_486 = arith.constant 96 : index
    %swap3A_487 = tpu.vector_load %arg12[%swap3A_485, %swap3A_486] {strides = array<i32>} : memref<8x128xi32, #tpu.memory_space<vmem>>, vector<16xi32>,
    tpu.vector_store %arg12[%swap3A_485, %swap3A_486], %sub3A_483 {strides = array<i32>} : memref<8x128xi32, #tpu.memory_space<vmem>>, vector<16xi32>,
    tpu.vector_store_idx %arg11[%get3A_474], %broadcast_in_dim3A_1 {add = true} : memref<1024xi32, #tpu.memory_space<vmem>>[vector<16xi32>], vector<16xi32>,
    %get3A_488 = arith.constant 112 : index
    %get3A_489 = tpu.vector_load %arg7[%get3A_488] {strides = array<i32>} : memref<1024xi32, #tpu.memory_space<vmem>>, vector<16xi32>,
    %gather3A_490 = tpu.vector_load_idx %arg11[%get3A_489] : memref<1024xi32, #tpu.memory_space<vmem>>[vector<16xi32>], vector<16xi32>,
    %broadcast_in_dim3A_491 = arith.constant true
    %broadcast_in_dim3A_492 = vector.broadcast %broadcast_in_dim3A_491 : i1 to vector<16xi1>
    %unique3A_493, %unique3A_494 = tpu.scan_count mask(%broadcast_in_dim3A_492 : vector<16xi1>) value(%get3A_489 : vector<16xi32>) : vector<16xi1>, vector<16xi32>
    %add3A_495 = arith.addi %gather3A_490, %unique3A_494 : vector<16xi32>
    %sub3A_496 = arith.constant 1 : i32
    %sub3A_497 = vector.broadcast %sub3A_496 : i32 to vector<16xi32>
    %sub3A_498 = arith.subi %add3A_495, %sub3A_497 : vector<16xi32>
    %swap3A_499 = arith.constant 0 : i32
    %swap3A_500 = arith.index_cast %swap3A_499 : i32 to index
    %swap3A_501 = arith.constant 112 : index
    %swap3A_502 = tpu.vector_load %arg12[%swap3A_500, %swap3A_501] {strides = array<i32>} : memref<8x128xi32, #tpu.memory_space<vmem>>, vector<16xi32>,
    tpu.vector_store %arg12[%swap3A_500, %swap3A_501], %sub3A_498 {strides = array<i32>} : memref<8x128xi32, #tpu.memory_space<vmem>>, vector<16xi32>,
    tpu.vector_store_idx %arg11[%get3A_489], %broadcast_in_dim3A_1 {add = true} : memref<1024xi32, #tpu.memory_space<vmem>>[vector<16xi32>], vector<16xi32>,
    %get3A_503 = arith.constant 128 : index
    %get3A_504 = tpu.vector_load %arg7[%get3A_503] {strides = array<i32>} : memref<1024xi32, #tpu.memory_space<vmem>>, vector<16xi32>,
    %gather3A_505 = tpu.vector_load_idx %arg11[%get3A_504] : memref<1024xi32, #tpu.memory_space<vmem>>[vector<16xi32>], vector<16xi32>,
    %broadcast_in_dim3A_506 = arith.constant true
    %broadcast_in_dim3A_507 = vector.broadcast %broadcast_in_dim3A_506 : i1 to vector<16xi1>
    %unique3A_508, %unique3A_509 = tpu.scan_count mask(%broadcast_in_dim3A_507 : vector<16xi1>) value(%get3A_504 : vector<16xi32>) : vector<16xi1>, vector<16xi32>
    %add3A_510 = arith.addi %gather3A_505, %unique3A_509 : vector<16xi32>
    %sub3A_511 = arith.constant 1 : i32
    %sub3A_512 = vector.broadcast %sub3A_511 : i32 to vector<16xi32>
    %sub3A_513 = arith.subi %add3A_510, %sub3A_512 : vector<16xi32>
    %swap3A_514 = arith.constant 1 : i32
    %swap3A_515 = arith.index_cast %swap3A_514 : i32 to index
    %swap3A_516 = arith.constant 0 : index
    %swap3A_517 = tpu.vector_load %arg12[%swap3A_515, %swap3A_516] {strides = array<i32>} : memref<8x128xi32, #tpu.memory_space<vmem>>, vector<16xi32>,
    tpu.vector_store %arg12[%swap3A_515, %swap3A_516], %sub3A_513 {strides = array<i32>} : memref<8x128xi32, #tpu.memory_space<vmem>>, vector<16xi32>,
    tpu.vector_store_idx %arg11[%get3A_504], %broadcast_in_dim3A_1 {add = true} : memref<1024xi32, #tpu.memory_space<vmem>>[vector<16xi32>], vector<16xi32>,
    %get3A_518 = arith.constant 144 : index
    %get3A_519 = tpu.vector_load %arg7[%get3A_518] {strides = array<i32>} : memref<1024xi32, #tpu.memory_space<vmem>>, vector<16xi32>,
    %gather3A_520 = tpu.vector_load_idx %arg11[%get3A_519] : memref<1024xi32, #tpu.memory_space<vmem>>[vector<16xi32>], vector<16xi32>,
    %broadcast_in_dim3A_521 = arith.constant true
    %broadcast_in_dim3A_522 = vector.broadcast %broadcast_in_dim3A_521 : i1 to vector<16xi1>
    %unique3A_523, %unique3A_524 = tpu.scan_count mask(%broadcast_in_dim3A_522 : vector<16xi1>) value(%get3A_519 : vector<16xi32>) : vector<16xi1>, vector<16xi32>
    %add3A_525 = arith.addi %gather3A_520, %unique3A_524 : vector<16xi32>
    %sub3A_526 = arith.constant 1 : i32
    %sub3A_527 = vector.broadcast %sub3A_526 : i32 to vector<16xi32>
    %sub3A_528 = arith.subi %add3A_525, %sub3A_527 : vector<16xi32>
    %swap3A_529 = arith.constant 1 : i32
    %swap3A_530 = arith.index_cast %swap3A_529 : i32 to index
    %swap3A_531 = arith.constant 16 : index
    %swap3A_532 = tpu.vector_load %arg12[%swap3A_530, %swap3A_531] {strides = array<i32>} : memref<8x128xi32, #tpu.memory_space<vmem>>, vector<16xi32>,
    tpu.vector_store %arg12[%swap3A_530, %swap3A_531], %sub3A_528 {strides = array<i32>} : memref<8x128xi32, #tpu.memory_space<vmem>>, vector<16xi32>,
    tpu.vector_store_idx %arg11[%get3A_519], %broadcast_in_dim3A_1 {add = true} : memref<1024xi32, #tpu.memory_space<vmem>>[vector<16xi32>], vector<16xi32>,
    %get3A_533 = arith.constant 160 : index
    %get3A_534 = tpu.vector_load %arg7[%get3A_533] {strides = array<i32>} : memref<1024xi32, #tpu.memory_space<vmem>>, vector<16xi32>,
    %gather3A_535 = tpu.vector_load_idx %arg11[%get3A_534] : memref<1024xi32, #tpu.memory_space<vmem>>[vector<16xi32>], vector<16xi32>,
    %broadcast_in_dim3A_536 = arith.constant true
    %broadcast_in_dim3A_537 = vector.broadcast %broadcast_in_dim3A_536 : i1 to vector<16xi1>
    %unique3A_538, %unique3A_539 = tpu.scan_count mask(%broadcast_in_dim3A_537 : vector<16xi1>) value(%get3A_534 : vector<16xi32>) : vector<16xi1>, vector<16xi32>
    %add3A_540 = arith.addi %gather3A_535, %unique3A_539 : vector<16xi32>
    %sub3A_541 = arith.constant 1 : i32
    %sub3A_542 = vector.broadcast %sub3A_541 : i32 to vector<16xi32>
    %sub3A_543 = arith.subi %add3A_540, %sub3A_542 : vector<16xi32>
    %swap3A_544 = arith.constant 1 : i32
    %swap3A_545 = arith.index_cast %swap3A_544 : i32 to index
    %swap3A_546 = arith.constant 32 : index
    %swap3A_547 = tpu.vector_load %arg12[%swap3A_545, %swap3A_546] {strides = array<i32>} : memref<8x128xi32, #tpu.memory_space<vmem>>, vector<16xi32>,
    tpu.vector_store %arg12[%swap3A_545, %swap3A_546], %sub3A_543 {strides = array<i32>} : memref<8x128xi32, #tpu.memory_space<vmem>>, vector<16xi32>,
    tpu.vector_store_idx %arg11[%get3A_534], %broadcast_in_dim3A_1 {add = true} : memref<1024xi32, #tpu.memory_space<vmem>>[vector<16xi32>], vector<16xi32>,
    %get3A_548 = arith.constant 176 : index
    %get3A_549 = tpu.vector_load %arg7[%get3A_548] {strides = array<i32>} : memref<1024xi32, #tpu.memory_space<vmem>>, vector<16xi32>,
    %gather3A_550 = tpu.vector_load_idx %arg11[%get3A_549] : memref<1024xi32, #tpu.memory_space<vmem>>[vector<16xi32>], vector<16xi32>,
    %broadcast_in_dim3A_551 = arith.constant true
    %broadcast_in_dim3A_552 = vector.broadcast %broadcast_in_dim3A_551 : i1 to vector<16xi1>
    %unique3A_553, %unique3A_554 = tpu.scan_count mask(%broadcast_in_dim3A_552 : vector<16xi1>) value(%get3A_549 : vector<16xi32>) : vector<16xi1>, vector<16xi32>
    %add3A_555 = arith.addi %gather3A_550, %unique3A_554 : vector<16xi32>
    %sub3A_556 = arith.constant 1 : i32
    %sub3A_557 = vector.broadcast %sub3A_556 : i32 to vector<16xi32>
    %sub3A_558 = arith.subi %add3A_555, %sub3A_557 : vector<16xi32>
    %swap3A_559 = arith.constant 1 : i32
    %swap3A_560 = arith.index_cast %swap3A_559 : i32 to index
    %swap3A_561 = arith.constant 48 : index
    %swap3A_562 = tpu.vector_load %arg12[%swap3A_560, %swap3A_561] {strides = array<i32>} : memref<8x128xi32, #tpu.memory_space<vmem>>, vector<16xi32>,
    tpu.vector_store %arg12[%swap3A_560, %swap3A_561], %sub3A_558 {strides = array<i32>} : memref<8x128xi32, #tpu.memory_space<vmem>>, vector<16xi32>,
    tpu.vector_store_idx %arg11[%get3A_549], %broadcast_in_dim3A_1 {add = true} : memref<1024xi32, #tpu.memory_space<vmem>>[vector<16xi32>], vector<16xi32>,
    %get3A_563 = arith.constant 192 : index
    %get3A_564 = tpu.vector_load %arg7[%get3A_563] {strides = array<i32>} : memref<1024xi32, #tpu.memory_space<vmem>>, vector<16xi32>,
    %gather3A_565 = tpu.vector_load_idx %arg11[%get3A_564] : memref<1024xi32, #tpu.memory_space<vmem>>[vector<16xi32>], vector<16xi32>,
    %broadcast_in_dim3A_566 = arith.constant true
    %broadcast_in_dim3A_567 = vector.broadcast %broadcast_in_dim3A_566 : i1 to vector<16xi1>
    %unique3A_568, %unique3A_569 = tpu.scan_count mask(%broadcast_in_dim3A_567 : vector<16xi1>) value(%get3A_564 : vector<16xi32>) : vector<16xi1>, vector<16xi32>
    %add3A_570 = arith.addi %gather3A_565, %unique3A_569 : vector<16xi32>
    %sub3A_571 = arith.constant 1 : i32
    %sub3A_572 = vector.broadcast %sub3A_571 : i32 to vector<16xi32>
    %sub3A_573 = arith.subi %add3A_570, %sub3A_572 : vector<16xi32>
    %swap3A_574 = arith.constant 1 : i32
    %swap3A_575 = arith.index_cast %swap3A_574 : i32 to index
    %swap3A_576 = arith.constant 64 : index
    %swap3A_577 = tpu.vector_load %arg12[%swap3A_575, %swap3A_576] {strides = array<i32>} : memref<8x128xi32, #tpu.memory_space<vmem>>, vector<16xi32>,
    tpu.vector_store %arg12[%swap3A_575, %swap3A_576], %sub3A_573 {strides = array<i32>} : memref<8x128xi32, #tpu.memory_space<vmem>>, vector<16xi32>,
    tpu.vector_store_idx %arg11[%get3A_564], %broadcast_in_dim3A_1 {add = true} : memref<1024xi32, #tpu.memory_space<vmem>>[vector<16xi32>], vector<16xi32>,
    %get3A_578 = arith.constant 208 : index
    %get3A_579 = tpu.vector_load %arg7[%get3A_578] {strides = array<i32>} : memref<1024xi32, #tpu.memory_space<vmem>>, vector<16xi32>,
    %gather3A_580 = tpu.vector_load_idx %arg11[%get3A_579] : memref<1024xi32, #tpu.memory_space<vmem>>[vector<16xi32>], vector<16xi32>,
    %broadcast_in_dim3A_581 = arith.constant true
    %broadcast_in_dim3A_582 = vector.broadcast %broadcast_in_dim3A_581 : i1 to vector<16xi1>
    %unique3A_583, %unique3A_584 = tpu.scan_count mask(%broadcast_in_dim3A_582 : vector<16xi1>) value(%get3A_579 : vector<16xi32>) : vector<16xi1>, vector<16xi32>
    %add3A_585 = arith.addi %gather3A_580, %unique3A_584 : vector<16xi32>
    %sub3A_586 = arith.constant 1 : i32
    %sub3A_587 = vector.broadcast %sub3A_586 : i32 to vector<16xi32>
    %sub3A_588 = arith.subi %add3A_585, %sub3A_587 : vector<16xi32>
    %swap3A_589 = arith.constant 1 : i32
    %swap3A_590 = arith.index_cast %swap3A_589 : i32 to index
    %swap3A_591 = arith.constant 80 : index
    %swap3A_592 = tpu.vector_load %arg12[%swap3A_590, %swap3A_591] {strides = array<i32>} : memref<8x128xi32, #tpu.memory_space<vmem>>, vector<16xi32>,
    tpu.vector_store %arg12[%swap3A_590, %swap3A_591], %sub3A_588 {strides = array<i32>} : memref<8x128xi32, #tpu.memory_space<vmem>>, vector<16xi32>,
    tpu.vector_store_idx %arg11[%get3A_579], %broadcast_in_dim3A_1 {add = true} : memref<1024xi32, #tpu.memory_space<vmem>>[vector<16xi32>], vector<16xi32>,
    %get3A_593 = arith.constant 224 : index
    %get3A_594 = tpu.vector_load %arg7[%get3A_593] {strides = array<i32>} : memref<1024xi32, #tpu.memory_space<vmem>>, vector<16xi32>,
    %gather3A_595 = tpu.vector_load_idx %arg11[%get3A_594] : memref<1024xi32, #tpu.memory_space<vmem>>[vector<16xi32>], vector<16xi32>,
    %broadcast_in_dim3A_596 = arith.constant true
    %broadcast_in_dim3A_597 = vector.broadcast %broadcast_in_dim3A_596 : i1 to vector<16xi1>
    %unique3A_598, %unique3A_599 = tpu.scan_count mask(%broadcast_in_dim3A_597 : vector<16xi1>) value(%get3A_594 : vector<16xi32>) : vector<16xi1>, vector<16xi32>
    %add3A_600 = arith.addi %gather3A_595, %unique3A_599 : vector<16xi32>
    %sub3A_601 = arith.constant 1 : i32
    %sub3A_602 = vector.broadcast %sub3A_601 : i32 to vector<16xi32>
    %sub3A_603 = arith.subi %add3A_600, %sub3A_602 : vector<16xi32>
    %swap3A_604 = arith.constant 1 : i32
    %swap3A_605 = arith.index_cast %swap3A_604 : i32 to index
    %swap3A_606 = arith.constant 96 : index
    %swap3A_607 = tpu.vector_load %arg12[%swap3A_605, %swap3A_606] {strides = array<i32>} : memref<8x128xi32, #tpu.memory_space<vmem>>, vector<16xi32>,
    tpu.vector_store %arg12[%swap3A_605, %swap3A_606], %sub3A_603 {strides = array<i32>} : memref<8x128xi32, #tpu.memory_space<vmem>>, vector<16xi32>,
    tpu.vector_store_idx %arg11[%get3A_594], %broadcast_in_dim3A_1 {add = true} : memref<1024xi32, #tpu.memory_space<vmem>>[vector<16xi32>], vector<16xi32>,
    %get3A_608 = arith.constant 240 : index
    %get3A_609 = tpu.vector_load %arg7[%get3A_608] {strides = array<i32>} : memref<1024xi32, #tpu.memory_space<vmem>>, vector<16xi32>,
    %gather3A_610 = tpu.vector_load_idx %arg11[%get3A_609] : memref<1024xi32, #tpu.memory_space<vmem>>[vector<16xi32>], vector<16xi32>,
    %broadcast_in_dim3A_611 = arith.constant true
    %broadcast_in_dim3A_612 = vector.broadcast %broadcast_in_dim3A_611 : i1 to vector<16xi1>
    %unique3A_613, %unique3A_614 = tpu.scan_count mask(%broadcast_in_dim3A_612 : vector<16xi1>) value(%get3A_609 : vector<16xi32>) : vector<16xi1>, vector<16xi32>
    %add3A_615 = arith.addi %gather3A_610, %unique3A_614 : vector<16xi32>
    %sub3A_616 = arith.constant 1 : i32
    %sub3A_617 = vector.broadcast %sub3A_616 : i32 to vector<16xi32>
    %sub3A_618 = arith.subi %add3A_615, %sub3A_617 : vector<16xi32>
    %swap3A_619 = arith.constant 1 : i32
    %swap3A_620 = arith.index_cast %swap3A_619 : i32 to index
    %swap3A_621 = arith.constant 112 : index
    %swap3A_622 = tpu.vector_load %arg12[%swap3A_620, %swap3A_621] {strides = array<i32>} : memref<8x128xi32, #tpu.memory_space<vmem>>, vector<16xi32>,
    tpu.vector_store %arg12[%swap3A_620, %swap3A_621], %sub3A_618 {strides = array<i32>} : memref<8x128xi32, #tpu.memory_space<vmem>>, vector<16xi32>,
    tpu.vector_store_idx %arg11[%get3A_609], %broadcast_in_dim3A_1 {add = true} : memref<1024xi32, #tpu.memory_space<vmem>>[vector<16xi32>], vector<16xi32>,
    %get3A_623 = arith.constant 256 : index
    %get3A_624 = tpu.vector_load %arg7[%get3A_623] {strides = array<i32>} : memref<1024xi32, #tpu.memory_space<vmem>>, vector<16xi32>,
    %gather3A_625 = tpu.vector_load_idx %arg11[%get3A_624] : memref<1024xi32, #tpu.memory_space<vmem>>[vector<16xi32>], vector<16xi32>,
    %broadcast_in_dim3A_626 = arith.constant true
    %broadcast_in_dim3A_627 = vector.broadcast %broadcast_in_dim3A_626 : i1 to vector<16xi1>
    %unique3A_628, %unique3A_629 = tpu.scan_count mask(%broadcast_in_dim3A_627 : vector<16xi1>) value(%get3A_624 : vector<16xi32>) : vector<16xi1>, vector<16xi32>
    %add3A_630 = arith.addi %gather3A_625, %unique3A_629 : vector<16xi32>
    %sub3A_631 = arith.constant 1 : i32
    %sub3A_632 = vector.broadcast %sub3A_631 : i32 to vector<16xi32>
    %sub3A_633 = arith.subi %add3A_630, %sub3A_632 : vector<16xi32>
    %swap3A_634 = arith.constant 2 : i32
    %swap3A_635 = arith.index_cast %swap3A_634 : i32 to index
    %swap3A_636 = arith.constant 0 : index
    %swap3A_637 = tpu.vector_load %arg12[%swap3A_635, %swap3A_636] {strides = array<i32>} : memref<8x128xi32, #tpu.memory_space<vmem>>, vector<16xi32>,
    tpu.vector_store %arg12[%swap3A_635, %swap3A_636], %sub3A_633 {strides = array<i32>} : memref<8x128xi32, #tpu.memory_space<vmem>>, vector<16xi32>,
    tpu.vector_store_idx %arg11[%get3A_624], %broadcast_in_dim3A_1 {add = true} : memref<1024xi32, #tpu.memory_space<vmem>>[vector<16xi32>], vector<16xi32>,
    %get3A_638 = arith.constant 272 : index
    %get3A_639 = tpu.vector_load %arg7[%get3A_638] {strides = array<i32>} : memref<1024xi32, #tpu.memory_space<vmem>>, vector<16xi32>,
    %gather3A_640 = tpu.vector_load_idx %arg11[%get3A_639] : memref<1024xi32, #tpu.memory_space<vmem>>[vector<16xi32>], vector<16xi32>,
    %broadcast_in_dim3A_641 = arith.constant true
    %broadcast_in_dim3A_642 = vector.broadcast %broadcast_in_dim3A_641 : i1 to vector<16xi1>
    %unique3A_643, %unique3A_644 = tpu.scan_count mask(%broadcast_in_dim3A_642 : vector<16xi1>) value(%get3A_639 : vector<16xi32>) : vector<16xi1>, vector<16xi32>
    %add3A_645 = arith.addi %gather3A_640, %unique3A_644 : vector<16xi32>
    %sub3A_646 = arith.constant 1 : i32
    %sub3A_647 = vector.broadcast %sub3A_646 : i32 to vector<16xi32>
    %sub3A_648 = arith.subi %add3A_645, %sub3A_647 : vector<16xi32>
    %swap3A_649 = arith.constant 2 : i32
    %swap3A_650 = arith.index_cast %swap3A_649 : i32 to index
    %swap3A_651 = arith.constant 16 : index
    %swap3A_652 = tpu.vector_load %arg12[%swap3A_650, %swap3A_651] {strides = array<i32>} : memref<8x128xi32, #tpu.memory_space<vmem>>, vector<16xi32>,
    tpu.vector_store %arg12[%swap3A_650, %swap3A_651], %sub3A_648 {strides = array<i32>} : memref<8x128xi32, #tpu.memory_space<vmem>>, vector<16xi32>,
    tpu.vector_store_idx %arg11[%get3A_639], %broadcast_in_dim3A_1 {add = true} : memref<1024xi32, #tpu.memory_space<vmem>>[vector<16xi32>], vector<16xi32>,
    %get3A_653 = arith.constant 288 : index
    %get3A_654 = tpu.vector_load %arg7[%get3A_653] {strides = array<i32>} : memref<1024xi32, #tpu.memory_space<vmem>>, vector<16xi32>,
    %gather3A_655 = tpu.vector_load_idx %arg11[%get3A_654] : memref<1024xi32, #tpu.memory_space<vmem>>[vector<16xi32>], vector<16xi32>,
    %broadcast_in_dim3A_656 = arith.constant true
    %broadcast_in_dim3A_657 = vector.broadcast %broadcast_in_dim3A_656 : i1 to vector<16xi1>
    %unique3A_658, %unique3A_659 = tpu.scan_count mask(%broadcast_in_dim3A_657 : vector<16xi1>) value(%get3A_654 : vector<16xi32>) : vector<16xi1>, vector<16xi32>
    %add3A_660 = arith.addi %gather3A_655, %unique3A_659 : vector<16xi32>
    %sub3A_661 = arith.constant 1 : i32
    %sub3A_662 = vector.broadcast %sub3A_661 : i32 to vector<16xi32>
    %sub3A_663 = arith.subi %add3A_660, %sub3A_662 : vector<16xi32>
    %swap3A_664 = arith.constant 2 : i32
    %swap3A_665 = arith.index_cast %swap3A_664 : i32 to index
    %swap3A_666 = arith.constant 32 : index
    %swap3A_667 = tpu.vector_load %arg12[%swap3A_665, %swap3A_666] {strides = array<i32>} : memref<8x128xi32, #tpu.memory_space<vmem>>, vector<16xi32>,
    tpu.vector_store %arg12[%swap3A_665, %swap3A_666], %sub3A_663 {strides = array<i32>} : memref<8x128xi32, #tpu.memory_space<vmem>>, vector<16xi32>,
    tpu.vector_store_idx %arg11[%get3A_654], %broadcast_in_dim3A_1 {add = true} : memref<1024xi32, #tpu.memory_space<vmem>>[vector<16xi32>], vector<16xi32>,
    %get3A_668 = arith.constant 304 : index
    %get3A_669 = tpu.vector_load %arg7[%get3A_668] {strides = array<i32>} : memref<1024xi32, #tpu.memory_space<vmem>>, vector<16xi32>,
    %gather3A_670 = tpu.vector_load_idx %arg11[%get3A_669] : memref<1024xi32, #tpu.memory_space<vmem>>[vector<16xi32>], vector<16xi32>,
    %broadcast_in_dim3A_671 = arith.constant true
    %broadcast_in_dim3A_672 = vector.broadcast %broadcast_in_dim3A_671 : i1 to vector<16xi1>
    %unique3A_673, %unique3A_674 = tpu.scan_count mask(%broadcast_in_dim3A_672 : vector<16xi1>) value(%get3A_669 : vector<16xi32>) : vector<16xi1>, vector<16xi32>
    %add3A_675 = arith.addi %gather3A_670, %unique3A_674 : vector<16xi32>
    %sub3A_676 = arith.constant 1 : i32
    %sub3A_677 = vector.broadcast %sub3A_676 : i32 to vector<16xi32>
    %sub3A_678 = arith.subi %add3A_675, %sub3A_677 : vector<16xi32>
    %swap3A_679 = arith.constant 2 : i32
    %swap3A_680 = arith.index_cast %swap3A_679 : i32 to index
    %swap3A_681 = arith.constant 48 : index
    %swap3A_682 = tpu.vector_load %arg12[%swap3A_680, %swap3A_681] {strides = array<i32>} : memref<8x128xi32, #tpu.memory_space<vmem>>, vector<16xi32>,
    tpu.vector_store %arg12[%swap3A_680, %swap3A_681], %sub3A_678 {strides = array<i32>} : memref<8x128xi32, #tpu.memory_space<vmem>>, vector<16xi32>,
    tpu.vector_store_idx %arg11[%get3A_669], %broadcast_in_dim3A_1 {add = true} : memref<1024xi32, #tpu.memory_space<vmem>>[vector<16xi32>], vector<16xi32>,
    %get3A_683 = arith.constant 320 : index
    %get3A_684 = tpu.vector_load %arg7[%get3A_683] {strides = array<i32>} : memref<1024xi32, #tpu.memory_space<vmem>>, vector<16xi32>,
    %gather3A_685 = tpu.vector_load_idx %arg11[%get3A_684] : memref<1024xi32, #tpu.memory_space<vmem>>[vector<16xi32>], vector<16xi32>,
    %broadcast_in_dim3A_686 = arith.constant true
    %broadcast_in_dim3A_687 = vector.broadcast %broadcast_in_dim3A_686 : i1 to vector<16xi1>
    %unique3A_688, %unique3A_689 = tpu.scan_count mask(%broadcast_in_dim3A_687 : vector<16xi1>) value(%get3A_684 : vector<16xi32>) : vector<16xi1>, vector<16xi32>
    %add3A_690 = arith.addi %gather3A_685, %unique3A_689 : vector<16xi32>
    %sub3A_691 = arith.constant 1 : i32
    %sub3A_692 = vector.broadcast %sub3A_691 : i32 to vector<16xi32>
    %sub3A_693 = arith.subi %add3A_690, %sub3A_692 : vector<16xi32>
    %swap3A_694 = arith.constant 2 : i32
    %swap3A_695 = arith.index_cast %swap3A_694 : i32 to index
    %swap3A_696 = arith.constant 64 : index
    %swap3A_697 = tpu.vector_load %arg12[%swap3A_695, %swap3A_696] {strides = array<i32>} : memref<8x128xi32, #tpu.memory_space<vmem>>, vector<16xi32>,
    tpu.vector_store %arg12[%swap3A_695, %swap3A_696], %sub3A_693 {strides = array<i32>} : memref<8x128xi32, #tpu.memory_space<vmem>>, vector<16xi32>,
    tpu.vector_store_idx %arg11[%get3A_684], %broadcast_in_dim3A_1 {add = true} : memref<1024xi32, #tpu.memory_space<vmem>>[vector<16xi32>], vector<16xi32>,
    %get3A_698 = arith.constant 336 : index
    %get3A_699 = tpu.vector_load %arg7[%get3A_698] {strides = array<i32>} : memref<1024xi32, #tpu.memory_space<vmem>>, vector<16xi32>,
    %gather3A_700 = tpu.vector_load_idx %arg11[%get3A_699] : memref<1024xi32, #tpu.memory_space<vmem>>[vector<16xi32>], vector<16xi32>,
    %broadcast_in_dim3A_701 = arith.constant true
    %broadcast_in_dim3A_702 = vector.broadcast %broadcast_in_dim3A_701 : i1 to vector<16xi1>
    %unique3A_703, %unique3A_704 = tpu.scan_count mask(%broadcast_in_dim3A_702 : vector<16xi1>) value(%get3A_699 : vector<16xi32>) : vector<16xi1>, vector<16xi32>
    %add3A_705 = arith.addi %gather3A_700, %unique3A_704 : vector<16xi32>
    %sub3A_706 = arith.constant 1 : i32
    %sub3A_707 = vector.broadcast %sub3A_706 : i32 to vector<16xi32>
    %sub3A_708 = arith.subi %add3A_705, %sub3A_707 : vector<16xi32>
    %swap3A_709 = arith.constant 2 : i32
    %swap3A_710 = arith.index_cast %swap3A_709 : i32 to index
    %swap3A_711 = arith.constant 80 : index
    %swap3A_712 = tpu.vector_load %arg12[%swap3A_710, %swap3A_711] {strides = array<i32>} : memref<8x128xi32, #tpu.memory_space<vmem>>, vector<16xi32>,
    tpu.vector_store %arg12[%swap3A_710, %swap3A_711], %sub3A_708 {strides = array<i32>} : memref<8x128xi32, #tpu.memory_space<vmem>>, vector<16xi32>,
    tpu.vector_store_idx %arg11[%get3A_699], %broadcast_in_dim3A_1 {add = true} : memref<1024xi32, #tpu.memory_space<vmem>>[vector<16xi32>], vector<16xi32>,
    %get3A_713 = arith.constant 352 : index
    %get3A_714 = tpu.vector_load %arg7[%get3A_713] {strides = array<i32>} : memref<1024xi32, #tpu.memory_space<vmem>>, vector<16xi32>,
    %gather3A_715 = tpu.vector_load_idx %arg11[%get3A_714] : memref<1024xi32, #tpu.memory_space<vmem>>[vector<16xi32>], vector<16xi32>,
    %broadcast_in_dim3A_716 = arith.constant true
    %broadcast_in_dim3A_717 = vector.broadcast %broadcast_in_dim3A_716 : i1 to vector<16xi1>
    %unique3A_718, %unique3A_719 = tpu.scan_count mask(%broadcast_in_dim3A_717 : vector<16xi1>) value(%get3A_714 : vector<16xi32>) : vector<16xi1>, vector<16xi32>
    %add3A_720 = arith.addi %gather3A_715, %unique3A_719 : vector<16xi32>
    %sub3A_721 = arith.constant 1 : i32
    %sub3A_722 = vector.broadcast %sub3A_721 : i32 to vector<16xi32>
    %sub3A_723 = arith.subi %add3A_720, %sub3A_722 : vector<16xi32>
    %swap3A_724 = arith.constant 2 : i32
    %swap3A_725 = arith.index_cast %swap3A_724 : i32 to index
    %swap3A_726 = arith.constant 96 : index
    %swap3A_727 = tpu.vector_load %arg12[%swap3A_725, %swap3A_726] {strides = array<i32>} : memref<8x128xi32, #tpu.memory_space<vmem>>, vector<16xi32>,
    tpu.vector_store %arg12[%swap3A_725, %swap3A_726], %sub3A_723 {strides = array<i32>} : memref<8x128xi32, #tpu.memory_space<vmem>>, vector<16xi32>,
    tpu.vector_store_idx %arg11[%get3A_714], %broadcast_in_dim3A_1 {add = true} : memref<1024xi32, #tpu.memory_space<vmem>>[vector<16xi32>], vector<16xi32>,
    %get3A_728 = arith.constant 368 : index
    %get3A_729 = tpu.vector_load %arg7[%get3A_728] {strides = array<i32>} : memref<1024xi32, #tpu.memory_space<vmem>>, vector<16xi32>,
    %gather3A_730 = tpu.vector_load_idx %arg11[%get3A_729] : memref<1024xi32, #tpu.memory_space<vmem>>[vector<16xi32>], vector<16xi32>,
    %broadcast_in_dim3A_731 = arith.constant true
    %broadcast_in_dim3A_732 = vector.broadcast %broadcast_in_dim3A_731 : i1 to vector<16xi1>
    %unique3A_733, %unique3A_734 = tpu.scan_count mask(%broadcast_in_dim3A_732 : vector<16xi1>) value(%get3A_729 : vector<16xi32>) : vector<16xi1>, vector<16xi32>
    %add3A_735 = arith.addi %gather3A_730, %unique3A_734 : vector<16xi32>
    %sub3A_736 = arith.constant 1 : i32
    %sub3A_737 = vector.broadcast %sub3A_736 : i32 to vector<16xi32>
    %sub3A_738 = arith.subi %add3A_735, %sub3A_737 : vector<16xi32>
    %swap3A_739 = arith.constant 2 : i32
    %swap3A_740 = arith.index_cast %swap3A_739 : i32 to index
    %swap3A_741 = arith.constant 112 : index
    %swap3A_742 = tpu.vector_load %arg12[%swap3A_740, %swap3A_741] {strides = array<i32>} : memref<8x128xi32, #tpu.memory_space<vmem>>, vector<16xi32>,
    tpu.vector_store %arg12[%swap3A_740, %swap3A_741], %sub3A_738 {strides = array<i32>} : memref<8x128xi32, #tpu.memory_space<vmem>>, vector<16xi32>,
    tpu.vector_store_idx %arg11[%get3A_729], %broadcast_in_dim3A_1 {add = true} : memref<1024xi32, #tpu.memory_space<vmem>>[vector<16xi32>], vector<16xi32>,
    %get3A_743 = arith.constant 384 : index
    %get3A_744 = tpu.vector_load %arg7[%get3A_743] {strides = array<i32>} : memref<1024xi32, #tpu.memory_space<vmem>>, vector<16xi32>,
    %gather3A_745 = tpu.vector_load_idx %arg11[%get3A_744] : memref<1024xi32, #tpu.memory_space<vmem>>[vector<16xi32>], vector<16xi32>,
    %broadcast_in_dim3A_746 = arith.constant true
    %broadcast_in_dim3A_747 = vector.broadcast %broadcast_in_dim3A_746 : i1 to vector<16xi1>
    %unique3A_748, %unique3A_749 = tpu.scan_count mask(%broadcast_in_dim3A_747 : vector<16xi1>) value(%get3A_744 : vector<16xi32>) : vector<16xi1>, vector<16xi32>
    %add3A_750 = arith.addi %gather3A_745, %unique3A_749 : vector<16xi32>
    %sub3A_751 = arith.constant 1 : i32
    %sub3A_752 = vector.broadcast %sub3A_751 : i32 to vector<16xi32>
    %sub3A_753 = arith.subi %add3A_750, %sub3A_752 : vector<16xi32>
    %swap3A_754 = arith.constant 3 : i32
    %swap3A_755 = arith.index_cast %swap3A_754 : i32 to index
    %swap3A_756 = arith.constant 0 : index
    %swap3A_757 = tpu.vector_load %arg12[%swap3A_755, %swap3A_756] {strides = array<i32>} : memref<8x128xi32, #tpu.memory_space<vmem>>, vector<16xi32>,
    tpu.vector_store %arg12[%swap3A_755, %swap3A_756], %sub3A_753 {strides = array<i32>} : memref<8x128xi32, #tpu.memory_space<vmem>>, vector<16xi32>,
    tpu.vector_store_idx %arg11[%get3A_744], %broadcast_in_dim3A_1 {add = true} : memref<1024xi32, #tpu.memory_space<vmem>>[vector<16xi32>], vector<16xi32>,
    %get3A_758 = arith.constant 400 : index
    %get3A_759 = tpu.vector_load %arg7[%get3A_758] {strides = array<i32>} : memref<1024xi32, #tpu.memory_space<vmem>>, vector<16xi32>,
    %gather3A_760 = tpu.vector_load_idx %arg11[%get3A_759] : memref<1024xi32, #tpu.memory_space<vmem>>[vector<16xi32>], vector<16xi32>,
    %broadcast_in_dim3A_761 = arith.constant true
    %broadcast_in_dim3A_762 = vector.broadcast %broadcast_in_dim3A_761 : i1 to vector<16xi1>
    %unique3A_763, %unique3A_764 = tpu.scan_count mask(%broadcast_in_dim3A_762 : vector<16xi1>) value(%get3A_759 : vector<16xi32>) : vector<16xi1>, vector<16xi32>
    %add3A_765 = arith.addi %gather3A_760, %unique3A_764 : vector<16xi32>
    %sub3A_766 = arith.constant 1 : i32
    %sub3A_767 = vector.broadcast %sub3A_766 : i32 to vector<16xi32>
    %sub3A_768 = arith.subi %add3A_765, %sub3A_767 : vector<16xi32>
    %swap3A_769 = arith.constant 3 : i32
    %swap3A_770 = arith.index_cast %swap3A_769 : i32 to index
    %swap3A_771 = arith.constant 16 : index
    %swap3A_772 = tpu.vector_load %arg12[%swap3A_770, %swap3A_771] {strides = array<i32>} : memref<8x128xi32, #tpu.memory_space<vmem>>, vector<16xi32>,
    tpu.vector_store %arg12[%swap3A_770, %swap3A_771], %sub3A_768 {strides = array<i32>} : memref<8x128xi32, #tpu.memory_space<vmem>>, vector<16xi32>,
    tpu.vector_store_idx %arg11[%get3A_759], %broadcast_in_dim3A_1 {add = true} : memref<1024xi32, #tpu.memory_space<vmem>>[vector<16xi32>], vector<16xi32>,
    %get3A_773 = arith.constant 416 : index
    %get3A_774 = tpu.vector_load %arg7[%get3A_773] {strides = array<i32>} : memref<1024xi32, #tpu.memory_space<vmem>>, vector<16xi32>,
    %gather3A_775 = tpu.vector_load_idx %arg11[%get3A_774] : memref<1024xi32, #tpu.memory_space<vmem>>[vector<16xi32>], vector<16xi32>,
    %broadcast_in_dim3A_776 = arith.constant true
    %broadcast_in_dim3A_777 = vector.broadcast %broadcast_in_dim3A_776 : i1 to vector<16xi1>
    %unique3A_778, %unique3A_779 = tpu.scan_count mask(%broadcast_in_dim3A_777 : vector<16xi1>) value(%get3A_774 : vector<16xi32>) : vector<16xi1>, vector<16xi32>
    %add3A_780 = arith.addi %gather3A_775, %unique3A_779 : vector<16xi32>
    %sub3A_781 = arith.constant 1 : i32
    %sub3A_782 = vector.broadcast %sub3A_781 : i32 to vector<16xi32>
    %sub3A_783 = arith.subi %add3A_780, %sub3A_782 : vector<16xi32>
    %swap3A_784 = arith.constant 3 : i32
    %swap3A_785 = arith.index_cast %swap3A_784 : i32 to index
    %swap3A_786 = arith.constant 32 : index
    %swap3A_787 = tpu.vector_load %arg12[%swap3A_785, %swap3A_786] {strides = array<i32>} : memref<8x128xi32, #tpu.memory_space<vmem>>, vector<16xi32>,
    tpu.vector_store %arg12[%swap3A_785, %swap3A_786], %sub3A_783 {strides = array<i32>} : memref<8x128xi32, #tpu.memory_space<vmem>>, vector<16xi32>,
    tpu.vector_store_idx %arg11[%get3A_774], %broadcast_in_dim3A_1 {add = true} : memref<1024xi32, #tpu.memory_space<vmem>>[vector<16xi32>], vector<16xi32>,
    %get3A_788 = arith.constant 432 : index
    %get3A_789 = tpu.vector_load %arg7[%get3A_788] {strides = array<i32>} : memref<1024xi32, #tpu.memory_space<vmem>>, vector<16xi32>,
    %gather3A_790 = tpu.vector_load_idx %arg11[%get3A_789] : memref<1024xi32, #tpu.memory_space<vmem>>[vector<16xi32>], vector<16xi32>,
    %broadcast_in_dim3A_791 = arith.constant true
    %broadcast_in_dim3A_792 = vector.broadcast %broadcast_in_dim3A_791 : i1 to vector<16xi1>
    %unique3A_793, %unique3A_794 = tpu.scan_count mask(%broadcast_in_dim3A_792 : vector<16xi1>) value(%get3A_789 : vector<16xi32>) : vector<16xi1>, vector<16xi32>
    %add3A_795 = arith.addi %gather3A_790, %unique3A_794 : vector<16xi32>
    %sub3A_796 = arith.constant 1 : i32
    %sub3A_797 = vector.broadcast %sub3A_796 : i32 to vector<16xi32>
    %sub3A_798 = arith.subi %add3A_795, %sub3A_797 : vector<16xi32>
    %swap3A_799 = arith.constant 3 : i32
    %swap3A_800 = arith.index_cast %swap3A_799 : i32 to index
    %swap3A_801 = arith.constant 48 : index
    %swap3A_802 = tpu.vector_load %arg12[%swap3A_800, %swap3A_801] {strides = array<i32>} : memref<8x128xi32, #tpu.memory_space<vmem>>, vector<16xi32>,
    tpu.vector_store %arg12[%swap3A_800, %swap3A_801], %sub3A_798 {strides = array<i32>} : memref<8x128xi32, #tpu.memory_space<vmem>>, vector<16xi32>,
    tpu.vector_store_idx %arg11[%get3A_789], %broadcast_in_dim3A_1 {add = true} : memref<1024xi32, #tpu.memory_space<vmem>>[vector<16xi32>], vector<16xi32>,
    %get3A_803 = arith.constant 448 : index
    %get3A_804 = tpu.vector_load %arg7[%get3A_803] {strides = array<i32>} : memref<1024xi32, #tpu.memory_space<vmem>>, vector<16xi32>,
    %gather3A_805 = tpu.vector_load_idx %arg11[%get3A_804] : memref<1024xi32, #tpu.memory_space<vmem>>[vector<16xi32>], vector<16xi32>,
    %broadcast_in_dim3A_806 = arith.constant true
    %broadcast_in_dim3A_807 = vector.broadcast %broadcast_in_dim3A_806 : i1 to vector<16xi1>
    %unique3A_808, %unique3A_809 = tpu.scan_count mask(%broadcast_in_dim3A_807 : vector<16xi1>) value(%get3A_804 : vector<16xi32>) : vector<16xi1>, vector<16xi32>
    %add3A_810 = arith.addi %gather3A_805, %unique3A_809 : vector<16xi32>
    %sub3A_811 = arith.constant 1 : i32
    %sub3A_812 = vector.broadcast %sub3A_811 : i32 to vector<16xi32>
    %sub3A_813 = arith.subi %add3A_810, %sub3A_812 : vector<16xi32>
    %swap3A_814 = arith.constant 3 : i32
    %swap3A_815 = arith.index_cast %swap3A_814 : i32 to index
    %swap3A_816 = arith.constant 64 : index
    %swap3A_817 = tpu.vector_load %arg12[%swap3A_815, %swap3A_816] {strides = array<i32>} : memref<8x128xi32, #tpu.memory_space<vmem>>, vector<16xi32>,
    tpu.vector_store %arg12[%swap3A_815, %swap3A_816], %sub3A_813 {strides = array<i32>} : memref<8x128xi32, #tpu.memory_space<vmem>>, vector<16xi32>,
    tpu.vector_store_idx %arg11[%get3A_804], %broadcast_in_dim3A_1 {add = true} : memref<1024xi32, #tpu.memory_space<vmem>>[vector<16xi32>], vector<16xi32>,
    %get3A_818 = arith.constant 464 : index
    %get3A_819 = tpu.vector_load %arg7[%get3A_818] {strides = array<i32>} : memref<1024xi32, #tpu.memory_space<vmem>>, vector<16xi32>,
    %gather3A_820 = tpu.vector_load_idx %arg11[%get3A_819] : memref<1024xi32, #tpu.memory_space<vmem>>[vector<16xi32>], vector<16xi32>,
    %broadcast_in_dim3A_821 = arith.constant true
    %broadcast_in_dim3A_822 = vector.broadcast %broadcast_in_dim3A_821 : i1 to vector<16xi1>
    %unique3A_823, %unique3A_824 = tpu.scan_count mask(%broadcast_in_dim3A_822 : vector<16xi1>) value(%get3A_819 : vector<16xi32>) : vector<16xi1>, vector<16xi32>
    %add3A_825 = arith.addi %gather3A_820, %unique3A_824 : vector<16xi32>
    %sub3A_826 = arith.constant 1 : i32
    %sub3A_827 = vector.broadcast %sub3A_826 : i32 to vector<16xi32>
    %sub3A_828 = arith.subi %add3A_825, %sub3A_827 : vector<16xi32>
    %swap3A_829 = arith.constant 3 : i32
    %swap3A_830 = arith.index_cast %swap3A_829 : i32 to index
    %swap3A_831 = arith.constant 80 : index
    %swap3A_832 = tpu.vector_load %arg12[%swap3A_830, %swap3A_831] {strides = array<i32>} : memref<8x128xi32, #tpu.memory_space<vmem>>, vector<16xi32>,
    tpu.vector_store %arg12[%swap3A_830, %swap3A_831], %sub3A_828 {strides = array<i32>} : memref<8x128xi32, #tpu.memory_space<vmem>>, vector<16xi32>,
    tpu.vector_store_idx %arg11[%get3A_819], %broadcast_in_dim3A_1 {add = true} : memref<1024xi32, #tpu.memory_space<vmem>>[vector<16xi32>], vector<16xi32>,
    %get3A_833 = arith.constant 480 : index
    %get3A_834 = tpu.vector_load %arg7[%get3A_833] {strides = array<i32>} : memref<1024xi32, #tpu.memory_space<vmem>>, vector<16xi32>,
    %gather3A_835 = tpu.vector_load_idx %arg11[%get3A_834] : memref<1024xi32, #tpu.memory_space<vmem>>[vector<16xi32>], vector<16xi32>,
    %broadcast_in_dim3A_836 = arith.constant true
    %broadcast_in_dim3A_837 = vector.broadcast %broadcast_in_dim3A_836 : i1 to vector<16xi1>
    %unique3A_838, %unique3A_839 = tpu.scan_count mask(%broadcast_in_dim3A_837 : vector<16xi1>) value(%get3A_834 : vector<16xi32>) : vector<16xi1>, vector<16xi32>
    %add3A_840 = arith.addi %gather3A_835, %unique3A_839 : vector<16xi32>
    %sub3A_841 = arith.constant 1 : i32
    %sub3A_842 = vector.broadcast %sub3A_841 : i32 to vector<16xi32>
    %sub3A_843 = arith.subi %add3A_840, %sub3A_842 : vector<16xi32>
    %swap3A_844 = arith.constant 3 : i32
    %swap3A_845 = arith.index_cast %swap3A_844 : i32 to index
    %swap3A_846 = arith.constant 96 : index
    %swap3A_847 = tpu.vector_load %arg12[%swap3A_845, %swap3A_846] {strides = array<i32>} : memref<8x128xi32, #tpu.memory_space<vmem>>, vector<16xi32>,
    tpu.vector_store %arg12[%swap3A_845, %swap3A_846], %sub3A_843 {strides = array<i32>} : memref<8x128xi32, #tpu.memory_space<vmem>>, vector<16xi32>,
    tpu.vector_store_idx %arg11[%get3A_834], %broadcast_in_dim3A_1 {add = true} : memref<1024xi32, #tpu.memory_space<vmem>>[vector<16xi32>], vector<16xi32>,
    %get3A_848 = arith.constant 496 : index
    %get3A_849 = tpu.vector_load %arg7[%get3A_848] {strides = array<i32>} : memref<1024xi32, #tpu.memory_space<vmem>>, vector<16xi32>,
    %gather3A_850 = tpu.vector_load_idx %arg11[%get3A_849] : memref<1024xi32, #tpu.memory_space<vmem>>[vector<16xi32>], vector<16xi32>,
    %broadcast_in_dim3A_851 = arith.constant true
    %broadcast_in_dim3A_852 = vector.broadcast %broadcast_in_dim3A_851 : i1 to vector<16xi1>
    %unique3A_853, %unique3A_854 = tpu.scan_count mask(%broadcast_in_dim3A_852 : vector<16xi1>) value(%get3A_849 : vector<16xi32>) : vector<16xi1>, vector<16xi32>
    %add3A_855 = arith.addi %gather3A_850, %unique3A_854 : vector<16xi32>
    %sub3A_856 = arith.constant 1 : i32
    %sub3A_857 = vector.broadcast %sub3A_856 : i32 to vector<16xi32>
    %sub3A_858 = arith.subi %add3A_855, %sub3A_857 : vector<16xi32>
    %swap3A_859 = arith.constant 3 : i32
    %swap3A_860 = arith.index_cast %swap3A_859 : i32 to index
    %swap3A_861 = arith.constant 112 : index
    %swap3A_862 = tpu.vector_load %arg12[%swap3A_860, %swap3A_861] {strides = array<i32>} : memref<8x128xi32, #tpu.memory_space<vmem>>, vector<16xi32>,
    tpu.vector_store %arg12[%swap3A_860, %swap3A_861], %sub3A_858 {strides = array<i32>} : memref<8x128xi32, #tpu.memory_space<vmem>>, vector<16xi32>,
    tpu.vector_store_idx %arg11[%get3A_849], %broadcast_in_dim3A_1 {add = true} : memref<1024xi32, #tpu.memory_space<vmem>>[vector<16xi32>], vector<16xi32>,
    %get3A_863 = arith.constant 512 : index
    %get3A_864 = tpu.vector_load %arg7[%get3A_863] {strides = array<i32>} : memref<1024xi32, #tpu.memory_space<vmem>>, vector<16xi32>,
    %gather3A_865 = tpu.vector_load_idx %arg11[%get3A_864] : memref<1024xi32, #tpu.memory_space<vmem>>[vector<16xi32>], vector<16xi32>,
    %broadcast_in_dim3A_866 = arith.constant true
    %broadcast_in_dim3A_867 = vector.broadcast %broadcast_in_dim3A_866 : i1 to vector<16xi1>
    %unique3A_868, %unique3A_869 = tpu.scan_count mask(%broadcast_in_dim3A_867 : vector<16xi1>) value(%get3A_864 : vector<16xi32>) : vector<16xi1>, vector<16xi32>
    %add3A_870 = arith.addi %gather3A_865, %unique3A_869 : vector<16xi32>
    %sub3A_871 = arith.constant 1 : i32
    %sub3A_872 = vector.broadcast %sub3A_871 : i32 to vector<16xi32>
    %sub3A_873 = arith.subi %add3A_870, %sub3A_872 : vector<16xi32>
    %swap3A_874 = arith.constant 4 : i32
    %swap3A_875 = arith.index_cast %swap3A_874 : i32 to index
    %swap3A_876 = arith.constant 0 : index
    %swap3A_877 = tpu.vector_load %arg12[%swap3A_875, %swap3A_876] {strides = array<i32>} : memref<8x128xi32, #tpu.memory_space<vmem>>, vector<16xi32>,
    tpu.vector_store %arg12[%swap3A_875, %swap3A_876], %sub3A_873 {strides = array<i32>} : memref<8x128xi32, #tpu.memory_space<vmem>>, vector<16xi32>,
    tpu.vector_store_idx %arg11[%get3A_864], %broadcast_in_dim3A_1 {add = true} : memref<1024xi32, #tpu.memory_space<vmem>>[vector<16xi32>], vector<16xi32>,
    %get3A_878 = arith.constant 528 : index
    %get3A_879 = tpu.vector_load %arg7[%get3A_878] {strides = array<i32>} : memref<1024xi32, #tpu.memory_space<vmem>>, vector<16xi32>,
    %gather3A_880 = tpu.vector_load_idx %arg11[%get3A_879] : memref<1024xi32, #tpu.memory_space<vmem>>[vector<16xi32>], vector<16xi32>,
    %broadcast_in_dim3A_881 = arith.constant true
    %broadcast_in_dim3A_882 = vector.broadcast %broadcast_in_dim3A_881 : i1 to vector<16xi1>
    %unique3A_883, %unique3A_884 = tpu.scan_count mask(%broadcast_in_dim3A_882 : vector<16xi1>) value(%get3A_879 : vector<16xi32>) : vector<16xi1>, vector<16xi32>
    %add3A_885 = arith.addi %gather3A_880, %unique3A_884 : vector<16xi32>
    %sub3A_886 = arith.constant 1 : i32
    %sub3A_887 = vector.broadcast %sub3A_886 : i32 to vector<16xi32>
    %sub3A_888 = arith.subi %add3A_885, %sub3A_887 : vector<16xi32>
    %swap3A_889 = arith.constant 4 : i32
    %swap3A_890 = arith.index_cast %swap3A_889 : i32 to index
    %swap3A_891 = arith.constant 16 : index
    %swap3A_892 = tpu.vector_load %arg12[%swap3A_890, %swap3A_891] {strides = array<i32>} : memref<8x128xi32, #tpu.memory_space<vmem>>, vector<16xi32>,
    tpu.vector_store %arg12[%swap3A_890, %swap3A_891], %sub3A_888 {strides = array<i32>} : memref<8x128xi32, #tpu.memory_space<vmem>>, vector<16xi32>,
    tpu.vector_store_idx %arg11[%get3A_879], %broadcast_in_dim3A_1 {add = true} : memref<1024xi32, #tpu.memory_space<vmem>>[vector<16xi32>], vector<16xi32>,
    %get3A_893 = arith.constant 544 : index
    %get3A_894 = tpu.vector_load %arg7[%get3A_893] {strides = array<i32>} : memref<1024xi32, #tpu.memory_space<vmem>>, vector<16xi32>,
    %gather3A_895 = tpu.vector_load_idx %arg11[%get3A_894] : memref<1024xi32, #tpu.memory_space<vmem>>[vector<16xi32>], vector<16xi32>,
    %broadcast_in_dim3A_896 = arith.constant true
    %broadcast_in_dim3A_897 = vector.broadcast %broadcast_in_dim3A_896 : i1 to vector<16xi1>
    %unique3A_898, %unique3A_899 = tpu.scan_count mask(%broadcast_in_dim3A_897 : vector<16xi1>) value(%get3A_894 : vector<16xi32>) : vector<16xi1>, vector<16xi32>
    %add3A_900 = arith.addi %gather3A_895, %unique3A_899 : vector<16xi32>
    %sub3A_901 = arith.constant 1 : i32
    %sub3A_902 = vector.broadcast %sub3A_901 : i32 to vector<16xi32>
    %sub3A_903 = arith.subi %add3A_900, %sub3A_902 : vector<16xi32>
    %swap3A_904 = arith.constant 4 : i32
    %swap3A_905 = arith.index_cast %swap3A_904 : i32 to index
    %swap3A_906 = arith.constant 32 : index
    %swap3A_907 = tpu.vector_load %arg12[%swap3A_905, %swap3A_906] {strides = array<i32>} : memref<8x128xi32, #tpu.memory_space<vmem>>, vector<16xi32>,
    tpu.vector_store %arg12[%swap3A_905, %swap3A_906], %sub3A_903 {strides = array<i32>} : memref<8x128xi32, #tpu.memory_space<vmem>>, vector<16xi32>,
    tpu.vector_store_idx %arg11[%get3A_894], %broadcast_in_dim3A_1 {add = true} : memref<1024xi32, #tpu.memory_space<vmem>>[vector<16xi32>], vector<16xi32>,
    %get3A_908 = arith.constant 560 : index
    %get3A_909 = tpu.vector_load %arg7[%get3A_908] {strides = array<i32>} : memref<1024xi32, #tpu.memory_space<vmem>>, vector<16xi32>,
    %gather3A_910 = tpu.vector_load_idx %arg11[%get3A_909] : memref<1024xi32, #tpu.memory_space<vmem>>[vector<16xi32>], vector<16xi32>,
    %broadcast_in_dim3A_911 = arith.constant true
    %broadcast_in_dim3A_912 = vector.broadcast %broadcast_in_dim3A_911 : i1 to vector<16xi1>
    %unique3A_913, %unique3A_914 = tpu.scan_count mask(%broadcast_in_dim3A_912 : vector<16xi1>) value(%get3A_909 : vector<16xi32>) : vector<16xi1>, vector<16xi32>
    %add3A_915 = arith.addi %gather3A_910, %unique3A_914 : vector<16xi32>
    %sub3A_916 = arith.constant 1 : i32
    %sub3A_917 = vector.broadcast %sub3A_916 : i32 to vector<16xi32>
    %sub3A_918 = arith.subi %add3A_915, %sub3A_917 : vector<16xi32>
    %swap3A_919 = arith.constant 4 : i32
    %swap3A_920 = arith.index_cast %swap3A_919 : i32 to index
    %swap3A_921 = arith.constant 48 : index
    %swap3A_922 = tpu.vector_load %arg12[%swap3A_920, %swap3A_921] {strides = array<i32>} : memref<8x128xi32, #tpu.memory_space<vmem>>, vector<16xi32>,
    tpu.vector_store %arg12[%swap3A_920, %swap3A_921], %sub3A_918 {strides = array<i32>} : memref<8x128xi32, #tpu.memory_space<vmem>>, vector<16xi32>,
    tpu.vector_store_idx %arg11[%get3A_909], %broadcast_in_dim3A_1 {add = true} : memref<1024xi32, #tpu.memory_space<vmem>>[vector<16xi32>], vector<16xi32>,
    %get3A_923 = arith.constant 576 : index
    %get3A_924 = tpu.vector_load %arg7[%get3A_923] {strides = array<i32>} : memref<1024xi32, #tpu.memory_space<vmem>>, vector<16xi32>,
    %gather3A_925 = tpu.vector_load_idx %arg11[%get3A_924] : memref<1024xi32, #tpu.memory_space<vmem>>[vector<16xi32>], vector<16xi32>,
    %broadcast_in_dim3A_926 = arith.constant true
    %broadcast_in_dim3A_927 = vector.broadcast %broadcast_in_dim3A_926 : i1 to vector<16xi1>
    %unique3A_928, %unique3A_929 = tpu.scan_count mask(%broadcast_in_dim3A_927 : vector<16xi1>) value(%get3A_924 : vector<16xi32>) : vector<16xi1>, vector<16xi32>
    %add3A_930 = arith.addi %gather3A_925, %unique3A_929 : vector<16xi32>
    %sub3A_931 = arith.constant 1 : i32
    %sub3A_932 = vector.broadcast %sub3A_931 : i32 to vector<16xi32>
    %sub3A_933 = arith.subi %add3A_930, %sub3A_932 : vector<16xi32>
    %swap3A_934 = arith.constant 4 : i32
    %swap3A_935 = arith.index_cast %swap3A_934 : i32 to index
    %swap3A_936 = arith.constant 64 : index
    %swap3A_937 = tpu.vector_load %arg12[%swap3A_935, %swap3A_936] {strides = array<i32>} : memref<8x128xi32, #tpu.memory_space<vmem>>, vector<16xi32>,
    tpu.vector_store %arg12[%swap3A_935, %swap3A_936], %sub3A_933 {strides = array<i32>} : memref<8x128xi32, #tpu.memory_space<vmem>>, vector<16xi32>,
    tpu.vector_store_idx %arg11[%get3A_924], %broadcast_in_dim3A_1 {add = true} : memref<1024xi32, #tpu.memory_space<vmem>>[vector<16xi32>], vector<16xi32>,
    %get3A_938 = arith.constant 592 : index
    %get3A_939 = tpu.vector_load %arg7[%get3A_938] {strides = array<i32>} : memref<1024xi32, #tpu.memory_space<vmem>>, vector<16xi32>,
    %gather3A_940 = tpu.vector_load_idx %arg11[%get3A_939] : memref<1024xi32, #tpu.memory_space<vmem>>[vector<16xi32>], vector<16xi32>,
    %broadcast_in_dim3A_941 = arith.constant true
    %broadcast_in_dim3A_942 = vector.broadcast %broadcast_in_dim3A_941 : i1 to vector<16xi1>
    %unique3A_943, %unique3A_944 = tpu.scan_count mask(%broadcast_in_dim3A_942 : vector<16xi1>) value(%get3A_939 : vector<16xi32>) : vector<16xi1>, vector<16xi32>
    %add3A_945 = arith.addi %gather3A_940, %unique3A_944 : vector<16xi32>
    %sub3A_946 = arith.constant 1 : i32
    %sub3A_947 = vector.broadcast %sub3A_946 : i32 to vector<16xi32>
    %sub3A_948 = arith.subi %add3A_945, %sub3A_947 : vector<16xi32>
    %swap3A_949 = arith.constant 4 : i32
    %swap3A_950 = arith.index_cast %swap3A_949 : i32 to index
    %swap3A_951 = arith.constant 80 : index
    %swap3A_952 = tpu.vector_load %arg12[%swap3A_950, %swap3A_951] {strides = array<i32>} : memref<8x128xi32, #tpu.memory_space<vmem>>, vector<16xi32>,
    tpu.vector_store %arg12[%swap3A_950, %swap3A_951], %sub3A_948 {strides = array<i32>} : memref<8x128xi32, #tpu.memory_space<vmem>>, vector<16xi32>,
    tpu.vector_store_idx %arg11[%get3A_939], %broadcast_in_dim3A_1 {add = true} : memref<1024xi32, #tpu.memory_space<vmem>>[vector<16xi32>], vector<16xi32>,
    %get3A_953 = arith.constant 608 : index
    %get3A_954 = tpu.vector_load %arg7[%get3A_953] {strides = array<i32>} : memref<1024xi32, #tpu.memory_space<vmem>>, vector<16xi32>,
    %gather3A_955 = tpu.vector_load_idx %arg11[%get3A_954] : memref<1024xi32, #tpu.memory_space<vmem>>[vector<16xi32>], vector<16xi32>,
    %broadcast_in_dim3A_956 = arith.constant true
    %broadcast_in_dim3A_957 = vector.broadcast %broadcast_in_dim3A_956 : i1 to vector<16xi1>
    %unique3A_958, %unique3A_959 = tpu.scan_count mask(%broadcast_in_dim3A_957 : vector<16xi1>) value(%get3A_954 : vector<16xi32>) : vector<16xi1>, vector<16xi32>
    %add3A_960 = arith.addi %gather3A_955, %unique3A_959 : vector<16xi32>
    %sub3A_961 = arith.constant 1 : i32
    %sub3A_962 = vector.broadcast %sub3A_961 : i32 to vector<16xi32>
    %sub3A_963 = arith.subi %add3A_960, %sub3A_962 : vector<16xi32>
    %swap3A_964 = arith.constant 4 : i32
    %swap3A_965 = arith.index_cast %swap3A_964 : i32 to index
    %swap3A_966 = arith.constant 96 : index
    %swap3A_967 = tpu.vector_load %arg12[%swap3A_965, %swap3A_966] {strides = array<i32>} : memref<8x128xi32, #tpu.memory_space<vmem>>, vector<16xi32>,
    tpu.vector_store %arg12[%swap3A_965, %swap3A_966], %sub3A_963 {strides = array<i32>} : memref<8x128xi32, #tpu.memory_space<vmem>>, vector<16xi32>,
    tpu.vector_store_idx %arg11[%get3A_954], %broadcast_in_dim3A_1 {add = true} : memref<1024xi32, #tpu.memory_space<vmem>>[vector<16xi32>], vector<16xi32>,
    %get3A_968 = arith.constant 624 : index
    %get3A_969 = tpu.vector_load %arg7[%get3A_968] {strides = array<i32>} : memref<1024xi32, #tpu.memory_space<vmem>>, vector<16xi32>,
    %gather3A_970 = tpu.vector_load_idx %arg11[%get3A_969] : memref<1024xi32, #tpu.memory_space<vmem>>[vector<16xi32>], vector<16xi32>,
    %broadcast_in_dim3A_971 = arith.constant true
    %broadcast_in_dim3A_972 = vector.broadcast %broadcast_in_dim3A_971 : i1 to vector<16xi1>
    %unique3A_973, %unique3A_974 = tpu.scan_count mask(%broadcast_in_dim3A_972 : vector<16xi1>) value(%get3A_969 : vector<16xi32>) : vector<16xi1>, vector<16xi32>
    %add3A_975 = arith.addi %gather3A_970, %unique3A_974 : vector<16xi32>
    %sub3A_976 = arith.constant 1 : i32
    %sub3A_977 = vector.broadcast %sub3A_976 : i32 to vector<16xi32>
    %sub3A_978 = arith.subi %add3A_975, %sub3A_977 : vector<16xi32>
    %swap3A_979 = arith.constant 4 : i32
    %swap3A_980 = arith.index_cast %swap3A_979 : i32 to index
    %swap3A_981 = arith.constant 112 : index
    %swap3A_982 = tpu.vector_load %arg12[%swap3A_980, %swap3A_981] {strides = array<i32>} : memref<8x128xi32, #tpu.memory_space<vmem>>, vector<16xi32>,
    tpu.vector_store %arg12[%swap3A_980, %swap3A_981], %sub3A_978 {strides = array<i32>} : memref<8x128xi32, #tpu.memory_space<vmem>>, vector<16xi32>,
    tpu.vector_store_idx %arg11[%get3A_969], %broadcast_in_dim3A_1 {add = true} : memref<1024xi32, #tpu.memory_space<vmem>>[vector<16xi32>], vector<16xi32>,
    %get3A_983 = arith.constant 640 : index
    %get3A_984 = tpu.vector_load %arg7[%get3A_983] {strides = array<i32>} : memref<1024xi32, #tpu.memory_space<vmem>>, vector<16xi32>,
    %gather3A_985 = tpu.vector_load_idx %arg11[%get3A_984] : memref<1024xi32, #tpu.memory_space<vmem>>[vector<16xi32>], vector<16xi32>,
    %broadcast_in_dim3A_986 = arith.constant true
    %broadcast_in_dim3A_987 = vector.broadcast %broadcast_in_dim3A_986 : i1 to vector<16xi1>
    %unique3A_988, %unique3A_989 = tpu.scan_count mask(%broadcast_in_dim3A_987 : vector<16xi1>) value(%get3A_984 : vector<16xi32>) : vector<16xi1>, vector<16xi32>
    %add3A_990 = arith.addi %gather3A_985, %unique3A_989 : vector<16xi32>
    %sub3A_991 = arith.constant 1 : i32
    %sub3A_992 = vector.broadcast %sub3A_991 : i32 to vector<16xi32>
    %sub3A_993 = arith.subi %add3A_990, %sub3A_992 : vector<16xi32>
    %swap3A_994 = arith.constant 5 : i32
    %swap3A_995 = arith.index_cast %swap3A_994 : i32 to index
    %swap3A_996 = arith.constant 0 : index
    %swap3A_997 = tpu.vector_load %arg12[%swap3A_995, %swap3A_996] {strides = array<i32>} : memref<8x128xi32, #tpu.memory_space<vmem>>, vector<16xi32>,
    tpu.vector_store %arg12[%swap3A_995, %swap3A_996], %sub3A_993 {strides = array<i32>} : memref<8x128xi32, #tpu.memory_space<vmem>>, vector<16xi32>,
    tpu.vector_store_idx %arg11[%get3A_984], %broadcast_in_dim3A_1 {add = true} : memref<1024xi32, #tpu.memory_space<vmem>>[vector<16xi32>], vector<16xi32>,
    %get3A_998 = arith.constant 656 : index
    %get3A_999 = tpu.vector_load %arg7[%get3A_998] {strides = array<i32>} : memref<1024xi32, #tpu.memory_space<vmem>>, vector<16xi32>,
    %gather3A_1000 = tpu.vector_load_idx %arg11[%get3A_999] : memref<1024xi32, #tpu.memory_space<vmem>>[vector<16xi32>], vector<16xi32>,
    %broadcast_in_dim3A_1001 = arith.constant true
    %broadcast_in_dim3A_1002 = vector.broadcast %broadcast_in_dim3A_1001 : i1 to vector<16xi1>
    %unique3A_1003, %unique3A_1004 = tpu.scan_count mask(%broadcast_in_dim3A_1002 : vector<16xi1>) value(%get3A_999 : vector<16xi32>) : vector<16xi1>, vector<16xi32>
    %add3A_1005 = arith.addi %gather3A_1000, %unique3A_1004 : vector<16xi32>
    %sub3A_1006 = arith.constant 1 : i32
    %sub3A_1007 = vector.broadcast %sub3A_1006 : i32 to vector<16xi32>
    %sub3A_1008 = arith.subi %add3A_1005, %sub3A_1007 : vector<16xi32>
    %swap3A_1009 = arith.constant 5 : i32
    %swap3A_1010 = arith.index_cast %swap3A_1009 : i32 to index
    %swap3A_1011 = arith.constant 16 : index
    %swap3A_1012 = tpu.vector_load %arg12[%swap3A_1010, %swap3A_1011] {strides = array<i32>} : memref<8x128xi32, #tpu.memory_space<vmem>>, vector<16xi32>,
    tpu.vector_store %arg12[%swap3A_1010, %swap3A_1011], %sub3A_1008 {strides = array<i32>} : memref<8x128xi32, #tpu.memory_space<vmem>>, vector<16xi32>,
    tpu.vector_store_idx %arg11[%get3A_999], %broadcast_in_dim3A_1 {add = true} : memref<1024xi32, #tpu.memory_space<vmem>>[vector<16xi32>], vector<16xi32>,
    %get3A_1013 = arith.constant 672 : index
    %get3A_1014 = tpu.vector_load %arg7[%get3A_1013] {strides = array<i32>} : memref<1024xi32, #tpu.memory_space<vmem>>, vector<16xi32>,
    %gather3A_1015 = tpu.vector_load_idx %arg11[%get3A_1014] : memref<1024xi32, #tpu.memory_space<vmem>>[vector<16xi32>], vector<16xi32>,
    %broadcast_in_dim3A_1016 = arith.constant true
    %broadcast_in_dim3A_1017 = vector.broadcast %broadcast_in_dim3A_1016 : i1 to vector<16xi1>
    %unique3A_1018, %unique3A_1019 = tpu.scan_count mask(%broadcast_in_dim3A_1017 : vector<16xi1>) value(%get3A_1014 : vector<16xi32>) : vector<16xi1>, vector<16xi32>
    %add3A_1020 = arith.addi %gather3A_1015, %unique3A_1019 : vector<16xi32>
    %sub3A_1021 = arith.constant 1 : i32
    %sub3A_1022 = vector.broadcast %sub3A_1021 : i32 to vector<16xi32>
    %sub3A_1023 = arith.subi %add3A_1020, %sub3A_1022 : vector<16xi32>
    %swap3A_1024 = arith.constant 5 : i32
    %swap3A_1025 = arith.index_cast %swap3A_1024 : i32 to index
    %swap3A_1026 = arith.constant 32 : index
    %swap3A_1027 = tpu.vector_load %arg12[%swap3A_1025, %swap3A_1026] {strides = array<i32>} : memref<8x128xi32, #tpu.memory_space<vmem>>, vector<16xi32>,
    tpu.vector_store %arg12[%swap3A_1025, %swap3A_1026], %sub3A_1023 {strides = array<i32>} : memref<8x128xi32, #tpu.memory_space<vmem>>, vector<16xi32>,
    tpu.vector_store_idx %arg11[%get3A_1014], %broadcast_in_dim3A_1 {add = true} : memref<1024xi32, #tpu.memory_space<vmem>>[vector<16xi32>], vector<16xi32>,
    %get3A_1028 = arith.constant 688 : index
    %get3A_1029 = tpu.vector_load %arg7[%get3A_1028] {strides = array<i32>} : memref<1024xi32, #tpu.memory_space<vmem>>, vector<16xi32>,
    %gather3A_1030 = tpu.vector_load_idx %arg11[%get3A_1029] : memref<1024xi32, #tpu.memory_space<vmem>>[vector<16xi32>], vector<16xi32>,
    %broadcast_in_dim3A_1031 = arith.constant true
    %broadcast_in_dim3A_1032 = vector.broadcast %broadcast_in_dim3A_1031 : i1 to vector<16xi1>
    %unique3A_1033, %unique3A_1034 = tpu.scan_count mask(%broadcast_in_dim3A_1032 : vector<16xi1>) value(%get3A_1029 : vector<16xi32>) : vector<16xi1>, vector<16xi32>
    %add3A_1035 = arith.addi %gather3A_1030, %unique3A_1034 : vector<16xi32>
    %sub3A_1036 = arith.constant 1 : i32
    %sub3A_1037 = vector.broadcast %sub3A_1036 : i32 to vector<16xi32>
    %sub3A_1038 = arith.subi %add3A_1035, %sub3A_1037 : vector<16xi32>
    %swap3A_1039 = arith.constant 5 : i32
    %swap3A_1040 = arith.index_cast %swap3A_1039 : i32 to index
    %swap3A_1041 = arith.constant 48 : index
    %swap3A_1042 = tpu.vector_load %arg12[%swap3A_1040, %swap3A_1041] {strides = array<i32>} : memref<8x128xi32, #tpu.memory_space<vmem>>, vector<16xi32>,
    tpu.vector_store %arg12[%swap3A_1040, %swap3A_1041], %sub3A_1038 {strides = array<i32>} : memref<8x128xi32, #tpu.memory_space<vmem>>, vector<16xi32>,
    tpu.vector_store_idx %arg11[%get3A_1029], %broadcast_in_dim3A_1 {add = true} : memref<1024xi32, #tpu.memory_space<vmem>>[vector<16xi32>], vector<16xi32>,
    %get3A_1043 = arith.constant 704 : index
    %get3A_1044 = tpu.vector_load %arg7[%get3A_1043] {strides = array<i32>} : memref<1024xi32, #tpu.memory_space<vmem>>, vector<16xi32>,
    %gather3A_1045 = tpu.vector_load_idx %arg11[%get3A_1044] : memref<1024xi32, #tpu.memory_space<vmem>>[vector<16xi32>], vector<16xi32>,
    %broadcast_in_dim3A_1046 = arith.constant true
    %broadcast_in_dim3A_1047 = vector.broadcast %broadcast_in_dim3A_1046 : i1 to vector<16xi1>
    %unique3A_1048, %unique3A_1049 = tpu.scan_count mask(%broadcast_in_dim3A_1047 : vector<16xi1>) value(%get3A_1044 : vector<16xi32>) : vector<16xi1>, vector<16xi32>
    %add3A_1050 = arith.addi %gather3A_1045, %unique3A_1049 : vector<16xi32>
    %sub3A_1051 = arith.constant 1 : i32
    %sub3A_1052 = vector.broadcast %sub3A_1051 : i32 to vector<16xi32>
    %sub3A_1053 = arith.subi %add3A_1050, %sub3A_1052 : vector<16xi32>
    %swap3A_1054 = arith.constant 5 : i32
    %swap3A_1055 = arith.index_cast %swap3A_1054 : i32 to index
    %swap3A_1056 = arith.constant 64 : index
    %swap3A_1057 = tpu.vector_load %arg12[%swap3A_1055, %swap3A_1056] {strides = array<i32>} : memref<8x128xi32, #tpu.memory_space<vmem>>, vector<16xi32>,
    tpu.vector_store %arg12[%swap3A_1055, %swap3A_1056], %sub3A_1053 {strides = array<i32>} : memref<8x128xi32, #tpu.memory_space<vmem>>, vector<16xi32>,
    tpu.vector_store_idx %arg11[%get3A_1044], %broadcast_in_dim3A_1 {add = true} : memref<1024xi32, #tpu.memory_space<vmem>>[vector<16xi32>], vector<16xi32>,
    %get3A_1058 = arith.constant 720 : index
    %get3A_1059 = tpu.vector_load %arg7[%get3A_1058] {strides = array<i32>} : memref<1024xi32, #tpu.memory_space<vmem>>, vector<16xi32>,
    %gather3A_1060 = tpu.vector_load_idx %arg11[%get3A_1059] : memref<1024xi32, #tpu.memory_space<vmem>>[vector<16xi32>], vector<16xi32>,
    %broadcast_in_dim3A_1061 = arith.constant true
    %broadcast_in_dim3A_1062 = vector.broadcast %broadcast_in_dim3A_1061 : i1 to vector<16xi1>
    %unique3A_1063, %unique3A_1064 = tpu.scan_count mask(%broadcast_in_dim3A_1062 : vector<16xi1>) value(%get3A_1059 : vector<16xi32>) : vector<16xi1>, vector<16xi32>
    %add3A_1065 = arith.addi %gather3A_1060, %unique3A_1064 : vector<16xi32>
    %sub3A_1066 = arith.constant 1 : i32
    %sub3A_1067 = vector.broadcast %sub3A_1066 : i32 to vector<16xi32>
    %sub3A_1068 = arith.subi %add3A_1065, %sub3A_1067 : vector<16xi32>
    %swap3A_1069 = arith.constant 5 : i32
    %swap3A_1070 = arith.index_cast %swap3A_1069 : i32 to index
    %swap3A_1071 = arith.constant 80 : index
    %swap3A_1072 = tpu.vector_load %arg12[%swap3A_1070, %swap3A_1071] {strides = array<i32>} : memref<8x128xi32, #tpu.memory_space<vmem>>, vector<16xi32>,
    tpu.vector_store %arg12[%swap3A_1070, %swap3A_1071], %sub3A_1068 {strides = array<i32>} : memref<8x128xi32, #tpu.memory_space<vmem>>, vector<16xi32>,
    tpu.vector_store_idx %arg11[%get3A_1059], %broadcast_in_dim3A_1 {add = true} : memref<1024xi32, #tpu.memory_space<vmem>>[vector<16xi32>], vector<16xi32>,
    %get3A_1073 = arith.constant 736 : index
    %get3A_1074 = tpu.vector_load %arg7[%get3A_1073] {strides = array<i32>} : memref<1024xi32, #tpu.memory_space<vmem>>, vector<16xi32>,
    %gather3A_1075 = tpu.vector_load_idx %arg11[%get3A_1074] : memref<1024xi32, #tpu.memory_space<vmem>>[vector<16xi32>], vector<16xi32>,
    %broadcast_in_dim3A_1076 = arith.constant true
    %broadcast_in_dim3A_1077 = vector.broadcast %broadcast_in_dim3A_1076 : i1 to vector<16xi1>
    %unique3A_1078, %unique3A_1079 = tpu.scan_count mask(%broadcast_in_dim3A_1077 : vector<16xi1>) value(%get3A_1074 : vector<16xi32>) : vector<16xi1>, vector<16xi32>
    %add3A_1080 = arith.addi %gather3A_1075, %unique3A_1079 : vector<16xi32>
    %sub3A_1081 = arith.constant 1 : i32
    %sub3A_1082 = vector.broadcast %sub3A_1081 : i32 to vector<16xi32>
    %sub3A_1083 = arith.subi %add3A_1080, %sub3A_1082 : vector<16xi32>
    %swap3A_1084 = arith.constant 5 : i32
    %swap3A_1085 = arith.index_cast %swap3A_1084 : i32 to index
    %swap3A_1086 = arith.constant 96 : index
    %swap3A_1087 = tpu.vector_load %arg12[%swap3A_1085, %swap3A_1086] {strides = array<i32>} : memref<8x128xi32, #tpu.memory_space<vmem>>, vector<16xi32>,
    tpu.vector_store %arg12[%swap3A_1085, %swap3A_1086], %sub3A_1083 {strides = array<i32>} : memref<8x128xi32, #tpu.memory_space<vmem>>, vector<16xi32>,
    tpu.vector_store_idx %arg11[%get3A_1074], %broadcast_in_dim3A_1 {add = true} : memref<1024xi32, #tpu.memory_space<vmem>>[vector<16xi32>], vector<16xi32>,
    %get3A_1088 = arith.constant 752 : index
    %get3A_1089 = tpu.vector_load %arg7[%get3A_1088] {strides = array<i32>} : memref<1024xi32, #tpu.memory_space<vmem>>, vector<16xi32>,
    %gather3A_1090 = tpu.vector_load_idx %arg11[%get3A_1089] : memref<1024xi32, #tpu.memory_space<vmem>>[vector<16xi32>], vector<16xi32>,
    %broadcast_in_dim3A_1091 = arith.constant true
    %broadcast_in_dim3A_1092 = vector.broadcast %broadcast_in_dim3A_1091 : i1 to vector<16xi1>
    %unique3A_1093, %unique3A_1094 = tpu.scan_count mask(%broadcast_in_dim3A_1092 : vector<16xi1>) value(%get3A_1089 : vector<16xi32>) : vector<16xi1>, vector<16xi32>
    %add3A_1095 = arith.addi %gather3A_1090, %unique3A_1094 : vector<16xi32>
    %sub3A_1096 = arith.constant 1 : i32
    %sub3A_1097 = vector.broadcast %sub3A_1096 : i32 to vector<16xi32>
    %sub3A_1098 = arith.subi %add3A_1095, %sub3A_1097 : vector<16xi32>
    %swap3A_1099 = arith.constant 5 : i32
    %swap3A_1100 = arith.index_cast %swap3A_1099 : i32 to index
    %swap3A_1101 = arith.constant 112 : index
    %swap3A_1102 = tpu.vector_load %arg12[%swap3A_1100, %swap3A_1101] {strides = array<i32>} : memref<8x128xi32, #tpu.memory_space<vmem>>, vector<16xi32>,
    tpu.vector_store %arg12[%swap3A_1100, %swap3A_1101], %sub3A_1098 {strides = array<i32>} : memref<8x128xi32, #tpu.memory_space<vmem>>, vector<16xi32>,
    tpu.vector_store_idx %arg11[%get3A_1089], %broadcast_in_dim3A_1 {add = true} : memref<1024xi32, #tpu.memory_space<vmem>>[vector<16xi32>], vector<16xi32>,
    %get3A_1103 = arith.constant 768 : index
    %get3A_1104 = tpu.vector_load %arg7[%get3A_1103] {strides = array<i32>} : memref<1024xi32, #tpu.memory_space<vmem>>, vector<16xi32>,
    %gather3A_1105 = tpu.vector_load_idx %arg11[%get3A_1104] : memref<1024xi32, #tpu.memory_space<vmem>>[vector<16xi32>], vector<16xi32>,
    %broadcast_in_dim3A_1106 = arith.constant true
    %broadcast_in_dim3A_1107 = vector.broadcast %broadcast_in_dim3A_1106 : i1 to vector<16xi1>
    %unique3A_1108, %unique3A_1109 = tpu.scan_count mask(%broadcast_in_dim3A_1107 : vector<16xi1>) value(%get3A_1104 : vector<16xi32>) : vector<16xi1>, vector<16xi32>
    %add3A_1110 = arith.addi %gather3A_1105, %unique3A_1109 : vector<16xi32>
    %sub3A_1111 = arith.constant 1 : i32
    %sub3A_1112 = vector.broadcast %sub3A_1111 : i32 to vector<16xi32>
    %sub3A_1113 = arith.subi %add3A_1110, %sub3A_1112 : vector<16xi32>
    %swap3A_1114 = arith.constant 6 : i32
    %swap3A_1115 = arith.index_cast %swap3A_1114 : i32 to index
    %swap3A_1116 = arith.constant 0 : index
    %swap3A_1117 = tpu.vector_load %arg12[%swap3A_1115, %swap3A_1116] {strides = array<i32>} : memref<8x128xi32, #tpu.memory_space<vmem>>, vector<16xi32>,
    tpu.vector_store %arg12[%swap3A_1115, %swap3A_1116], %sub3A_1113 {strides = array<i32>} : memref<8x128xi32, #tpu.memory_space<vmem>>, vector<16xi32>,
    tpu.vector_store_idx %arg11[%get3A_1104], %broadcast_in_dim3A_1 {add = true} : memref<1024xi32, #tpu.memory_space<vmem>>[vector<16xi32>], vector<16xi32>,
    %get3A_1118 = arith.constant 784 : index
    %get3A_1119 = tpu.vector_load %arg7[%get3A_1118] {strides = array<i32>} : memref<1024xi32, #tpu.memory_space<vmem>>, vector<16xi32>,
    %gather3A_1120 = tpu.vector_load_idx %arg11[%get3A_1119] : memref<1024xi32, #tpu.memory_space<vmem>>[vector<16xi32>], vector<16xi32>,
    %broadcast_in_dim3A_1121 = arith.constant true
    %broadcast_in_dim3A_1122 = vector.broadcast %broadcast_in_dim3A_1121 : i1 to vector<16xi1>
    %unique3A_1123, %unique3A_1124 = tpu.scan_count mask(%broadcast_in_dim3A_1122 : vector<16xi1>) value(%get3A_1119 : vector<16xi32>) : vector<16xi1>, vector<16xi32>
    %add3A_1125 = arith.addi %gather3A_1120, %unique3A_1124 : vector<16xi32>
    %sub3A_1126 = arith.constant 1 : i32
    %sub3A_1127 = vector.broadcast %sub3A_1126 : i32 to vector<16xi32>
    %sub3A_1128 = arith.subi %add3A_1125, %sub3A_1127 : vector<16xi32>
    %swap3A_1129 = arith.constant 6 : i32
    %swap3A_1130 = arith.index_cast %swap3A_1129 : i32 to index
    %swap3A_1131 = arith.constant 16 : index
    %swap3A_1132 = tpu.vector_load %arg12[%swap3A_1130, %swap3A_1131] {strides = array<i32>} : memref<8x128xi32, #tpu.memory_space<vmem>>, vector<16xi32>,
    tpu.vector_store %arg12[%swap3A_1130, %swap3A_1131], %sub3A_1128 {strides = array<i32>} : memref<8x128xi32, #tpu.memory_space<vmem>>, vector<16xi32>,
    tpu.vector_store_idx %arg11[%get3A_1119], %broadcast_in_dim3A_1 {add = true} : memref<1024xi32, #tpu.memory_space<vmem>>[vector<16xi32>], vector<16xi32>,
    %get3A_1133 = arith.constant 800 : index
    %get3A_1134 = tpu.vector_load %arg7[%get3A_1133] {strides = array<i32>} : memref<1024xi32, #tpu.memory_space<vmem>>, vector<16xi32>,
    %gather3A_1135 = tpu.vector_load_idx %arg11[%get3A_1134] : memref<1024xi32, #tpu.memory_space<vmem>>[vector<16xi32>], vector<16xi32>,
    %broadcast_in_dim3A_1136 = arith.constant true
    %broadcast_in_dim3A_1137 = vector.broadcast %broadcast_in_dim3A_1136 : i1 to vector<16xi1>
    %unique3A_1138, %unique3A_1139 = tpu.scan_count mask(%broadcast_in_dim3A_1137 : vector<16xi1>) value(%get3A_1134 : vector<16xi32>) : vector<16xi1>, vector<16xi32>
    %add3A_1140 = arith.addi %gather3A_1135, %unique3A_1139 : vector<16xi32>
    %sub3A_1141 = arith.constant 1 : i32
    %sub3A_1142 = vector.broadcast %sub3A_1141 : i32 to vector<16xi32>
    %sub3A_1143 = arith.subi %add3A_1140, %sub3A_1142 : vector<16xi32>
    %swap3A_1144 = arith.constant 6 : i32
    %swap3A_1145 = arith.index_cast %swap3A_1144 : i32 to index
    %swap3A_1146 = arith.constant 32 : index
    %swap3A_1147 = tpu.vector_load %arg12[%swap3A_1145, %swap3A_1146] {strides = array<i32>} : memref<8x128xi32, #tpu.memory_space<vmem>>, vector<16xi32>,
    tpu.vector_store %arg12[%swap3A_1145, %swap3A_1146], %sub3A_1143 {strides = array<i32>} : memref<8x128xi32, #tpu.memory_space<vmem>>, vector<16xi32>,
    tpu.vector_store_idx %arg11[%get3A_1134], %broadcast_in_dim3A_1 {add = true} : memref<1024xi32, #tpu.memory_space<vmem>>[vector<16xi32>], vector<16xi32>,
    %get3A_1148 = arith.constant 816 : index
    %get3A_1149 = tpu.vector_load %arg7[%get3A_1148] {strides = array<i32>} : memref<1024xi32, #tpu.memory_space<vmem>>, vector<16xi32>,
    %gather3A_1150 = tpu.vector_load_idx %arg11[%get3A_1149] : memref<1024xi32, #tpu.memory_space<vmem>>[vector<16xi32>], vector<16xi32>,
    %broadcast_in_dim3A_1151 = arith.constant true
    %broadcast_in_dim3A_1152 = vector.broadcast %broadcast_in_dim3A_1151 : i1 to vector<16xi1>
    %unique3A_1153, %unique3A_1154 = tpu.scan_count mask(%broadcast_in_dim3A_1152 : vector<16xi1>) value(%get3A_1149 : vector<16xi32>) : vector<16xi1>, vector<16xi32>
    %add3A_1155 = arith.addi %gather3A_1150, %unique3A_1154 : vector<16xi32>
    %sub3A_1156 = arith.constant 1 : i32
    %sub3A_1157 = vector.broadcast %sub3A_1156 : i32 to vector<16xi32>
    %sub3A_1158 = arith.subi %add3A_1155, %sub3A_1157 : vector<16xi32>
    %swap3A_1159 = arith.constant 6 : i32
    %swap3A_1160 = arith.index_cast %swap3A_1159 : i32 to index
    %swap3A_1161 = arith.constant 48 : index
    %swap3A_1162 = tpu.vector_load %arg12[%swap3A_1160, %swap3A_1161] {strides = array<i32>} : memref<8x128xi32, #tpu.memory_space<vmem>>, vector<16xi32>,
    tpu.vector_store %arg12[%swap3A_1160, %swap3A_1161], %sub3A_1158 {strides = array<i32>} : memref<8x128xi32, #tpu.memory_space<vmem>>, vector<16xi32>,
    tpu.vector_store_idx %arg11[%get3A_1149], %broadcast_in_dim3A_1 {add = true} : memref<1024xi32, #tpu.memory_space<vmem>>[vector<16xi32>], vector<16xi32>,
    %get3A_1163 = arith.constant 832 : index
    %get3A_1164 = tpu.vector_load %arg7[%get3A_1163] {strides = array<i32>} : memref<1024xi32, #tpu.memory_space<vmem>>, vector<16xi32>,
    %gather3A_1165 = tpu.vector_load_idx %arg11[%get3A_1164] : memref<1024xi32, #tpu.memory_space<vmem>>[vector<16xi32>], vector<16xi32>,
    %broadcast_in_dim3A_1166 = arith.constant true
    %broadcast_in_dim3A_1167 = vector.broadcast %broadcast_in_dim3A_1166 : i1 to vector<16xi1>
    %unique3A_1168, %unique3A_1169 = tpu.scan_count mask(%broadcast_in_dim3A_1167 : vector<16xi1>) value(%get3A_1164 : vector<16xi32>) : vector<16xi1>, vector<16xi32>
    %add3A_1170 = arith.addi %gather3A_1165, %unique3A_1169 : vector<16xi32>
    %sub3A_1171 = arith.constant 1 : i32
    %sub3A_1172 = vector.broadcast %sub3A_1171 : i32 to vector<16xi32>
    %sub3A_1173 = arith.subi %add3A_1170, %sub3A_1172 : vector<16xi32>
    %swap3A_1174 = arith.constant 6 : i32
    %swap3A_1175 = arith.index_cast %swap3A_1174 : i32 to index
    %swap3A_1176 = arith.constant 64 : index
    %swap3A_1177 = tpu.vector_load %arg12[%swap3A_1175, %swap3A_1176] {strides = array<i32>} : memref<8x128xi32, #tpu.memory_space<vmem>>, vector<16xi32>,
    tpu.vector_store %arg12[%swap3A_1175, %swap3A_1176], %sub3A_1173 {strides = array<i32>} : memref<8x128xi32, #tpu.memory_space<vmem>>, vector<16xi32>,
    tpu.vector_store_idx %arg11[%get3A_1164], %broadcast_in_dim3A_1 {add = true} : memref<1024xi32, #tpu.memory_space<vmem>>[vector<16xi32>], vector<16xi32>,
    %get3A_1178 = arith.constant 848 : index
    %get3A_1179 = tpu.vector_load %arg7[%get3A_1178] {strides = array<i32>} : memref<1024xi32, #tpu.memory_space<vmem>>, vector<16xi32>,
    %gather3A_1180 = tpu.vector_load_idx %arg11[%get3A_1179] : memref<1024xi32, #tpu.memory_space<vmem>>[vector<16xi32>], vector<16xi32>,
    %broadcast_in_dim3A_1181 = arith.constant true
    %broadcast_in_dim3A_1182 = vector.broadcast %broadcast_in_dim3A_1181 : i1 to vector<16xi1>
    %unique3A_1183, %unique3A_1184 = tpu.scan_count mask(%broadcast_in_dim3A_1182 : vector<16xi1>) value(%get3A_1179 : vector<16xi32>) : vector<16xi1>, vector<16xi32>
    %add3A_1185 = arith.addi %gather3A_1180, %unique3A_1184 : vector<16xi32>
    %sub3A_1186 = arith.constant 1 : i32
    %sub3A_1187 = vector.broadcast %sub3A_1186 : i32 to vector<16xi32>
    %sub3A_1188 = arith.subi %add3A_1185, %sub3A_1187 : vector<16xi32>
    %swap3A_1189 = arith.constant 6 : i32
    %swap3A_1190 = arith.index_cast %swap3A_1189 : i32 to index
    %swap3A_1191 = arith.constant 80 : index
    %swap3A_1192 = tpu.vector_load %arg12[%swap3A_1190, %swap3A_1191] {strides = array<i32>} : memref<8x128xi32, #tpu.memory_space<vmem>>, vector<16xi32>,
    tpu.vector_store %arg12[%swap3A_1190, %swap3A_1191], %sub3A_1188 {strides = array<i32>} : memref<8x128xi32, #tpu.memory_space<vmem>>, vector<16xi32>,
    tpu.vector_store_idx %arg11[%get3A_1179], %broadcast_in_dim3A_1 {add = true} : memref<1024xi32, #tpu.memory_space<vmem>>[vector<16xi32>], vector<16xi32>,
    %get3A_1193 = arith.constant 864 : index
    %get3A_1194 = tpu.vector_load %arg7[%get3A_1193] {strides = array<i32>} : memref<1024xi32, #tpu.memory_space<vmem>>, vector<16xi32>,
    %gather3A_1195 = tpu.vector_load_idx %arg11[%get3A_1194] : memref<1024xi32, #tpu.memory_space<vmem>>[vector<16xi32>], vector<16xi32>,
    %broadcast_in_dim3A_1196 = arith.constant true
    %broadcast_in_dim3A_1197 = vector.broadcast %broadcast_in_dim3A_1196 : i1 to vector<16xi1>
    %unique3A_1198, %unique3A_1199 = tpu.scan_count mask(%broadcast_in_dim3A_1197 : vector<16xi1>) value(%get3A_1194 : vector<16xi32>) : vector<16xi1>, vector<16xi32>
    %add3A_1200 = arith.addi %gather3A_1195, %unique3A_1199 : vector<16xi32>
    %sub3A_1201 = arith.constant 1 : i32
    %sub3A_1202 = vector.broadcast %sub3A_1201 : i32 to vector<16xi32>
    %sub3A_1203 = arith.subi %add3A_1200, %sub3A_1202 : vector<16xi32>
    %swap3A_1204 = arith.constant 6 : i32
    %swap3A_1205 = arith.index_cast %swap3A_1204 : i32 to index
    %swap3A_1206 = arith.constant 96 : index
    %swap3A_1207 = tpu.vector_load %arg12[%swap3A_1205, %swap3A_1206] {strides = array<i32>} : memref<8x128xi32, #tpu.memory_space<vmem>>, vector<16xi32>,
    tpu.vector_store %arg12[%swap3A_1205, %swap3A_1206], %sub3A_1203 {strides = array<i32>} : memref<8x128xi32, #tpu.memory_space<vmem>>, vector<16xi32>,
    tpu.vector_store_idx %arg11[%get3A_1194], %broadcast_in_dim3A_1 {add = true} : memref<1024xi32, #tpu.memory_space<vmem>>[vector<16xi32>], vector<16xi32>,
    %get3A_1208 = arith.constant 880 : index
    %get3A_1209 = tpu.vector_load %arg7[%get3A_1208] {strides = array<i32>} : memref<1024xi32, #tpu.memory_space<vmem>>, vector<16xi32>,
    %gather3A_1210 = tpu.vector_load_idx %arg11[%get3A_1209] : memref<1024xi32, #tpu.memory_space<vmem>>[vector<16xi32>], vector<16xi32>,
    %broadcast_in_dim3A_1211 = arith.constant true
    %broadcast_in_dim3A_1212 = vector.broadcast %broadcast_in_dim3A_1211 : i1 to vector<16xi1>
    %unique3A_1213, %unique3A_1214 = tpu.scan_count mask(%broadcast_in_dim3A_1212 : vector<16xi1>) value(%get3A_1209 : vector<16xi32>) : vector<16xi1>, vector<16xi32>
    %add3A_1215 = arith.addi %gather3A_1210, %unique3A_1214 : vector<16xi32>
    %sub3A_1216 = arith.constant 1 : i32
    %sub3A_1217 = vector.broadcast %sub3A_1216 : i32 to vector<16xi32>
    %sub3A_1218 = arith.subi %add3A_1215, %sub3A_1217 : vector<16xi32>
    %swap3A_1219 = arith.constant 6 : i32
    %swap3A_1220 = arith.index_cast %swap3A_1219 : i32 to index
    %swap3A_1221 = arith.constant 112 : index
    %swap3A_1222 = tpu.vector_load %arg12[%swap3A_1220, %swap3A_1221] {strides = array<i32>} : memref<8x128xi32, #tpu.memory_space<vmem>>, vector<16xi32>,
    tpu.vector_store %arg12[%swap3A_1220, %swap3A_1221], %sub3A_1218 {strides = array<i32>} : memref<8x128xi32, #tpu.memory_space<vmem>>, vector<16xi32>,
    tpu.vector_store_idx %arg11[%get3A_1209], %broadcast_in_dim3A_1 {add = true} : memref<1024xi32, #tpu.memory_space<vmem>>[vector<16xi32>], vector<16xi32>,
    %get3A_1223 = arith.constant 896 : index
    %get3A_1224 = tpu.vector_load %arg7[%get3A_1223] {strides = array<i32>} : memref<1024xi32, #tpu.memory_space<vmem>>, vector<16xi32>,
    %gather3A_1225 = tpu.vector_load_idx %arg11[%get3A_1224] : memref<1024xi32, #tpu.memory_space<vmem>>[vector<16xi32>], vector<16xi32>,
    %broadcast_in_dim3A_1226 = arith.constant true
    %broadcast_in_dim3A_1227 = vector.broadcast %broadcast_in_dim3A_1226 : i1 to vector<16xi1>
    %unique3A_1228, %unique3A_1229 = tpu.scan_count mask(%broadcast_in_dim3A_1227 : vector<16xi1>) value(%get3A_1224 : vector<16xi32>) : vector<16xi1>, vector<16xi32>
    %add3A_1230 = arith.addi %gather3A_1225, %unique3A_1229 : vector<16xi32>
    %sub3A_1231 = arith.constant 1 : i32
    %sub3A_1232 = vector.broadcast %sub3A_1231 : i32 to vector<16xi32>
    %sub3A_1233 = arith.subi %add3A_1230, %sub3A_1232 : vector<16xi32>
    %swap3A_1234 = arith.constant 7 : i32
    %swap3A_1235 = arith.index_cast %swap3A_1234 : i32 to index
    %swap3A_1236 = arith.constant 0 : index
    %swap3A_1237 = tpu.vector_load %arg12[%swap3A_1235, %swap3A_1236] {strides = array<i32>} : memref<8x128xi32, #tpu.memory_space<vmem>>, vector<16xi32>,
    tpu.vector_store %arg12[%swap3A_1235, %swap3A_1236], %sub3A_1233 {strides = array<i32>} : memref<8x128xi32, #tpu.memory_space<vmem>>, vector<16xi32>,
    tpu.vector_store_idx %arg11[%get3A_1224], %broadcast_in_dim3A_1 {add = true} : memref<1024xi32, #tpu.memory_space<vmem>>[vector<16xi32>], vector<16xi32>,
    %get3A_1238 = arith.constant 912 : index
    %get3A_1239 = tpu.vector_load %arg7[%get3A_1238] {strides = array<i32>} : memref<1024xi32, #tpu.memory_space<vmem>>, vector<16xi32>,
    %gather3A_1240 = tpu.vector_load_idx %arg11[%get3A_1239] : memref<1024xi32, #tpu.memory_space<vmem>>[vector<16xi32>], vector<16xi32>,
    %broadcast_in_dim3A_1241 = arith.constant true
    %broadcast_in_dim3A_1242 = vector.broadcast %broadcast_in_dim3A_1241 : i1 to vector<16xi1>
    %unique3A_1243, %unique3A_1244 = tpu.scan_count mask(%broadcast_in_dim3A_1242 : vector<16xi1>) value(%get3A_1239 : vector<16xi32>) : vector<16xi1>, vector<16xi32>
    %add3A_1245 = arith.addi %gather3A_1240, %unique3A_1244 : vector<16xi32>
    %sub3A_1246 = arith.constant 1 : i32
    %sub3A_1247 = vector.broadcast %sub3A_1246 : i32 to vector<16xi32>
    %sub3A_1248 = arith.subi %add3A_1245, %sub3A_1247 : vector<16xi32>
    %swap3A_1249 = arith.constant 7 : i32
    %swap3A_1250 = arith.index_cast %swap3A_1249 : i32 to index
    %swap3A_1251 = arith.constant 16 : index
    %swap3A_1252 = tpu.vector_load %arg12[%swap3A_1250, %swap3A_1251] {strides = array<i32>} : memref<8x128xi32, #tpu.memory_space<vmem>>, vector<16xi32>,
    tpu.vector_store %arg12[%swap3A_1250, %swap3A_1251], %sub3A_1248 {strides = array<i32>} : memref<8x128xi32, #tpu.memory_space<vmem>>, vector<16xi32>,
    tpu.vector_store_idx %arg11[%get3A_1239], %broadcast_in_dim3A_1 {add = true} : memref<1024xi32, #tpu.memory_space<vmem>>[vector<16xi32>], vector<16xi32>,
    %get3A_1253 = arith.constant 928 : index
    %get3A_1254 = tpu.vector_load %arg7[%get3A_1253] {strides = array<i32>} : memref<1024xi32, #tpu.memory_space<vmem>>, vector<16xi32>,
    %gather3A_1255 = tpu.vector_load_idx %arg11[%get3A_1254] : memref<1024xi32, #tpu.memory_space<vmem>>[vector<16xi32>], vector<16xi32>,
    %broadcast_in_dim3A_1256 = arith.constant true
    %broadcast_in_dim3A_1257 = vector.broadcast %broadcast_in_dim3A_1256 : i1 to vector<16xi1>
    %unique3A_1258, %unique3A_1259 = tpu.scan_count mask(%broadcast_in_dim3A_1257 : vector<16xi1>) value(%get3A_1254 : vector<16xi32>) : vector<16xi1>, vector<16xi32>
    %add3A_1260 = arith.addi %gather3A_1255, %unique3A_1259 : vector<16xi32>
    %sub3A_1261 = arith.constant 1 : i32
    %sub3A_1262 = vector.broadcast %sub3A_1261 : i32 to vector<16xi32>
    %sub3A_1263 = arith.subi %add3A_1260, %sub3A_1262 : vector<16xi32>
    %swap3A_1264 = arith.constant 7 : i32
    %swap3A_1265 = arith.index_cast %swap3A_1264 : i32 to index
    %swap3A_1266 = arith.constant 32 : index
    %swap3A_1267 = tpu.vector_load %arg12[%swap3A_1265, %swap3A_1266] {strides = array<i32>} : memref<8x128xi32, #tpu.memory_space<vmem>>, vector<16xi32>,
    tpu.vector_store %arg12[%swap3A_1265, %swap3A_1266], %sub3A_1263 {strides = array<i32>} : memref<8x128xi32, #tpu.memory_space<vmem>>, vector<16xi32>,
    tpu.vector_store_idx %arg11[%get3A_1254], %broadcast_in_dim3A_1 {add = true} : memref<1024xi32, #tpu.memory_space<vmem>>[vector<16xi32>], vector<16xi32>,
    %get3A_1268 = arith.constant 944 : index
    %get3A_1269 = tpu.vector_load %arg7[%get3A_1268] {strides = array<i32>} : memref<1024xi32, #tpu.memory_space<vmem>>, vector<16xi32>,
    %gather3A_1270 = tpu.vector_load_idx %arg11[%get3A_1269] : memref<1024xi32, #tpu.memory_space<vmem>>[vector<16xi32>], vector<16xi32>,
    %broadcast_in_dim3A_1271 = arith.constant true
    %broadcast_in_dim3A_1272 = vector.broadcast %broadcast_in_dim3A_1271 : i1 to vector<16xi1>
    %unique3A_1273, %unique3A_1274 = tpu.scan_count mask(%broadcast_in_dim3A_1272 : vector<16xi1>) value(%get3A_1269 : vector<16xi32>) : vector<16xi1>, vector<16xi32>
    %add3A_1275 = arith.addi %gather3A_1270, %unique3A_1274 : vector<16xi32>
    %sub3A_1276 = arith.constant 1 : i32
    %sub3A_1277 = vector.broadcast %sub3A_1276 : i32 to vector<16xi32>
    %sub3A_1278 = arith.subi %add3A_1275, %sub3A_1277 : vector<16xi32>
    %swap3A_1279 = arith.constant 7 : i32
    %swap3A_1280 = arith.index_cast %swap3A_1279 : i32 to index
    %swap3A_1281 = arith.constant 48 : index
    %swap3A_1282 = tpu.vector_load %arg12[%swap3A_1280, %swap3A_1281] {strides = array<i32>} : memref<8x128xi32, #tpu.memory_space<vmem>>, vector<16xi32>,
    tpu.vector_store %arg12[%swap3A_1280, %swap3A_1281], %sub3A_1278 {strides = array<i32>} : memref<8x128xi32, #tpu.memory_space<vmem>>, vector<16xi32>,
    tpu.vector_store_idx %arg11[%get3A_1269], %broadcast_in_dim3A_1 {add = true} : memref<1024xi32, #tpu.memory_space<vmem>>[vector<16xi32>], vector<16xi32>,
    %get3A_1283 = arith.constant 960 : index
    %get3A_1284 = tpu.vector_load %arg7[%get3A_1283] {strides = array<i32>} : memref<1024xi32, #tpu.memory_space<vmem>>, vector<16xi32>,
    %gather3A_1285 = tpu.vector_load_idx %arg11[%get3A_1284] : memref<1024xi32, #tpu.memory_space<vmem>>[vector<16xi32>], vector<16xi32>,
    %broadcast_in_dim3A_1286 = arith.constant true
    %broadcast_in_dim3A_1287 = vector.broadcast %broadcast_in_dim3A_1286 : i1 to vector<16xi1>
    %unique3A_1288, %unique3A_1289 = tpu.scan_count mask(%broadcast_in_dim3A_1287 : vector<16xi1>) value(%get3A_1284 : vector<16xi32>) : vector<16xi1>, vector<16xi32>
    %add3A_1290 = arith.addi %gather3A_1285, %unique3A_1289 : vector<16xi32>
    %sub3A_1291 = arith.constant 1 : i32
    %sub3A_1292 = vector.broadcast %sub3A_1291 : i32 to vector<16xi32>
    %sub3A_1293 = arith.subi %add3A_1290, %sub3A_1292 : vector<16xi32>
    %swap3A_1294 = arith.constant 7 : i32
    %swap3A_1295 = arith.index_cast %swap3A_1294 : i32 to index
    %swap3A_1296 = arith.constant 64 : index
    %swap3A_1297 = tpu.vector_load %arg12[%swap3A_1295, %swap3A_1296] {strides = array<i32>} : memref<8x128xi32, #tpu.memory_space<vmem>>, vector<16xi32>,
    tpu.vector_store %arg12[%swap3A_1295, %swap3A_1296], %sub3A_1293 {strides = array<i32>} : memref<8x128xi32, #tpu.memory_space<vmem>>, vector<16xi32>,
    tpu.vector_store_idx %arg11[%get3A_1284], %broadcast_in_dim3A_1 {add = true} : memref<1024xi32, #tpu.memory_space<vmem>>[vector<16xi32>], vector<16xi32>,
    %get3A_1298 = arith.constant 976 : index
    %get3A_1299 = tpu.vector_load %arg7[%get3A_1298] {strides = array<i32>} : memref<1024xi32, #tpu.memory_space<vmem>>, vector<16xi32>,
    %gather3A_1300 = tpu.vector_load_idx %arg11[%get3A_1299] : memref<1024xi32, #tpu.memory_space<vmem>>[vector<16xi32>], vector<16xi32>,
    %broadcast_in_dim3A_1301 = arith.constant true
    %broadcast_in_dim3A_1302 = vector.broadcast %broadcast_in_dim3A_1301 : i1 to vector<16xi1>
    %unique3A_1303, %unique3A_1304 = tpu.scan_count mask(%broadcast_in_dim3A_1302 : vector<16xi1>) value(%get3A_1299 : vector<16xi32>) : vector<16xi1>, vector<16xi32>
    %add3A_1305 = arith.addi %gather3A_1300, %unique3A_1304 : vector<16xi32>
    %sub3A_1306 = arith.constant 1 : i32
    %sub3A_1307 = vector.broadcast %sub3A_1306 : i32 to vector<16xi32>
    %sub3A_1308 = arith.subi %add3A_1305, %sub3A_1307 : vector<16xi32>
    %swap3A_1309 = arith.constant 7 : i32
    %swap3A_1310 = arith.index_cast %swap3A_1309 : i32 to index
    %swap3A_1311 = arith.constant 80 : index
    %swap3A_1312 = tpu.vector_load %arg12[%swap3A_1310, %swap3A_1311] {strides = array<i32>} : memref<8x128xi32, #tpu.memory_space<vmem>>, vector<16xi32>,
    tpu.vector_store %arg12[%swap3A_1310, %swap3A_1311], %sub3A_1308 {strides = array<i32>} : memref<8x128xi32, #tpu.memory_space<vmem>>, vector<16xi32>,
    tpu.vector_store_idx %arg11[%get3A_1299], %broadcast_in_dim3A_1 {add = true} : memref<1024xi32, #tpu.memory_space<vmem>>[vector<16xi32>], vector<16xi32>,
    %get3A_1313 = arith.constant 992 : index
    %get3A_1314 = tpu.vector_load %arg7[%get3A_1313] {strides = array<i32>} : memref<1024xi32, #tpu.memory_space<vmem>>, vector<16xi32>,
    %gather3A_1315 = tpu.vector_load_idx %arg11[%get3A_1314] : memref<1024xi32, #tpu.memory_space<vmem>>[vector<16xi32>], vector<16xi32>,
    %broadcast_in_dim3A_1316 = arith.constant true
    %broadcast_in_dim3A_1317 = vector.broadcast %broadcast_in_dim3A_1316 : i1 to vector<16xi1>
    %unique3A_1318, %unique3A_1319 = tpu.scan_count mask(%broadcast_in_dim3A_1317 : vector<16xi1>) value(%get3A_1314 : vector<16xi32>) : vector<16xi1>, vector<16xi32>
    %add3A_1320 = arith.addi %gather3A_1315, %unique3A_1319 : vector<16xi32>
    %sub3A_1321 = arith.constant 1 : i32
    %sub3A_1322 = vector.broadcast %sub3A_1321 : i32 to vector<16xi32>
    %sub3A_1323 = arith.subi %add3A_1320, %sub3A_1322 : vector<16xi32>
    %swap3A_1324 = arith.constant 7 : i32
    %swap3A_1325 = arith.index_cast %swap3A_1324 : i32 to index
    %swap3A_1326 = arith.constant 96 : index
    %swap3A_1327 = tpu.vector_load %arg12[%swap3A_1325, %swap3A_1326] {strides = array<i32>} : memref<8x128xi32, #tpu.memory_space<vmem>>, vector<16xi32>,
    tpu.vector_store %arg12[%swap3A_1325, %swap3A_1326], %sub3A_1323 {strides = array<i32>} : memref<8x128xi32, #tpu.memory_space<vmem>>, vector<16xi32>,
    tpu.vector_store_idx %arg11[%get3A_1314], %broadcast_in_dim3A_1 {add = true} : memref<1024xi32, #tpu.memory_space<vmem>>[vector<16xi32>], vector<16xi32>,
    %get3A_1328 = arith.constant 1008 : index
    %get3A_1329 = tpu.vector_load %arg7[%get3A_1328] {strides = array<i32>} : memref<1024xi32, #tpu.memory_space<vmem>>, vector<16xi32>,
    %gather3A_1330 = tpu.vector_load_idx %arg11[%get3A_1329] : memref<1024xi32, #tpu.memory_space<vmem>>[vector<16xi32>], vector<16xi32>,
    %broadcast_in_dim3A_1331 = arith.constant true
    %broadcast_in_dim3A_1332 = vector.broadcast %broadcast_in_dim3A_1331 : i1 to vector<16xi1>
    %unique3A_1333, %unique3A_1334 = tpu.scan_count mask(%broadcast_in_dim3A_1332 : vector<16xi1>) value(%get3A_1329 : vector<16xi32>) : vector<16xi1>, vector<16xi32>
    %add3A_1335 = arith.addi %gather3A_1330, %unique3A_1334 : vector<16xi32>
    %sub3A_1336 = arith.constant 1 : i32
    %sub3A_1337 = vector.broadcast %sub3A_1336 : i32 to vector<16xi32>
    %sub3A_1338 = arith.subi %add3A_1335, %sub3A_1337 : vector<16xi32>
    %swap3A_1339 = arith.constant 7 : i32
    %swap3A_1340 = arith.index_cast %swap3A_1339 : i32 to index
    %swap3A_1341 = arith.constant 112 : index
    %swap3A_1342 = tpu.vector_load %arg12[%swap3A_1340, %swap3A_1341] {strides = array<i32>} : memref<8x128xi32, #tpu.memory_space<vmem>>, vector<16xi32>,
    tpu.vector_store %arg12[%swap3A_1340, %swap3A_1341], %sub3A_1338 {strides = array<i32>} : memref<8x128xi32, #tpu.memory_space<vmem>>, vector<16xi32>,
    tpu.vector_store_idx %arg11[%get3A_1329], %broadcast_in_dim3A_1 {add = true} : memref<1024xi32, #tpu.memory_space<vmem>>[vector<16xi32>], vector<16xi32>,
    %run_scoped3A = arith.constant 0 : i32
    "tpu.region"() ({
      %run_scoped3A_1426 = tpu.sem_alloc : memref<!tpu.dma_semaphore, #tpu.memory_space<semaphore_mem>>
      %dma_start3A = arith.constant 0 : i32
      %dma_start3A_1427 = tpu.memref_slice %arg8[%dma_start3A] : memref<1024xf32, #tpu.memory_space<vmem>> -> memref<128xf32, #tpu.memory_space<vmem>>
      %dma_start3A_1428 = arith.constant 0 : i32
      %dma_start3A_1429 = tpu.memref_slice %arg12[%run_scoped3A, %dma_start3A_1428] : memref<8x128xi32, #tpu.memory_space<vmem>> -> memref<1x128xi32, #tpu.memory_space<vmem>>
      %dma_start3A_1430 = tpu.memref_squeeze %dma_start3A_1429 : memref<1x128xi32, #tpu.memory_space<vmem>> -> memref<128xi32, #tpu.memory_space<vmem>>
      %dma_start3A_1431 = arith.constant 0 : i32
      %dma_start3A_1432 = tpu.memref_slice %arg25[%dma_start3A_1431] : memref<32256xf32, #tpu.memory_space<vmem_shared>> -> memref<32256xf32, #tpu.memory_space<vmem_shared>>
      tpu.enqueue_indirect_dma source(%dma_start3A_1427 : memref<128xf32, #tpu.memory_space<vmem>>) target(%dma_start3A_1432 : memref<32256xf32, #tpu.memory_space<vmem_shared>>) offsets(%dma_start3A_1430 : memref<128xi32, #tpu.memory_space<vmem>>) semaphore(%run_scoped3A_1426 : memref<!tpu.dma_semaphore, #tpu.memory_space<semaphore_mem>>)
      %dma_wait3A = arith.constant 0 : i32
      %dma_wait3A_1433 = tpu.memref_slice %arg8[%dma_wait3A] : memref<1024xf32, #tpu.memory_space<vmem>> -> memref<128xf32, #tpu.memory_space<vmem>>
      %dma_wait3A_1434 = arith.constant 0 : i32
      %dma_wait3A_1435 = tpu.memref_slice %arg12[%run_scoped3A, %dma_wait3A_1434] : memref<8x128xi32, #tpu.memory_space<vmem>> -> memref<1x128xi32, #tpu.memory_space<vmem>>
      %dma_wait3A_1436 = tpu.memref_squeeze %dma_wait3A_1435 : memref<1x128xi32, #tpu.memory_space<vmem>> -> memref<128xi32, #tpu.memory_space<vmem>>
      %dma_wait3A_1437 = arith.constant 0 : i32
      %dma_wait3A_1438 = tpu.memref_slice %arg25[%dma_wait3A_1437] : memref<32256xf32, #tpu.memory_space<vmem_shared>> -> memref<32256xf32, #tpu.memory_space<vmem_shared>>
      tpu.wait_indirect_dma semaphore(%run_scoped3A_1426 : memref<!tpu.dma_semaphore, #tpu.memory_space<semaphore_mem>>) src(%dma_wait3A_1433 : memref<128xf32, #tpu.memory_space<vmem>>) dst(%dma_wait3A_1438 : memref<32256xf32, #tpu.memory_space<vmem_shared>>)
      tpu.yield
    }) : () -> ()
    %run_scoped3A_1343 = arith.constant 0 : i32
    "tpu.region"() ({
      %run_scoped3A_1426 = tpu.sem_alloc : memref<!tpu.dma_semaphore, #tpu.memory_space<semaphore_mem>>
      %dma_start3A = arith.constant 0 : i32
      %dma_start3A_1427 = tpu.memref_slice %arg9[%dma_start3A] : memref<1024xf32, #tpu.memory_space<vmem>> -> memref<128xf32, #tpu.memory_space<vmem>>
      %dma_start3A_1428 = arith.constant 0 : i32
      %dma_start3A_1429 = tpu.memref_slice %arg12[%run_scoped3A_1343, %dma_start3A_1428] : memref<8x128xi32, #tpu.memory_space<vmem>> -> memref<1x128xi32, #tpu.memory_space<vmem>>
      %dma_start3A_1430 = tpu.memref_squeeze %dma_start3A_1429 : memref<1x128xi32, #tpu.memory_space<vmem>> -> memref<128xi32, #tpu.memory_space<vmem>>
      %dma_start3A_1431 = arith.constant 0 : i32
      %dma_start3A_1432 = tpu.memref_slice %arg26[%dma_start3A_1431] : memref<32256xf32, #tpu.memory_space<vmem_shared>> -> memref<32256xf32, #tpu.memory_space<vmem_shared>>
      tpu.enqueue_indirect_dma source(%dma_start3A_1427 : memref<128xf32, #tpu.memory_space<vmem>>) target(%dma_start3A_1432 : memref<32256xf32, #tpu.memory_space<vmem_shared>>) offsets(%dma_start3A_1430 : memref<128xi32, #tpu.memory_space<vmem>>) semaphore(%run_scoped3A_1426 : memref<!tpu.dma_semaphore, #tpu.memory_space<semaphore_mem>>)
      %dma_wait3A = arith.constant 0 : i32
      %dma_wait3A_1433 = tpu.memref_slice %arg9[%dma_wait3A] : memref<1024xf32, #tpu.memory_space<vmem>> -> memref<128xf32, #tpu.memory_space<vmem>>
      %dma_wait3A_1434 = arith.constant 0 : i32
      %dma_wait3A_1435 = tpu.memref_slice %arg12[%run_scoped3A_1343, %dma_wait3A_1434] : memref<8x128xi32, #tpu.memory_space<vmem>> -> memref<1x128xi32, #tpu.memory_space<vmem>>
      %dma_wait3A_1436 = tpu.memref_squeeze %dma_wait3A_1435 : memref<1x128xi32, #tpu.memory_space<vmem>> -> memref<128xi32, #tpu.memory_space<vmem>>
      %dma_wait3A_1437 = arith.constant 0 : i32
      %dma_wait3A_1438 = tpu.memref_slice %arg26[%dma_wait3A_1437] : memref<32256xf32, #tpu.memory_space<vmem_shared>> -> memref<32256xf32, #tpu.memory_space<vmem_shared>>
      tpu.wait_indirect_dma semaphore(%run_scoped3A_1426 : memref<!tpu.dma_semaphore, #tpu.memory_space<semaphore_mem>>) src(%dma_wait3A_1433 : memref<128xf32, #tpu.memory_space<vmem>>) dst(%dma_wait3A_1438 : memref<32256xf32, #tpu.memory_space<vmem_shared>>)
      tpu.yield
    }) : () -> ()
    %run_scoped3A_1344 = arith.constant 1 : i32
    "tpu.region"() ({
      %run_scoped3A_1426 = tpu.sem_alloc : memref<!tpu.dma_semaphore, #tpu.memory_space<semaphore_mem>>
      %dma_start3A = arith.constant 128 : i32
      %dma_start3A_1427 = tpu.memref_slice %arg8[%dma_start3A] : memref<1024xf32, #tpu.memory_space<vmem>> -> memref<128xf32, #tpu.memory_space<vmem>>
      %dma_start3A_1428 = arith.constant 0 : i32
      %dma_start3A_1429 = tpu.memref_slice %arg12[%run_scoped3A_1344, %dma_start3A_1428] : memref<8x128xi32, #tpu.memory_space<vmem>> -> memref<1x128xi32, #tpu.memory_space<vmem>>
      %dma_start3A_1430 = tpu.memref_squeeze %dma_start3A_1429 : memref<1x128xi32, #tpu.memory_space<vmem>> -> memref<128xi32, #tpu.memory_space<vmem>>
      %dma_start3A_1431 = arith.constant 0 : i32
      %dma_start3A_1432 = tpu.memref_slice %arg25[%dma_start3A_1431] : memref<32256xf32, #tpu.memory_space<vmem_shared>> -> memref<32256xf32, #tpu.memory_space<vmem_shared>>
      tpu.enqueue_indirect_dma source(%dma_start3A_1427 : memref<128xf32, #tpu.memory_space<vmem>>) target(%dma_start3A_1432 : memref<32256xf32, #tpu.memory_space<vmem_shared>>) offsets(%dma_start3A_1430 : memref<128xi32, #tpu.memory_space<vmem>>) semaphore(%run_scoped3A_1426 : memref<!tpu.dma_semaphore, #tpu.memory_space<semaphore_mem>>)
      %dma_wait3A = arith.constant 128 : i32
      %dma_wait3A_1433 = tpu.memref_slice %arg8[%dma_wait3A] : memref<1024xf32, #tpu.memory_space<vmem>> -> memref<128xf32, #tpu.memory_space<vmem>>
      %dma_wait3A_1434 = arith.constant 0 : i32
      %dma_wait3A_1435 = tpu.memref_slice %arg12[%run_scoped3A_1344, %dma_wait3A_1434] : memref<8x128xi32, #tpu.memory_space<vmem>> -> memref<1x128xi32, #tpu.memory_space<vmem>>
      %dma_wait3A_1436 = tpu.memref_squeeze %dma_wait3A_1435 : memref<1x128xi32, #tpu.memory_space<vmem>> -> memref<128xi32, #tpu.memory_space<vmem>>
      %dma_wait3A_1437 = arith.constant 0 : i32
      %dma_wait3A_1438 = tpu.memref_slice %arg25[%dma_wait3A_1437] : memref<32256xf32, #tpu.memory_space<vmem_shared>> -> memref<32256xf32, #tpu.memory_space<vmem_shared>>
      tpu.wait_indirect_dma semaphore(%run_scoped3A_1426 : memref<!tpu.dma_semaphore, #tpu.memory_space<semaphore_mem>>) src(%dma_wait3A_1433 : memref<128xf32, #tpu.memory_space<vmem>>) dst(%dma_wait3A_1438 : memref<32256xf32, #tpu.memory_space<vmem_shared>>)
      tpu.yield
    }) : () -> ()
    %run_scoped3A_1345 = arith.constant 1 : i32
    "tpu.region"() ({
      %run_scoped3A_1426 = tpu.sem_alloc : memref<!tpu.dma_semaphore, #tpu.memory_space<semaphore_mem>>
      %dma_start3A = arith.constant 128 : i32
      %dma_start3A_1427 = tpu.memref_slice %arg9[%dma_start3A] : memref<1024xf32, #tpu.memory_space<vmem>> -> memref<128xf32, #tpu.memory_space<vmem>>
      %dma_start3A_1428 = arith.constant 0 : i32
      %dma_start3A_1429 = tpu.memref_slice %arg12[%run_scoped3A_1345, %dma_start3A_1428] : memref<8x128xi32, #tpu.memory_space<vmem>> -> memref<1x128xi32, #tpu.memory_space<vmem>>
      %dma_start3A_1430 = tpu.memref_squeeze %dma_start3A_1429 : memref<1x128xi32, #tpu.memory_space<vmem>> -> memref<128xi32, #tpu.memory_space<vmem>>
      %dma_start3A_1431 = arith.constant 0 : i32
      %dma_start3A_1432 = tpu.memref_slice %arg26[%dma_start3A_1431] : memref<32256xf32, #tpu.memory_space<vmem_shared>> -> memref<32256xf32, #tpu.memory_space<vmem_shared>>
      tpu.enqueue_indirect_dma source(%dma_start3A_1427 : memref<128xf32, #tpu.memory_space<vmem>>) target(%dma_start3A_1432 : memref<32256xf32, #tpu.memory_space<vmem_shared>>) offsets(%dma_start3A_1430 : memref<128xi32, #tpu.memory_space<vmem>>) semaphore(%run_scoped3A_1426 : memref<!tpu.dma_semaphore, #tpu.memory_space<semaphore_mem>>)
      %dma_wait3A = arith.constant 128 : i32
      %dma_wait3A_1433 = tpu.memref_slice %arg9[%dma_wait3A] : memref<1024xf32, #tpu.memory_space<vmem>> -> memref<128xf32, #tpu.memory_space<vmem>>
      %dma_wait3A_1434 = arith.constant 0 : i32
      %dma_wait3A_1435 = tpu.memref_slice %arg12[%run_scoped3A_1345, %dma_wait3A_1434] : memref<8x128xi32, #tpu.memory_space<vmem>> -> memref<1x128xi32, #tpu.memory_space<vmem>>
      %dma_wait3A_1436 = tpu.memref_squeeze %dma_wait3A_1435 : memref<1x128xi32, #tpu.memory_space<vmem>> -> memref<128xi32, #tpu.memory_space<vmem>>
      %dma_wait3A_1437 = arith.constant 0 : i32
      %dma_wait3A_1438 = tpu.memref_slice %arg26[%dma_wait3A_1437] : memref<32256xf32, #tpu.memory_space<vmem_shared>> -> memref<32256xf32, #tpu.memory_space<vmem_shared>>
      tpu.wait_indirect_dma semaphore(%run_scoped3A_1426 : memref<!tpu.dma_semaphore, #tpu.memory_space<semaphore_mem>>) src(%dma_wait3A_1433 : memref<128xf32, #tpu.memory_space<vmem>>) dst(%dma_wait3A_1438 : memref<32256xf32, #tpu.memory_space<vmem_shared>>)
      tpu.yield
    }) : () -> ()
    %run_scoped3A_1346 = arith.constant 2 : i32
    "tpu.region"() ({
      %run_scoped3A_1426 = tpu.sem_alloc : memref<!tpu.dma_semaphore, #tpu.memory_space<semaphore_mem>>
      %dma_start3A = arith.constant 256 : i32
      %dma_start3A_1427 = tpu.memref_slice %arg8[%dma_start3A] : memref<1024xf32, #tpu.memory_space<vmem>> -> memref<128xf32, #tpu.memory_space<vmem>>
      %dma_start3A_1428 = arith.constant 0 : i32
      %dma_start3A_1429 = tpu.memref_slice %arg12[%run_scoped3A_1346, %dma_start3A_1428] : memref<8x128xi32, #tpu.memory_space<vmem>> -> memref<1x128xi32, #tpu.memory_space<vmem>>
      %dma_start3A_1430 = tpu.memref_squeeze %dma_start3A_1429 : memref<1x128xi32, #tpu.memory_space<vmem>> -> memref<128xi32, #tpu.memory_space<vmem>>
      %dma_start3A_1431 = arith.constant 0 : i32
      %dma_start3A_1432 = tpu.memref_slice %arg25[%dma_start3A_1431] : memref<32256xf32, #tpu.memory_space<vmem_shared>> -> memref<32256xf32, #tpu.memory_space<vmem_shared>>
      tpu.enqueue_indirect_dma source(%dma_start3A_1427 : memref<128xf32, #tpu.memory_space<vmem>>) target(%dma_start3A_1432 : memref<32256xf32, #tpu.memory_space<vmem_shared>>) offsets(%dma_start3A_1430 : memref<128xi32, #tpu.memory_space<vmem>>) semaphore(%run_scoped3A_1426 : memref<!tpu.dma_semaphore, #tpu.memory_space<semaphore_mem>>)
      %dma_wait3A = arith.constant 256 : i32
      %dma_wait3A_1433 = tpu.memref_slice %arg8[%dma_wait3A] : memref<1024xf32, #tpu.memory_space<vmem>> -> memref<128xf32, #tpu.memory_space<vmem>>
      %dma_wait3A_1434 = arith.constant 0 : i32
      %dma_wait3A_1435 = tpu.memref_slice %arg12[%run_scoped3A_1346, %dma_wait3A_1434] : memref<8x128xi32, #tpu.memory_space<vmem>> -> memref<1x128xi32, #tpu.memory_space<vmem>>
      %dma_wait3A_1436 = tpu.memref_squeeze %dma_wait3A_1435 : memref<1x128xi32, #tpu.memory_space<vmem>> -> memref<128xi32, #tpu.memory_space<vmem>>
      %dma_wait3A_1437 = arith.constant 0 : i32
      %dma_wait3A_1438 = tpu.memref_slice %arg25[%dma_wait3A_1437] : memref<32256xf32, #tpu.memory_space<vmem_shared>> -> memref<32256xf32, #tpu.memory_space<vmem_shared>>
      tpu.wait_indirect_dma semaphore(%run_scoped3A_1426 : memref<!tpu.dma_semaphore, #tpu.memory_space<semaphore_mem>>) src(%dma_wait3A_1433 : memref<128xf32, #tpu.memory_space<vmem>>) dst(%dma_wait3A_1438 : memref<32256xf32, #tpu.memory_space<vmem_shared>>)
      tpu.yield
    }) : () -> ()
    %run_scoped3A_1347 = arith.constant 2 : i32
    "tpu.region"() ({
      %run_scoped3A_1426 = tpu.sem_alloc : memref<!tpu.dma_semaphore, #tpu.memory_space<semaphore_mem>>
      %dma_start3A = arith.constant 256 : i32
      %dma_start3A_1427 = tpu.memref_slice %arg9[%dma_start3A] : memref<1024xf32, #tpu.memory_space<vmem>> -> memref<128xf32, #tpu.memory_space<vmem>>
      %dma_start3A_1428 = arith.constant 0 : i32
      %dma_start3A_1429 = tpu.memref_slice %arg12[%run_scoped3A_1347, %dma_start3A_1428] : memref<8x128xi32, #tpu.memory_space<vmem>> -> memref<1x128xi32, #tpu.memory_space<vmem>>
      %dma_start3A_1430 = tpu.memref_squeeze %dma_start3A_1429 : memref<1x128xi32, #tpu.memory_space<vmem>> -> memref<128xi32, #tpu.memory_space<vmem>>
      %dma_start3A_1431 = arith.constant 0 : i32
      %dma_start3A_1432 = tpu.memref_slice %arg26[%dma_start3A_1431] : memref<32256xf32, #tpu.memory_space<vmem_shared>> -> memref<32256xf32, #tpu.memory_space<vmem_shared>>
      tpu.enqueue_indirect_dma source(%dma_start3A_1427 : memref<128xf32, #tpu.memory_space<vmem>>) target(%dma_start3A_1432 : memref<32256xf32, #tpu.memory_space<vmem_shared>>) offsets(%dma_start3A_1430 : memref<128xi32, #tpu.memory_space<vmem>>) semaphore(%run_scoped3A_1426 : memref<!tpu.dma_semaphore, #tpu.memory_space<semaphore_mem>>)
      %dma_wait3A = arith.constant 256 : i32
      %dma_wait3A_1433 = tpu.memref_slice %arg9[%dma_wait3A] : memref<1024xf32, #tpu.memory_space<vmem>> -> memref<128xf32, #tpu.memory_space<vmem>>
      %dma_wait3A_1434 = arith.constant 0 : i32
      %dma_wait3A_1435 = tpu.memref_slice %arg12[%run_scoped3A_1347, %dma_wait3A_1434] : memref<8x128xi32, #tpu.memory_space<vmem>> -> memref<1x128xi32, #tpu.memory_space<vmem>>
      %dma_wait3A_1436 = tpu.memref_squeeze %dma_wait3A_1435 : memref<1x128xi32, #tpu.memory_space<vmem>> -> memref<128xi32, #tpu.memory_space<vmem>>
      %dma_wait3A_1437 = arith.constant 0 : i32
      %dma_wait3A_1438 = tpu.memref_slice %arg26[%dma_wait3A_1437] : memref<32256xf32, #tpu.memory_space<vmem_shared>> -> memref<32256xf32, #tpu.memory_space<vmem_shared>>
      tpu.wait_indirect_dma semaphore(%run_scoped3A_1426 : memref<!tpu.dma_semaphore, #tpu.memory_space<semaphore_mem>>) src(%dma_wait3A_1433 : memref<128xf32, #tpu.memory_space<vmem>>) dst(%dma_wait3A_1438 : memref<32256xf32, #tpu.memory_space<vmem_shared>>)
      tpu.yield
    }) : () -> ()
    %run_scoped3A_1348 = arith.constant 3 : i32
    "tpu.region"() ({
      %run_scoped3A_1426 = tpu.sem_alloc : memref<!tpu.dma_semaphore, #tpu.memory_space<semaphore_mem>>
      %dma_start3A = arith.constant 384 : i32
      %dma_start3A_1427 = tpu.memref_slice %arg8[%dma_start3A] : memref<1024xf32, #tpu.memory_space<vmem>> -> memref<128xf32, #tpu.memory_space<vmem>>
      %dma_start3A_1428 = arith.constant 0 : i32
      %dma_start3A_1429 = tpu.memref_slice %arg12[%run_scoped3A_1348, %dma_start3A_1428] : memref<8x128xi32, #tpu.memory_space<vmem>> -> memref<1x128xi32, #tpu.memory_space<vmem>>
      %dma_start3A_1430 = tpu.memref_squeeze %dma_start3A_1429 : memref<1x128xi32, #tpu.memory_space<vmem>> -> memref<128xi32, #tpu.memory_space<vmem>>
      %dma_start3A_1431 = arith.constant 0 : i32
      %dma_start3A_1432 = tpu.memref_slice %arg25[%dma_start3A_1431] : memref<32256xf32, #tpu.memory_space<vmem_shared>> -> memref<32256xf32, #tpu.memory_space<vmem_shared>>
      tpu.enqueue_indirect_dma source(%dma_start3A_1427 : memref<128xf32, #tpu.memory_space<vmem>>) target(%dma_start3A_1432 : memref<32256xf32, #tpu.memory_space<vmem_shared>>) offsets(%dma_start3A_1430 : memref<128xi32, #tpu.memory_space<vmem>>) semaphore(%run_scoped3A_1426 : memref<!tpu.dma_semaphore, #tpu.memory_space<semaphore_mem>>)
      %dma_wait3A = arith.constant 384 : i32
      %dma_wait3A_1433 = tpu.memref_slice %arg8[%dma_wait3A] : memref<1024xf32, #tpu.memory_space<vmem>> -> memref<128xf32, #tpu.memory_space<vmem>>
      %dma_wait3A_1434 = arith.constant 0 : i32
      %dma_wait3A_1435 = tpu.memref_slice %arg12[%run_scoped3A_1348, %dma_wait3A_1434] : memref<8x128xi32, #tpu.memory_space<vmem>> -> memref<1x128xi32, #tpu.memory_space<vmem>>
      %dma_wait3A_1436 = tpu.memref_squeeze %dma_wait3A_1435 : memref<1x128xi32, #tpu.memory_space<vmem>> -> memref<128xi32, #tpu.memory_space<vmem>>
      %dma_wait3A_1437 = arith.constant 0 : i32
      %dma_wait3A_1438 = tpu.memref_slice %arg25[%dma_wait3A_1437] : memref<32256xf32, #tpu.memory_space<vmem_shared>> -> memref<32256xf32, #tpu.memory_space<vmem_shared>>
      tpu.wait_indirect_dma semaphore(%run_scoped3A_1426 : memref<!tpu.dma_semaphore, #tpu.memory_space<semaphore_mem>>) src(%dma_wait3A_1433 : memref<128xf32, #tpu.memory_space<vmem>>) dst(%dma_wait3A_1438 : memref<32256xf32, #tpu.memory_space<vmem_shared>>)
      tpu.yield
    }) : () -> ()
    %run_scoped3A_1349 = arith.constant 3 : i32
    "tpu.region"() ({
      %run_scoped3A_1426 = tpu.sem_alloc : memref<!tpu.dma_semaphore, #tpu.memory_space<semaphore_mem>>
      %dma_start3A = arith.constant 384 : i32
      %dma_start3A_1427 = tpu.memref_slice %arg9[%dma_start3A] : memref<1024xf32, #tpu.memory_space<vmem>> -> memref<128xf32, #tpu.memory_space<vmem>>
      %dma_start3A_1428 = arith.constant 0 : i32
      %dma_start3A_1429 = tpu.memref_slice %arg12[%run_scoped3A_1349, %dma_start3A_1428] : memref<8x128xi32, #tpu.memory_space<vmem>> -> memref<1x128xi32, #tpu.memory_space<vmem>>
      %dma_start3A_1430 = tpu.memref_squeeze %dma_start3A_1429 : memref<1x128xi32, #tpu.memory_space<vmem>> -> memref<128xi32, #tpu.memory_space<vmem>>
      %dma_start3A_1431 = arith.constant 0 : i32
      %dma_start3A_1432 = tpu.memref_slice %arg26[%dma_start3A_1431] : memref<32256xf32, #tpu.memory_space<vmem_shared>> -> memref<32256xf32, #tpu.memory_space<vmem_shared>>
      tpu.enqueue_indirect_dma source(%dma_start3A_1427 : memref<128xf32, #tpu.memory_space<vmem>>) target(%dma_start3A_1432 : memref<32256xf32, #tpu.memory_space<vmem_shared>>) offsets(%dma_start3A_1430 : memref<128xi32, #tpu.memory_space<vmem>>) semaphore(%run_scoped3A_1426 : memref<!tpu.dma_semaphore, #tpu.memory_space<semaphore_mem>>)
      %dma_wait3A = arith.constant 384 : i32
      %dma_wait3A_1433 = tpu.memref_slice %arg9[%dma_wait3A] : memref<1024xf32, #tpu.memory_space<vmem>> -> memref<128xf32, #tpu.memory_space<vmem>>
      %dma_wait3A_1434 = arith.constant 0 : i32
      %dma_wait3A_1435 = tpu.memref_slice %arg12[%run_scoped3A_1349, %dma_wait3A_1434] : memref<8x128xi32, #tpu.memory_space<vmem>> -> memref<1x128xi32, #tpu.memory_space<vmem>>
      %dma_wait3A_1436 = tpu.memref_squeeze %dma_wait3A_1435 : memref<1x128xi32, #tpu.memory_space<vmem>> -> memref<128xi32, #tpu.memory_space<vmem>>
      %dma_wait3A_1437 = arith.constant 0 : i32
      %dma_wait3A_1438 = tpu.memref_slice %arg26[%dma_wait3A_1437] : memref<32256xf32, #tpu.memory_space<vmem_shared>> -> memref<32256xf32, #tpu.memory_space<vmem_shared>>
      tpu.wait_indirect_dma semaphore(%run_scoped3A_1426 : memref<!tpu.dma_semaphore, #tpu.memory_space<semaphore_mem>>) src(%dma_wait3A_1433 : memref<128xf32, #tpu.memory_space<vmem>>) dst(%dma_wait3A_1438 : memref<32256xf32, #tpu.memory_space<vmem_shared>>)
      tpu.yield
    }) : () -> ()
    %run_scoped3A_1350 = arith.constant 4 : i32
    "tpu.region"() ({
      %run_scoped3A_1426 = tpu.sem_alloc : memref<!tpu.dma_semaphore, #tpu.memory_space<semaphore_mem>>
      %dma_start3A = arith.constant 512 : i32
      %dma_start3A_1427 = tpu.memref_slice %arg8[%dma_start3A] : memref<1024xf32, #tpu.memory_space<vmem>> -> memref<128xf32, #tpu.memory_space<vmem>>
      %dma_start3A_1428 = arith.constant 0 : i32
      %dma_start3A_1429 = tpu.memref_slice %arg12[%run_scoped3A_1350, %dma_start3A_1428] : memref<8x128xi32, #tpu.memory_space<vmem>> -> memref<1x128xi32, #tpu.memory_space<vmem>>
      %dma_start3A_1430 = tpu.memref_squeeze %dma_start3A_1429 : memref<1x128xi32, #tpu.memory_space<vmem>> -> memref<128xi32, #tpu.memory_space<vmem>>
      %dma_start3A_1431 = arith.constant 0 : i32
      %dma_start3A_1432 = tpu.memref_slice %arg25[%dma_start3A_1431] : memref<32256xf32, #tpu.memory_space<vmem_shared>> -> memref<32256xf32, #tpu.memory_space<vmem_shared>>
      tpu.enqueue_indirect_dma source(%dma_start3A_1427 : memref<128xf32, #tpu.memory_space<vmem>>) target(%dma_start3A_1432 : memref<32256xf32, #tpu.memory_space<vmem_shared>>) offsets(%dma_start3A_1430 : memref<128xi32, #tpu.memory_space<vmem>>) semaphore(%run_scoped3A_1426 : memref<!tpu.dma_semaphore, #tpu.memory_space<semaphore_mem>>)
      %dma_wait3A = arith.constant 512 : i32
      %dma_wait3A_1433 = tpu.memref_slice %arg8[%dma_wait3A] : memref<1024xf32, #tpu.memory_space<vmem>> -> memref<128xf32, #tpu.memory_space<vmem>>
      %dma_wait3A_1434 = arith.constant 0 : i32
      %dma_wait3A_1435 = tpu.memref_slice %arg12[%run_scoped3A_1350, %dma_wait3A_1434] : memref<8x128xi32, #tpu.memory_space<vmem>> -> memref<1x128xi32, #tpu.memory_space<vmem>>
      %dma_wait3A_1436 = tpu.memref_squeeze %dma_wait3A_1435 : memref<1x128xi32, #tpu.memory_space<vmem>> -> memref<128xi32, #tpu.memory_space<vmem>>
      %dma_wait3A_1437 = arith.constant 0 : i32
      %dma_wait3A_1438 = tpu.memref_slice %arg25[%dma_wait3A_1437] : memref<32256xf32, #tpu.memory_space<vmem_shared>> -> memref<32256xf32, #tpu.memory_space<vmem_shared>>
      tpu.wait_indirect_dma semaphore(%run_scoped3A_1426 : memref<!tpu.dma_semaphore, #tpu.memory_space<semaphore_mem>>) src(%dma_wait3A_1433 : memref<128xf32, #tpu.memory_space<vmem>>) dst(%dma_wait3A_1438 : memref<32256xf32, #tpu.memory_space<vmem_shared>>)
      tpu.yield
    }) : () -> ()
    %run_scoped3A_1351 = arith.constant 4 : i32
    "tpu.region"() ({
      %run_scoped3A_1426 = tpu.sem_alloc : memref<!tpu.dma_semaphore, #tpu.memory_space<semaphore_mem>>
      %dma_start3A = arith.constant 512 : i32
      %dma_start3A_1427 = tpu.memref_slice %arg9[%dma_start3A] : memref<1024xf32, #tpu.memory_space<vmem>> -> memref<128xf32, #tpu.memory_space<vmem>>
      %dma_start3A_1428 = arith.constant 0 : i32
      %dma_start3A_1429 = tpu.memref_slice %arg12[%run_scoped3A_1351, %dma_start3A_1428] : memref<8x128xi32, #tpu.memory_space<vmem>> -> memref<1x128xi32, #tpu.memory_space<vmem>>
      %dma_start3A_1430 = tpu.memref_squeeze %dma_start3A_1429 : memref<1x128xi32, #tpu.memory_space<vmem>> -> memref<128xi32, #tpu.memory_space<vmem>>
      %dma_start3A_1431 = arith.constant 0 : i32
      %dma_start3A_1432 = tpu.memref_slice %arg26[%dma_start3A_1431] : memref<32256xf32, #tpu.memory_space<vmem_shared>> -> memref<32256xf32, #tpu.memory_space<vmem_shared>>
      tpu.enqueue_indirect_dma source(%dma_start3A_1427 : memref<128xf32, #tpu.memory_space<vmem>>) target(%dma_start3A_1432 : memref<32256xf32, #tpu.memory_space<vmem_shared>>) offsets(%dma_start3A_1430 : memref<128xi32, #tpu.memory_space<vmem>>) semaphore(%run_scoped3A_1426 : memref<!tpu.dma_semaphore, #tpu.memory_space<semaphore_mem>>)
      %dma_wait3A = arith.constant 512 : i32
      %dma_wait3A_1433 = tpu.memref_slice %arg9[%dma_wait3A] : memref<1024xf32, #tpu.memory_space<vmem>> -> memref<128xf32, #tpu.memory_space<vmem>>
      %dma_wait3A_1434 = arith.constant 0 : i32
      %dma_wait3A_1435 = tpu.memref_slice %arg12[%run_scoped3A_1351, %dma_wait3A_1434] : memref<8x128xi32, #tpu.memory_space<vmem>> -> memref<1x128xi32, #tpu.memory_space<vmem>>
      %dma_wait3A_1436 = tpu.memref_squeeze %dma_wait3A_1435 : memref<1x128xi32, #tpu.memory_space<vmem>> -> memref<128xi32, #tpu.memory_space<vmem>>
      %dma_wait3A_1437 = arith.constant 0 : i32
      %dma_wait3A_1438 = tpu.memref_slice %arg26[%dma_wait3A_1437] : memref<32256xf32, #tpu.memory_space<vmem_shared>> -> memref<32256xf32, #tpu.memory_space<vmem_shared>>
      tpu.wait_indirect_dma semaphore(%run_scoped3A_1426 : memref<!tpu.dma_semaphore, #tpu.memory_space<semaphore_mem>>) src(%dma_wait3A_1433 : memref<128xf32, #tpu.memory_space<vmem>>) dst(%dma_wait3A_1438 : memref<32256xf32, #tpu.memory_space<vmem_shared>>)
      tpu.yield
    }) : () -> ()
    %run_scoped3A_1352 = arith.constant 5 : i32
    "tpu.region"() ({
      %run_scoped3A_1426 = tpu.sem_alloc : memref<!tpu.dma_semaphore, #tpu.memory_space<semaphore_mem>>
      %dma_start3A = arith.constant 640 : i32
      %dma_start3A_1427 = tpu.memref_slice %arg8[%dma_start3A] : memref<1024xf32, #tpu.memory_space<vmem>> -> memref<128xf32, #tpu.memory_space<vmem>>
      %dma_start3A_1428 = arith.constant 0 : i32
      %dma_start3A_1429 = tpu.memref_slice %arg12[%run_scoped3A_1352, %dma_start3A_1428] : memref<8x128xi32, #tpu.memory_space<vmem>> -> memref<1x128xi32, #tpu.memory_space<vmem>>
      %dma_start3A_1430 = tpu.memref_squeeze %dma_start3A_1429 : memref<1x128xi32, #tpu.memory_space<vmem>> -> memref<128xi32, #tpu.memory_space<vmem>>
      %dma_start3A_1431 = arith.constant 0 : i32
      %dma_start3A_1432 = tpu.memref_slice %arg25[%dma_start3A_1431] : memref<32256xf32, #tpu.memory_space<vmem_shared>> -> memref<32256xf32, #tpu.memory_space<vmem_shared>>
      tpu.enqueue_indirect_dma source(%dma_start3A_1427 : memref<128xf32, #tpu.memory_space<vmem>>) target(%dma_start3A_1432 : memref<32256xf32, #tpu.memory_space<vmem_shared>>) offsets(%dma_start3A_1430 : memref<128xi32, #tpu.memory_space<vmem>>) semaphore(%run_scoped3A_1426 : memref<!tpu.dma_semaphore, #tpu.memory_space<semaphore_mem>>)
      %dma_wait3A = arith.constant 640 : i32
      %dma_wait3A_1433 = tpu.memref_slice %arg8[%dma_wait3A] : memref<1024xf32, #tpu.memory_space<vmem>> -> memref<128xf32, #tpu.memory_space<vmem>>
      %dma_wait3A_1434 = arith.constant 0 : i32
      %dma_wait3A_1435 = tpu.memref_slice %arg12[%run_scoped3A_1352, %dma_wait3A_1434] : memref<8x128xi32, #tpu.memory_space<vmem>> -> memref<1x128xi32, #tpu.memory_space<vmem>>
      %dma_wait3A_1436 = tpu.memref_squeeze %dma_wait3A_1435 : memref<1x128xi32, #tpu.memory_space<vmem>> -> memref<128xi32, #tpu.memory_space<vmem>>
      %dma_wait3A_1437 = arith.constant 0 : i32
      %dma_wait3A_1438 = tpu.memref_slice %arg25[%dma_wait3A_1437] : memref<32256xf32, #tpu.memory_space<vmem_shared>> -> memref<32256xf32, #tpu.memory_space<vmem_shared>>
      tpu.wait_indirect_dma semaphore(%run_scoped3A_1426 : memref<!tpu.dma_semaphore, #tpu.memory_space<semaphore_mem>>) src(%dma_wait3A_1433 : memref<128xf32, #tpu.memory_space<vmem>>) dst(%dma_wait3A_1438 : memref<32256xf32, #tpu.memory_space<vmem_shared>>)
      tpu.yield
    }) : () -> ()
    %run_scoped3A_1353 = arith.constant 5 : i32
    "tpu.region"() ({
      %run_scoped3A_1426 = tpu.sem_alloc : memref<!tpu.dma_semaphore, #tpu.memory_space<semaphore_mem>>
      %dma_start3A = arith.constant 640 : i32
      %dma_start3A_1427 = tpu.memref_slice %arg9[%dma_start3A] : memref<1024xf32, #tpu.memory_space<vmem>> -> memref<128xf32, #tpu.memory_space<vmem>>
      %dma_start3A_1428 = arith.constant 0 : i32
      %dma_start3A_1429 = tpu.memref_slice %arg12[%run_scoped3A_1353, %dma_start3A_1428] : memref<8x128xi32, #tpu.memory_space<vmem>> -> memref<1x128xi32, #tpu.memory_space<vmem>>
      %dma_start3A_1430 = tpu.memref_squeeze %dma_start3A_1429 : memref<1x128xi32, #tpu.memory_space<vmem>> -> memref<128xi32, #tpu.memory_space<vmem>>
      %dma_start3A_1431 = arith.constant 0 : i32
      %dma_start3A_1432 = tpu.memref_slice %arg26[%dma_start3A_1431] : memref<32256xf32, #tpu.memory_space<vmem_shared>> -> memref<32256xf32, #tpu.memory_space<vmem_shared>>
      tpu.enqueue_indirect_dma source(%dma_start3A_1427 : memref<128xf32, #tpu.memory_space<vmem>>) target(%dma_start3A_1432 : memref<32256xf32, #tpu.memory_space<vmem_shared>>) offsets(%dma_start3A_1430 : memref<128xi32, #tpu.memory_space<vmem>>) semaphore(%run_scoped3A_1426 : memref<!tpu.dma_semaphore, #tpu.memory_space<semaphore_mem>>)
      %dma_wait3A = arith.constant 640 : i32
      %dma_wait3A_1433 = tpu.memref_slice %arg9[%dma_wait3A] : memref<1024xf32, #tpu.memory_space<vmem>> -> memref<128xf32, #tpu.memory_space<vmem>>
      %dma_wait3A_1434 = arith.constant 0 : i32
      %dma_wait3A_1435 = tpu.memref_slice %arg12[%run_scoped3A_1353, %dma_wait3A_1434] : memref<8x128xi32, #tpu.memory_space<vmem>> -> memref<1x128xi32, #tpu.memory_space<vmem>>
      %dma_wait3A_1436 = tpu.memref_squeeze %dma_wait3A_1435 : memref<1x128xi32, #tpu.memory_space<vmem>> -> memref<128xi32, #tpu.memory_space<vmem>>
      %dma_wait3A_1437 = arith.constant 0 : i32
      %dma_wait3A_1438 = tpu.memref_slice %arg26[%dma_wait3A_1437] : memref<32256xf32, #tpu.memory_space<vmem_shared>> -> memref<32256xf32, #tpu.memory_space<vmem_shared>>
      tpu.wait_indirect_dma semaphore(%run_scoped3A_1426 : memref<!tpu.dma_semaphore, #tpu.memory_space<semaphore_mem>>) src(%dma_wait3A_1433 : memref<128xf32, #tpu.memory_space<vmem>>) dst(%dma_wait3A_1438 : memref<32256xf32, #tpu.memory_space<vmem_shared>>)
      tpu.yield
    }) : () -> ()
    %run_scoped3A_1354 = arith.constant 6 : i32
    "tpu.region"() ({
      %run_scoped3A_1426 = tpu.sem_alloc : memref<!tpu.dma_semaphore, #tpu.memory_space<semaphore_mem>>
      %dma_start3A = arith.constant 768 : i32
      %dma_start3A_1427 = tpu.memref_slice %arg8[%dma_start3A] : memref<1024xf32, #tpu.memory_space<vmem>> -> memref<128xf32, #tpu.memory_space<vmem>>
      %dma_start3A_1428 = arith.constant 0 : i32
      %dma_start3A_1429 = tpu.memref_slice %arg12[%run_scoped3A_1354, %dma_start3A_1428] : memref<8x128xi32, #tpu.memory_space<vmem>> -> memref<1x128xi32, #tpu.memory_space<vmem>>
      %dma_start3A_1430 = tpu.memref_squeeze %dma_start3A_1429 : memref<1x128xi32, #tpu.memory_space<vmem>> -> memref<128xi32, #tpu.memory_space<vmem>>
      %dma_start3A_1431 = arith.constant 0 : i32
      %dma_start3A_1432 = tpu.memref_slice %arg25[%dma_start3A_1431] : memref<32256xf32, #tpu.memory_space<vmem_shared>> -> memref<32256xf32, #tpu.memory_space<vmem_shared>>
      tpu.enqueue_indirect_dma source(%dma_start3A_1427 : memref<128xf32, #tpu.memory_space<vmem>>) target(%dma_start3A_1432 : memref<32256xf32, #tpu.memory_space<vmem_shared>>) offsets(%dma_start3A_1430 : memref<128xi32, #tpu.memory_space<vmem>>) semaphore(%run_scoped3A_1426 : memref<!tpu.dma_semaphore, #tpu.memory_space<semaphore_mem>>)
      %dma_wait3A = arith.constant 768 : i32
      %dma_wait3A_1433 = tpu.memref_slice %arg8[%dma_wait3A] : memref<1024xf32, #tpu.memory_space<vmem>> -> memref<128xf32, #tpu.memory_space<vmem>>
      %dma_wait3A_1434 = arith.constant 0 : i32
      %dma_wait3A_1435 = tpu.memref_slice %arg12[%run_scoped3A_1354, %dma_wait3A_1434] : memref<8x128xi32, #tpu.memory_space<vmem>> -> memref<1x128xi32, #tpu.memory_space<vmem>>
      %dma_wait3A_1436 = tpu.memref_squeeze %dma_wait3A_1435 : memref<1x128xi32, #tpu.memory_space<vmem>> -> memref<128xi32, #tpu.memory_space<vmem>>
      %dma_wait3A_1437 = arith.constant 0 : i32
      %dma_wait3A_1438 = tpu.memref_slice %arg25[%dma_wait3A_1437] : memref<32256xf32, #tpu.memory_space<vmem_shared>> -> memref<32256xf32, #tpu.memory_space<vmem_shared>>
      tpu.wait_indirect_dma semaphore(%run_scoped3A_1426 : memref<!tpu.dma_semaphore, #tpu.memory_space<semaphore_mem>>) src(%dma_wait3A_1433 : memref<128xf32, #tpu.memory_space<vmem>>) dst(%dma_wait3A_1438 : memref<32256xf32, #tpu.memory_space<vmem_shared>>)
      tpu.yield
    }) : () -> ()
    %run_scoped3A_1355 = arith.constant 6 : i32
    "tpu.region"() ({
      %run_scoped3A_1426 = tpu.sem_alloc : memref<!tpu.dma_semaphore, #tpu.memory_space<semaphore_mem>>
      %dma_start3A = arith.constant 768 : i32
      %dma_start3A_1427 = tpu.memref_slice %arg9[%dma_start3A] : memref<1024xf32, #tpu.memory_space<vmem>> -> memref<128xf32, #tpu.memory_space<vmem>>
      %dma_start3A_1428 = arith.constant 0 : i32
      %dma_start3A_1429 = tpu.memref_slice %arg12[%run_scoped3A_1355, %dma_start3A_1428] : memref<8x128xi32, #tpu.memory_space<vmem>> -> memref<1x128xi32, #tpu.memory_space<vmem>>
      %dma_start3A_1430 = tpu.memref_squeeze %dma_start3A_1429 : memref<1x128xi32, #tpu.memory_space<vmem>> -> memref<128xi32, #tpu.memory_space<vmem>>
      %dma_start3A_1431 = arith.constant 0 : i32
      %dma_start3A_1432 = tpu.memref_slice %arg26[%dma_start3A_1431] : memref<32256xf32, #tpu.memory_space<vmem_shared>> -> memref<32256xf32, #tpu.memory_space<vmem_shared>>
      tpu.enqueue_indirect_dma source(%dma_start3A_1427 : memref<128xf32, #tpu.memory_space<vmem>>) target(%dma_start3A_1432 : memref<32256xf32, #tpu.memory_space<vmem_shared>>) offsets(%dma_start3A_1430 : memref<128xi32, #tpu.memory_space<vmem>>) semaphore(%run_scoped3A_1426 : memref<!tpu.dma_semaphore, #tpu.memory_space<semaphore_mem>>)
      %dma_wait3A = arith.constant 768 : i32
      %dma_wait3A_1433 = tpu.memref_slice %arg9[%dma_wait3A] : memref<1024xf32, #tpu.memory_space<vmem>> -> memref<128xf32, #tpu.memory_space<vmem>>
      %dma_wait3A_1434 = arith.constant 0 : i32
      %dma_wait3A_1435 = tpu.memref_slice %arg12[%run_scoped3A_1355, %dma_wait3A_1434] : memref<8x128xi32, #tpu.memory_space<vmem>> -> memref<1x128xi32, #tpu.memory_space<vmem>>
      %dma_wait3A_1436 = tpu.memref_squeeze %dma_wait3A_1435 : memref<1x128xi32, #tpu.memory_space<vmem>> -> memref<128xi32, #tpu.memory_space<vmem>>
      %dma_wait3A_1437 = arith.constant 0 : i32
      %dma_wait3A_1438 = tpu.memref_slice %arg26[%dma_wait3A_1437] : memref<32256xf32, #tpu.memory_space<vmem_shared>> -> memref<32256xf32, #tpu.memory_space<vmem_shared>>
      tpu.wait_indirect_dma semaphore(%run_scoped3A_1426 : memref<!tpu.dma_semaphore, #tpu.memory_space<semaphore_mem>>) src(%dma_wait3A_1433 : memref<128xf32, #tpu.memory_space<vmem>>) dst(%dma_wait3A_1438 : memref<32256xf32, #tpu.memory_space<vmem_shared>>)
      tpu.yield
    }) : () -> ()
    %run_scoped3A_1356 = arith.constant 7 : i32
    "tpu.region"() ({
      %run_scoped3A_1426 = tpu.sem_alloc : memref<!tpu.dma_semaphore, #tpu.memory_space<semaphore_mem>>
      %dma_start3A = arith.constant 896 : i32
      %dma_start3A_1427 = tpu.memref_slice %arg8[%dma_start3A] : memref<1024xf32, #tpu.memory_space<vmem>> -> memref<128xf32, #tpu.memory_space<vmem>>
      %dma_start3A_1428 = arith.constant 0 : i32
      %dma_start3A_1429 = tpu.memref_slice %arg12[%run_scoped3A_1356, %dma_start3A_1428] : memref<8x128xi32, #tpu.memory_space<vmem>> -> memref<1x128xi32, #tpu.memory_space<vmem>>
      %dma_start3A_1430 = tpu.memref_squeeze %dma_start3A_1429 : memref<1x128xi32, #tpu.memory_space<vmem>> -> memref<128xi32, #tpu.memory_space<vmem>>
      %dma_start3A_1431 = arith.constant 0 : i32
      %dma_start3A_1432 = tpu.memref_slice %arg25[%dma_start3A_1431] : memref<32256xf32, #tpu.memory_space<vmem_shared>> -> memref<32256xf32, #tpu.memory_space<vmem_shared>>
      tpu.enqueue_indirect_dma source(%dma_start3A_1427 : memref<128xf32, #tpu.memory_space<vmem>>) target(%dma_start3A_1432 : memref<32256xf32, #tpu.memory_space<vmem_shared>>) offsets(%dma_start3A_1430 : memref<128xi32, #tpu.memory_space<vmem>>) semaphore(%run_scoped3A_1426 : memref<!tpu.dma_semaphore, #tpu.memory_space<semaphore_mem>>)
      %dma_wait3A = arith.constant 896 : i32
      %dma_wait3A_1433 = tpu.memref_slice %arg8[%dma_wait3A] : memref<1024xf32, #tpu.memory_space<vmem>> -> memref<128xf32, #tpu.memory_space<vmem>>
      %dma_wait3A_1434 = arith.constant 0 : i32
      %dma_wait3A_1435 = tpu.memref_slice %arg12[%run_scoped3A_1356, %dma_wait3A_1434] : memref<8x128xi32, #tpu.memory_space<vmem>> -> memref<1x128xi32, #tpu.memory_space<vmem>>
      %dma_wait3A_1436 = tpu.memref_squeeze %dma_wait3A_1435 : memref<1x128xi32, #tpu.memory_space<vmem>> -> memref<128xi32, #tpu.memory_space<vmem>>
      %dma_wait3A_1437 = arith.constant 0 : i32
      %dma_wait3A_1438 = tpu.memref_slice %arg25[%dma_wait3A_1437] : memref<32256xf32, #tpu.memory_space<vmem_shared>> -> memref<32256xf32, #tpu.memory_space<vmem_shared>>
      tpu.wait_indirect_dma semaphore(%run_scoped3A_1426 : memref<!tpu.dma_semaphore, #tpu.memory_space<semaphore_mem>>) src(%dma_wait3A_1433 : memref<128xf32, #tpu.memory_space<vmem>>) dst(%dma_wait3A_1438 : memref<32256xf32, #tpu.memory_space<vmem_shared>>)
      tpu.yield
    }) : () -> ()
    %run_scoped3A_1357 = arith.constant 7 : i32
    "tpu.region"() ({
      %run_scoped3A_1426 = tpu.sem_alloc : memref<!tpu.dma_semaphore, #tpu.memory_space<semaphore_mem>>
      %dma_start3A = arith.constant 896 : i32
      %dma_start3A_1427 = tpu.memref_slice %arg9[%dma_start3A] : memref<1024xf32, #tpu.memory_space<vmem>> -> memref<128xf32, #tpu.memory_space<vmem>>
      %dma_start3A_1428 = arith.constant 0 : i32
      %dma_start3A_1429 = tpu.memref_slice %arg12[%run_scoped3A_1357, %dma_start3A_1428] : memref<8x128xi32, #tpu.memory_space<vmem>> -> memref<1x128xi32, #tpu.memory_space<vmem>>
      %dma_start3A_1430 = tpu.memref_squeeze %dma_start3A_1429 : memref<1x128xi32, #tpu.memory_space<vmem>> -> memref<128xi32, #tpu.memory_space<vmem>>
      %dma_start3A_1431 = arith.constant 0 : i32
      %dma_start3A_1432 = tpu.memref_slice %arg26[%dma_start3A_1431] : memref<32256xf32, #tpu.memory_space<vmem_shared>> -> memref<32256xf32, #tpu.memory_space<vmem_shared>>
      tpu.enqueue_indirect_dma source(%dma_start3A_1427 : memref<128xf32, #tpu.memory_space<vmem>>) target(%dma_start3A_1432 : memref<32256xf32, #tpu.memory_space<vmem_shared>>) offsets(%dma_start3A_1430 : memref<128xi32, #tpu.memory_space<vmem>>) semaphore(%run_scoped3A_1426 : memref<!tpu.dma_semaphore, #tpu.memory_space<semaphore_mem>>)
      %dma_wait3A = arith.constant 896 : i32
      %dma_wait3A_1433 = tpu.memref_slice %arg9[%dma_wait3A] : memref<1024xf32, #tpu.memory_space<vmem>> -> memref<128xf32, #tpu.memory_space<vmem>>
      %dma_wait3A_1434 = arith.constant 0 : i32
      %dma_wait3A_1435 = tpu.memref_slice %arg12[%run_scoped3A_1357, %dma_wait3A_1434] : memref<8x128xi32, #tpu.memory_space<vmem>> -> memref<1x128xi32, #tpu.memory_space<vmem>>
      %dma_wait3A_1436 = tpu.memref_squeeze %dma_wait3A_1435 : memref<1x128xi32, #tpu.memory_space<vmem>> -> memref<128xi32, #tpu.memory_space<vmem>>
      %dma_wait3A_1437 = arith.constant 0 : i32
      %dma_wait3A_1438 = tpu.memref_slice %arg26[%dma_wait3A_1437] : memref<32256xf32, #tpu.memory_space<vmem_shared>> -> memref<32256xf32, #tpu.memory_space<vmem_shared>>
      tpu.wait_indirect_dma semaphore(%run_scoped3A_1426 : memref<!tpu.dma_semaphore, #tpu.memory_space<semaphore_mem>>) src(%dma_wait3A_1433 : memref<128xf32, #tpu.memory_space<vmem>>) dst(%dma_wait3A_1438 : memref<32256xf32, #tpu.memory_space<vmem_shared>>)
      tpu.yield
    }) : () -> ()
    %barrier3A_1358 = arith.constant 0 : index
    tpu.barrier barrier_id(%barrier3A_1358)
    %mul3A_1359 = arith.constant 64 : i32
    %mul3A_1360 = arith.muli %arg1, %mul3A_1359 : i32
    %multiple_of3A_1361 = tpu.assume_multiple %mul3A_1360, 64 : i32
    "tpu.region"() ({
      %run_scoped3A_1426 = tpu.sem_alloc : memref<!tpu.dma_semaphore, #tpu.memory_space<semaphore_mem>>
      %dma_start3A = tpu.memref_slice %arg24[%multiple_of3A_1361] : memref<1024xi32, #tpu.memory_space<vmem_shared>> -> memref<64xi32, #tpu.memory_space<vmem_shared>>
      %dma_start3A_1427 = tpu.memref_slice %arg24[%multiple_of3A_1361] : memref<1024xi32, #tpu.memory_space<vmem_shared>> -> memref<64xi32, #tpu.memory_space<vmem_shared>>
      tpu.enqueue_dma source(%dma_start3A_1427 : memref<64xi32, #tpu.memory_space<vmem_shared>>) target(%arg14 : memref<64xi32, #tpu.memory_space<vmem>>) target_semaphore(%run_scoped3A_1426 : memref<!tpu.dma_semaphore, #tpu.memory_space<semaphore_mem>>)
      %dma_wait3A = tpu.memref_slice %arg24[%multiple_of3A_1361] : memref<1024xi32, #tpu.memory_space<vmem_shared>> -> memref<64xi32, #tpu.memory_space<vmem_shared>>
      %dma_wait3A_1428 = tpu.memref_slice %arg24[%multiple_of3A_1361] : memref<1024xi32, #tpu.memory_space<vmem_shared>> -> memref<64xi32, #tpu.memory_space<vmem_shared>>
      tpu.wait_dma2 semaphore(%run_scoped3A_1426 : memref<!tpu.dma_semaphore, #tpu.memory_space<semaphore_mem>>) src(%dma_wait3A_1428 : memref<64xi32, #tpu.memory_space<vmem_shared>>) dst(%arg14 : memref<64xi32, #tpu.memory_space<vmem>>)
      tpu.yield
    }) : () -> ()
    "tpu.region"() ({
      %run_scoped3A_1426 = tpu.sem_alloc : memref<!tpu.dma_semaphore, #tpu.memory_space<semaphore_mem>>
      %dma_start3A = arith.constant 0 : i32
      %dma_start3A_1427 = tpu.memref_slice %arg15[%dma_start3A] : memref<80xi32, #tpu.memory_space<vmem>> -> memref<72xi32, #tpu.memory_space<vmem>>
      %dma_start3A_1428 = tpu.memref_slice %arg23[%multiple_of3A_1361] : memref<1040xi32, #tpu.memory_space<vmem_shared>> -> memref<72xi32, #tpu.memory_space<vmem_shared>>
      %dma_start3A_1429 = arith.constant 0 : i32
      %dma_start3A_1430 = tpu.memref_slice %arg15[%dma_start3A_1429] : memref<80xi32, #tpu.memory_space<vmem>> -> memref<72xi32, #tpu.memory_space<vmem>>
      %dma_start3A_1431 = tpu.memref_slice %arg23[%multiple_of3A_1361] : memref<1040xi32, #tpu.memory_space<vmem_shared>> -> memref<72xi32, #tpu.memory_space<vmem_shared>>
      tpu.enqueue_dma source(%dma_start3A_1431 : memref<72xi32, #tpu.memory_space<vmem_shared>>) target(%dma_start3A_1430 : memref<72xi32, #tpu.memory_space<vmem>>) target_semaphore(%run_scoped3A_1426 : memref<!tpu.dma_semaphore, #tpu.memory_space<semaphore_mem>>)
      %dma_wait3A = arith.constant 0 : i32
      %dma_wait3A_1432 = tpu.memref_slice %arg15[%dma_wait3A] : memref<80xi32, #tpu.memory_space<vmem>> -> memref<72xi32, #tpu.memory_space<vmem>>
      %dma_wait3A_1433 = tpu.memref_slice %arg23[%multiple_of3A_1361] : memref<1040xi32, #tpu.memory_space<vmem_shared>> -> memref<72xi32, #tpu.memory_space<vmem_shared>>
      %dma_wait3A_1434 = arith.constant 0 : i32
      %dma_wait3A_1435 = tpu.memref_slice %arg15[%dma_wait3A_1434] : memref<80xi32, #tpu.memory_space<vmem>> -> memref<72xi32, #tpu.memory_space<vmem>>
      %dma_wait3A_1436 = tpu.memref_slice %arg23[%multiple_of3A_1361] : memref<1040xi32, #tpu.memory_space<vmem_shared>> -> memref<72xi32, #tpu.memory_space<vmem_shared>>
      tpu.wait_dma2 semaphore(%run_scoped3A_1426 : memref<!tpu.dma_semaphore, #tpu.memory_space<semaphore_mem>>) src(%dma_wait3A_1436 : memref<72xi32, #tpu.memory_space<vmem_shared>>) dst(%dma_wait3A_1435 : memref<72xi32, #tpu.memory_space<vmem>>)
      tpu.yield
    }) : () -> ()
    %get3A_1362 = arith.constant 0 : index
    %get3A_1363 = tpu.vector_load %arg15[%get3A_1362] {strides = array<i32>} : memref<80xi32, #tpu.memory_space<vmem>>, vector<16xi32>,
    %slice3A = vector.extract_strided_slice %get3A_1363 {offsets = [0], sizes = [1], strides = [1]} : vector<16xi32> to vector<1xi32>
    %squeeze3A = vector.extract %slice3A[0] : i32 from vector<1xi32>
    %multiple_of3A_1364 = tpu.assume_multiple %squeeze3A, 16 : i32
    %get3A_1365 = arith.constant 56 : index
    %get3A_1366 = tpu.vector_load %arg15[%get3A_1365] {strides = array<i32>} : memref<80xi32, #tpu.memory_space<vmem>>, vector<16xi32>,
    %slice3A_1367 = vector.extract_strided_slice %get3A_1366 {offsets = [8], sizes = [1], strides = [1]} : vector<16xi32> to vector<1xi32>
    %squeeze3A_1368 = vector.extract %slice3A_1367[0] : i32 from vector<1xi32>
    %sub3A_1369 = arith.subi %squeeze3A_1368, %multiple_of3A_1364 : i32
    %add3A_1370 = arith.constant 511 : i32
    %add3A_1371 = arith.addi %sub3A_1369, %add3A_1370 : i32
    %shift_right_arithmetic3A = arith.constant 9 : i32
    %shift_right_arithmetic3A_1372 = arith.shrsi %add3A_1371, %shift_right_arithmetic3A : i32
    %while3A = arith.constant 0 : i32
    %while3A_1373 = arith.constant 0 : i32
    %while3A_1374 = arith.subi %shift_right_arithmetic3A_1372, %while3A : i32
    %while3A_1375 = arith.addi %while3A, %while3A_1374 : i32
    %while3A_1376 = arith.constant 1 : i32
    %while3A_1377 = arith.divsi %while3A_1374, %while3A_1376 : i32
    %while3A_1378 = arith.muli %while3A_1377, %while3A_1376 : i32
    %while3A_1379 = arith.addi %while3A, %while3A_1378 : i32
    %while3A_1380 = arith.constant 1 : i32
    %while3A_1381 = scf.for %while3A_1426 = %while3A to %while3A_1379 step %while3A_1380 iter_args(%while3A_1427 = %while3A_1373) -> (i32)  : i32 {
      %mul3A_1428 = arith.constant 512 : i32
      %mul3A_1429 = arith.muli %while3A_1426, %mul3A_1428 : i32
      %add3A_1430 = arith.addi %multiple_of3A_1364, %mul3A_1429 : i32
      %multiple_of3A_1431 = tpu.assume_multiple %add3A_1430, 16 : i32
      %mul3A_1432 = arith.constant 512 : i32
      %mul3A_1433 = arith.muli %while3A_1426, %mul3A_1432 : i32
      %multiple_of3A_1434 = tpu.assume_multiple %mul3A_1433, 512 : i32
      "tpu.region"() ({
        %run_scoped3A_1443 = tpu.sem_alloc : memref<!tpu.dma_semaphore, #tpu.memory_space<semaphore_mem>>
        %dma_start3A = tpu.memref_slice %arg18[%multiple_of3A_1434] : memref<32256xf32, #tpu.memory_space<vmem>> -> memref<512xf32, #tpu.memory_space<vmem>>
        %dma_start3A_1444 = tpu.memref_slice %arg25[%multiple_of3A_1431] : memref<32256xf32, #tpu.memory_space<vmem_shared>> -> memref<512xf32, #tpu.memory_space<vmem_shared>>
        %dma_start3A_1445 = tpu.memref_slice %arg18[%multiple_of3A_1434] : memref<32256xf32, #tpu.memory_space<vmem>> -> memref<512xf32, #tpu.memory_space<vmem>>
        %dma_start3A_1446 = tpu.memref_slice %arg25[%multiple_of3A_1431] : memref<32256xf32, #tpu.memory_space<vmem_shared>> -> memref<512xf32, #tpu.memory_space<vmem_shared>>
        tpu.enqueue_dma source(%dma_start3A_1446 : memref<512xf32, #tpu.memory_space<vmem_shared>>) target(%dma_start3A_1445 : memref<512xf32, #tpu.memory_space<vmem>>) target_semaphore(%run_scoped3A_1443 : memref<!tpu.dma_semaphore, #tpu.memory_space<semaphore_mem>>)
        %dma_wait3A = tpu.memref_slice %arg18[%multiple_of3A_1434] : memref<32256xf32, #tpu.memory_space<vmem>> -> memref<512xf32, #tpu.memory_space<vmem>>
        %dma_wait3A_1447 = tpu.memref_slice %arg25[%multiple_of3A_1431] : memref<32256xf32, #tpu.memory_space<vmem_shared>> -> memref<512xf32, #tpu.memory_space<vmem_shared>>
        %dma_wait3A_1448 = tpu.memref_slice %arg18[%multiple_of3A_1434] : memref<32256xf32, #tpu.memory_space<vmem>> -> memref<512xf32, #tpu.memory_space<vmem>>
        %dma_wait3A_1449 = tpu.memref_slice %arg25[%multiple_of3A_1431] : memref<32256xf32, #tpu.memory_space<vmem_shared>> -> memref<512xf32, #tpu.memory_space<vmem_shared>>
        tpu.wait_dma2 semaphore(%run_scoped3A_1443 : memref<!tpu.dma_semaphore, #tpu.memory_space<semaphore_mem>>) src(%dma_wait3A_1449 : memref<512xf32, #tpu.memory_space<vmem_shared>>) dst(%dma_wait3A_1448 : memref<512xf32, #tpu.memory_space<vmem>>)
        tpu.yield
      }) : () -> ()
      %mul3A_1435 = arith.constant 512 : i32
      %mul3A_1436 = arith.muli %while3A_1426, %mul3A_1435 : i32
      %add3A_1437 = arith.addi %multiple_of3A_1364, %mul3A_1436 : i32
      %multiple_of3A_1438 = tpu.assume_multiple %add3A_1437, 16 : i32
      %mul3A_1439 = arith.constant 512 : i32
      %mul3A_1440 = arith.muli %while3A_1426, %mul3A_1439 : i32
      %multiple_of3A_1441 = tpu.assume_multiple %mul3A_1440, 512 : i32
      "tpu.region"() ({
        %run_scoped3A_1443 = tpu.sem_alloc : memref<!tpu.dma_semaphore, #tpu.memory_space<semaphore_mem>>
        %dma_start3A = tpu.memref_slice %arg19[%multiple_of3A_1441] : memref<32256xf32, #tpu.memory_space<vmem>> -> memref<512xf32, #tpu.memory_space<vmem>>
        %dma_start3A_1444 = tpu.memref_slice %arg26[%multiple_of3A_1438] : memref<32256xf32, #tpu.memory_space<vmem_shared>> -> memref<512xf32, #tpu.memory_space<vmem_shared>>
        %dma_start3A_1445 = tpu.memref_slice %arg19[%multiple_of3A_1441] : memref<32256xf32, #tpu.memory_space<vmem>> -> memref<512xf32, #tpu.memory_space<vmem>>
        %dma_start3A_1446 = tpu.memref_slice %arg26[%multiple_of3A_1438] : memref<32256xf32, #tpu.memory_space<vmem_shared>> -> memref<512xf32, #tpu.memory_space<vmem_shared>>
        tpu.enqueue_dma source(%dma_start3A_1446 : memref<512xf32, #tpu.memory_space<vmem_shared>>) target(%dma_start3A_1445 : memref<512xf32, #tpu.memory_space<vmem>>) target_semaphore(%run_scoped3A_1443 : memref<!tpu.dma_semaphore, #tpu.memory_space<semaphore_mem>>)
        %dma_wait3A = tpu.memref_slice %arg19[%multiple_of3A_1441] : memref<32256xf32, #tpu.memory_space<vmem>> -> memref<512xf32, #tpu.memory_space<vmem>>
        %dma_wait3A_1447 = tpu.memref_slice %arg26[%multiple_of3A_1438] : memref<32256xf32, #tpu.memory_space<vmem_shared>> -> memref<512xf32, #tpu.memory_space<vmem_shared>>
        %dma_wait3A_1448 = tpu.memref_slice %arg19[%multiple_of3A_1441] : memref<32256xf32, #tpu.memory_space<vmem>> -> memref<512xf32, #tpu.memory_space<vmem>>
        %dma_wait3A_1449 = tpu.memref_slice %arg26[%multiple_of3A_1438] : memref<32256xf32, #tpu.memory_space<vmem_shared>> -> memref<512xf32, #tpu.memory_space<vmem_shared>>
        tpu.wait_dma2 semaphore(%run_scoped3A_1443 : memref<!tpu.dma_semaphore, #tpu.memory_space<semaphore_mem>>) src(%dma_wait3A_1449 : memref<512xf32, #tpu.memory_space<vmem_shared>>) dst(%dma_wait3A_1448 : memref<512xf32, #tpu.memory_space<vmem>>)
        tpu.yield
      }) : () -> ()
      %while3A_1442 = arith.constant 0 : i32
      scf.yield %while3A_1442 : i32
    }
    %while3A_1382 = arith.constant 1 : i32
    %while3A_1383 = scf.for %while3A_1426 = %while3A_1379 to %while3A_1375 step %while3A_1382 iter_args(%while3A_1427 = %while3A_1381) -> (i32)  : i32 {
      %mul3A_1428 = arith.constant 512 : i32
      %mul3A_1429 = arith.muli %while3A_1426, %mul3A_1428 : i32
      %add3A_1430 = arith.addi %multiple_of3A_1364, %mul3A_1429 : i32
      %multiple_of3A_1431 = tpu.assume_multiple %add3A_1430, 16 : i32
      %mul3A_1432 = arith.constant 512 : i32
      %mul3A_1433 = arith.muli %while3A_1426, %mul3A_1432 : i32
      %multiple_of3A_1434 = tpu.assume_multiple %mul3A_1433, 512 : i32
      "tpu.region"() ({
        %run_scoped3A_1443 = tpu.sem_alloc : memref<!tpu.dma_semaphore, #tpu.memory_space<semaphore_mem>>
        %dma_start3A = tpu.memref_slice %arg18[%multiple_of3A_1434] : memref<32256xf32, #tpu.memory_space<vmem>> -> memref<512xf32, #tpu.memory_space<vmem>>
        %dma_start3A_1444 = tpu.memref_slice %arg25[%multiple_of3A_1431] : memref<32256xf32, #tpu.memory_space<vmem_shared>> -> memref<512xf32, #tpu.memory_space<vmem_shared>>
        %dma_start3A_1445 = tpu.memref_slice %arg18[%multiple_of3A_1434] : memref<32256xf32, #tpu.memory_space<vmem>> -> memref<512xf32, #tpu.memory_space<vmem>>
        %dma_start3A_1446 = tpu.memref_slice %arg25[%multiple_of3A_1431] : memref<32256xf32, #tpu.memory_space<vmem_shared>> -> memref<512xf32, #tpu.memory_space<vmem_shared>>
        tpu.enqueue_dma source(%dma_start3A_1446 : memref<512xf32, #tpu.memory_space<vmem_shared>>) target(%dma_start3A_1445 : memref<512xf32, #tpu.memory_space<vmem>>) target_semaphore(%run_scoped3A_1443 : memref<!tpu.dma_semaphore, #tpu.memory_space<semaphore_mem>>)
        %dma_wait3A = tpu.memref_slice %arg18[%multiple_of3A_1434] : memref<32256xf32, #tpu.memory_space<vmem>> -> memref<512xf32, #tpu.memory_space<vmem>>
        %dma_wait3A_1447 = tpu.memref_slice %arg25[%multiple_of3A_1431] : memref<32256xf32, #tpu.memory_space<vmem_shared>> -> memref<512xf32, #tpu.memory_space<vmem_shared>>
        %dma_wait3A_1448 = tpu.memref_slice %arg18[%multiple_of3A_1434] : memref<32256xf32, #tpu.memory_space<vmem>> -> memref<512xf32, #tpu.memory_space<vmem>>
        %dma_wait3A_1449 = tpu.memref_slice %arg25[%multiple_of3A_1431] : memref<32256xf32, #tpu.memory_space<vmem_shared>> -> memref<512xf32, #tpu.memory_space<vmem_shared>>
        tpu.wait_dma2 semaphore(%run_scoped3A_1443 : memref<!tpu.dma_semaphore, #tpu.memory_space<semaphore_mem>>) src(%dma_wait3A_1449 : memref<512xf32, #tpu.memory_space<vmem_shared>>) dst(%dma_wait3A_1448 : memref<512xf32, #tpu.memory_space<vmem>>)
        tpu.yield
      }) : () -> ()
      %mul3A_1435 = arith.constant 512 : i32
      %mul3A_1436 = arith.muli %while3A_1426, %mul3A_1435 : i32
      %add3A_1437 = arith.addi %multiple_of3A_1364, %mul3A_1436 : i32
      %multiple_of3A_1438 = tpu.assume_multiple %add3A_1437, 16 : i32
      %mul3A_1439 = arith.constant 512 : i32
      %mul3A_1440 = arith.muli %while3A_1426, %mul3A_1439 : i32
      %multiple_of3A_1441 = tpu.assume_multiple %mul3A_1440, 512 : i32
      "tpu.region"() ({
        %run_scoped3A_1443 = tpu.sem_alloc : memref<!tpu.dma_semaphore, #tpu.memory_space<semaphore_mem>>
        %dma_start3A = tpu.memref_slice %arg19[%multiple_of3A_1441] : memref<32256xf32, #tpu.memory_space<vmem>> -> memref<512xf32, #tpu.memory_space<vmem>>
        %dma_start3A_1444 = tpu.memref_slice %arg26[%multiple_of3A_1438] : memref<32256xf32, #tpu.memory_space<vmem_shared>> -> memref<512xf32, #tpu.memory_space<vmem_shared>>
        %dma_start3A_1445 = tpu.memref_slice %arg19[%multiple_of3A_1441] : memref<32256xf32, #tpu.memory_space<vmem>> -> memref<512xf32, #tpu.memory_space<vmem>>
        %dma_start3A_1446 = tpu.memref_slice %arg26[%multiple_of3A_1438] : memref<32256xf32, #tpu.memory_space<vmem_shared>> -> memref<512xf32, #tpu.memory_space<vmem_shared>>
        tpu.enqueue_dma source(%dma_start3A_1446 : memref<512xf32, #tpu.memory_space<vmem_shared>>) target(%dma_start3A_1445 : memref<512xf32, #tpu.memory_space<vmem>>) target_semaphore(%run_scoped3A_1443 : memref<!tpu.dma_semaphore, #tpu.memory_space<semaphore_mem>>)
        %dma_wait3A = tpu.memref_slice %arg19[%multiple_of3A_1441] : memref<32256xf32, #tpu.memory_space<vmem>> -> memref<512xf32, #tpu.memory_space<vmem>>
        %dma_wait3A_1447 = tpu.memref_slice %arg26[%multiple_of3A_1438] : memref<32256xf32, #tpu.memory_space<vmem_shared>> -> memref<512xf32, #tpu.memory_space<vmem_shared>>
        %dma_wait3A_1448 = tpu.memref_slice %arg19[%multiple_of3A_1441] : memref<32256xf32, #tpu.memory_space<vmem>> -> memref<512xf32, #tpu.memory_space<vmem>>
        %dma_wait3A_1449 = tpu.memref_slice %arg26[%multiple_of3A_1438] : memref<32256xf32, #tpu.memory_space<vmem_shared>> -> memref<512xf32, #tpu.memory_space<vmem_shared>>
        tpu.wait_dma2 semaphore(%run_scoped3A_1443 : memref<!tpu.dma_semaphore, #tpu.memory_space<semaphore_mem>>) src(%dma_wait3A_1449 : memref<512xf32, #tpu.memory_space<vmem_shared>>) dst(%dma_wait3A_1448 : memref<512xf32, #tpu.memory_space<vmem>>)
        tpu.yield
      }) : () -> ()
      %while3A_1442 = arith.constant 0 : i32
      scf.yield %while3A_1442 : i32
    }
    %get3A_1384 = arith.constant 0 : index
    %get3A_1385 = tpu.vector_load %arg16[%get3A_1384] {strides = array<i32>} : memref<16xi32, #tpu.memory_space<vmem>>, vector<16xi32>,
    %slice3A_1386 = vector.extract_strided_slice %get3A_1385 {offsets = [0], sizes = [1], strides = [1]} : vector<16xi32> to vector<1xi32>
    %squeeze3A_1387 = vector.extract %slice3A_1386[0] : i32 from vector<1xi32>
    %convert_element_type3A_1388 = arith.sitofp %squeeze3A_1387 : i32 to f32
    %broadcast_in_dim3A_1389 = arith.constant 0.000000e+00 : f32
    %broadcast_in_dim3A_1390 = vector.broadcast %broadcast_in_dim3A_1389 : f32 to vector<16xf32>
    %scan3A = arith.constant 0 : i32
    %scan3A_1391 = arith.constant 0 : i32
    %scan3A_1392 = arith.constant 64 : i32
    %scan3A_1393 = arith.addi %scan3A_1391, %scan3A_1392 : i32
    %scan3A_1394 = arith.constant 1 : i32
    %scan3A_1395:2 = scf.for %scan3A_1426 = %scan3A_1391 to %scan3A_1393 step %scan3A_1394 iter_args(%scan3A_1427 = %broadcast_in_dim3A_1390, %scan3A_1428 = %scan3A) -> (vector<16xf32>, i32)  : i32 {
      %and3A = arith.constant -16 : i32
      %and3A_1429 = arith.andi %scan3A_1426, %and3A : i32
      %multiple_of3A_1430 = tpu.assume_multiple %and3A_1429, 16 : i32
      %sub3A_1431 = arith.subi %scan3A_1426, %multiple_of3A_1430 : i32
      %get3A_1432 = arith.index_cast %multiple_of3A_1430 : i32 to index
      %get3A_1433 = tpu.vector_load %arg14[%get3A_1432] {strides = array<i32>} : memref<64xi32, #tpu.memory_space<vmem>>, vector<16xi32>,
      %iota3A_1434 = tpu.iota {dimensions = array<i32: 0>} : vector<16xi32>
      %eq3A_1435 = vector.broadcast %sub3A_1431 : i32 to vector<16xi32>
      %eq3A_1436 = arith.cmpi eq, %iota3A_1434, %eq3A_1435 : vector<16xi32>
      %jit3A = arith.constant 0 : i32
      %broadcast_in_dim3A_1437 = vector.broadcast %jit3A : i32 to vector<16xi32>
      %select_n3A_1438 = arith.select %eq3A_1436, %get3A_1433, %broadcast_in_dim3A_1437 : vector<16xi1>, vector<16xi32>
      %reduce_sum3A_1439 = arith.constant true
      %reduce_sum3A_1440 = vector.broadcast %reduce_sum3A_1439 : i1 to vector<16xi1>
      %reduce_sum3A_1441 = tpu.scan <sum>, %select_n3A_1438 masked %reduce_sum3A_1440 : vector<16xi32>, vector<16xi1> -> vector<16xi32>
      %reduce_sum3A_1442 = vector.extract %reduce_sum3A_1441[15] : i32 from vector<16xi32>
      %get3A_1443 = arith.index_cast %multiple_of3A_1430 : i32 to index
      %get3A_1444 = tpu.vector_load %arg15[%get3A_1443] {strides = array<i32>} : memref<80xi32, #tpu.memory_space<vmem>>, vector<16xi32>,
      %iota3A_1445 = tpu.iota {dimensions = array<i32: 0>} : vector<16xi32>
      %eq3A_1446 = vector.broadcast %sub3A_1431 : i32 to vector<16xi32>
      %eq3A_1447 = arith.cmpi eq, %iota3A_1445, %eq3A_1446 : vector<16xi32>
      %jit3A_1448 = arith.constant 0 : i32
      %broadcast_in_dim3A_1449 = vector.broadcast %jit3A_1448 : i32 to vector<16xi32>
      %select_n3A_1450 = arith.select %eq3A_1447, %get3A_1444, %broadcast_in_dim3A_1449 : vector<16xi1>, vector<16xi32>
      %reduce_sum3A_1451 = arith.constant true
      %reduce_sum3A_1452 = vector.broadcast %reduce_sum3A_1451 : i1 to vector<16xi1>
      %reduce_sum3A_1453 = tpu.scan <sum>, %select_n3A_1450 masked %reduce_sum3A_1452 : vector<16xi32>, vector<16xi1> -> vector<16xi32>
      %reduce_sum3A_1454 = vector.extract %reduce_sum3A_1453[15] : i32 from vector<16xi32>
      %sub3A_1455 = arith.subi %reduce_sum3A_1454, %multiple_of3A_1364 : i32
      %multiple_of3A_1456 = tpu.assume_multiple %sub3A_1455, 16 : i32
      %add3A_1457 = arith.constant 15 : i32
      %add3A_1458 = arith.addi %reduce_sum3A_1442, %add3A_1457 : i32
      %shift_right_arithmetic3A_1459 = arith.constant 4 : i32
      %shift_right_arithmetic3A_1460 = arith.shrsi %add3A_1458, %shift_right_arithmetic3A_1459 : i32
      %le3A = arith.cmpi sle, %reduce_sum3A_1442, %squeeze3A_1387 : i32
      %convert_element_type3A_1461 = arith.extui %le3A : i1 to i32
      %cond3A_1462 = arith.constant 0 : i32
      %cond3A_1463 = arith.constant 0 : i32
      %cond3A_1464 = arith.cmpi ne, %convert_element_type3A_1461, %cond3A_1463 : i32
      %cond3A_1465 = scf.if %cond3A_1464 -> (vector<16xf32>) {
        %broadcast_in_dim3A_1470 = arith.constant 0.000000e+00 : f32
        %broadcast_in_dim3A_1471 = vector.broadcast %broadcast_in_dim3A_1470 : f32 to vector<16xf32>
        %while3A_1472 = arith.constant 0 : i32
        %while3A_1473 = arith.subi %shift_right_arithmetic3A_1460, %while3A_1472 : i32
        %while3A_1474 = arith.addi %while3A_1472, %while3A_1473 : i32
        %while3A_1475 = arith.constant 1 : i32
        %while3A_1476 = arith.divsi %while3A_1473, %while3A_1475 : i32
        %while3A_1477 = arith.muli %while3A_1476, %while3A_1475 : i32
        %while3A_1478 = arith.addi %while3A_1472, %while3A_1477 : i32
        %while3A_1479 = arith.constant 1 : i32
        %while3A_1480 = scf.for %while3A_1489 = %while3A_1472 to %while3A_1478 step %while3A_1479 iter_args(%while3A_1490 = %broadcast_in_dim3A_1471) -> (vector<16xf32>)  : i32 {
          %mul3A_1491 = arith.constant 16 : i32
          %mul3A_1492 = arith.muli %while3A_1489, %mul3A_1491 : i32
          %add3A_1493 = arith.addi %multiple_of3A_1456, %mul3A_1492 : i32
          %multiple_of3A_1494 = tpu.assume_multiple %add3A_1493, 16 : i32
          %get3A_1495 = arith.index_cast %multiple_of3A_1494 : i32 to index
          %get3A_1496 = tpu.vector_load %arg19[%get3A_1495] {strides = array<i32>} : memref<32256xf32, #tpu.memory_space<vmem>>, vector<16xf32>,
          %mul3A_1497 = arith.constant 16 : i32
          %mul3A_1498 = arith.muli %while3A_1489, %mul3A_1497 : i32
          %add3A_1499 = vector.broadcast %mul3A_1498 : i32 to vector<16xi32>
          %add3A_1500 = arith.addi %add3A_1499, %iota3A : vector<16xi32>
          %lt3A = vector.broadcast %reduce_sum3A_1442 : i32 to vector<16xi32>
          %lt3A_1501 = arith.cmpi slt, %add3A_1500, %lt3A : vector<16xi32>
          %jit3A_1502 = arith.constant 0.000000e+00 : f32
          %broadcast_in_dim3A_1503 = vector.broadcast %jit3A_1502 : f32 to vector<16xf32>
          %select_n3A_1504 = arith.select %lt3A_1501, %get3A_1496, %broadcast_in_dim3A_1503 : vector<16xi1>, vector<16xf32>
          %add3A_1505 = arith.addf %while3A_1490, %select_n3A_1504 : vector<16xf32>
          scf.yield %add3A_1505 : vector<16xf32>
        }
        %while3A_1481 = arith.constant 1 : i32
        %while3A_1482 = scf.for %while3A_1489 = %while3A_1478 to %while3A_1474 step %while3A_1481 iter_args(%while3A_1490 = %while3A_1480) -> (vector<16xf32>)  : i32 {
          %mul3A_1491 = arith.constant 16 : i32
          %mul3A_1492 = arith.muli %while3A_1489, %mul3A_1491 : i32
          %add3A_1493 = arith.addi %multiple_of3A_1456, %mul3A_1492 : i32
          %multiple_of3A_1494 = tpu.assume_multiple %add3A_1493, 16 : i32
          %get3A_1495 = arith.index_cast %multiple_of3A_1494 : i32 to index
          %get3A_1496 = tpu.vector_load %arg19[%get3A_1495] {strides = array<i32>} : memref<32256xf32, #tpu.memory_space<vmem>>, vector<16xf32>,
          %mul3A_1497 = arith.constant 16 : i32
          %mul3A_1498 = arith.muli %while3A_1489, %mul3A_1497 : i32
          %add3A_1499 = vector.broadcast %mul3A_1498 : i32 to vector<16xi32>
          %add3A_1500 = arith.addi %add3A_1499, %iota3A : vector<16xi32>
          %lt3A = vector.broadcast %reduce_sum3A_1442 : i32 to vector<16xi32>
          %lt3A_1501 = arith.cmpi slt, %add3A_1500, %lt3A : vector<16xi32>
          %jit3A_1502 = arith.constant 0.000000e+00 : f32
          %broadcast_in_dim3A_1503 = vector.broadcast %jit3A_1502 : f32 to vector<16xf32>
          %select_n3A_1504 = arith.select %lt3A_1501, %get3A_1496, %broadcast_in_dim3A_1503 : vector<16xi1>, vector<16xf32>
          %add3A_1505 = arith.addf %while3A_1490, %select_n3A_1504 : vector<16xf32>
          scf.yield %add3A_1505 : vector<16xf32>
        }
        %max3A = arith.constant 1 : i32
        %max3A_1483 = arith.maxsi %reduce_sum3A_1442, %max3A : i32
        %convert_element_type3A_1484 = arith.sitofp %max3A_1483 : i32 to f32
        %broadcast_in_dim3A_1485 = arith.constant 0.000000e+00 : f32
        %broadcast_in_dim3A_1486 = vector.broadcast %broadcast_in_dim3A_1485 : f32 to vector<16xf32>
        %add3A_1487 = vector.broadcast %convert_element_type3A_1484 : f32 to vector<16xf32>
        %add3A_1488 = arith.addf %broadcast_in_dim3A_1486, %add3A_1487 : vector<16xf32>
        %div3A = arith.divf %while3A_1482, %add3A_1488 : vector<16xf32>
        scf.yield %div3A : vector<16xf32>
      } else {
        %broadcast_in_dim3A_1470 = arith.constant 0.000000e+00 : f32
        %broadcast_in_dim3A_1471 = vector.broadcast %broadcast_in_dim3A_1470 : f32 to vector<16xf32>
        %while3A_1472 = arith.constant 0 : i32
        %while3A_1473 = arith.subi %squeeze3A_1387, %while3A_1472 : i32
        %while3A_1474 = arith.addi %while3A_1472, %while3A_1473 : i32
        %while3A_1475 = arith.constant 1 : i32
        %while3A_1476 = arith.divsi %while3A_1473, %while3A_1475 : i32
        %while3A_1477 = arith.muli %while3A_1476, %while3A_1475 : i32
        %while3A_1478 = arith.addi %while3A_1472, %while3A_1477 : i32
        %while3A_1479 = arith.constant 1 : i32
        %while3A_1480 = scf.for %while3A_1487 = %while3A_1472 to %while3A_1478 step %while3A_1479 iter_args(%while3A_1488 = %broadcast_in_dim3A_1471) -> (vector<16xf32>)  : i32 {
          %broadcast_in_dim3A_1489 = arith.constant 0.000000e+00 : f32
          %broadcast_in_dim3A_1490 = vector.broadcast %broadcast_in_dim3A_1489 : f32 to vector<16xf32>
          %sub3A_1491 = arith.constant 1.000000e+00 : f32
          %sub3A_1492 = vector.broadcast %sub3A_1491 : f32 to vector<16xf32>
          %sub3A_1493 = arith.subf %broadcast_in_dim3A_1490, %sub3A_1492 : vector<16xf32>
          %while3A_1494 = arith.constant 0 : i32
          %while3A_1495 = arith.subi %shift_right_arithmetic3A_1460, %while3A_1494 : i32
          %while3A_1496 = arith.addi %while3A_1494, %while3A_1495 : i32
          %while3A_1497 = arith.constant 1 : i32
          %while3A_1498 = arith.divsi %while3A_1495, %while3A_1497 : i32
          %while3A_1499 = arith.muli %while3A_1498, %while3A_1497 : i32
          %while3A_1500 = arith.addi %while3A_1494, %while3A_1499 : i32
          %while3A_1501 = arith.constant 1 : i32
          %while3A_1502 = scf.for %while3A_1520 = %while3A_1494 to %while3A_1500 step %while3A_1501 iter_args(%while3A_1521 = %sub3A_1493) -> (vector<16xf32>)  : i32 {
            %mul3A_1522 = arith.constant 16 : i32
            %mul3A_1523 = arith.muli %while3A_1520, %mul3A_1522 : i32
            %add3A_1524 = arith.addi %multiple_of3A_1456, %mul3A_1523 : i32
            %multiple_of3A_1525 = tpu.assume_multiple %add3A_1524, 16 : i32
            %get3A_1526 = arith.index_cast %multiple_of3A_1525 : i32 to index
            %get3A_1527 = tpu.vector_load %arg18[%get3A_1526] {strides = array<i32>} : memref<32256xf32, #tpu.memory_space<vmem>>, vector<16xf32>,
            %mul3A_1528 = arith.constant 16 : i32
            %mul3A_1529 = arith.muli %while3A_1520, %mul3A_1528 : i32
            %add3A_1530 = vector.broadcast %mul3A_1529 : i32 to vector<16xi32>
            %add3A_1531 = arith.addi %add3A_1530, %iota3A : vector<16xi32>
            %lt3A = vector.broadcast %reduce_sum3A_1442 : i32 to vector<16xi32>
            %lt3A_1532 = arith.cmpi slt, %add3A_1531, %lt3A : vector<16xi32>
            %jit3A_1533 = arith.constant -1.000000e+00 : f32
            %broadcast_in_dim3A_1534 = vector.broadcast %jit3A_1533 : f32 to vector<16xf32>
            %select_n3A_1535 = arith.select %lt3A_1532, %get3A_1527, %broadcast_in_dim3A_1534 : vector<16xi1>, vector<16xf32>
            %max3A = arith.maximumf %while3A_1521, %select_n3A_1535 : vector<16xf32>
            scf.yield %max3A : vector<16xf32>
          }
          %while3A_1503 = arith.constant 1 : i32
          %while3A_1504 = scf.for %while3A_1520 = %while3A_1500 to %while3A_1496 step %while3A_1503 iter_args(%while3A_1521 = %while3A_1502) -> (vector<16xf32>)  : i32 {
            %mul3A_1522 = arith.constant 16 : i32
            %mul3A_1523 = arith.muli %while3A_1520, %mul3A_1522 : i32
            %add3A_1524 = arith.addi %multiple_of3A_1456, %mul3A_1523 : i32
            %multiple_of3A_1525 = tpu.assume_multiple %add3A_1524, 16 : i32
            %get3A_1526 = arith.index_cast %multiple_of3A_1525 : i32 to index
            %get3A_1527 = tpu.vector_load %arg18[%get3A_1526] {strides = array<i32>} : memref<32256xf32, #tpu.memory_space<vmem>>, vector<16xf32>,
            %mul3A_1528 = arith.constant 16 : i32
            %mul3A_1529 = arith.muli %while3A_1520, %mul3A_1528 : i32
            %add3A_1530 = vector.broadcast %mul3A_1529 : i32 to vector<16xi32>
            %add3A_1531 = arith.addi %add3A_1530, %iota3A : vector<16xi32>
            %lt3A = vector.broadcast %reduce_sum3A_1442 : i32 to vector<16xi32>
            %lt3A_1532 = arith.cmpi slt, %add3A_1531, %lt3A : vector<16xi32>
            %jit3A_1533 = arith.constant -1.000000e+00 : f32
            %broadcast_in_dim3A_1534 = vector.broadcast %jit3A_1533 : f32 to vector<16xf32>
            %select_n3A_1535 = arith.select %lt3A_1532, %get3A_1527, %broadcast_in_dim3A_1534 : vector<16xi1>, vector<16xf32>
            %max3A = arith.maximumf %while3A_1521, %select_n3A_1535 : vector<16xf32>
            scf.yield %max3A : vector<16xf32>
          }
          %reduce_max3A = arith.constant true
          %reduce_max3A_1505 = vector.broadcast %reduce_max3A : i1 to vector<16xi1>
          %reduce_max3A_1506 = tpu.scan <max>, %while3A_1504 masked %reduce_max3A_1505 : vector<16xf32>, vector<16xi1> -> vector<16xf32>
          %reduce_max3A_1507 = vector.extract %reduce_max3A_1506[15] : f32 from vector<16xf32>
          %while3A_1508 = arith.constant 0 : i32
          %while3A_1509 = arith.constant 0 : i32
          %while3A_1510 = arith.subi %shift_right_arithmetic3A_1460, %while3A_1508 : i32
          %while3A_1511 = arith.addi %while3A_1508, %while3A_1510 : i32
          %while3A_1512 = arith.constant 1 : i32
          %while3A_1513 = arith.divsi %while3A_1510, %while3A_1512 : i32
          %while3A_1514 = arith.muli %while3A_1513, %while3A_1512 : i32
          %while3A_1515 = arith.addi %while3A_1508, %while3A_1514 : i32
          %while3A_1516 = arith.constant 1 : i32
          %while3A_1517:2 = scf.for %while3A_1520 = %while3A_1508 to %while3A_1515 step %while3A_1516 iter_args(%while3A_1521 = %while3A_1509, %while3A_1522 = %while3A_1488) -> (i32, vector<16xf32>)  : i32 {
            %mul3A_1523 = arith.constant 16 : i32
            %mul3A_1524 = arith.muli %while3A_1520, %mul3A_1523 : i32
            %add3A_1525 = arith.addi %multiple_of3A_1456, %mul3A_1524 : i32
            %multiple_of3A_1526 = tpu.assume_multiple %add3A_1525, 16 : i32
            %get3A_1527 = arith.index_cast %multiple_of3A_1526 : i32 to index
            %get3A_1528 = tpu.vector_load %arg18[%get3A_1527] {strides = array<i32>} : memref<32256xf32, #tpu.memory_space<vmem>>, vector<16xf32>,
            %mul3A_1529 = arith.constant 16 : i32
            %mul3A_1530 = arith.muli %while3A_1520, %mul3A_1529 : i32
            %add3A_1531 = vector.broadcast %mul3A_1530 : i32 to vector<16xi32>
            %add3A_1532 = arith.addi %add3A_1531, %iota3A : vector<16xi32>
            %lt3A = vector.broadcast %reduce_sum3A_1442 : i32 to vector<16xi32>
            %lt3A_1533 = arith.cmpi slt, %add3A_1532, %lt3A : vector<16xi32>
            %eq3A_1534 = vector.broadcast %reduce_max3A_1507 : f32 to vector<16xf32>
            %eq3A_1535 = arith.cmpf oeq, %get3A_1528, %eq3A_1534 : vector<16xf32>
            %and3A_1536 = arith.andi %lt3A_1533, %eq3A_1535 : vector<16xi1>
            %eq3A_1537 = arith.constant 0 : i32
            %eq3A_1538 = arith.cmpi eq, %while3A_1521, %eq3A_1537 : i32
            %and3A_1539 = vector.broadcast %eq3A_1538 : i1 to vector<16xi1>
            %and3A_1540 = arith.andi %and3A_1536, %and3A_1539 : vector<16xi1>
            %all_reduce_ffs3A = tpu.all_reduce %and3A_1540 {dim = 0 : i64, kind = #tpu.reduction_kind<find_first_set>} : vector<16xi1> -> vector<16xi32>
            %eq3A_1541 = arith.cmpi eq, %iota3A, %all_reduce_ffs3A : vector<16xi32>
            %and3A_1542 = arith.andi %and3A_1540, %eq3A_1541 : vector<16xi1>
            %get3A_1543 = arith.index_cast %multiple_of3A_1526 : i32 to index
            %get3A_1544 = tpu.vector_load %arg19[%get3A_1543] {strides = array<i32>} : memref<32256xf32, #tpu.memory_space<vmem>>, vector<16xf32>,
            %jit3A_1545 = arith.constant 0.000000e+00 : f32
            %broadcast_in_dim3A_1546 = vector.broadcast %jit3A_1545 : f32 to vector<16xf32>
            %select_n3A_1547 = arith.select %and3A_1542, %get3A_1544, %broadcast_in_dim3A_1546 : vector<16xi1>, vector<16xf32>
            %add3A_1548 = arith.addf %while3A_1522, %select_n3A_1547 : vector<16xf32>
            %jit3A_1549 = arith.constant -2.000000e+00 : f32
            %broadcast_in_dim3A_1550 = vector.broadcast %jit3A_1549 : f32 to vector<16xf32>
            %select_n3A_1551 = arith.select %and3A_1542, %broadcast_in_dim3A_1550, %get3A_1528 : vector<16xi1>, vector<16xf32>
            %swap3A_1552 = arith.index_cast %multiple_of3A_1526 : i32 to index
            %swap3A_1553 = tpu.vector_load %arg18[%swap3A_1552] {strides = array<i32>} : memref<32256xf32, #tpu.memory_space<vmem>>, vector<16xf32>,
            tpu.vector_store %arg18[%swap3A_1552], %select_n3A_1551 {strides = array<i32>} : memref<32256xf32, #tpu.memory_space<vmem>>, vector<16xf32>,
            %convert_element_type3A_1554 = arith.extui %and3A_1540 : vector<16xi1> to vector<16xi32>
            %reduce_max3A_1555 = arith.constant true
            %reduce_max3A_1556 = vector.broadcast %reduce_max3A_1555 : i1 to vector<16xi1>
            %reduce_max3A_1557 = arith.constant -2147483648 : i32
            %reduce_max3A_1558 = vector.broadcast %reduce_max3A_1557 : i32 to vector<16xi32>
            %reduce_max3A_1559 = arith.xori %convert_element_type3A_1554, %reduce_max3A_1558 : vector<16xi32>
            %reduce_max3A_1560 = tpu.scan <max>, %reduce_max3A_1559 masked %reduce_max3A_1556 : vector<16xi32>, vector<16xi1> -> vector<16xi32>
            %reduce_max3A_1561 = arith.xori %reduce_max3A_1560, %reduce_max3A_1558 : vector<16xi32>
            %reduce_max3A_1562 = vector.extract %reduce_max3A_1561[15] : i32 from vector<16xi32>
            %or3A = arith.ori %while3A_1521, %reduce_max3A_1562 : i32
            scf.yield %or3A, %add3A_1548 : i32, vector<16xf32>
          }
          %while3A_1518 = arith.constant 1 : i32
          %while3A_1519:2 = scf.for %while3A_1520 = %while3A_1515 to %while3A_1511 step %while3A_1518 iter_args(%while3A_1521 = %while3A_1517#0, %while3A_1522 = %while3A_1517#1) -> (i32, vector<16xf32>)  : i32 {
            %mul3A_1523 = arith.constant 16 : i32
            %mul3A_1524 = arith.muli %while3A_1520, %mul3A_1523 : i32
            %add3A_1525 = arith.addi %multiple_of3A_1456, %mul3A_1524 : i32
            %multiple_of3A_1526 = tpu.assume_multiple %add3A_1525, 16 : i32
            %get3A_1527 = arith.index_cast %multiple_of3A_1526 : i32 to index
            %get3A_1528 = tpu.vector_load %arg18[%get3A_1527] {strides = array<i32>} : memref<32256xf32, #tpu.memory_space<vmem>>, vector<16xf32>,
            %mul3A_1529 = arith.constant 16 : i32
            %mul3A_1530 = arith.muli %while3A_1520, %mul3A_1529 : i32
            %add3A_1531 = vector.broadcast %mul3A_1530 : i32 to vector<16xi32>
            %add3A_1532 = arith.addi %add3A_1531, %iota3A : vector<16xi32>
            %lt3A = vector.broadcast %reduce_sum3A_1442 : i32 to vector<16xi32>
            %lt3A_1533 = arith.cmpi slt, %add3A_1532, %lt3A : vector<16xi32>
            %eq3A_1534 = vector.broadcast %reduce_max3A_1507 : f32 to vector<16xf32>
            %eq3A_1535 = arith.cmpf oeq, %get3A_1528, %eq3A_1534 : vector<16xf32>
            %and3A_1536 = arith.andi %lt3A_1533, %eq3A_1535 : vector<16xi1>
            %eq3A_1537 = arith.constant 0 : i32
            %eq3A_1538 = arith.cmpi eq, %while3A_1521, %eq3A_1537 : i32
            %and3A_1539 = vector.broadcast %eq3A_1538 : i1 to vector<16xi1>
            %and3A_1540 = arith.andi %and3A_1536, %and3A_1539 : vector<16xi1>
            %all_reduce_ffs3A = tpu.all_reduce %and3A_1540 {dim = 0 : i64, kind = #tpu.reduction_kind<find_first_set>} : vector<16xi1> -> vector<16xi32>
            %eq3A_1541 = arith.cmpi eq, %iota3A, %all_reduce_ffs3A : vector<16xi32>
            %and3A_1542 = arith.andi %and3A_1540, %eq3A_1541 : vector<16xi1>
            %get3A_1543 = arith.index_cast %multiple_of3A_1526 : i32 to index
            %get3A_1544 = tpu.vector_load %arg19[%get3A_1543] {strides = array<i32>} : memref<32256xf32, #tpu.memory_space<vmem>>, vector<16xf32>,
            %jit3A_1545 = arith.constant 0.000000e+00 : f32
            %broadcast_in_dim3A_1546 = vector.broadcast %jit3A_1545 : f32 to vector<16xf32>
            %select_n3A_1547 = arith.select %and3A_1542, %get3A_1544, %broadcast_in_dim3A_1546 : vector<16xi1>, vector<16xf32>
            %add3A_1548 = arith.addf %while3A_1522, %select_n3A_1547 : vector<16xf32>
            %jit3A_1549 = arith.constant -2.000000e+00 : f32
            %broadcast_in_dim3A_1550 = vector.broadcast %jit3A_1549 : f32 to vector<16xf32>
            %select_n3A_1551 = arith.select %and3A_1542, %broadcast_in_dim3A_1550, %get3A_1528 : vector<16xi1>, vector<16xf32>
            %swap3A_1552 = arith.index_cast %multiple_of3A_1526 : i32 to index
            %swap3A_1553 = tpu.vector_load %arg18[%swap3A_1552] {strides = array<i32>} : memref<32256xf32, #tpu.memory_space<vmem>>, vector<16xf32>,
            tpu.vector_store %arg18[%swap3A_1552], %select_n3A_1551 {strides = array<i32>} : memref<32256xf32, #tpu.memory_space<vmem>>, vector<16xf32>,
            %convert_element_type3A_1554 = arith.extui %and3A_1540 : vector<16xi1> to vector<16xi32>
            %reduce_max3A_1555 = arith.constant true
            %reduce_max3A_1556 = vector.broadcast %reduce_max3A_1555 : i1 to vector<16xi1>
            %reduce_max3A_1557 = arith.constant -2147483648 : i32
            %reduce_max3A_1558 = vector.broadcast %reduce_max3A_1557 : i32 to vector<16xi32>
            %reduce_max3A_1559 = arith.xori %convert_element_type3A_1554, %reduce_max3A_1558 : vector<16xi32>
            %reduce_max3A_1560 = tpu.scan <max>, %reduce_max3A_1559 masked %reduce_max3A_1556 : vector<16xi32>, vector<16xi1> -> vector<16xi32>
            %reduce_max3A_1561 = arith.xori %reduce_max3A_1560, %reduce_max3A_1558 : vector<16xi32>
            %reduce_max3A_1562 = vector.extract %reduce_max3A_1561[15] : i32 from vector<16xi32>
            %or3A = arith.ori %while3A_1521, %reduce_max3A_1562 : i32
            scf.yield %or3A, %add3A_1548 : i32, vector<16xf32>
          }
          scf.yield %while3A_1519#1 : vector<16xf32>
        }
        %while3A_1481 = arith.constant 1 : i32
        %while3A_1482 = scf.for %while3A_1487 = %while3A_1478 to %while3A_1474 step %while3A_1481 iter_args(%while3A_1488 = %while3A_1480) -> (vector<16xf32>)  : i32 {
          %broadcast_in_dim3A_1489 = arith.constant 0.000000e+00 : f32
          %broadcast_in_dim3A_1490 = vector.broadcast %broadcast_in_dim3A_1489 : f32 to vector<16xf32>
          %sub3A_1491 = arith.constant 1.000000e+00 : f32
          %sub3A_1492 = vector.broadcast %sub3A_1491 : f32 to vector<16xf32>
          %sub3A_1493 = arith.subf %broadcast_in_dim3A_1490, %sub3A_1492 : vector<16xf32>
          %while3A_1494 = arith.constant 0 : i32
          %while3A_1495 = arith.subi %shift_right_arithmetic3A_1460, %while3A_1494 : i32
          %while3A_1496 = arith.addi %while3A_1494, %while3A_1495 : i32
          %while3A_1497 = arith.constant 1 : i32
          %while3A_1498 = arith.divsi %while3A_1495, %while3A_1497 : i32
          %while3A_1499 = arith.muli %while3A_1498, %while3A_1497 : i32
          %while3A_1500 = arith.addi %while3A_1494, %while3A_1499 : i32
          %while3A_1501 = arith.constant 1 : i32
          %while3A_1502 = scf.for %while3A_1520 = %while3A_1494 to %while3A_1500 step %while3A_1501 iter_args(%while3A_1521 = %sub3A_1493) -> (vector<16xf32>)  : i32 {
            %mul3A_1522 = arith.constant 16 : i32
            %mul3A_1523 = arith.muli %while3A_1520, %mul3A_1522 : i32
            %add3A_1524 = arith.addi %multiple_of3A_1456, %mul3A_1523 : i32
            %multiple_of3A_1525 = tpu.assume_multiple %add3A_1524, 16 : i32
            %get3A_1526 = arith.index_cast %multiple_of3A_1525 : i32 to index
            %get3A_1527 = tpu.vector_load %arg18[%get3A_1526] {strides = array<i32>} : memref<32256xf32, #tpu.memory_space<vmem>>, vector<16xf32>,
            %mul3A_1528 = arith.constant 16 : i32
            %mul3A_1529 = arith.muli %while3A_1520, %mul3A_1528 : i32
            %add3A_1530 = vector.broadcast %mul3A_1529 : i32 to vector<16xi32>
            %add3A_1531 = arith.addi %add3A_1530, %iota3A : vector<16xi32>
            %lt3A = vector.broadcast %reduce_sum3A_1442 : i32 to vector<16xi32>
            %lt3A_1532 = arith.cmpi slt, %add3A_1531, %lt3A : vector<16xi32>
            %jit3A_1533 = arith.constant -1.000000e+00 : f32
            %broadcast_in_dim3A_1534 = vector.broadcast %jit3A_1533 : f32 to vector<16xf32>
            %select_n3A_1535 = arith.select %lt3A_1532, %get3A_1527, %broadcast_in_dim3A_1534 : vector<16xi1>, vector<16xf32>
            %max3A = arith.maximumf %while3A_1521, %select_n3A_1535 : vector<16xf32>
            scf.yield %max3A : vector<16xf32>
          }
          %while3A_1503 = arith.constant 1 : i32
          %while3A_1504 = scf.for %while3A_1520 = %while3A_1500 to %while3A_1496 step %while3A_1503 iter_args(%while3A_1521 = %while3A_1502) -> (vector<16xf32>)  : i32 {
            %mul3A_1522 = arith.constant 16 : i32
            %mul3A_1523 = arith.muli %while3A_1520, %mul3A_1522 : i32
            %add3A_1524 = arith.addi %multiple_of3A_1456, %mul3A_1523 : i32
            %multiple_of3A_1525 = tpu.assume_multiple %add3A_1524, 16 : i32
            %get3A_1526 = arith.index_cast %multiple_of3A_1525 : i32 to index
            %get3A_1527 = tpu.vector_load %arg18[%get3A_1526] {strides = array<i32>} : memref<32256xf32, #tpu.memory_space<vmem>>, vector<16xf32>,
            %mul3A_1528 = arith.constant 16 : i32
            %mul3A_1529 = arith.muli %while3A_1520, %mul3A_1528 : i32
            %add3A_1530 = vector.broadcast %mul3A_1529 : i32 to vector<16xi32>
            %add3A_1531 = arith.addi %add3A_1530, %iota3A : vector<16xi32>
            %lt3A = vector.broadcast %reduce_sum3A_1442 : i32 to vector<16xi32>
            %lt3A_1532 = arith.cmpi slt, %add3A_1531, %lt3A : vector<16xi32>
            %jit3A_1533 = arith.constant -1.000000e+00 : f32
            %broadcast_in_dim3A_1534 = vector.broadcast %jit3A_1533 : f32 to vector<16xf32>
            %select_n3A_1535 = arith.select %lt3A_1532, %get3A_1527, %broadcast_in_dim3A_1534 : vector<16xi1>, vector<16xf32>
            %max3A = arith.maximumf %while3A_1521, %select_n3A_1535 : vector<16xf32>
            scf.yield %max3A : vector<16xf32>
          }
          %reduce_max3A = arith.constant true
          %reduce_max3A_1505 = vector.broadcast %reduce_max3A : i1 to vector<16xi1>
          %reduce_max3A_1506 = tpu.scan <max>, %while3A_1504 masked %reduce_max3A_1505 : vector<16xf32>, vector<16xi1> -> vector<16xf32>
          %reduce_max3A_1507 = vector.extract %reduce_max3A_1506[15] : f32 from vector<16xf32>
          %while3A_1508 = arith.constant 0 : i32
          %while3A_1509 = arith.constant 0 : i32
          %while3A_1510 = arith.subi %shift_right_arithmetic3A_1460, %while3A_1508 : i32
          %while3A_1511 = arith.addi %while3A_1508, %while3A_1510 : i32
          %while3A_1512 = arith.constant 1 : i32
          %while3A_1513 = arith.divsi %while3A_1510, %while3A_1512 : i32
          %while3A_1514 = arith.muli %while3A_1513, %while3A_1512 : i32
          %while3A_1515 = arith.addi %while3A_1508, %while3A_1514 : i32
          %while3A_1516 = arith.constant 1 : i32
          %while3A_1517:2 = scf.for %while3A_1520 = %while3A_1508 to %while3A_1515 step %while3A_1516 iter_args(%while3A_1521 = %while3A_1509, %while3A_1522 = %while3A_1488) -> (i32, vector<16xf32>)  : i32 {
            %mul3A_1523 = arith.constant 16 : i32
            %mul3A_1524 = arith.muli %while3A_1520, %mul3A_1523 : i32
            %add3A_1525 = arith.addi %multiple_of3A_1456, %mul3A_1524 : i32
            %multiple_of3A_1526 = tpu.assume_multiple %add3A_1525, 16 : i32
            %get3A_1527 = arith.index_cast %multiple_of3A_1526 : i32 to index
            %get3A_1528 = tpu.vector_load %arg18[%get3A_1527] {strides = array<i32>} : memref<32256xf32, #tpu.memory_space<vmem>>, vector<16xf32>,
            %mul3A_1529 = arith.constant 16 : i32
            %mul3A_1530 = arith.muli %while3A_1520, %mul3A_1529 : i32
            %add3A_1531 = vector.broadcast %mul3A_1530 : i32 to vector<16xi32>
            %add3A_1532 = arith.addi %add3A_1531, %iota3A : vector<16xi32>
            %lt3A = vector.broadcast %reduce_sum3A_1442 : i32 to vector<16xi32>
            %lt3A_1533 = arith.cmpi slt, %add3A_1532, %lt3A : vector<16xi32>
            %eq3A_1534 = vector.broadcast %reduce_max3A_1507 : f32 to vector<16xf32>
            %eq3A_1535 = arith.cmpf oeq, %get3A_1528, %eq3A_1534 : vector<16xf32>
            %and3A_1536 = arith.andi %lt3A_1533, %eq3A_1535 : vector<16xi1>
            %eq3A_1537 = arith.constant 0 : i32
            %eq3A_1538 = arith.cmpi eq, %while3A_1521, %eq3A_1537 : i32
            %and3A_1539 = vector.broadcast %eq3A_1538 : i1 to vector<16xi1>
            %and3A_1540 = arith.andi %and3A_1536, %and3A_1539 : vector<16xi1>
            %all_reduce_ffs3A = tpu.all_reduce %and3A_1540 {dim = 0 : i64, kind = #tpu.reduction_kind<find_first_set>} : vector<16xi1> -> vector<16xi32>
            %eq3A_1541 = arith.cmpi eq, %iota3A, %all_reduce_ffs3A : vector<16xi32>
            %and3A_1542 = arith.andi %and3A_1540, %eq3A_1541 : vector<16xi1>
            %get3A_1543 = arith.index_cast %multiple_of3A_1526 : i32 to index
            %get3A_1544 = tpu.vector_load %arg19[%get3A_1543] {strides = array<i32>} : memref<32256xf32, #tpu.memory_space<vmem>>, vector<16xf32>,
            %jit3A_1545 = arith.constant 0.000000e+00 : f32
            %broadcast_in_dim3A_1546 = vector.broadcast %jit3A_1545 : f32 to vector<16xf32>
            %select_n3A_1547 = arith.select %and3A_1542, %get3A_1544, %broadcast_in_dim3A_1546 : vector<16xi1>, vector<16xf32>
            %add3A_1548 = arith.addf %while3A_1522, %select_n3A_1547 : vector<16xf32>
            %jit3A_1549 = arith.constant -2.000000e+00 : f32
            %broadcast_in_dim3A_1550 = vector.broadcast %jit3A_1549 : f32 to vector<16xf32>
            %select_n3A_1551 = arith.select %and3A_1542, %broadcast_in_dim3A_1550, %get3A_1528 : vector<16xi1>, vector<16xf32>
            %swap3A_1552 = arith.index_cast %multiple_of3A_1526 : i32 to index
            %swap3A_1553 = tpu.vector_load %arg18[%swap3A_1552] {strides = array<i32>} : memref<32256xf32, #tpu.memory_space<vmem>>, vector<16xf32>,
            tpu.vector_store %arg18[%swap3A_1552], %select_n3A_1551 {strides = array<i32>} : memref<32256xf32, #tpu.memory_space<vmem>>, vector<16xf32>,
            %convert_element_type3A_1554 = arith.extui %and3A_1540 : vector<16xi1> to vector<16xi32>
            %reduce_max3A_1555 = arith.constant true
            %reduce_max3A_1556 = vector.broadcast %reduce_max3A_1555 : i1 to vector<16xi1>
            %reduce_max3A_1557 = arith.constant -2147483648 : i32
            %reduce_max3A_1558 = vector.broadcast %reduce_max3A_1557 : i32 to vector<16xi32>
            %reduce_max3A_1559 = arith.xori %convert_element_type3A_1554, %reduce_max3A_1558 : vector<16xi32>
            %reduce_max3A_1560 = tpu.scan <max>, %reduce_max3A_1559 masked %reduce_max3A_1556 : vector<16xi32>, vector<16xi1> -> vector<16xi32>
            %reduce_max3A_1561 = arith.xori %reduce_max3A_1560, %reduce_max3A_1558 : vector<16xi32>
            %reduce_max3A_1562 = vector.extract %reduce_max3A_1561[15] : i32 from vector<16xi32>
            %or3A = arith.ori %while3A_1521, %reduce_max3A_1562 : i32
            scf.yield %or3A, %add3A_1548 : i32, vector<16xf32>
          }
          %while3A_1518 = arith.constant 1 : i32
          %while3A_1519:2 = scf.for %while3A_1520 = %while3A_1515 to %while3A_1511 step %while3A_1518 iter_args(%while3A_1521 = %while3A_1517#0, %while3A_1522 = %while3A_1517#1) -> (i32, vector<16xf32>)  : i32 {
            %mul3A_1523 = arith.constant 16 : i32
            %mul3A_1524 = arith.muli %while3A_1520, %mul3A_1523 : i32
            %add3A_1525 = arith.addi %multiple_of3A_1456, %mul3A_1524 : i32
            %multiple_of3A_1526 = tpu.assume_multiple %add3A_1525, 16 : i32
            %get3A_1527 = arith.index_cast %multiple_of3A_1526 : i32 to index
            %get3A_1528 = tpu.vector_load %arg18[%get3A_1527] {strides = array<i32>} : memref<32256xf32, #tpu.memory_space<vmem>>, vector<16xf32>,
            %mul3A_1529 = arith.constant 16 : i32
            %mul3A_1530 = arith.muli %while3A_1520, %mul3A_1529 : i32
            %add3A_1531 = vector.broadcast %mul3A_1530 : i32 to vector<16xi32>
            %add3A_1532 = arith.addi %add3A_1531, %iota3A : vector<16xi32>
            %lt3A = vector.broadcast %reduce_sum3A_1442 : i32 to vector<16xi32>
            %lt3A_1533 = arith.cmpi slt, %add3A_1532, %lt3A : vector<16xi32>
            %eq3A_1534 = vector.broadcast %reduce_max3A_1507 : f32 to vector<16xf32>
            %eq3A_1535 = arith.cmpf oeq, %get3A_1528, %eq3A_1534 : vector<16xf32>
            %and3A_1536 = arith.andi %lt3A_1533, %eq3A_1535 : vector<16xi1>
            %eq3A_1537 = arith.constant 0 : i32
            %eq3A_1538 = arith.cmpi eq, %while3A_1521, %eq3A_1537 : i32
            %and3A_1539 = vector.broadcast %eq3A_1538 : i1 to vector<16xi1>
            %and3A_1540 = arith.andi %and3A_1536, %and3A_1539 : vector<16xi1>
            %all_reduce_ffs3A = tpu.all_reduce %and3A_1540 {dim = 0 : i64, kind = #tpu.reduction_kind<find_first_set>} : vector<16xi1> -> vector<16xi32>
            %eq3A_1541 = arith.cmpi eq, %iota3A, %all_reduce_ffs3A : vector<16xi32>
            %and3A_1542 = arith.andi %and3A_1540, %eq3A_1541 : vector<16xi1>
            %get3A_1543 = arith.index_cast %multiple_of3A_1526 : i32 to index
            %get3A_1544 = tpu.vector_load %arg19[%get3A_1543] {strides = array<i32>} : memref<32256xf32, #tpu.memory_space<vmem>>, vector<16xf32>,
            %jit3A_1545 = arith.constant 0.000000e+00 : f32
            %broadcast_in_dim3A_1546 = vector.broadcast %jit3A_1545 : f32 to vector<16xf32>
            %select_n3A_1547 = arith.select %and3A_1542, %get3A_1544, %broadcast_in_dim3A_1546 : vector<16xi1>, vector<16xf32>
            %add3A_1548 = arith.addf %while3A_1522, %select_n3A_1547 : vector<16xf32>
            %jit3A_1549 = arith.constant -2.000000e+00 : f32
            %broadcast_in_dim3A_1550 = vector.broadcast %jit3A_1549 : f32 to vector<16xf32>
            %select_n3A_1551 = arith.select %and3A_1542, %broadcast_in_dim3A_1550, %get3A_1528 : vector<16xi1>, vector<16xf32>
            %swap3A_1552 = arith.index_cast %multiple_of3A_1526 : i32 to index
            %swap3A_1553 = tpu.vector_load %arg18[%swap3A_1552] {strides = array<i32>} : memref<32256xf32, #tpu.memory_space<vmem>>, vector<16xf32>,
            tpu.vector_store %arg18[%swap3A_1552], %select_n3A_1551 {strides = array<i32>} : memref<32256xf32, #tpu.memory_space<vmem>>, vector<16xf32>,
            %convert_element_type3A_1554 = arith.extui %and3A_1540 : vector<16xi1> to vector<16xi32>
            %reduce_max3A_1555 = arith.constant true
            %reduce_max3A_1556 = vector.broadcast %reduce_max3A_1555 : i1 to vector<16xi1>
            %reduce_max3A_1557 = arith.constant -2147483648 : i32
            %reduce_max3A_1558 = vector.broadcast %reduce_max3A_1557 : i32 to vector<16xi32>
            %reduce_max3A_1559 = arith.xori %convert_element_type3A_1554, %reduce_max3A_1558 : vector<16xi32>
            %reduce_max3A_1560 = tpu.scan <max>, %reduce_max3A_1559 masked %reduce_max3A_1556 : vector<16xi32>, vector<16xi1> -> vector<16xi32>
            %reduce_max3A_1561 = arith.xori %reduce_max3A_1560, %reduce_max3A_1558 : vector<16xi32>
            %reduce_max3A_1562 = vector.extract %reduce_max3A_1561[15] : i32 from vector<16xi32>
            %or3A = arith.ori %while3A_1521, %reduce_max3A_1562 : i32
            scf.yield %or3A, %add3A_1548 : i32, vector<16xf32>
          }
          scf.yield %while3A_1519#1 : vector<16xf32>
        }
        %broadcast_in_dim3A_1483 = arith.constant 0.000000e+00 : f32
        %broadcast_in_dim3A_1484 = vector.broadcast %broadcast_in_dim3A_1483 : f32 to vector<16xf32>
        %add3A_1485 = vector.broadcast %convert_element_type3A_1388 : f32 to vector<16xf32>
        %add3A_1486 = arith.addf %broadcast_in_dim3A_1484, %add3A_1485 : vector<16xf32>
        %div3A = arith.divf %while3A_1482, %add3A_1486 : vector<16xf32>
        scf.yield %div3A : vector<16xf32>
      }
      %add3A_1466 = arith.addf %scan3A_1427, %cond3A_1465 : vector<16xf32>
      %gt3A = arith.constant 0 : i32
      %gt3A_1467 = arith.cmpi sgt, %reduce_sum3A_1442, %gt3A : i32
      %convert_element_type3A_1468 = arith.extui %gt3A_1467 : i1 to i32
      %add3A_1469 = arith.addi %scan3A_1428, %convert_element_type3A_1468 : i32
      scf.yield %add3A_1466, %add3A_1469 : vector<16xf32>, i32
    }
    %scan3A_1396 = arith.constant 64 : i32
    %eq3A_1397 = arith.constant 0 : i32
    %eq3A_1398 = vector.broadcast %eq3A_1397 : i32 to vector<16xi32>
    %eq3A_1399 = arith.cmpi eq, %iota3A, %eq3A_1398 : vector<16xi32>
    %broadcast_in_dim3A_1400 = arith.constant 0.000000e+00 : f32
    %broadcast_in_dim3A_1401 = vector.broadcast %broadcast_in_dim3A_1400 : f32 to vector<16xf32>
    %reduce_sum3A = arith.constant true
    %reduce_sum3A_1402 = vector.broadcast %reduce_sum3A : i1 to vector<16xi1>
    %reduce_sum3A_1403 = tpu.scan <sum>, %scan3A_1395#0 masked %reduce_sum3A_1402 : vector<16xf32>, vector<16xi1> -> vector<16xf32>
    %reduce_sum3A_1404 = vector.extract %reduce_sum3A_1403[15] : f32 from vector<16xf32>
    %add3A_1405 = vector.broadcast %reduce_sum3A_1404 : f32 to vector<16xf32>
    %add3A_1406 = arith.addf %broadcast_in_dim3A_1401, %add3A_1405 : vector<16xf32>
    %eq3A_1407 = arith.constant 1 : i32
    %eq3A_1408 = vector.broadcast %eq3A_1407 : i32 to vector<16xi32>
    %eq3A_1409 = arith.cmpi eq, %iota3A, %eq3A_1408 : vector<16xi32>
    %broadcast_in_dim3A_1410 = arith.constant 0.000000e+00 : f32
    %broadcast_in_dim3A_1411 = vector.broadcast %broadcast_in_dim3A_1410 : f32 to vector<16xf32>
    %convert_element_type3A_1412 = arith.sitofp %scan3A_1395#1 : i32 to f32
    %add3A_1413 = vector.broadcast %convert_element_type3A_1412 : f32 to vector<16xf32>
    %add3A_1414 = arith.addf %broadcast_in_dim3A_1411, %add3A_1413 : vector<16xf32>
    %broadcast_in_dim3A_1415 = arith.constant 0.000000e+00 : f32
    %broadcast_in_dim3A_1416 = vector.broadcast %broadcast_in_dim3A_1415 : f32 to vector<16xf32>
    %select_n3A = arith.select %eq3A_1409, %add3A_1414, %broadcast_in_dim3A_1416 : vector<16xi1>, vector<16xf32>
    %select_n3A_1417 = arith.select %eq3A_1399, %add3A_1406, %select_n3A : vector<16xi1>, vector<16xf32>
    %swap3A_1418 = arith.constant 0 : index
    %swap3A_1419 = tpu.vector_load %arg17[%swap3A_1418] {strides = array<i32>} : memref<16xf32, #tpu.memory_space<vmem>>, vector<16xf32>,
    tpu.vector_store %arg17[%swap3A_1418], %select_n3A_1417 {strides = array<i32>} : memref<16xf32, #tpu.memory_space<vmem>>, vector<16xf32>,
    "tpu.region"() ({
      %run_scoped3A_1426 = tpu.sem_alloc : memref<!tpu.dma_semaphore, #tpu.memory_space<semaphore_mem>>
      %dma_start3A = arith.constant 0 : i32
      %dma_start3A_1427 = tpu.memref_slice %arg27[%arg1, %dma_start3A] : memref<16x16xf32, #tpu.memory_space<vmem_shared>> -> memref<1x16xf32, #tpu.memory_space<vmem_shared>>
      %dma_start3A_1428 = tpu.memref_squeeze %dma_start3A_1427 : memref<1x16xf32, #tpu.memory_space<vmem_shared>> -> memref<16xf32, #tpu.memory_space<vmem_shared>>
      %dma_start3A_1429 = arith.constant 0 : i32
      %dma_start3A_1430 = tpu.memref_slice %arg27[%arg1, %dma_start3A_1429] : memref<16x16xf32, #tpu.memory_space<vmem_shared>> -> memref<1x16xf32, #tpu.memory_space<vmem_shared>>
      %dma_start3A_1431 = tpu.memref_squeeze %dma_start3A_1430 : memref<1x16xf32, #tpu.memory_space<vmem_shared>> -> memref<16xf32, #tpu.memory_space<vmem_shared>>
      tpu.enqueue_dma source(%arg17 : memref<16xf32, #tpu.memory_space<vmem>>) target(%dma_start3A_1431 : memref<16xf32, #tpu.memory_space<vmem_shared>>) target_semaphore(%run_scoped3A_1426 : memref<!tpu.dma_semaphore, #tpu.memory_space<semaphore_mem>>)
      %dma_wait3A = arith.constant 0 : i32
      %dma_wait3A_1432 = tpu.memref_slice %arg27[%arg1, %dma_wait3A] : memref<16x16xf32, #tpu.memory_space<vmem_shared>> -> memref<1x16xf32, #tpu.memory_space<vmem_shared>>
      %dma_wait3A_1433 = tpu.memref_squeeze %dma_wait3A_1432 : memref<1x16xf32, #tpu.memory_space<vmem_shared>> -> memref<16xf32, #tpu.memory_space<vmem_shared>>
      %dma_wait3A_1434 = arith.constant 0 : i32
      %dma_wait3A_1435 = tpu.memref_slice %arg27[%arg1, %dma_wait3A_1434] : memref<16x16xf32, #tpu.memory_space<vmem_shared>> -> memref<1x16xf32, #tpu.memory_space<vmem_shared>>
      %dma_wait3A_1436 = tpu.memref_squeeze %dma_wait3A_1435 : memref<1x16xf32, #tpu.memory_space<vmem_shared>> -> memref<16xf32, #tpu.memory_space<vmem_shared>>
      tpu.wait_dma2 semaphore(%run_scoped3A_1426 : memref<!tpu.dma_semaphore, #tpu.memory_space<semaphore_mem>>) src(%arg17 : memref<16xf32, #tpu.memory_space<vmem>>) dst(%dma_wait3A_1436 : memref<16xf32, #tpu.memory_space<vmem_shared>>)
      tpu.yield
    }) : () -> ()
    %barrier3A_1420 = arith.constant 0 : index
    tpu.barrier barrier_id(%barrier3A_1420)
    %eq3A_1421 = arith.constant 0 : i32
    %eq3A_1422 = arith.cmpi eq, %arg1, %eq3A_1421 : i32
    %convert_element_type3A_1423 = arith.extui %eq3A_1422 : i1 to i32
    %cond3A_1424 = arith.constant 0 : i32
    %cond3A_1425 = arith.cmpi ne, %convert_element_type3A_1423, %cond3A_1424 : i32
    scf.if %cond3A_1425 {
      "tpu.region"() ({
        %run_scoped3A_1537 = tpu.sem_alloc : memref<!tpu.dma_semaphore, #tpu.memory_space<semaphore_mem>>
        tpu.enqueue_dma source(%arg27 : memref<16x16xf32, #tpu.memory_space<vmem_shared>>) target(%arg20 : memref<16x16xf32, #tpu.memory_space<vmem>>) target_semaphore(%run_scoped3A_1537 : memref<!tpu.dma_semaphore, #tpu.memory_space<semaphore_mem>>)
        tpu.wait_dma2 semaphore(%run_scoped3A_1537 : memref<!tpu.dma_semaphore, #tpu.memory_space<semaphore_mem>>) src(%arg27 : memref<16x16xf32, #tpu.memory_space<vmem_shared>>) dst(%arg20 : memref<16x16xf32, #tpu.memory_space<vmem>>)
        tpu.yield
      }) : () -> ()
      %broadcast_in_dim3A_1426 = arith.constant 0.000000e+00 : f32
      %broadcast_in_dim3A_1427 = vector.broadcast %broadcast_in_dim3A_1426 : f32 to vector<16xf32>
      %get3A_1428 = arith.constant 0 : i32
      %get3A_1429 = arith.index_cast %get3A_1428 : i32 to index
      %get3A_1430 = arith.constant 0 : index
      %get3A_1431 = tpu.vector_load %arg20[%get3A_1429, %get3A_1430] {strides = array<i32>} : memref<16x16xf32, #tpu.memory_space<vmem>>, vector<16xf32>,
      %add3A_1432 = arith.addf %broadcast_in_dim3A_1427, %get3A_1431 : vector<16xf32>
      %get3A_1433 = arith.constant 1 : i32
      %get3A_1434 = arith.index_cast %get3A_1433 : i32 to index
      %get3A_1435 = arith.constant 0 : index
      %get3A_1436 = tpu.vector_load %arg20[%get3A_1434, %get3A_1435] {strides = array<i32>} : memref<16x16xf32, #tpu.memory_space<vmem>>, vector<16xf32>,
      %add3A_1437 = arith.addf %add3A_1432, %get3A_1436 : vector<16xf32>
      %get3A_1438 = arith.constant 2 : i32
      %get3A_1439 = arith.index_cast %get3A_1438 : i32 to index
      %get3A_1440 = arith.constant 0 : index
      %get3A_1441 = tpu.vector_load %arg20[%get3A_1439, %get3A_1440] {strides = array<i32>} : memref<16x16xf32, #tpu.memory_space<vmem>>, vector<16xf32>,
      %add3A_1442 = arith.addf %add3A_1437, %get3A_1441 : vector<16xf32>
      %get3A_1443 = arith.constant 3 : i32
      %get3A_1444 = arith.index_cast %get3A_1443 : i32 to index
      %get3A_1445 = arith.constant 0 : index
      %get3A_1446 = tpu.vector_load %arg20[%get3A_1444, %get3A_1445] {strides = array<i32>} : memref<16x16xf32, #tpu.memory_space<vmem>>, vector<16xf32>,
      %add3A_1447 = arith.addf %add3A_1442, %get3A_1446 : vector<16xf32>
      %get3A_1448 = arith.constant 4 : i32
      %get3A_1449 = arith.index_cast %get3A_1448 : i32 to index
      %get3A_1450 = arith.constant 0 : index
      %get3A_1451 = tpu.vector_load %arg20[%get3A_1449, %get3A_1450] {strides = array<i32>} : memref<16x16xf32, #tpu.memory_space<vmem>>, vector<16xf32>,
      %add3A_1452 = arith.addf %add3A_1447, %get3A_1451 : vector<16xf32>
      %get3A_1453 = arith.constant 5 : i32
      %get3A_1454 = arith.index_cast %get3A_1453 : i32 to index
      %get3A_1455 = arith.constant 0 : index
      %get3A_1456 = tpu.vector_load %arg20[%get3A_1454, %get3A_1455] {strides = array<i32>} : memref<16x16xf32, #tpu.memory_space<vmem>>, vector<16xf32>,
      %add3A_1457 = arith.addf %add3A_1452, %get3A_1456 : vector<16xf32>
      %get3A_1458 = arith.constant 6 : i32
      %get3A_1459 = arith.index_cast %get3A_1458 : i32 to index
      %get3A_1460 = arith.constant 0 : index
      %get3A_1461 = tpu.vector_load %arg20[%get3A_1459, %get3A_1460] {strides = array<i32>} : memref<16x16xf32, #tpu.memory_space<vmem>>, vector<16xf32>,
      %add3A_1462 = arith.addf %add3A_1457, %get3A_1461 : vector<16xf32>
      %get3A_1463 = arith.constant 7 : i32
      %get3A_1464 = arith.index_cast %get3A_1463 : i32 to index
      %get3A_1465 = arith.constant 0 : index
      %get3A_1466 = tpu.vector_load %arg20[%get3A_1464, %get3A_1465] {strides = array<i32>} : memref<16x16xf32, #tpu.memory_space<vmem>>, vector<16xf32>,
      %add3A_1467 = arith.addf %add3A_1462, %get3A_1466 : vector<16xf32>
      %get3A_1468 = arith.constant 8 : i32
      %get3A_1469 = arith.index_cast %get3A_1468 : i32 to index
      %get3A_1470 = arith.constant 0 : index
      %get3A_1471 = tpu.vector_load %arg20[%get3A_1469, %get3A_1470] {strides = array<i32>} : memref<16x16xf32, #tpu.memory_space<vmem>>, vector<16xf32>,
      %add3A_1472 = arith.addf %add3A_1467, %get3A_1471 : vector<16xf32>
      %get3A_1473 = arith.constant 9 : i32
      %get3A_1474 = arith.index_cast %get3A_1473 : i32 to index
      %get3A_1475 = arith.constant 0 : index
      %get3A_1476 = tpu.vector_load %arg20[%get3A_1474, %get3A_1475] {strides = array<i32>} : memref<16x16xf32, #tpu.memory_space<vmem>>, vector<16xf32>,
      %add3A_1477 = arith.addf %add3A_1472, %get3A_1476 : vector<16xf32>
      %get3A_1478 = arith.constant 10 : i32
      %get3A_1479 = arith.index_cast %get3A_1478 : i32 to index
      %get3A_1480 = arith.constant 0 : index
      %get3A_1481 = tpu.vector_load %arg20[%get3A_1479, %get3A_1480] {strides = array<i32>} : memref<16x16xf32, #tpu.memory_space<vmem>>, vector<16xf32>,
      %add3A_1482 = arith.addf %add3A_1477, %get3A_1481 : vector<16xf32>
      %get3A_1483 = arith.constant 11 : i32
      %get3A_1484 = arith.index_cast %get3A_1483 : i32 to index
      %get3A_1485 = arith.constant 0 : index
      %get3A_1486 = tpu.vector_load %arg20[%get3A_1484, %get3A_1485] {strides = array<i32>} : memref<16x16xf32, #tpu.memory_space<vmem>>, vector<16xf32>,
      %add3A_1487 = arith.addf %add3A_1482, %get3A_1486 : vector<16xf32>
      %get3A_1488 = arith.constant 12 : i32
      %get3A_1489 = arith.index_cast %get3A_1488 : i32 to index
      %get3A_1490 = arith.constant 0 : index
      %get3A_1491 = tpu.vector_load %arg20[%get3A_1489, %get3A_1490] {strides = array<i32>} : memref<16x16xf32, #tpu.memory_space<vmem>>, vector<16xf32>,
      %add3A_1492 = arith.addf %add3A_1487, %get3A_1491 : vector<16xf32>
      %get3A_1493 = arith.constant 13 : i32
      %get3A_1494 = arith.index_cast %get3A_1493 : i32 to index
      %get3A_1495 = arith.constant 0 : index
      %get3A_1496 = tpu.vector_load %arg20[%get3A_1494, %get3A_1495] {strides = array<i32>} : memref<16x16xf32, #tpu.memory_space<vmem>>, vector<16xf32>,
      %add3A_1497 = arith.addf %add3A_1492, %get3A_1496 : vector<16xf32>
      %get3A_1498 = arith.constant 14 : i32
      %get3A_1499 = arith.index_cast %get3A_1498 : i32 to index
      %get3A_1500 = arith.constant 0 : index
      %get3A_1501 = tpu.vector_load %arg20[%get3A_1499, %get3A_1500] {strides = array<i32>} : memref<16x16xf32, #tpu.memory_space<vmem>>, vector<16xf32>,
      %add3A_1502 = arith.addf %add3A_1497, %get3A_1501 : vector<16xf32>
      %get3A_1503 = arith.constant 15 : i32
      %get3A_1504 = arith.index_cast %get3A_1503 : i32 to index
      %get3A_1505 = arith.constant 0 : index
      %get3A_1506 = tpu.vector_load %arg20[%get3A_1504, %get3A_1505] {strides = array<i32>} : memref<16x16xf32, #tpu.memory_space<vmem>>, vector<16xf32>,
      %add3A_1507 = arith.addf %add3A_1502, %get3A_1506 : vector<16xf32>
      %eq3A_1508 = arith.constant 0 : i32
      %eq3A_1509 = vector.broadcast %eq3A_1508 : i32 to vector<16xi32>
      %eq3A_1510 = arith.cmpi eq, %iota3A, %eq3A_1509 : vector<16xi32>
      %jit3A = arith.constant 0.000000e+00 : f32
      %broadcast_in_dim3A_1511 = vector.broadcast %jit3A : f32 to vector<16xf32>
      %select_n3A_1512 = arith.select %eq3A_1510, %add3A_1507, %broadcast_in_dim3A_1511 : vector<16xi1>, vector<16xf32>
      %reduce_sum3A_1513 = arith.constant true
      %reduce_sum3A_1514 = vector.broadcast %reduce_sum3A_1513 : i1 to vector<16xi1>
      %reduce_sum3A_1515 = tpu.scan <sum>, %select_n3A_1512 masked %reduce_sum3A_1514 : vector<16xf32>, vector<16xi1> -> vector<16xf32>
      %reduce_sum3A_1516 = vector.extract %reduce_sum3A_1515[15] : f32 from vector<16xf32>
      %eq3A_1517 = arith.constant 1 : i32
      %eq3A_1518 = vector.broadcast %eq3A_1517 : i32 to vector<16xi32>
      %eq3A_1519 = arith.cmpi eq, %iota3A, %eq3A_1518 : vector<16xi32>
      %jit3A_1520 = arith.constant 0.000000e+00 : f32
      %broadcast_in_dim3A_1521 = vector.broadcast %jit3A_1520 : f32 to vector<16xf32>
      %select_n3A_1522 = arith.select %eq3A_1519, %add3A_1507, %broadcast_in_dim3A_1521 : vector<16xi1>, vector<16xf32>
      %reduce_sum3A_1523 = arith.constant true
      %reduce_sum3A_1524 = vector.broadcast %reduce_sum3A_1523 : i1 to vector<16xi1>
      %reduce_sum3A_1525 = tpu.scan <sum>, %select_n3A_1522 masked %reduce_sum3A_1524 : vector<16xf32>, vector<16xi1> -> vector<16xf32>
      %reduce_sum3A_1526 = vector.extract %reduce_sum3A_1525[15] : f32 from vector<16xf32>
      %broadcast_in_dim3A_1527 = arith.constant 0.000000e+00 : f32
      %broadcast_in_dim3A_1528 = vector.broadcast %broadcast_in_dim3A_1527 : f32 to vector<16xf32>
      %add3A_1529 = vector.broadcast %reduce_sum3A_1516 : f32 to vector<16xf32>
      %add3A_1530 = arith.addf %broadcast_in_dim3A_1528, %add3A_1529 : vector<16xf32>
      %broadcast_in_dim3A_1531 = arith.constant 0.000000e+00 : f32
      %broadcast_in_dim3A_1532 = vector.broadcast %broadcast_in_dim3A_1531 : f32 to vector<16xf32>
      %add3A_1533 = vector.broadcast %reduce_sum3A_1526 : f32 to vector<16xf32>
      %add3A_1534 = arith.addf %broadcast_in_dim3A_1532, %add3A_1533 : vector<16xf32>
      %div3A = arith.divf %add3A_1530, %add3A_1534 : vector<16xf32>
      %swap3A_1535 = arith.constant 0 : index
      %swap3A_1536 = tpu.vector_load %arg17[%swap3A_1535] {strides = array<i32>} : memref<16xf32, #tpu.memory_space<vmem>>, vector<16xf32>,
      tpu.vector_store %arg17[%swap3A_1535], %div3A {strides = array<i32>} : memref<16xf32, #tpu.memory_space<vmem>>, vector<16xf32>,
      "tpu.region"() ({
        %run_scoped3A_1537 = tpu.sem_alloc : memref<!tpu.dma_semaphore, #tpu.memory_space<semaphore_mem>>
        tpu.enqueue_dma source(%arg17 : memref<16xf32, #tpu.memory_space<vmem>>) target(%arg6 : memref<16xf32, #tpu.memory_space<hbm>>) target_semaphore(%run_scoped3A_1537 : memref<!tpu.dma_semaphore, #tpu.memory_space<semaphore_mem>>)
        tpu.wait_dma2 semaphore(%run_scoped3A_1537 : memref<!tpu.dma_semaphore, #tpu.memory_space<semaphore_mem>>) src(%arg17 : memref<16xf32, #tpu.memory_space<vmem>>) dst(%arg6 : memref<16xf32, #tpu.memory_space<hbm>>)
        tpu.yield
      }) : () -> ()
    } else {
    }
    return
  }
}

module attributes {stable_mosaic.version = 14 : i64} {
  func.func @_rows_kernel(%arg0: i32, %arg1: memref<1024x1000xf32, #tpu.memory_space<vmem>>, %arg2: memref<1024x1000xf32, #tpu.memory_space<vmem>>, %arg3: memref<1024xf32, #tpu.memory_space<vmem>>, %arg4: memref<1024xi32, #tpu.memory_space<vmem>>, %arg5: memref<1024xf32, #tpu.memory_space<vmem>>) attributes {dimension_semantics = [#tpu.dimension_semantics<arbitrary>], iteration_bounds = array<i64: 16>, scalar_prefetch = 0 : i64, scratch_operands = 0 : i64, tpu.core_type = #tpu.core_type<tc>, window_params = [{transform_indices = @transform_0, window_bounds = array<i64: 1024, 1000>}, {transform_indices = @transform_1, window_bounds = array<i64: 1024, 1000>}, {transform_indices = @transform_2, window_bounds = array<i64: 1024>}, {transform_indices = @transform_3, window_bounds = array<i64: 1024>}, {transform_indices = @transform_4, window_bounds = array<i64: 1024>}]} {
    %get3A = arith.constant 0 : index
    %get3A_0 = arith.constant 0 : index
    %get3A_1 = vector.load %arg1[%get3A, %get3A_0] : memref<1024x1000xf32, #tpu.memory_space<vmem>>, vector<1024x1000xf32>
    %exp3A = math.exp %get3A_1 : vector<1024x1000xf32>
    %reduce_sum3A = arith.constant dense<0.000000e+00> : vector<1024xf32>
    %reduce_sum3A_2 = vector.multi_reduction <add>, %exp3A, %reduce_sum3A [1] : vector<1024x1000xf32> to vector<1024xf32>
    %reduce_max3A = arith.constant dense<0xFF800000> : vector<1024xf32>
    %reduce_max3A_3 = vector.multi_reduction <maximumf>, %exp3A, %reduce_max3A [1] : vector<1024x1000xf32> to vector<1024xf32>
    %div3A = arith.divf %reduce_max3A_3, %reduce_sum3A_2 : vector<1024xf32>
    %swap3A = arith.constant 0 : index
    %swap3A_4 = vector.load %arg3[%swap3A] : memref<1024xf32, #tpu.memory_space<vmem>>, vector<1024xf32>
    tpu.vector_store %arg3[%swap3A], %div3A {strides = array<i32>} : memref<1024xf32, #tpu.memory_space<vmem>>, vector<1024xf32>,
    %iota3A = tpu.iota {dimensions = array<i32: 1>} : vector<1024x1000xi32>
    %broadcast_in_dim3A = vector.shape_cast %reduce_max3A_3 : vector<1024xf32> to vector<1024x1xf32>
    %eq3A = vector.broadcast %broadcast_in_dim3A : vector<1024x1xf32> to vector<1024x1000xf32>
    %eq3A_5 = arith.cmpf oeq, %exp3A, %eq3A : vector<1024x1000xf32>
    %jit3A = arith.constant 1000 : i32
    %broadcast_in_dim3A_6 = vector.broadcast %jit3A : i32 to vector<1024x1000xi32>
    %select_n3A = arith.select %eq3A_5, %iota3A, %broadcast_in_dim3A_6 : vector<1024x1000xi1>, vector<1024x1000xi32>
    %reduce_min3A = arith.constant dense<2147483647> : vector<1024xi32>
    %reduce_min3A_7 = vector.multi_reduction <minsi>, %select_n3A, %reduce_min3A [1] : vector<1024x1000xi32> to vector<1024xi32>
    %swap3A_8 = arith.constant 0 : index
    %swap3A_9 = vector.load %arg4[%swap3A_8] : memref<1024xi32, #tpu.memory_space<vmem>>, vector<1024xi32>
    tpu.vector_store %arg4[%swap3A_8], %reduce_min3A_7 {strides = array<i32>} : memref<1024xi32, #tpu.memory_space<vmem>>, vector<1024xi32>,
    %get3A_10 = arith.constant 0 : index
    %get3A_11 = arith.constant 0 : index
    %get3A_12 = vector.load %arg2[%get3A_10, %get3A_11] : memref<1024x1000xf32, #tpu.memory_space<vmem>>, vector<1024x1000xf32>
    %exp3A_13 = math.exp %get3A_12 : vector<1024x1000xf32>
    %reduce_sum3A_14 = arith.constant dense<0.000000e+00> : vector<1024xf32>
    %reduce_sum3A_15 = vector.multi_reduction <add>, %exp3A_13, %reduce_sum3A_14 [1] : vector<1024x1000xf32> to vector<1024xf32>
    %div3A_16 = arith.constant 1.000000e+00 : f32
    %div3A_17 = vector.broadcast %div3A_16 : f32 to vector<1024xf32>
    %div3A_18 = arith.divf %div3A_17, %reduce_sum3A_15 : vector<1024xf32>
    %broadcast_in_dim3A_19 = vector.shape_cast %div3A_18 : vector<1024xf32> to vector<1024x1xf32>
    %mul3A = vector.broadcast %broadcast_in_dim3A_19 : vector<1024x1xf32> to vector<1024x1000xf32>
    %mul3A_20 = arith.mulf %exp3A_13, %mul3A : vector<1024x1000xf32>
    %exp3A_21 = math.exp %mul3A_20 : vector<1024x1000xf32>
    %reduce_sum3A_22 = arith.constant dense<0.000000e+00> : vector<1024xf32>
    %reduce_sum3A_23 = vector.multi_reduction <add>, %exp3A_21, %reduce_sum3A_22 [1] : vector<1024x1000xf32> to vector<1024xf32>
    %log3A = math.log %reduce_sum3A_23 : vector<1024xf32>
    %broadcast_in_dim3A_24 = vector.shape_cast %reduce_min3A_7 : vector<1024xi32> to vector<1024x1xi32>
    %eq3A_25 = vector.broadcast %broadcast_in_dim3A_24 : vector<1024x1xi32> to vector<1024x1000xi32>
    %eq3A_26 = arith.cmpi eq, %iota3A, %eq3A_25 : vector<1024x1000xi32>
    %jit3A_27 = arith.constant 0.000000e+00 : f32
    %broadcast_in_dim3A_28 = vector.broadcast %jit3A_27 : f32 to vector<1024x1000xf32>
    %select_n3A_29 = arith.select %eq3A_26, %exp3A_13, %broadcast_in_dim3A_28 : vector<1024x1000xi1>, vector<1024x1000xf32>
    %reduce_sum3A_30 = arith.constant dense<0.000000e+00> : vector<1024xf32>
    %reduce_sum3A_31 = vector.multi_reduction <add>, %select_n3A_29, %reduce_sum3A_30 [1] : vector<1024x1000xf32> to vector<1024xf32>
    %mul3A_32 = arith.mulf %reduce_sum3A_31, %div3A_18 : vector<1024xf32>
    %sub3A = arith.subf %log3A, %mul3A_32 : vector<1024xf32>
    %swap3A_33 = arith.constant 0 : index
    %swap3A_34 = vector.load %arg5[%swap3A_33] : memref<1024xf32, #tpu.memory_space<vmem>>, vector<1024xf32>
    tpu.vector_store %arg5[%swap3A_33], %sub3A {strides = array<i32>} : memref<1024xf32, #tpu.memory_space<vmem>>, vector<1024xf32>,
    return
  }
  func.func @transform_0(%arg0: i32) -> (i32, i32) {
    %c0_i32 = arith.constant 0 : i32
    %c0_i32_0 = arith.constant 0 : i32
    return %arg0, %c0_i32 : i32, i32
  }
  func.func @transform_1(%arg0: i32) -> (i32, i32) {
    %c0_i32 = arith.constant 0 : i32
    %c0_i32_0 = arith.constant 0 : i32
    return %arg0, %c0_i32 : i32, i32
  }
  func.func @transform_2(%arg0: i32) -> i32 {
    %c0_i32 = arith.constant 0 : i32
    return %arg0 : i32
  }
  func.func @transform_3(%arg0: i32) -> i32 {
    %c0_i32 = arith.constant 0 : i32
    return %arg0 : i32
  }
  func.func @transform_4(%arg0: i32) -> i32 {
    %c0_i32 = arith.constant 0 : i32
    return %arg0 : i32
  }
}

</mosaic_0001>

<sc_bundles>
// kernel: kernel.4.cloned.1.call-start
scs
__scs_entry_jumppad:
0x0: {  	(pc) =	sbr.rel $0x88, $3  }
0x1: {  	(tag) =	ssettag $0x0;
	lr =	simm.s32 $0x1  }
0x2: {  	[smem:$0x3F9E] =	sst lr;
	_ =	strace $0xD0000000  }
0x3: {  	_ = 	snop  }
0x4: {  	_ = 	snop  }
0x5: {  	_ = 	snop  }
0x6: {  	_ = 	snop  }
0x7: {  	_ = 	snop  }
__scs_overlays_trampoline_lowered:
0x8: {  	[smem:$0x3FAD] =	sst s0  }
0x9: {  	[smem:$0x3FAE] =	sst s1  }
0xa: {  	[smem:$0x3FAF] =	sst s2  }
0xb: {  	[smem:$0x3FB0] =	sst s3  }
0xc: {  	[smem:$0x3FB1] =	sst s4  }
0xd: {  	[smem:$0x3FB2] =	sst s5  }
0xe: {  	[smem:$0x3FB3] =	sst s6  }
0xf: {  	[smem:$0x3FB4] =	sst s7  }
0x10: {  	[smem:$0x3FB5] =	sst s8  }
0x11: {  	[smem:$0x3FB6] =	sst s9;
	s0 =	simm.s32 @!p0 $0x0  }
0x12: {  	s1 =	sld [smem:$0x3F9C];
	s0 =	simm.s32 @p0 $0x1  }
0x13: {  	[smem:$0x3FB7] =	sst s0;
	s0 =	simm.s32 @!p1 $0x0  }
0x14: {  	s2 =	sld [smem:$0x3F9B];
	s0 =	simm.s32 @p1 $0x1  }
0x15: {  	[smem:$0x3FB8] =	sst s0;
	s0 =	simm.s32 @!p2 $0x0  }
0x16: {  	s3 =	sld [smem:$0x3FDB];
	s0 =	simm.s32 @p2 $0x1  }
0x17: {  	s4 =	simm.s32 $0x1BF5;
	[smem:$0x3FBA] =	sst s0  }
0x18: {  	s0 =	sld [smem:$0x3F9D];
	_ =	swait.ge [sflag:s4], $0x0  }
0x19: {  	s7 =	sld [smem:$0x3F9E]  }
0x1a: {  	s8 =	sadd.s32 $0xFFFFE003, lr  }
0x1b: {  	s9 =	sadd.s32 $0xFFFFFEF7, lr;
	s5 =	simm.s32 $0xFFFFFFFF;
	p2 =	slt.u32 s8, $0xFFFFF086  }
0x1c: {  	p1 =	slt.u32 s9, $0xF7A;
	s5 =	simm.s32 @!p2 $0x0  }
0x1d: {  	s5 =	simm.s32 @p1 $0x1;
	p0 =	seq.s32 s7, s2  }
0x1e: {  	s7 =	smul.u32 @!p0 $0xF7A, s2;
	p2 =	seq.s32 @!p0 s5, $0x0  }
0x1f: {  	s9 =	smul.u32 $0xF7A, s1;
	s8 =	simm.s32 @!p0 $0x1BF5;
	p2 =	por !p2, p0  }
0x20: {  	[sflag:s8] =	ssyncset.s32 @!p0 $0xFFFFF086;
	s6 =	sadd.s32 @!p0 s3, s7;
	s7 =	simm.s32 @!p0 $0x108  }
0x21: {  	s3 =	sadd.s32 s3, s9;
	s6 =	sadd.s32 @!p0 $0x88, s6;
	s7 =	simm.s32 @p2 $0x1082  }
0x22: {  	[simem:s7], [sflag:s8] =	dma.local @!p0 [hbm:s6], $0xF7A  }
0x23: {  	s9 =	sor.u32 $0xD0000000, s2;
	s6 =	simm.s32 $0x108;
	_ =	swait.ge @!p0 [sflag:s8], $0x0  }
0x24: {  	s3 =	sadd.s32 $0x88, s3;
	s6 =	simm.s32 @!p1 $0x1082;
	[sflag:s4] =	ssyncset.s32 $0xFFFFF086  }
0x25: {  	[simem:s6], [sflag:s4] =	dma.local [hbm:s3], $0xF7A  }
0x26: {  	[smem:$0x3F9E] =	sst s1;
	(tag) =	ssettag s2;
	_ =	strace s9  }
0x27: {  	s1 =	sld [smem:$0x3FAE]  }
0x28: {  	s2 =	sld [smem:$0x3FAF]  }
0x29: {  	s4 =	sld [smem:$0x3FB1]  }
0x2a: {  	p0 =	seq.s32 s5, $0x0;
	s5 =	sld [smem:$0x3FB2]  }
0x2b: {  	s6 =	sld [smem:$0x3FB3]  }
0x2c: {  	s7 =	sld [smem:$0x3FB4]  }
0x2d: {  	s3 =	simm.s32 $0x108;
	s8 =	sld [smem:$0x3FB5]  }
0x2e: {  	s3 =	simm.s32 @!p0 $0x1082;
	s9 =	sld [smem:$0x3FB6]  }
0x2f: {  	lr =	sadd.s32 s0, s3;
	s0 =	sld [smem:$0x3FAD]  }
0x30: {  	s3 =	sld [smem:$0x3FB0]  }
0x31: {  	[smem:$0x3FB9] =	sst s10  }
0x32: {  	s10 =	sld [smem:$0x3FB7];
	_ =	sdelay $0x3  }
0x33: {  	p0 =	seq.s32 s10, $0x1;
	s10 =	sld [smem:$0x3FB9];
	_ =	sdelay $0x3  }
0x34: {  	[smem:$0x3FB9] =	sst s10  }
0x35: {  	s10 =	sld [smem:$0x3FB8];
	_ =	sdelay $0x3  }
0x36: {  	p1 =	seq.s32 s10, $0x1;
	s10 =	sld [smem:$0x3FB9];
	_ =	sdelay $0x3  }
0x37: {  	[smem:$0x3FB9] =	sst s10  }
0x38: {  	s10 =	sld [smem:$0x3FBA]  }
0x39: {  	_ = 	snop;
	(pc) =	sbr.ind lr, $3  }
0x3a: {  	_ = 	snop  }
0x3b: {  	_ = 	snop  }
0x3c: {  	p2 =	seq.s32 s10, $0x1;
	s10 =	sld [smem:$0x3FB9]  }
0x3d: {  	_ =	shalt  }
0x3e: {  	_ =	shalt  }
0x3f: {  	_ =	shalt  }
0x40: {  	_ =	shalt  }
0x41: {  	_ =	shalt  }
0x42: {  	_ =	shalt  }
0x43: {  	_ =	shalt  }
0x44: {  	_ =	shalt  }
0x45: {  	_ =	shalt  }
0x46: {  	_ =	shalt  }
0x47: {  	_ =	shalt  }
0x48: {  	_ =	shalt  }
0x49: {  	_ =	shalt  }
0x4a: {  	_ =	shalt  }
0x4b: {  	_ =	shalt  }
0x4c: {  	_ =	shalt  }
0x4d: {  	_ =	shalt  }
0x4e: {  	_ =	shalt  }
0x4f: {  	_ =	shalt  }
0x50: {  	_ =	shalt  }
0x51: {  	_ =	shalt  }
0x52: {  	_ =	shalt  }
0x53: {  	_ =	shalt  }
0x54: {  	_ =	shalt  }
0x55: {  	_ =	shalt  }
0x56: {  	_ =	shalt  }
0x57: {  	_ =	shalt  }
0x58: {  	_ =	shalt  }
0x59: {  	_ =	shalt  }
0x5a: {  	_ =	shalt  }
0x5b: {  	_ =	shalt  }
0x5c: {  	_ =	shalt  }
0x5d: {  	_ =	shalt  }
0x5e: {  	_ =	shalt  }
0x5f: {  	_ =	shalt  }
0x60: {  	_ =	shalt  }
0x61: {  	_ =	shalt  }
0x62: {  	_ =	shalt  }
0x63: {  	_ =	shalt  }
0x64: {  	_ =	shalt  }
0x65: {  	_ =	shalt  }
0x66: {  	_ =	shalt  }
0x67: {  	_ =	shalt  }
0x68: {  	_ =	shalt  }
0x69: {  	_ =	shalt  }
0x6a: {  	_ =	shalt  }
0x6b: {  	_ =	shalt  }
0x6c: {  	_ =	shalt  }
0x6d: {  	_ =	shalt  }
0x6e: {  	_ =	shalt  }
0x6f: {  	_ =	shalt  }
0x70: {  	_ =	shalt  }
0x71: {  	_ =	shalt  }
0x72: {  	_ =	shalt  }
0x73: {  	_ =	shalt  }
0x74: {  	_ =	shalt  }
0x75: {  	_ =	shalt  }
0x76: {  	_ =	shalt  }
0x77: {  	_ =	shalt  }
0x78: {  	_ =	shalt  }
0x79: {  	_ =	shalt  }
0x7a: {  	_ =	shalt  }
0x7b: {  	_ =	shalt  }
0x7c: {  	_ =	shalt  }
0x7d: {  	_ =	shalt  }
0x7e: {  	_ =	shalt  }
0x7f: {  	_ =	shalt  }
0x80: {  	_ =	shalt  }
0x81: {  	_ =	shalt  }
0x82: {  	_ =	shalt  }
0x83: {  	_ =	shalt  }
0x84: {  	_ =	shalt  }
0x85: {  	_ =	shalt  }
0x86: {  	_ =	shalt  }
0x87: {  	_ =	shalt  }
.Lfunc_end0:
.L_simem_size_0:
called_computation_lowered:
.L_overlay_start_0:
0x88: {  	s0 =	sld [smem:$0x3FD9]  }
0x89: {  	s1 =	sld [smem:$0x3FFE];
	_ =	sdelay $0x3  }
0x8a: {  	s0 =	sadd.s32 s1, s0  }
0x8b: {  	[smem:$0x3FC5] =	sst s0  }
0x8c: {  	_ = 	snop  }
0x8d: {  	s0 =	sld [smem:$0x3FD0];
	(tm) =	ssettm $0x1  }
0x8e: {  	s16 =	sld [smem:$0x3FFB];
	_ =	sdelay $0x3  }
0x8f: {  	_ =	strace s16  }
0x90: {  	s1 =	sld [smem:$0x3FFC];
	_ =	sdelay $0x3  }
0x91: {  	_ =	strace s1  }
0x92: {  	s1 =	sld [smem:$0x3FFD];
	_ =	sdelay $0x3  }
0x93: {  	_ =	strace s1  }
0x94: {  	_ =	strace $0x8FFFFFFF  }
0x95: {  	s17 =	sld [smem:$0x3FDB];
	_ =	sdelay $0x1  }
0x96: {  	s2 =	simm.s32 $_scs_section_size  }
0x97: {  	s3 =	simm.s32 $_size__tile_overlayer_lowered;
	s4 =	simm.s32 $_tile_overlayer_lowered  }
0x98: {  	s20 =	simm.s32 $0x1BFF;
	s19 =	sshll.u32 s4, $0x1;
	s1 =	sadd.s32 s2, s17  }
0x99: {  	s5 =	simm.s32 $0x0;
	s18 =	sshll.u32 s3, $0x1;
	s3 =	sadd.s32 s19, s1  }
0x9a: {  	[timem:s5], [sflag:s20] =	dma.local [hbm:s3], s18  }
0x9b: {  	_ =	swait.ge [sflag:s20], s18  }
0x9c: {  	s2 =	ssub.s32 $0x0, s18;
	[sflag:s20] =	ssyncset.done $0x0  }
0x9d: {  	[sflag:s20] =	ssyncadd.s32 s2;
	_ =	sdelay $0x1  }
0x9e: {  	s21 =	simm.s32 $0x1B8B  }
0x9f: {  	_ =	swait.ge [sflag:s21], $0x1  }
0xa0: {  	[sflag:s21] =	ssyncset.done $0x0  }
0xa1: {  	s23 =	simm.s32 $0x1B8E;
	s22 =	sld [smem:$0x3FFE];
	[sflag:s21] =	ssyncadd.s32 $0xFFFFFFFF  }
0xa2: {  	s24 =	simm.s32 $execute0_lowered;
	[smem:$0x3FD2] =	sst s23  }
0xa3: {  	s3 =	sshll.u32 s24, $0x1;
	_ =	strace $0x80000046;
	[dreg:$0x1] =	wrdreg $0xFFFFFFFF  }
0xa4: {  	s25 =	simm.s32 $_size_execute0_lowered;
	s1 =	sadd.s32 s1, s3;
	[dreg:$0x0] =	wrdreg $0x0  }
0xa5: {  	s3 =	sshll.u32 s25, $0x1;
	[dreg:$0x2] =	wrdreg s1  }
0xa6: {  	[dreg:$0x3] =	wrdreg s3  }
0xa7: {  	[dreg:$0x4] =	wrdreg $0xC0  }
0xa8: {  	_ =	task [dreg:s5], $0x5FFFF  }
0xa9: {  	[dreg:$0x1] =	wrdreg $0xFFFFFFFF  }
0xaa: {  	[dreg:$0x0] =	wrdreg $0x60  }
0xab: {  	[dreg:$0x2] =	wrdreg s22  }
0xac: {  	[dreg:$0x3] =	wrdreg s0  }
0xad: {  	[dreg:$0x4] =	wrdreg $0x176480  }
0xae: {  	[dreg:$0x5] =	wrdreg $0x15E000  }
0xaf: {  	[dreg:$0x6] =	wrdreg $0x162000  }
0xb0: {  	[dreg:$0x7] =	wrdreg $0x166000  }
0xb1: {  	[dreg:$0x8] =	wrdreg $0x166480  }
0xb2: {  	[dreg:$0x9] =	wrdreg $0x166880  }
0xb3: {  	[dreg:$0xa] =	wrdreg $0x16E680  }
0xb4: {  	[dreg:$0xb] =	wrdreg $0x9  }
0xb5: {  	_ =	task.clear_ibuf [dreg:s5], $0xCFFFF;
	_ =	strace $0x90000046  }
0xb6: {  	s26 =	simm.s32 $0x9;
	_ =	strace $0x80000048  }
0xb7: {  	_ =	swait.ge [sflag:s26], $0x1  }
0xb8: {  	[sflag:s26] =	ssyncadd.s32 $0xFFFFFFFF  }
0xb9: {  	_ =	strace $0x90000048  }
0xba: {  	_ =	sfence  }
0xbb: {  	s28 =	sld [smem:$0x0];
	_ =	sdelay $0x1  }
0xbc: {  	s29 =	srdreg.scid  }
0xbd: {  	s30 =	sshll.u32 s29, $0xD;
	s31 =	sshrl.u32 s29, $0x2  }
0xbe: {  	s2 =	sand.u32 $0x4000, s30;
	s1 =	sand.u32 $0x1, s29;
	s0 =	sadd.s32 s31, s28  }
0xbf: {  	s1 =	sor.u32 s2, s1;
	s0 =	sshll.u32 s0, $0x11  }
0xc0: {  	s0 =	sor.u32 s0, s1  }
0xc1: {  	s0 =	sadd.s32 $0x8F2B, s0  }
0xc2: {  	[sflag:s0] =	ssyncadd.remote.s32 $0x1  }
0xc3: {  	_ =	sfence.sel $0xFFFF  }
0xc4: {  	[dreg:$0x0] =	wrdreg $0xFFFFFFFF;
	(pc) =	sbr.abs _section_cstart, $3  }
0xc5: {  	[dreg:$0x1] =	wrdreg $0xFFFFFFFF  }
0xc6: {  	_ =	task.clear_ibuf [dreg:s5], $0x2FFFF;
	_ =	strace $0x9FFFFFFF  }
0xc7: {  	(tm) =	ssettm $0x7FFFFFFF  }
tec
execute0_lowered:
.L_overlay_start_1:
0x0: {  	(tag) =	ssettag $0x1  }
0x1: {  	s8 =	rddreg [dreg:$0x0]  }
0x2: {  	s1 =	rddreg [dreg:$0x1]  }
0x3: {  	s2 =	rddreg [dreg:$0x2]  }
0x4: {  	s19 =	rddreg [dreg:$0x3]  }
0x5: {  	s15 =	rddreg [dreg:$0x4]  }
0x6: {  	s14 =	rddreg [dreg:$0x5]  }
0x7: {  	s12 =	rddreg [dreg:$0x6]  }
0x8: {  	s5 =	rddreg [dreg:$0x7]  }
0x9: {  	s4 =	rddreg [dreg:$0x8];
	s11 =	simm.s32 $0x0;
	s9 =	stileid.u32  }
0xa: {  	[smem:$0x7FF] =	sst s11;
	s13 =	sadd.s32 $0x1400, s8;
	s3 =	sshll.u32 s9, $0x7  }
0xb: {  	s0 =	rddreg [dreg:$0x9];
	_ =	strace $0x80000047;
	s6 =	sadd.s32 s13, s3  }
0xc: {  	[tilespmem:s11], [sflag:$0x1] =	stream.linear.gather [hbm4b:s6+s11], $0x400, $0x38;
	[tilespmem:$0x17658] =	vst v63  }
0xd: {  	s6 =	simm.s32 $0x1  }
0xe: {  	_ =	swait.ge [sflag:s6], $0x400  }
0xf: {  	[sflag:s6] =	ssyncset.done $0x0  }
0x10: {  	s10 =	simm.s32 $0x5900;
	s7 =	sadd.s32 $0x2400, s8;
	[sflag:s6] =	ssyncadd.s32 $0xFFFFFC00  }
0x11: {  	[tilespmem:s10], [sflag:$0x1] =	stream.linear.gather [hbm4b:s7+s11], $0x80, $0x38;
	[tilespmem:$0x17658] =	vst v63  }
0x12: {  	_ =	swait.ge [sflag:s6], $0x80  }
0x13: {  	[sflag:s6] =	ssyncset.done $0x0  }
0x14: {  	v1 =	vimm.s32 $0x0;
	[sflag:s6] =	ssyncadd.s32 $0xFFFFFF80  }
0x15: {  	[tilespmem:$0xC00] =	vst v1  }
0x16: {  	[tilespmem:$0xC10] =	vst v1  }
0x17: {  	[tilespmem:$0xC20] =	vst v1  }
0x18: {  	[tilespmem:$0xC30] =	vst v1  }
0x19: {  	[tilespmem:$0xC40] =	vst v1  }
0x1a: {  	[tilespmem:$0xC50] =	vst v1  }
0x1b: {  	[tilespmem:$0xC60] =	vst v1  }
0x1c: {  	[tilespmem:$0xC70] =	vst v1  }
0x1d: {  	[tilespmem:$0xC80] =	vst v1  }
0x1e: {  	[tilespmem:$0xC90] =	vst v1  }
0x1f: {  	[tilespmem:$0xCA0] =	vst v1  }
0x20: {  	[tilespmem:$0xCB0] =	vst v1  }
0x21: {  	[tilespmem:$0xCC0] =	vst v1  }
0x22: {  	[tilespmem:$0xCD0] =	vst v1  }
0x23: {  	[tilespmem:$0xCE0] =	vst v1  }
0x24: {  	[tilespmem:$0xCF0] =	vst v1  }
0x25: {  	[tilespmem:$0xD00] =	vst v1  }
0x26: {  	[tilespmem:$0xD10] =	vst v1  }
0x27: {  	[tilespmem:$0xD20] =	vst v1  }
0x28: {  	[tilespmem:$0xD30] =	vst v1  }
0x29: {  	[tilespmem:$0xD40] =	vst v1  }
0x2a: {  	[tilespmem:$0xD50] =	vst v1  }
0x2b: {  	[tilespmem:$0xD60] =	vst v1  }
0x2c: {  	[tilespmem:$0xD70] =	vst v1  }
0x2d: {  	[tilespmem:$0xD80] =	vst v1  }
0x2e: {  	[tilespmem:$0xD90] =	vst v1  }
0x2f: {  	[tilespmem:$0xDA0] =	vst v1  }
0x30: {  	[tilespmem:$0xDB0] =	vst v1  }
0x31: {  	[tilespmem:$0xDC0] =	vst v1  }
0x32: {  	[tilespmem:$0xDD0] =	vst v1  }
0x33: {  	[tilespmem:$0xDE0] =	vst v1  }
0x34: {  	[tilespmem:$0xDF0] =	vst v1  }
0x35: {  	[tilespmem:$0xE00] =	vst v1  }
0x36: {  	[tilespmem:$0xE10] =	vst v1  }
0x37: {  	[tilespmem:$0xE20] =	vst v1  }
0x38: {  	[tilespmem:$0xE30] =	vst v1  }
0x39: {  	[tilespmem:$0xE40] =	vst v1  }
0x3a: {  	[tilespmem:$0xE50] =	vst v1  }
0x3b: {  	[tilespmem:$0xE60] =	vst v1  }
0x3c: {  	[tilespmem:$0xE70] =	vst v1  }
0x3d: {  	[tilespmem:$0xE80] =	vst v1  }
0x3e: {  	[tilespmem:$0xE90] =	vst v1  }
0x3f: {  	[tilespmem:$0xEA0] =	vst v1  }
0x40: {  	[tilespmem:$0xEB0] =	vst v1  }
0x41: {  	[tilespmem:$0xEC0] =	vst v1  }
0x42: {  	[tilespmem:$0xED0] =	vst v1  }
0x43: {  	[tilespmem:$0xEE0] =	vst v1  }
0x44: {  	[tilespmem:$0xEF0] =	vst v1  }
0x45: {  	[tilespmem:$0xF00] =	vst v1  }
0x46: {  	[tilespmem:$0xF10] =	vst v1  }
0x47: {  	[tilespmem:$0xF20] =	vst v1  }
0x48: {  	[tilespmem:$0xF30] =	vst v1  }
0x49: {  	[tilespmem:$0xF40] =	vst v1  }
0x4a: {  	[tilespmem:$0xF50] =	vst v1  }
0x4b: {  	[tilespmem:$0xF60] =	vst v1  }
0x4c: {  	[tilespmem:$0xF70] =	vst v1  }
0x4d: {  	[tilespmem:$0xF80] =	vst v1;
	v2 =	vld [tilespmem:$0x0]  }
0x4e: {  	[tilespmem:$0xF90] =	vst v1  }
0x4f: {  	[tilespmem:$0xFA0] =	vst v1  }
0x50: {  	[tilespmem:$0xFB0] =	vst v1  }
0x51: {  	[tilespmem:$0xFC0] =	vst v1  }
0x52: {  	[tilespmem:$0xFD0] =	vst v1  }
0x53: {  	[tilespmem:$0xFE0] =	vst v1  }
0x54: {  	v0 =	vimm.s32 $0x1;
	s20 =	simm.s32 $0xC00;
	[tilespmem:$0xFF0] =	vst v1  }
0x55: {  	[tilespmem:v2+s20+$0x0] =	vst.idx.add.s32.msk $0xffff, v0  }
0x56: {  	v2 =	vld [tilespmem:$0x10];
	_ =	sdelay $0x7  }
0x57: {  	[tilespmem:v2+s20+$0x0] =	vst.idx.add.s32.msk $0xffff, v0  }
0x58: {  	v2 =	vld [tilespmem:$0x20];
	_ =	sdelay $0x7  }
0x59: {  	[tilespmem:v2+s20+$0x0] =	vst.idx.add.s32.msk $0xffff, v0  }
0x5a: {  	v2 =	vld [tilespmem:$0x30];
	_ =	sdelay $0x7  }
0x5b: {  	[tilespmem:v2+s20+$0x0] =	vst.idx.add.s32.msk $0xffff, v0  }
0x5c: {  	v2 =	vld [tilespmem:$0x40];
	_ =	sdelay $0x7  }
0x5d: {  	[tilespmem:v2+s20+$0x0] =	vst.idx.add.s32.msk $0xffff, v0  }
0x5e: {  	v2 =	vld [tilespmem:$0x50];
	_ =	sdelay $0x7  }
0x5f: {  	[tilespmem:v2+s20+$0x0] =	vst.idx.add.s32.msk $0xffff, v0  }
0x60: {  	v2 =	vld [tilespmem:$0x60];
	_ =	sdelay $0x7  }
0x61: {  	[tilespmem:v2+s20+$0x0] =	vst.idx.add.s32.msk $0xffff, v0  }
0x62: {  	v2 =	vld [tilespmem:$0x70];
	_ =	sdelay $0x7  }
0x63: {  	[tilespmem:v2+s20+$0x0] =	vst.idx.add.s32.msk $0xffff, v0  }
0x64: {  	v2 =	vld [tilespmem:$0x80];
	_ =	sdelay $0x7  }
0x65: {  	[tilespmem:v2+s20+$0x0] =	vst.idx.add.s32.msk $0xffff, v0  }
0x66: {  	v2 =	vld [tilespmem:$0x90];
	_ =	sdelay $0x7  }
0x67: {  	[tilespmem:v2+s20+$0x0] =	vst.idx.add.s32.msk $0xffff, v0  }
0x68: {  	v2 =	vld [tilespmem:$0xA0];
	_ =	sdelay $0x7  }
0x69: {  	[tilespmem:v2+s20+$0x0] =	vst.idx.add.s32.msk $0xffff, v0  }
0x6a: {  	v2 =	vld [tilespmem:$0xB0];
	_ =	sdelay $0x7  }
0x6b: {  	[tilespmem:v2+s20+$0x0] =	vst.idx.add.s32.msk $0xffff, v0  }
0x6c: {  	v2 =	vld [tilespmem:$0xC0];
	_ =	sdelay $0x7  }
0x6d: {  	[tilespmem:v2+s20+$0x0] =	vst.idx.add.s32.msk $0xffff, v0  }
0x6e: {  	v2 =	vld [tilespmem:$0xD0];
	_ =	sdelay $0x7  }
0x6f: {  	[tilespmem:v2+s20+$0x0] =	vst.idx.add.s32.msk $0xffff, v0  }
0x70: {  	v2 =	vld [tilespmem:$0xE0];
	_ =	sdelay $0x7  }
0x71: {  	[tilespmem:v2+s20+$0x0] =	vst.idx.add.s32.msk $0xffff, v0  }
0x72: {  	v2 =	vld [tilespmem:$0xF0];
	_ =	sdelay $0x7  }
0x73: {  	[tilespmem:v2+s20+$0x0] =	vst.idx.add.s32.msk $0xffff, v0  }
0x74: {  	v2 =	vld [tilespmem:$0x100];
	_ =	sdelay $0x7  }
0x75: {  	[tilespmem:v2+s20+$0x0] =	vst.idx.add.s32.msk $0xffff, v0  }
0x76: {  	v2 =	vld [tilespmem:$0x110];
	_ =	sdelay $0x7  }
0x77: {  	[tilespmem:v2+s20+$0x0] =	vst.idx.add.s32.msk $0xffff, v0  }
0x78: {  	v2 =	vld [tilespmem:$0x120];
	_ =	sdelay $0x7  }
0x79: {  	[tilespmem:v2+s20+$0x0] =	vst.idx.add.s32.msk $0xffff, v0  }
0x7a: {  	v2 =	vld [tilespmem:$0x130];
	_ =	sdelay $0x7  }
0x7b: {  	[tilespmem:v2+s20+$0x0] =	vst.idx.add.s32.msk $0xffff, v0  }
0x7c: {  	v2 =	vld [tilespmem:$0x140];
	_ =	sdelay $0x7  }
0x7d: {  	[tilespmem:v2+s20+$0x0] =	vst.idx.add.s32.msk $0xffff, v0  }
0x7e: {  	v2 =	vld [tilespmem:$0x150];
	_ =	sdelay $0x7  }
0x7f: {  	[tilespmem:v2+s20+$0x0] =	vst.idx.add.s32.msk $0xffff, v0  }
0x80: {  	v2 =	vld [tilespmem:$0x160];
	_ =	sdelay $0x7  }
0x81: {  	[tilespmem:v2+s20+$0x0] =	vst.idx.add.s32.msk $0xffff, v0  }
0x82: {  	v2 =	vld [tilespmem:$0x170];
	_ =	sdelay $0x7  }
0x83: {  	[tilespmem:v2+s20+$0x0] =	vst.idx.add.s32.msk $0xffff, v0  }
0x84: {  	v2 =	vld [tilespmem:$0x180];
	_ =	sdelay $0x7  }
0x85: {  	[tilespmem:v2+s20+$0x0] =	vst.idx.add.s32.msk $0xffff, v0  }
0x86: {  	v2 =	vld [tilespmem:$0x190];
	_ =	sdelay $0x7  }
0x87: {  	[tilespmem:v2+s20+$0x0] =	vst.idx.add.s32.msk $0xffff, v0  }
0x88: {  	v2 =	vld [tilespmem:$0x1A0];
	_ =	sdelay $0x7  }
0x89: {  	[tilespmem:v2+s20+$0x0] =	vst.idx.add.s32.msk $0xffff, v0  }
0x8a: {  	v2 =	vld [tilespmem:$0x1B0];
	_ =	sdelay $0x7  }
0x8b: {  	[tilespmem:v2+s20+$0x0] =	vst.idx.add.s32.msk $0xffff, v0  }
0x8c: {  	v2 =	vld [tilespmem:$0x1C0];
	_ =	sdelay $0x7  }
0x8d: {  	[tilespmem:v2+s20+$0x0] =	vst.idx.add.s32.msk $0xffff, v0  }
0x8e: {  	v2 =	vld [tilespmem:$0x1D0];
	_ =	sdelay $0x7  }
0x8f: {  	[tilespmem:v2+s20+$0x0] =	vst.idx.add.s32.msk $0xffff, v0  }
0x90: {  	v2 =	vld [tilespmem:$0x1E0];
	_ =	sdelay $0x7  }
0x91: {  	[tilespmem:v2+s20+$0x0] =	vst.idx.add.s32.msk $0xffff, v0  }
0x92: {  	v2 =	vld [tilespmem:$0x1F0];
	_ =	sdelay $0x7  }
0x93: {  	[tilespmem:v2+s20+$0x0] =	vst.idx.add.s32.msk $0xffff, v0  }
0x94: {  	v2 =	vld [tilespmem:$0x200];
	_ =	sdelay $0x7  }
0x95: {  	[tilespmem:v2+s20+$0x0] =	vst.idx.add.s32.msk $0xffff, v0  }
0x96: {  	v2 =	vld [tilespmem:$0x210];
	_ =	sdelay $0x7  }
0x97: {  	[tilespmem:v2+s20+$0x0] =	vst.idx.add.s32.msk $0xffff, v0  }
0x98: {  	v2 =	vld [tilespmem:$0x220];
	_ =	sdelay $0x7  }
0x99: {  	[tilespmem:v2+s20+$0x0] =	vst.idx.add.s32.msk $0xffff, v0  }
0x9a: {  	v2 =	vld [tilespmem:$0x230];
	_ =	sdelay $0x7  }
0x9b: {  	[tilespmem:v2+s20+$0x0] =	vst.idx.add.s32.msk $0xffff, v0  }
0x9c: {  	v2 =	vld [tilespmem:$0x240];
	_ =	sdelay $0x7  }
0x9d: {  	[tilespmem:v2+s20+$0x0] =	vst.idx.add.s32.msk $0xffff, v0  }
0x9e: {  	v2 =	vld [tilespmem:$0x250];
	_ =	sdelay $0x7  }
0x9f: {  	[tilespmem:v2+s20+$0x0] =	vst.idx.add.s32.msk $0xffff, v0  }
0xa0: {  	v2 =	vld [tilespmem:$0x260];
	_ =	sdelay $0x7  }
0xa1: {  	[tilespmem:v2+s20+$0x0] =	vst.idx.add.s32.msk $0xffff, v0  }
0xa2: {  	v2 =	vld [tilespmem:$0x270];
	_ =	sdelay $0x7  }
0xa3: {  	[tilespmem:v2+s20+$0x0] =	vst.idx.add.s32.msk $0xffff, v0  }
0xa4: {  	v2 =	vld [tilespmem:$0x280];
	_ =	sdelay $0x7  }
0xa5: {  	[tilespmem:v2+s20+$0x0] =	vst.idx.add.s32.msk $0xffff, v0  }
0xa6: {  	v2 =	vld [tilespmem:$0x290];
	_ =	sdelay $0x7  }
0xa7: {  	[tilespmem:v2+s20+$0x0] =	vst.idx.add.s32.msk $0xffff, v0  }
0xa8: {  	v2 =	vld [tilespmem:$0x2A0];
	_ =	sdelay $0x7  }
0xa9: {  	[tilespmem:v2+s20+$0x0] =	vst.idx.add.s32.msk $0xffff, v0  }
0xaa: {  	v2 =	vld [tilespmem:$0x2B0];
	_ =	sdelay $0x7  }
0xab: {  	[tilespmem:v2+s20+$0x0] =	vst.idx.add.s32.msk $0xffff, v0  }
0xac: {  	v2 =	vld [tilespmem:$0x2C0];
	_ =	sdelay $0x7  }
0xad: {  	[tilespmem:v2+s20+$0x0] =	vst.idx.add.s32.msk $0xffff, v0  }
0xae: {  	v2 =	vld [tilespmem:$0x2D0];
	_ =	sdelay $0x7  }
0xaf: {  	[tilespmem:v2+s20+$0x0] =	vst.idx.add.s32.msk $0xffff, v0  }
0xb0: {  	v2 =	vld [tilespmem:$0x2E0];
	_ =	sdelay $0x7  }
0xb1: {  	[tilespmem:v2+s20+$0x0] =	vst.idx.add.s32.msk $0xffff, v0  }
0xb2: {  	v2 =	vld [tilespmem:$0x2F0];
	_ =	sdelay $0x7  }
0xb3: {  	[tilespmem:v2+s20+$0x0] =	vst.idx.add.s32.msk $0xffff, v0  }
0xb4: {  	v2 =	vld [tilespmem:$0x300];
	_ =	sdelay $0x7  }
0xb5: {  	[tilespmem:v2+s20+$0x0] =	vst.idx.add.s32.msk $0xffff, v0  }
0xb6: {  	v2 =	vld [tilespmem:$0x310];
	_ =	sdelay $0x7  }
0xb7: {  	[tilespmem:v2+s20+$0x0] =	vst.idx.add.s32.msk $0xffff, v0  }
0xb8: {  	v2 =	vld [tilespmem:$0x320];
	_ =	sdelay $0x7  }
0xb9: {  	[tilespmem:v2+s20+$0x0] =	vst.idx.add.s32.msk $0xffff, v0  }
0xba: {  	v2 =	vld [tilespmem:$0x330];
	_ =	sdelay $0x7  }
0xbb: {  	[tilespmem:v2+s20+$0x0] =	vst.idx.add.s32.msk $0xffff, v0  }
0xbc: {  	v2 =	vld [tilespmem:$0x340];
	_ =	sdelay $0x7  }
0xbd: {  	[tilespmem:v2+s20+$0x0] =	vst.idx.add.s32.msk $0xffff, v0  }
0xbe: {  	v2 =	vld [tilespmem:$0x350];
	_ =	sdelay $0x7  }
0xbf: {  	[tilespmem:v2+s20+$0x0] =	vst.idx.add.s32.msk $0xffff, v0  }
0xc0: {  	v2 =	vld [tilespmem:$0x360];
	_ =	sdelay $0x7  }
0xc1: {  	[tilespmem:v2+s20+$0x0] =	vst.idx.add.s32.msk $0xffff, v0  }
0xc2: {  	v2 =	vld [tilespmem:$0x370];
	_ =	sdelay $0x7  }
0xc3: {  	[tilespmem:v2+s20+$0x0] =	vst.idx.add.s32.msk $0xffff, v0  }
0xc4: {  	v2 =	vld [tilespmem:$0x380];
	_ =	sdelay $0x7  }
0xc5: {  	[tilespmem:v2+s20+$0x0] =	vst.idx.add.s32.msk $0xffff, v0  }
0xc6: {  	v2 =	vld [tilespmem:$0x390];
	_ =	sdelay $0x7  }
0xc7: {  	[tilespmem:v2+s20+$0x0] =	vst.idx.add.s32.msk $0xffff, v0  }
0xc8: {  	v2 =	vld [tilespmem:$0x3A0];
	_ =	sdelay $0x7  }
0xc9: {  	[tilespmem:v2+s20+$0x0] =	vst.idx.add.s32.msk $0xffff, v0  }
0xca: {  	v2 =	vld [tilespmem:$0x3B0];
	_ =	sdelay $0x7  }
0xcb: {  	[tilespmem:v2+s20+$0x0] =	vst.idx.add.s32.msk $0xffff, v0  }
0xcc: {  	v2 =	vld [tilespmem:$0x3C0];
	_ =	sdelay $0x7  }
0xcd: {  	[tilespmem:v2+s20+$0x0] =	vst.idx.add.s32.msk $0xffff, v0  }
0xce: {  	v2 =	vld [tilespmem:$0x3D0];
	_ =	sdelay $0x7  }
0xcf: {  	[tilespmem:v2+s20+$0x0] =	vst.idx.add.s32.msk $0xffff, v0  }
0xd0: {  	v2 =	vld [tilespmem:$0x3E0];
	_ =	sdelay $0x7  }
0xd1: {  	[tilespmem:v2+s20+$0x0] =	vst.idx.add.s32.msk $0xffff, v0  }
0xd2: {  	v2 =	vld [tilespmem:$0x3F0];
	_ =	sdelay $0x4  }
0xd3: {  	s30 =	sshll.u32 s9, $0xA  }
0xd4: {  	s7 =	sor.u32 s3, s30  }
0xd5: {  	p0 =	sne.s32 s9, $0x0;
	s16 =	sand.u32 $0x2380, s7  }
0xd6: {  	s10 =	simm.s32 $0x400;
	s7 =	simm.s32 $0x80;
	s17 =	sadd.s32 s16, s19;
	[tilespmem:v2+s20+$0x0] =	vst.idx.add.s32.msk $0xffff, v0  }
0xd7: {  	[spmem:s17] =	stream.strided.scatter [tilespmem:s20], [sflag:$0x1], $0x400, s10, s7, $0x38;
	[tilespmem:$0x17658] =	vst v63  }
.Ltmp0:
0xd8: {  	_ =	swait.ge [sflag:s6], $0x400;
	(pc) =	sbr.rel @p0 .LBB2_8-.Ltmp0, $4  }
0xd9: {  	[sflag:s6] =	ssyncset.done $0x0  }
0xda: {  	s31 =	sshll.u32 s9, $0x6;
	s8 =	sadd.s32 s3, s8;
	[sflag:s6] =	ssyncadd.s32 $0xFFFFFC00  }
0xdb: {  	s9 =	sadd.s32 s31, s12;
	s18 =	sadd.s32 s16, s15;
	[bflag:$0x0] =	sbarrier.arrive $0xFFFF  }
0xdc: {  	s16 =	sadd.s32 $0x1C00, s8;
	s17 =	sadd.s32 $0xC00, s8;
	s8 =	sadd.s32 s31, s14  }
0xdd: {  	s21 =	simm.s32 $0x1800  }
0xde: {  	[tilespmem:s21], [sflag:$0x1] =	stream.linear.gather [spmem:s19], $0x4000, $0x38;
	[tilespmem:$0x17658] =	vst v63  }
0xdf: {  	_ =	swait.ge [sflag:s6], $0x4000  }
0xe0: {  	s29 =	sand.u32 $0x70, s11;
	s30 =	sand.u32 $0x1C00, s11;
	[sflag:s6] =	ssyncset.done $0x0  }
0xe1: {  	s19 =	sor.u32 s29, s30;
	[sflag:s6] =	ssyncadd.s32 $0xFFFFC000  }
0xe2: {  	v2 =	vld [tilespmem:s19+$0x1880]  }
0xe3: {  	v3 =	vld [tilespmem:s19+$0x1800]  }
0xe4: {  	v4 =	vld [tilespmem:s19+$0x1900]  }
0xe5: {  	v5 =	vld [tilespmem:s19+$0x1980]  }
0xe6: {  	v6 =	vld [tilespmem:s19+$0x1A00]  }
0xe7: {  	[tilespmem:s19+$0x1800] =	vst v1;
	v7 =	vld [tilespmem:s19+$0x1A80]  }
0xe8: {  	[tilespmem:s19+$0x1880] =	vst v3;
	v2 =	vadd.s32 v3, v2;
	v3 =	vld [tilespmem:s19+$0x1B00]  }
0xe9: {  	v56 =	vld [tilespmem:s19+$0x1B80];
	[tilespmem:s19+$0x1900] =	vst v2;
	v2 =	vadd.s32 v2, v4  }
0xea: {  	v57 =	vld [tilespmem:s19+$0x3800];
	[tilespmem:s19+$0x1980] =	vst v2;
	v2 =	vadd.s32 v2, v5  }
0xeb: {  	v58 =	vld [tilespmem:s19+$0x3880];
	[tilespmem:s19+$0x1A00] =	vst v2;
	v2 =	vadd.s32 v2, v6  }
0xec: {  	v59 =	vld [tilespmem:s19+$0x3900];
	[tilespmem:s19+$0x1A80] =	vst v2;
	v2 =	vadd.s32 v2, v7  }
0xed: {  	[tilespmem:s19+$0x1B00] =	vst v2;
	v2 =	vadd.s32 v2, v3;
	v3 =	vld [tilespmem:s19+$0x3980]  }
0xee: {  	v60 =	vld [tilespmem:s19+$0x3A00];
	[tilespmem:s19+$0x1B80] =	vst v2;
	v2 =	vadd.s32 v2, v56  }
0xef: {  	v61 =	vld [tilespmem:s19+$0x3A80];
	[tilespmem:s19+$0x3800] =	vst v2;
	v2 =	vadd.s32 v2, v57  }
0xf0: {  	v62 =	vld [tilespmem:s19+$0x3B00];
	[tilespmem:s19+$0x3880] =	vst v2;
	v2 =	vadd.s32 v2, v58  }
0xf1: {  	v63 =	vld [tilespmem:s19+$0x3B80];
	[tilespmem:s19+$0x3900] =	vst v2;
	v2 =	vadd.s32 v2, v59  }
0xf2: {  	[tilespmem:s19+$0x3980] =	vst v2;
	v2 =	vadd.s32 v2, v3  }
0xf3: {  	[tilespmem:s19+$0x3A00] =	vst v2;
	v2 =	vadd.s32 v2, v60  }
0xf4: {  	[tilespmem:s19+$0x3A80] =	vst v2;
	v2 =	vadd.s32 v2, v61  }
0xf5: {  	s31 =	simm.s32 $0x10;
	s22 =	simm.s32 $0x80;
	[tilespmem:s19+$0x3B00] =	vst v2;
	v2 =	vadd.s32 v2, v62  }
0xf6: {  	s21 =	sand.u32 $0x70, s31;
	s23 =	sand.u32 $0x1C00, s22;
	[tilespmem:s19+$0x3B80] =	vst v2;
	v2 =	vadd.s32 v2, v63  }
0xf7: {  	s21 =	sor.u32 s21, s23;
	s23 =	simm.s32 $0x20;
	s19 =	sadd.s32 $0x400, s14;
	[tilespmem:s20+$0x0] =	vst v2  }
.LBB2_2:
0xf8: {  	p1 =	sne.s32 s23, $0x3F0;
	v2 =	vld [tilespmem:s21+$0x1880]  }
0xf9: {  	v3 =	vld [tilespmem:s21+$0x1800]  }
0xfa: {  	v4 =	vld [tilespmem:s21+$0x1900]  }
0xfb: {  	v5 =	vld [tilespmem:s21+$0x1980]  }
0xfc: {  	v6 =	vld [tilespmem:s21+$0x1A00]  }
0xfd: {  	[tilespmem:s21+$0x1800] =	vst v1;
	v7 =	vld [tilespmem:s21+$0x1A80]  }
0xfe: {  	[tilespmem:s21+$0x1880] =	vst v3;
	v2 =	vadd.s32 v3, v2;
	v3 =	vld [tilespmem:s21+$0x1B00]  }
0xff: {  	[tilespmem:s21+$0x1900] =	vst v2;
	v2 =	vadd.s32 v2, v4;
	v4 =	vld [tilespmem:s21+$0x1B80]  }
0x100: {  	[tilespmem:s21+$0x1980] =	vst v2;
	v2 =	vadd.s32 v2, v5;
	v5 =	vld [tilespmem:s21+$0x3800]  }
0x101: {  	[tilespmem:s21+$0x1A00] =	vst v2;
	v2 =	vadd.s32 v2, v6;
	v6 =	vld [tilespmem:s21+$0x3880]  }
0x102: {  	[tilespmem:s21+$0x1A80] =	vst v2;
	v2 =	vadd.s32 v2, v7;
	v7 =	vld [tilespmem:s21+$0x3900]  }
0x103: {  	[tilespmem:s21+$0x1B00] =	vst v2;
	v2 =	vadd.s32 v2, v3;
	v3 =	vld [tilespmem:s21+$0x3980]  }
0x104: {  	[tilespmem:s21+$0x1B80] =	vst v2;
	v2 =	vadd.s32 v2, v4;
	v4 =	vld [tilespmem:s21+$0x3A00]  }
0x105: {  	[tilespmem:s21+$0x3800] =	vst v2;
	v2 =	vadd.s32 v2, v5;
	v5 =	vld [tilespmem:s21+$0x3A80]  }
0x106: {  	[tilespmem:s21+$0x3880] =	vst v2;
	v2 =	vadd.s32 v2, v6;
	v6 =	vld [tilespmem:s21+$0x3B00]  }
0x107: {  	[tilespmem:s21+$0x3900] =	vst v2;
	v2 =	vadd.s32 v2, v7;
	v7 =	vld [tilespmem:s21+$0x3B80]  }
0x108: {  	[tilespmem:s21+$0x3980] =	vst v2;
	v2 =	vadd.s32 v2, v3  }
.Ltmp1:
0x109: {  	[tilespmem:s21+$0x3A00] =	vst v2;
	v2 =	vadd.s32 v2, v4;
	(pc) =	sbr.rel @p1 .LBB2_2-.Ltmp1, $4  }
0x10a: {  	[tilespmem:s21+$0x3A80] =	vst v2;
	v2 =	vadd.s32 v2, v5  }
0x10b: {  	s22 =	sadd.s32 $0x80, s22;
	[tilespmem:s21+$0x3B00] =	vst v2;
	v2 =	vadd.s32 v2, v6  }
0x10c: {  	s24 =	sand.u32 $0x70, s23;
	s20 =	sadd.s32 $0x10, s20;
	s25 =	sand.u32 $0x1C00, s22;
	[tilespmem:s21+$0x3B80] =	vst v2;
	v2 =	vadd.s32 v2, v7  }
0x10d: {  	s23 =	sadd.s32 $0x10, s23;
	s21 =	sor.u32 s24, s25;
	[tilespmem:s20+$0x0] =	vst v2  }
0x10e: {  	v2 =	vld [tilespmem:s21+$0x1880]  }
0x10f: {  	v3 =	vld [tilespmem:s21+$0x1800]  }
0x110: {  	v4 =	vld [tilespmem:s21+$0x1900]  }
0x111: {  	v5 =	vld [tilespmem:s21+$0x1980];
	_ =	sdelay $0x1  }
0x112: {  	[tilespmem:s21+$0x1800] =	vst v1  }
0x113: {  	v1 =	vld [tilespmem:s21+$0x1A00];
	[tilespmem:s21+$0x1880] =	vst v3;
	v2 =	vadd.s32 v3, v2  }
0x114: {  	v3 =	vld [tilespmem:s21+$0x1A80];
	[tilespmem:s21+$0x1900] =	vst v2;
	v2 =	vadd.s32 v2, v4  }
0x115: {  	[tilespmem:s21+$0x1980] =	vst v2;
	v2 =	vadd.s32 v2, v5;
	v5 =	vld [tilespmem:s21+$0x1B00]  }
0x116: {  	v6 =	vld [tilespmem:s21+$0x1B80]  }
0x117: {  	v4 =	vld [tilespmem:s21+$0x3800]  }
0x118: {  	[tilespmem:s21+$0x1A00] =	vst v2;
	v1 =	vadd.s32 v2, v1;
	v2 =	vld [tilespmem:s21+$0x3880]  }
0x119: {  	[tilespmem:s21+$0x1A80] =	vst v1;
	v1 =	vadd.s32 v1, v3;
	v3 =	vld [tilespmem:s21+$0x3900]  }
0x11a: {  	[tilespmem:s21+$0x1B00] =	vst v1;
	v1 =	vadd.s32 v1, v5;
	v5 =	vld [tilespmem:s21+$0x3980]  }
0x11b: {  	[tilespmem:s21+$0x1B80] =	vst v1;
	v1 =	vadd.s32 v1, v6;
	v6 =	vld [tilespmem:s21+$0x3A00]  }
0x11c: {  	[tilespmem:s21+$0x3800] =	vst v1;
	v1 =	vadd.s32 v1, v4;
	v4 =	vld [tilespmem:s21+$0x3A80]  }
0x11d: {  	[tilespmem:s21+$0x3880] =	vst v1;
	v1 =	vadd.s32 v1, v2;
	v2 =	vld [tilespmem:s21+$0x3B00]  }
0x11e: {  	[tilespmem:s21+$0x3900] =	vst v1;
	v1 =	vadd.s32 v1, v3;
	v3 =	vld [tilespmem:s21+$0x3B80]  }
0x11f: {  	[tilespmem:s21+$0x3980] =	vst v1;
	v1 =	vadd.s32 v1, v5  }
0x120: {  	[tilespmem:s21+$0x3A00] =	vst v1;
	v1 =	vadd.s32 v1, v6  }
0x121: {  	[tilespmem:s21+$0x3A80] =	vst v1;
	v1 =	vadd.s32 v1, v4  }
0x122: {  	[tilespmem:s21+$0x3B00] =	vst v1;
	v1 =	vadd.s32 v1, v2  }
0x123: {  	s20 =	sadd.s32 $0x10, s20;
	[tilespmem:s21+$0x3B80] =	vst v1;
	v1 =	vadd.s32 v1, v3  }
0x124: {  	s26 =	simm.s32 $0x0;
	[tilespmem:s20+$0x0] =	vst v1  }
0x125: {  	v1 =	vld [tilespmem:s26+$0xC00];
	_ =	sdelay $0x1  }
0x126: {  	s21 =	simm.s32 $0x10  }
0x127: {  	s20 =	simm.s32 $0x20;
	v2 =	vld [tilespmem:s21+$0xC00]  }
0x128: {  	v3 =	vld [tilespmem:s20+$0xC00]  }
0x129: {  	v1 =	vadd.s32 $0xF, v1  }
0x12a: {  	v4 =	vand.u32 $0xFFFFFFF0, v1  }
0x12b: {  	(xrf0) =	vadd.scan.msk.s32 $0xffff, v4  }
0x12c: {  	v1 =	vadd.s32 $0xF, v2  }
0x12d: {  	v2 =	vadd.s32 $0xF, v3;
	v1 =	vand.u32 $0xFFFFFFF0, v1  }
0x12e: {  	v2 =	vand.u32 $0xFFFFFFF0, v2;
	(xrf0) =	vadd.scan.msk.s32 $0xffff, v1  }
0x12f: {  	(xrf0) =	vadd.scan.msk.s32 $0xffff, v2;
	_ =	sdelay $0x1  }
0x130: {  	v7, _, _ =	vpop (xrf0)  }
0x131: {  	(v2sf) =	vpush v7, $0xF;
	_ =	sdelay $0x1  }
0x132: {  	s22 =	simm.s32 $0x0;
	v3, _, _ =	vpop (xrf0)  }
0x133: {  	s23 =	simm.s32 $0x30;
	v8 =	vsub.s32 s22, v4;
	(v2sf) =	vpush v3, $0xF;
	v4, _, _ =	vpop (xrf0)  }
0x134: {  	v5 =	vld [tilespmem:s23+$0xC00];
	(v2sf) =	vpush v4, $0xF;
	_ =	sdelay $0x4  }
0x135: {  	s24 =	simm.s32 $0x40;
	v5 =	vadd.s32 $0xF, v5  }
0x136: {  	v6 =	vld [tilespmem:s24+$0xC00];
	v5 =	vand.u32 $0xFFFFFFF0, v5  }
0x137: {  	(xrf0) =	vadd.scan.msk.s32 $0xffff, v5  }
0x138: {  	v7 =	vadd.s32 v7, v8  }
0x139: {  	s25 =	simm.s32 $0x140;
	[tilespmem:s26+$0x1000] =	vst v7  }
.LBB2_4:
0x13a: {  	s26 =	smov.u32 s24;
	s24 =	sshra.s32 s25, $0x2;
	p1 =	sne.s32 s25, $0xFC0  }
.Ltmp2:
0x13b: {  	s25 =	sadd.s32 $0x40, s25;
	v7 =	vadd.s32 $0xF, v6;
	s28 =	spop (v2sf);
	(pc) =	sbr.rel @p1 .LBB2_4-.Ltmp2, $4  }
0x13c: {  	v6 =	vld [tilespmem:s24+$0xC00];
	v7 =	vand.u32 $0xFFFFFFF0, v7;
	s22 =	sadd.s32 s22, s28  }
0x13d: {  	(xrf0) =	vadd.scan.msk.s32 $0xffff, v7;
	v8, _, _ =	vpop (xrf0);
	v9 =	vsub.s32 s22, v1;
	v1 =	vmov v2;
	v2 =	vmov v5  }
0x13e: {  	v5 =	vmovc v7;
	(v2sf) =	vpush v8, $0xF;
	v9 =	vadd.s32 v3, v9;
	v3 =	vmovc v4;
	v4 =	vmov v8  }
0x13f: {  	[tilespmem:s21+$0x1000] =	vst v9;
	s21 =	smov.u32 s20;
	s20 =	smov.u32 s23;
	s23 =	smov.u32 s26  }
0x140: {  	_ =	sdelay $0x2  }
0x141: {  	v7, _, _ =	vpop (xrf0)  }
0x142: {  	(v2sf) =	vpush v7, $0xF;
	_ =	sdelay $0x8  }
0x143: {  	v6 =	vadd.s32 $0xF, v6  }
0x144: {  	v6 =	vand.u32 $0xFFFFFFF0, v6  }
0x145: {  	(xrf0) =	vadd.scan.msk.s32 $0xffff, v6  }
0x146: {  	s25 =	spop (v2sf)  }
0x147: {  	s22 =	sadd.s32 s22, s25;
	s30 =	spop (v2sf)  }
0x148: {  	v1 =	vsub.s32 s22, v1;
	s22 =	sadd.s32 s22, s30;
	s31 =	spop (v2sf)  }
0x149: {  	v1 =	vadd.s32 v3, v1;
	v2 =	vsub.s32 s22, v2;
	s22 =	sadd.s32 s22, s31;
	s26 =	spop (v2sf)  }
0x14a: {  	[tilespmem:s21+$0x1000] =	vst v1;
	v1 =	vadd.s32 v4, v2;
	v2 =	vsub.s32 s22, v5;
	s28 =	sadd.s32 s22, s26  }
0x14b: {  	[tilespmem:s20+$0x1000] =	vst v1;
	v3, _, _ =	vpop (xrf0);
	v1 =	vadd.s32 v7, v2;
	s22 =	simm.s32 $0x0;
	v2 =	vsub.s32 s28, v6  }
0x14c: {  	(v2sf) =	vpush v3, $0xF;
	[tilespmem:s23+$0x1000] =	vst v1;
	s29 =	sand.u32 $0x70, s22;
	s30 =	sand.u32 $0x1C00, s22;
	v1 =	vadd.s32 v3, v2  }
0x14d: {  	s20 =	sor.u32 s29, s30;
	[tilespmem:s24+$0x1000] =	vst v1  }
0x14e: {  	s23 =	simm.s32 $0x1000;
	v2 =	vld [tilespmem:s20+$0x1980]  }
0x14f: {  	v1 =	vld [tilespmem:s23+$0x0]  }
0x150: {  	v3 =	vld [tilespmem:s20+$0x1A80]  }
0x151: {  	v60 =	vld [tilespmem:s20+$0x1900]  }
0x152: {  	v61 =	vld [tilespmem:s20+$0x1880]  }
0x153: {  	v63 =	vld [tilespmem:s20+$0x1800]  }
0x154: {  	v62 =	vld [tilespmem:s20+$0x1A00];
	v2 =	vadd.s32 v1, v2  }
0x155: {  	v8 =	vld [tilespmem:s20+$0x1B00];
	[tilespmem:s20+$0x1980] =	vst v2;
	v2 =	vadd.s32 v1, v3  }
0x156: {  	v3 =	vadd.s32 v1, v60;
	[tilespmem:s20+$0x1A80] =	vst v2  }
0x157: {  	v2 =	vadd.s32 v1, v61;
	[tilespmem:s20+$0x1900] =	vst v3  }
0x158: {  	v3 =	vadd.s32 v1, v63;
	[tilespmem:s20+$0x1880] =	vst v2  }
0x159: {  	v2 =	vadd.s32 v1, v62;
	[tilespmem:s20+$0x1800] =	vst v3  }
0x15a: {  	s31 =	sor.u32 s22, s22;
	[tilespmem:s20+$0x1A00] =	vst v2;
	v2 =	vadd.s32 v1, v8  }
0x15b: {  	s25 =	sor.u32 $0x380, s31;
	s26 =	spop (v2sf);
	[tilespmem:s20+$0x1B00] =	vst v2  }
0x15c: {  	s24 =	simm.s32 $0x10;
	s21 =	sadd.s32 s28, s26;
	v2 =	vld [tilespmem:s25+$0x1800]  }
.LBB2_6:
0x15d: {  	_ =	sdelay $0x3  }
0x15e: {  	p1 =	sne.s32 s24, $0x3F0;
	s22 =	sadd.s32 $0x80, s22;
	s23 =	sadd.s32 $0x10, s23;
	v2 =	vadd.s32 v1, v2  }
0x15f: {  	[tilespmem:s25+$0x1800] =	vst v2;
	s25 =	smov.u32 s24;
	s24 =	sadd.s32 $0x10, s24  }
0x160: {  	v2 =	vld [tilespmem:s20+$0x3B80]  }
0x161: {  	v3 =	vld [tilespmem:s20+$0x3800]  }
0x162: {  	v4 =	vld [tilespmem:s20+$0x3880]  }
0x163: {  	v5 =	vld [tilespmem:s20+$0x3900]  }
0x164: {  	v6 =	vld [tilespmem:s20+$0x3980]  }
0x165: {  	v7 =	vld [tilespmem:s20+$0x3A00];
	v2 =	vadd.s32 v1, v2  }
0x166: {  	v3 =	vadd.s32 v1, v3;
	v8 =	vld [tilespmem:s20+$0x3A80];
	[tilespmem:s20+$0x3B80] =	vst v2  }
0x167: {  	[tilespmem:s20+$0x3800] =	vst v3;
	v2 =	vadd.s32 v1, v4;
	v3 =	vld [tilespmem:s20+$0x3B00]  }
0x168: {  	[tilespmem:s20+$0x3880] =	vst v2;
	v2 =	vadd.s32 v1, v5  }
0x169: {  	[tilespmem:s20+$0x3900] =	vst v2;
	v2 =	vadd.s32 v1, v6  }
0x16a: {  	s28 =	sand.u32 $0x1C00, s22;
	s26 =	sand.u32 $0x70, s25;
	[tilespmem:s20+$0x3980] =	vst v2;
	v2 =	vadd.s32 v1, v7  }
0x16b: {  	s26 =	sor.u32 s26, s28;
	[tilespmem:s20+$0x3A00] =	vst v2;
	v2 =	vadd.s32 v1, v8  }
0x16c: {  	v4 =	vld [tilespmem:s26+$0x1B00];
	[tilespmem:s20+$0x3A80] =	vst v2;
	v1 =	vadd.s32 v1, v3  }
0x16d: {  	v2 =	vld [tilespmem:s26+$0x1980];
	[tilespmem:s20+$0x3B00] =	vst v1;
	s20 =	smov.u32 s26  }
0x16e: {  	v1 =	vld [tilespmem:s23+$0x0]  }
0x16f: {  	v3 =	vld [tilespmem:s20+$0x1A80]  }
0x170: {  	v5 =	vld [tilespmem:s20+$0x1900]  }
0x171: {  	v6 =	vld [tilespmem:s20+$0x1880]  }
0x172: {  	v7 =	vld [tilespmem:s20+$0x1A00]  }
0x173: {  	v8 =	vld [tilespmem:s20+$0x1800];
	v2 =	vadd.s32 v1, v2;
	v4 =	vadd.s32 v1, v4  }
0x174: {  	[tilespmem:s20+$0x1980] =	vst v2;
	v2 =	vadd.s32 v1, v3  }
0x175: {  	v3 =	vadd.s32 v1, v5;
	[tilespmem:s20+$0x1A80] =	vst v2  }
0x176: {  	v2 =	vadd.s32 v1, v6;
	[tilespmem:s20+$0x1900] =	vst v3  }
.Ltmp3:
0x177: {  	[tilespmem:s20+$0x1880] =	vst v2;
	v2 =	vadd.s32 v1, v7;
	(pc) =	sbr.rel @p1 .LBB2_6-.Ltmp3, $4  }
0x178: {  	v3 =	vadd.s32 v1, v8;
	[tilespmem:s20+$0x1A00] =	vst v2  }
0x179: {  	s25 =	sor.u32 s22, s25;
	[tilespmem:s20+$0x1800] =	vst v3  }
0x17a: {  	s25 =	sor.u32 $0x380, s25;
	[tilespmem:s20+$0x1B00] =	vst v4  }
0x17b: {  	v2 =	vld [tilespmem:s25+$0x1800]  }
0x17c: {  	_ =	sdelay $0x3  }
0x17d: {  	v2 =	vadd.s32 v1, v2  }
0x17e: {  	[tilespmem:s25+$0x1800] =	vst v2  }
0x17f: {  	v2 =	vld [tilespmem:s20+$0x3B80]  }
0x180: {  	v3 =	vld [tilespmem:s20+$0x3800]  }
0x181: {  	v4 =	vld [tilespmem:s20+$0x3880]  }
0x182: {  	v5 =	vld [tilespmem:s20+$0x3900]  }
0x183: {  	v6 =	vld [tilespmem:s20+$0x3980]  }
0x184: {  	v7 =	vld [tilespmem:s20+$0x3A00];
	v2 =	vadd.s32 v1, v2  }
0x185: {  	v8 =	vld [tilespmem:s20+$0x3A80];
	v3 =	vadd.s32 v1, v3;
	[tilespmem:s20+$0x3B80] =	vst v2  }
0x186: {  	[tilespmem:s20+$0x3800] =	vst v3;
	v2 =	vadd.s32 v1, v4;
	v3 =	vld [tilespmem:s20+$0x3B00]  }
0x187: {  	[tilespmem:s20+$0x3880] =	vst v2;
	v2 =	vadd.s32 v1, v5  }
0x188: {  	[tilespmem:s20+$0x3900] =	vst v2;
	v2 =	vadd.s32 v1, v6  }
0x189: {  	[tilespmem:s20+$0x3980] =	vst v2;
	v2 =	vadd.s32 v1, v7  }
0x18a: {  	[tilespmem:s20+$0x3A00] =	vst v2;
	v2 =	vadd.s32 v1, v8  }
0x18b: {  	[tilespmem:s20+$0x3A80] =	vst v2;
	v1 =	vadd.s32 v1, v3  }
0x18c: {  	s26 =	simm.s32 $0x1800;
	s28 =	simm.s32 $0x1;
	[tilespmem:s20+$0x3B00] =	vst v1  }
0x18d: {  	[spmem:s15] =	stream.linear.scatter [tilespmem:s26], [sflag:$0x1], $0x4000, $0x38;
	[tilespmem:$0x17658] =	vst v63  }
0x18e: {  	_ =	swait.ge [sflag:s28], $0x4000  }
0x18f: {  	[sflag:s28] =	ssyncset.done $0x0  }
0x190: {  	s29 =	simm.s32 $0x1000;
	[sflag:s28] =	ssyncadd.s32 $0xFFFFC000  }
0x191: {  	[spmem:s14] =	stream.linear.scatter [tilespmem:s29], [sflag:$0x1], $0x400, $0x38;
	[tilespmem:$0x17658] =	vst v63  }
0x192: {  	_ =	swait.ge [sflag:s28], $0x400  }
0x193: {  	[sflag:s28] =	ssyncset.done $0x0  }
0x194: {  	v1 =	vmov s21;
	[sflag:s28] =	ssyncadd.s32 $0xFFFFFC00  }
0x195: {  	s30 =	simm.s32 $0x0;
	[tilespmem:$0x0] =	vst v1  }
0x196: {  	[spmem:s19] =	stream.linear.scatter [tilespmem:s30], [sflag:$0x1], $0x10, $0x38;
	[tilespmem:$0x17658] =	vst v63  }
0x197: {  	_ =	swait.ge [sflag:s28], $0x10  }
0x198: {  	[sflag:s28] =	ssyncset.done $0x0  }
0x199: {  	s31 =	simm.s32 $0xC00;
	[sflag:s28] =	ssyncadd.s32 $0xFFFFFFF0  }
0x19a: {  	[spmem:s12] =	stream.linear.scatter [tilespmem:s31], [sflag:$0x1], $0x400, $0x38;
	[tilespmem:$0x17658] =	vst v63  }
0x19b: {  	_ =	swait.ge [sflag:s28], $0x400  }
0x19c: {  	[sflag:s28] =	ssyncset.done $0x0  }
0x19d: {  	[sflag:s28] =	ssyncadd.s32 $0xFFFFFC00  }
0x19e: {  	[tilespmem:s30], [sflag:$0x1] =	stream.linear.gather [hbm4b:s13+s30], $0x10, $0x38;
	[tilespmem:$0x17658] =	vst v63  }
0x19f: {  	_ =	swait.ge [sflag:s28], $0x10  }
0x1a0: {  	[sflag:s28] =	ssyncset.done $0x0  }
0x1a1: {  	[sflag:s28] =	ssyncadd.s32 $0xFFFFFFF0  }
.LBB2_8:
0x1a2: {  	[bflag:$0x0] =	sbarrier.arrive $0xFFFF;
	s12 =	simm.s32 $0x1000  }
0x1a3: {  	[tilespmem:s12], [sflag:$0x1] =	stream.strided.gather [spmem:s18], $0x400, s10, s7, $0x38;
	[tilespmem:$0x17658] =	vst v63  }
0x1a4: {  	_ =	swait.ge [sflag:s6], $0x400  }
0x1a5: {  	[sflag:s6] =	ssyncset.done $0x0  }
0x1a6: {  	[sflag:s6] =	ssyncadd.s32 $0xFFFFFC00  }
0x1a7: {  	[tilespmem:s10], [sflag:$0x1] =	stream.linear.gather [hbm4b:s17+s11], $0x400, $0x38;
	[tilespmem:$0x17658] =	vst v63  }
0x1a8: {  	_ =	swait.ge [sflag:s6], $0x400  }
0x1a9: {  	[sflag:s6] =	ssyncset.done $0x0  }
0x1aa: {  	s13 =	simm.s32 $0x800;
	[sflag:s6] =	ssyncadd.s32 $0xFFFFFC00  }
0x1ab: {  	[tilespmem:s13], [sflag:$0x1] =	stream.linear.gather [hbm4b:s16+s11], $0x400, $0x38;
	[tilespmem:$0x17658] =	vst v63  }
0x1ac: {  	_ =	swait.ge [sflag:s6], $0x400  }
0x1ad: {  	[sflag:s6] =	ssyncset.done $0x0  }
0x1ae: {  	[sflag:s6] =	ssyncadd.s32 $0xFFFFFC00  }
0x1af: {  	v1 =	vld [tilespmem:$0x0];
	_ =	sdelay $0x4  }
0x1b0: {  	(xrf1) =	vunique.msk.u32 $0xffff, v1;
	_ =	sdelay $0x9  }
0x1b1: {  	v2 =	vld.idx.msk [tilespmem:v1+s12+$0x0], $0xffff;
	_ =	sdelay $0x3  }
0x1b2: {  	_, v3, _ =	vpop (xrf1)  }
0x1b3: {  	v2 =	vadd.s32 v3, v2  }
0x1b4: {  	v2 =	vadd.s32 $0xFFFFFFFF, v2  }
0x1b5: {  	[tilespmem:$0x1400] =	vst v2  }
0x1b6: {  	[tilespmem:v1+s12+$0x0] =	vst.idx.add.s32.msk $0xffff, v0  }
0x1b7: {  	v1 =	vld [tilespmem:$0x10];
	_ =	sdelay $0x4  }
0x1b8: {  	(xrf1) =	vunique.msk.u32 $0xffff, v1;
	_ =	sdelay $0x9  }
0x1b9: {  	v2 =	vld.idx.msk [tilespmem:v1+s12+$0x0], $0xffff;
	_ =	sdelay $0x3  }
0x1ba: {  	_, v57, _ =	vpop (xrf1)  }
0x1bb: {  	v2 =	vadd.s32 v57, v2  }
0x1bc: {  	v2 =	vadd.s32 $0xFFFFFFFF, v2  }
0x1bd: {  	[tilespmem:$0x1410] =	vst v2  }
0x1be: {  	[tilespmem:v1+s12+$0x0] =	vst.idx.add.s32.msk $0xffff, v0  }
0x1bf: {  	v1 =	vld [tilespmem:$0x20];
	_ =	sdelay $0x4  }
0x1c0: {  	(xrf1) =	vunique.msk.u32 $0xffff, v1;
	_ =	sdelay $0x9  }
0x1c1: {  	v2 =	vld.idx.msk [tilespmem:v1+s12+$0x0], $0xffff;
	_ =	sdelay $0x3  }
0x1c2: {  	_, v58, _ =	vpop (xrf1)  }
0x1c3: {  	v2 =	vadd.s32 v58, v2  }
0x1c4: {  	v2 =	vadd.s32 $0xFFFFFFFF, v2  }
0x1c5: {  	[tilespmem:$0x1420] =	vst v2  }
0x1c6: {  	[tilespmem:v1+s12+$0x0] =	vst.idx.add.s32.msk $0xffff, v0  }
0x1c7: {  	v1 =	vld [tilespmem:$0x30];
	_ =	sdelay $0x4  }
0x1c8: {  	(xrf1) =	vunique.msk.u32 $0xffff, v1;
	_ =	sdelay $0x9  }
0x1c9: {  	v2 =	vld.idx.msk [tilespmem:v1+s12+$0x0], $0xffff;
	_ =	sdelay $0x3  }
0x1ca: {  	_, v59, _ =	vpop (xrf1)  }
0x1cb: {  	v2 =	vadd.s32 v59, v2  }
0x1cc: {  	v2 =	vadd.s32 $0xFFFFFFFF, v2  }
0x1cd: {  	[tilespmem:$0x1430] =	vst v2  }
0x1ce: {  	[tilespmem:v1+s12+$0x0] =	vst.idx.add.s32.msk $0xffff, v0  }
0x1cf: {  	v1 =	vld [tilespmem:$0x40];
	_ =	sdelay $0x4  }
0x1d0: {  	(xrf1) =	vunique.msk.u32 $0xffff, v1;
	_ =	sdelay $0x9  }
0x1d1: {  	v2 =	vld.idx.msk [tilespmem:v1+s12+$0x0], $0xffff;
	_ =	sdelay $0x3  }
0x1d2: {  	_, v60, _ =	vpop (xrf1)  }
0x1d3: {  	v2 =	vadd.s32 v60, v2  }
0x1d4: {  	v2 =	vadd.s32 $0xFFFFFFFF, v2  }
0x1d5: {  	[tilespmem:$0x1440] =	vst v2  }
0x1d6: {  	[tilespmem:v1+s12+$0x0] =	vst.idx.add.s32.msk $0xffff, v0  }
0x1d7: {  	v1 =	vld [tilespmem:$0x50];
	_ =	sdelay $0x4  }
0x1d8: {  	(xrf1) =	vunique.msk.u32 $0xffff, v1;
	_ =	sdelay $0x9  }
0x1d9: {  	v2 =	vld.idx.msk [tilespmem:v1+s12+$0x0], $0xffff;
	_ =	sdelay $0x3  }
0x1da: {  	_, v61, _ =	vpop (xrf1)  }
0x1db: {  	v2 =	vadd.s32 v61, v2  }
0x1dc: {  	v2 =	vadd.s32 $0xFFFFFFFF, v2  }
0x1dd: {  	[tilespmem:$0x1450] =	vst v2  }
0x1de: {  	[tilespmem:v1+s12+$0x0] =	vst.idx.add.s32.msk $0xffff, v0  }
0x1df: {  	v1 =	vld [tilespmem:$0x60];
	_ =	sdelay $0x4  }
0x1e0: {  	(xrf1) =	vunique.msk.u32 $0xffff, v1;
	_ =	sdelay $0x9  }
0x1e1: {  	v2 =	vld.idx.msk [tilespmem:v1+s12+$0x0], $0xffff;
	_ =	sdelay $0x3  }
0x1e2: {  	_, v62, _ =	vpop (xrf1)  }
0x1e3: {  	v2 =	vadd.s32 v62, v2  }
0x1e4: {  	v2 =	vadd.s32 $0xFFFFFFFF, v2  }
0x1e5: {  	[tilespmem:$0x1460] =	vst v2  }
0x1e6: {  	[tilespmem:v1+s12+$0x0] =	vst.idx.add.s32.msk $0xffff, v0  }
0x1e7: {  	v1 =	vld [tilespmem:$0x70];
	_ =	sdelay $0x4  }
0x1e8: {  	(xrf1) =	vunique.msk.u32 $0xffff, v1;
	_ =	sdelay $0x9  }
0x1e9: {  	v2 =	vld.idx.msk [tilespmem:v1+s12+$0x0], $0xffff;
	_ =	sdelay $0x3  }
0x1ea: {  	_, v63, _ =	vpop (xrf1)  }
0x1eb: {  	v2 =	vadd.s32 v63, v2  }
0x1ec: {  	v2 =	vadd.s32 $0xFFFFFFFF, v2  }
0x1ed: {  	[tilespmem:$0x1470] =	vst v2  }
0x1ee: {  	[tilespmem:v1+s12+$0x0] =	vst.idx.add.s32.msk $0xffff, v0  }
0x1ef: {  	v1 =	vld [tilespmem:$0x80];
	_ =	sdelay $0x4  }
0x1f0: {  	(xrf1) =	vunique.msk.u32 $0xffff, v1;
	_ =	sdelay $0x9  }
0x1f1: {  	v2 =	vld.idx.msk [tilespmem:v1+s12+$0x0], $0xffff;
	_ =	sdelay $0x3  }
0x1f2: {  	_, v6, _ =	vpop (xrf1)  }
0x1f3: {  	v2 =	vadd.s32 v6, v2  }
0x1f4: {  	v2 =	vadd.s32 $0xFFFFFFFF, v2  }
0x1f5: {  	[tilespmem:$0x1480] =	vst v2  }
0x1f6: {  	[tilespmem:v1+s12+$0x0] =	vst.idx.add.s32.msk $0xffff, v0  }
0x1f7: {  	v1 =	vld [tilespmem:$0x90];
	_ =	sdelay $0x4  }
0x1f8: {  	(xrf1) =	vunique.msk.u32 $0xffff, v1;
	_ =	sdelay $0x9  }
0x1f9: {  	v2 =	vld.idx.msk [tilespmem:v1+s12+$0x0], $0xffff;
	_ =	sdelay $0x3  }
0x1fa: {  	_, v7, _ =	vpop (xrf1)  }
0x1fb: {  	v2 =	vadd.s32 v7, v2  }
0x1fc: {  	v2 =	vadd.s32 $0xFFFFFFFF, v2  }
0x1fd: {  	[tilespmem:$0x1490] =	vst v2  }
0x1fe: {  	[tilespmem:v1+s12+$0x0] =	vst.idx.add.s32.msk $0xffff, v0  }
0x1ff: {  	v1 =	vld [tilespmem:$0xA0];
	_ =	sdelay $0x4  }
0x200: {  	(xrf1) =	vunique.msk.u32 $0xffff, v1;
	_ =	sdelay $0x9  }
0x201: {  	v2 =	vld.idx.msk [tilespmem:v1+s12+$0x0], $0xffff;
	_ =	sdelay $0x3  }
0x202: {  	_, v8, _ =	vpop (xrf1)  }
0x203: {  	v2 =	vadd.s32 v8, v2  }
0x204: {  	v2 =	vadd.s32 $0xFFFFFFFF, v2  }
0x205: {  	[tilespmem:$0x14A0] =	vst v2  }
0x206: {  	[tilespmem:v1+s12+$0x0] =	vst.idx.add.s32.msk $0xffff, v0  }
0x207: {  	v1 =	vld [tilespmem:$0xB0];
	_ =	sdelay $0x4  }
0x208: {  	(xrf1) =	vunique.msk.u32 $0xffff, v1;
	_ =	sdelay $0x9  }
0x209: {  	v2 =	vld.idx.msk [tilespmem:v1+s12+$0x0], $0xffff;
	_ =	sdelay $0x3  }
0x20a: {  	_, v9, _ =	vpop (xrf1)  }
0x20b: {  	v2 =	vadd.s32 v9, v2  }
0x20c: {  	v2 =	vadd.s32 $0xFFFFFFFF, v2  }
0x20d: {  	[tilespmem:$0x14B0] =	vst v2  }
0x20e: {  	[tilespmem:v1+s12+$0x0] =	vst.idx.add.s32.msk $0xffff, v0  }
0x20f: {  	v1 =	vld [tilespmem:$0xC0];
	_ =	sdelay $0x4  }
0x210: {  	(xrf1) =	vunique.msk.u32 $0xffff, v1;
	_ =	sdelay $0x9  }
0x211: {  	v2 =	vld.idx.msk [tilespmem:v1+s12+$0x0], $0xffff;
	_ =	sdelay $0x3  }
0x212: {  	_, v10, _ =	vpop (xrf1)  }
0x213: {  	v2 =	vadd.s32 v10, v2  }
0x214: {  	v2 =	vadd.s32 $0xFFFFFFFF, v2  }
0x215: {  	[tilespmem:$0x14C0] =	vst v2  }
0x216: {  	[tilespmem:v1+s12+$0x0] =	vst.idx.add.s32.msk $0xffff, v0  }
0x217: {  	v1 =	vld [tilespmem:$0xD0];
	_ =	sdelay $0x4  }
0x218: {  	(xrf1) =	vunique.msk.u32 $0xffff, v1;
	_ =	sdelay $0x9  }
0x219: {  	v2 =	vld.idx.msk [tilespmem:v1+s12+$0x0], $0xffff;
	_ =	sdelay $0x3  }
0x21a: {  	_, v11, _ =	vpop (xrf1)  }
0x21b: {  	v2 =	vadd.s32 v11, v2  }
0x21c: {  	v2 =	vadd.s32 $0xFFFFFFFF, v2  }
0x21d: {  	[tilespmem:$0x14D0] =	vst v2  }
0x21e: {  	[tilespmem:v1+s12+$0x0] =	vst.idx.add.s32.msk $0xffff, v0  }
0x21f: {  	v1 =	vld [tilespmem:$0xE0];
	_ =	sdelay $0x4  }
0x220: {  	(xrf1) =	vunique.msk.u32 $0xffff, v1;
	_ =	sdelay $0x9  }
0x221: {  	v2 =	vld.idx.msk [tilespmem:v1+s12+$0x0], $0xffff;
	_ =	sdelay $0x3  }
0x222: {  	_, v12, _ =	vpop (xrf1)  }
0x223: {  	v2 =	vadd.s32 v12, v2  }
0x224: {  	v2 =	vadd.s32 $0xFFFFFFFF, v2  }
0x225: {  	[tilespmem:$0x14E0] =	vst v2  }
0x226: {  	[tilespmem:v1+s12+$0x0] =	vst.idx.add.s32.msk $0xffff, v0  }
0x227: {  	v1 =	vld [tilespmem:$0xF0];
	_ =	sdelay $0x4  }
0x228: {  	(xrf1) =	vunique.msk.u32 $0xffff, v1;
	_ =	sdelay $0x9  }
0x229: {  	v2 =	vld.idx.msk [tilespmem:v1+s12+$0x0], $0xffff;
	_ =	sdelay $0x3  }
0x22a: {  	_, v13, _ =	vpop (xrf1)  }
0x22b: {  	v2 =	vadd.s32 v13, v2  }
0x22c: {  	v2 =	vadd.s32 $0xFFFFFFFF, v2  }
0x22d: {  	[tilespmem:$0x14F0] =	vst v2  }
0x22e: {  	[tilespmem:v1+s12+$0x0] =	vst.idx.add.s32.msk $0xffff, v0  }
0x22f: {  	v1 =	vld [tilespmem:$0x100];
	_ =	sdelay $0x4  }
0x230: {  	(xrf1) =	vunique.msk.u32 $0xffff, v1;
	_ =	sdelay $0x9  }
0x231: {  	v2 =	vld.idx.msk [tilespmem:v1+s12+$0x0], $0xffff;
	_ =	sdelay $0x3  }
0x232: {  	_, v14, _ =	vpop (xrf1)  }
0x233: {  	v2 =	vadd.s32 v14, v2  }
0x234: {  	v2 =	vadd.s32 $0xFFFFFFFF, v2  }
0x235: {  	[tilespmem:$0x1500] =	vst v2  }
0x236: {  	[tilespmem:v1+s12+$0x0] =	vst.idx.add.s32.msk $0xffff, v0  }
0x237: {  	v1 =	vld [tilespmem:$0x110];
	_ =	sdelay $0x4  }
0x238: {  	(xrf1) =	vunique.msk.u32 $0xffff, v1;
	_ =	sdelay $0x9  }
0x239: {  	v2 =	vld.idx.msk [tilespmem:v1+s12+$0x0], $0xffff;
	_ =	sdelay $0x3  }
0x23a: {  	_, v15, _ =	vpop (xrf1)  }
0x23b: {  	v2 =	vadd.s32 v15, v2  }
0x23c: {  	v2 =	vadd.s32 $0xFFFFFFFF, v2  }
0x23d: {  	[tilespmem:$0x1510] =	vst v2  }
0x23e: {  	[tilespmem:v1+s12+$0x0] =	vst.idx.add.s32.msk $0xffff, v0  }
0x23f: {  	v1 =	vld [tilespmem:$0x120];
	_ =	sdelay $0x4  }
0x240: {  	(xrf1) =	vunique.msk.u32 $0xffff, v1;
	_ =	sdelay $0x9  }
0x241: {  	v2 =	vld.idx.msk [tilespmem:v1+s12+$0x0], $0xffff;
	_ =	sdelay $0x3  }
0x242: {  	_, v16, _ =	vpop (xrf1)  }
0x243: {  	v2 =	vadd.s32 v16, v2  }
0x244: {  	v2 =	vadd.s32 $0xFFFFFFFF, v2  }
0x245: {  	[tilespmem:$0x1520] =	vst v2  }
0x246: {  	[tilespmem:v1+s12+$0x0] =	vst.idx.add.s32.msk $0xffff, v0  }
0x247: {  	v1 =	vld [tilespmem:$0x130];
	_ =	sdelay $0x4  }
0x248: {  	(xrf1) =	vunique.msk.u32 $0xffff, v1;
	_ =	sdelay $0x9  }
0x249: {  	v2 =	vld.idx.msk [tilespmem:v1+s12+$0x0], $0xffff;
	_ =	sdelay $0x3  }
0x24a: {  	_, v17, _ =	vpop (xrf1)  }
0x24b: {  	v2 =	vadd.s32 v17, v2  }
0x24c: {  	v2 =	vadd.s32 $0xFFFFFFFF, v2  }
0x24d: {  	[tilespmem:$0x1530] =	vst v2  }
0x24e: {  	[tilespmem:v1+s12+$0x0] =	vst.idx.add.s32.msk $0xffff, v0  }
0x24f: {  	v1 =	vld [tilespmem:$0x140];
	_ =	sdelay $0x4  }
0x250: {  	(xrf1) =	vunique.msk.u32 $0xffff, v1;
	_ =	sdelay $0x9  }
0x251: {  	v2 =	vld.idx.msk [tilespmem:v1+s12+$0x0], $0xffff;
	_ =	sdelay $0x3  }
0x252: {  	_, v18, _ =	vpop (xrf1)  }
0x253: {  	v2 =	vadd.s32 v18, v2  }
0x254: {  	v2 =	vadd.s32 $0xFFFFFFFF, v2  }
0x255: {  	[tilespmem:$0x1540] =	vst v2  }
0x256: {  	[tilespmem:v1+s12+$0x0] =	vst.idx.add.s32.msk $0xffff, v0  }
0x257: {  	v1 =	vld [tilespmem:$0x150];
	_ =	sdelay $0x4  }
0x258: {  	(xrf1) =	vunique.msk.u32 $0xffff, v1;
	_ =	sdelay $0x9  }
0x259: {  	v2 =	vld.idx.msk [tilespmem:v1+s12+$0x0], $0xffff;
	_ =	sdelay $0x3  }
0x25a: {  	_, v19, _ =	vpop (xrf1)  }
0x25b: {  	v2 =	vadd.s32 v19, v2  }
0x25c: {  	v2 =	vadd.s32 $0xFFFFFFFF, v2  }
0x25d: {  	[tilespmem:$0x1550] =	vst v2  }
0x25e: {  	[tilespmem:v1+s12+$0x0] =	vst.idx.add.s32.msk $0xffff, v0  }
0x25f: {  	v1 =	vld [tilespmem:$0x160];
	_ =	sdelay $0x4  }
0x260: {  	(xrf1) =	vunique.msk.u32 $0xffff, v1;
	_ =	sdelay $0x9  }
0x261: {  	v2 =	vld.idx.msk [tilespmem:v1+s12+$0x0], $0xffff;
	_ =	sdelay $0x3  }
0x262: {  	_, v20, _ =	vpop (xrf1)  }
0x263: {  	v2 =	vadd.s32 v20, v2  }
0x264: {  	v2 =	vadd.s32 $0xFFFFFFFF, v2  }
0x265: {  	[tilespmem:$0x1560] =	vst v2  }
0x266: {  	[tilespmem:v1+s12+$0x0] =	vst.idx.add.s32.msk $0xffff, v0  }
0x267: {  	v1 =	vld [tilespmem:$0x170];
	_ =	sdelay $0x4  }
0x268: {  	(xrf1) =	vunique.msk.u32 $0xffff, v1;
	_ =	sdelay $0x9  }
0x269: {  	v2 =	vld.idx.msk [tilespmem:v1+s12+$0x0], $0xffff;
	_ =	sdelay $0x3  }
0x26a: {  	_, v21, _ =	vpop (xrf1)  }
0x26b: {  	v2 =	vadd.s32 v21, v2  }
0x26c: {  	v2 =	vadd.s32 $0xFFFFFFFF, v2  }
0x26d: {  	[tilespmem:$0x1570] =	vst v2  }
0x26e: {  	[tilespmem:v1+s12+$0x0] =	vst.idx.add.s32.msk $0xffff, v0  }
0x26f: {  	v1 =	vld [tilespmem:$0x180];
	_ =	sdelay $0x4  }
0x270: {  	(xrf1) =	vunique.msk.u32 $0xffff, v1;
	_ =	sdelay $0x9  }
0x271: {  	v2 =	vld.idx.msk [tilespmem:v1+s12+$0x0], $0xffff;
	_ =	sdelay $0x3  }
0x272: {  	_, v22, _ =	vpop (xrf1)  }
0x273: {  	v2 =	vadd.s32 v22, v2  }
0x274: {  	v2 =	vadd.s32 $0xFFFFFFFF, v2  }
0x275: {  	[tilespmem:$0x1580] =	vst v2  }
0x276: {  	[tilespmem:v1+s12+$0x0] =	vst.idx.add.s32.msk $0xffff, v0  }
0x277: {  	v1 =	vld [tilespmem:$0x190];
	_ =	sdelay $0x4  }
0x278: {  	(xrf1) =	vunique.msk.u32 $0xffff, v1;
	_ =	sdelay $0x9  }
0x279: {  	v2 =	vld.idx.msk [tilespmem:v1+s12+$0x0], $0xffff;
	_ =	sdelay $0x3  }
0x27a: {  	_, v23, _ =	vpop (xrf1)  }
0x27b: {  	v2 =	vadd.s32 v23, v2  }
0x27c: {  	v2 =	vadd.s32 $0xFFFFFFFF, v2  }
0x27d: {  	[tilespmem:$0x1590] =	vst v2  }
0x27e: {  	[tilespmem:v1+s12+$0x0] =	vst.idx.add.s32.msk $0xffff, v0  }
0x27f: {  	v1 =	vld [tilespmem:$0x1A0];
	_ =	sdelay $0x4  }
0x280: {  	(xrf1) =	vunique.msk.u32 $0xffff, v1;
	_ =	sdelay $0x9  }
0x281: {  	v2 =	vld.idx.msk [tilespmem:v1+s12+$0x0], $0xffff;
	_ =	sdelay $0x3  }
0x282: {  	_, v24, _ =	vpop (xrf1)  }
0x283: {  	v2 =	vadd.s32 v24, v2  }
0x284: {  	v2 =	vadd.s32 $0xFFFFFFFF, v2  }
0x285: {  	[tilespmem:$0x15A0] =	vst v2  }
0x286: {  	[tilespmem:v1+s12+$0x0] =	vst.idx.add.s32.msk $0xffff, v0  }
0x287: {  	v1 =	vld [tilespmem:$0x1B0];
	_ =	sdelay $0x4  }
0x288: {  	(xrf1) =	vunique.msk.u32 $0xffff, v1;
	_ =	sdelay $0x9  }
0x289: {  	v2 =	vld.idx.msk [tilespmem:v1+s12+$0x0], $0xffff;
	_ =	sdelay $0x3  }
0x28a: {  	_, v25, _ =	vpop (xrf1)  }
0x28b: {  	v2 =	vadd.s32 v25, v2  }
0x28c: {  	v2 =	vadd.s32 $0xFFFFFFFF, v2  }
0x28d: {  	[tilespmem:$0x15B0] =	vst v2  }
0x28e: {  	[tilespmem:v1+s12+$0x0] =	vst.idx.add.s32.msk $0xffff, v0  }
0x28f: {  	v1 =	vld [tilespmem:$0x1C0];
	_ =	sdelay $0x4  }
0x290: {  	(xrf1) =	vunique.msk.u32 $0xffff, v1;
	_ =	sdelay $0x9  }
0x291: {  	v2 =	vld.idx.msk [tilespmem:v1+s12+$0x0], $0xffff;
	_ =	sdelay $0x3  }
0x292: {  	_, v26, _ =	vpop (xrf1)  }
0x293: {  	v2 =	vadd.s32 v26, v2  }
0x294: {  	v2 =	vadd.s32 $0xFFFFFFFF, v2  }
0x295: {  	[tilespmem:$0x15C0] =	vst v2  }
0x296: {  	[tilespmem:v1+s12+$0x0] =	vst.idx.add.s32.msk $0xffff, v0  }
0x297: {  	v1 =	vld [tilespmem:$0x1D0];
	_ =	sdelay $0x4  }
0x298: {  	(xrf1) =	vunique.msk.u32 $0xffff, v1;
	_ =	sdelay $0x9  }
0x299: {  	v2 =	vld.idx.msk [tilespmem:v1+s12+$0x0], $0xffff;
	_ =	sdelay $0x3  }
0x29a: {  	_, v27, _ =	vpop (xrf1)  }
0x29b: {  	v2 =	vadd.s32 v27, v2  }
0x29c: {  	v2 =	vadd.s32 $0xFFFFFFFF, v2  }
0x29d: {  	[tilespmem:$0x15D0] =	vst v2  }
0x29e: {  	[tilespmem:v1+s12+$0x0] =	vst.idx.add.s32.msk $0xffff, v0  }
0x29f: {  	v1 =	vld [tilespmem:$0x1E0];
	_ =	sdelay $0x4  }
0x2a0: {  	(xrf1) =	vunique.msk.u32 $0xffff, v1;
	_ =	sdelay $0x9  }
0x2a1: {  	v2 =	vld.idx.msk [tilespmem:v1+s12+$0x0], $0xffff;
	_ =	sdelay $0x3  }
0x2a2: {  	_, v28, _ =	vpop (xrf1)  }
0x2a3: {  	v2 =	vadd.s32 v28, v2  }
0x2a4: {  	v2 =	vadd.s32 $0xFFFFFFFF, v2  }
0x2a5: {  	[tilespmem:$0x15E0] =	vst v2  }
0x2a6: {  	[tilespmem:v1+s12+$0x0] =	vst.idx.add.s32.msk $0xffff, v0  }
0x2a7: {  	v1 =	vld [tilespmem:$0x1F0];
	_ =	sdelay $0x4  }
0x2a8: {  	(xrf1) =	vunique.msk.u32 $0xffff, v1;
	_ =	sdelay $0x9  }
0x2a9: {  	v2 =	vld.idx.msk [tilespmem:v1+s12+$0x0], $0xffff;
	_ =	sdelay $0x3  }
0x2aa: {  	_, v29, _ =	vpop (xrf1)  }
0x2ab: {  	v2 =	vadd.s32 v29, v2  }
0x2ac: {  	v2 =	vadd.s32 $0xFFFFFFFF, v2  }
0x2ad: {  	[tilespmem:$0x15F0] =	vst v2  }
0x2ae: {  	[tilespmem:v1+s12+$0x0] =	vst.idx.add.s32.msk $0xffff, v0  }
0x2af: {  	v1 =	vld [tilespmem:$0x200];
	_ =	sdelay $0x4  }
0x2b0: {  	(xrf1) =	vunique.msk.u32 $0xffff, v1;
	_ =	sdelay $0x9  }
0x2b1: {  	v2 =	vld.idx.msk [tilespmem:v1+s12+$0x0], $0xffff;
	_ =	sdelay $0x3  }
0x2b2: {  	_, v30, _ =	vpop (xrf1)  }
0x2b3: {  	v2 =	vadd.s32 v30, v2  }
0x2b4: {  	v2 =	vadd.s32 $0xFFFFFFFF, v2  }
0x2b5: {  	[tilespmem:$0x1600] =	vst v2  }
0x2b6: {  	[tilespmem:v1+s12+$0x0] =	vst.idx.add.s32.msk $0xffff, v0  }
0x2b7: {  	v1 =	vld [tilespmem:$0x210];
	_ =	sdelay $0x4  }
0x2b8: {  	(xrf1) =	vunique.msk.u32 $0xffff, v1;
	_ =	sdelay $0x9  }
0x2b9: {  	v2 =	vld.idx.msk [tilespmem:v1+s12+$0x0], $0xffff;
	_ =	sdelay $0x3  }
0x2ba: {  	_, v31, _ =	vpop (xrf1)  }
0x2bb: {  	v2 =	vadd.s32 v31, v2  }
0x2bc: {  	v2 =	vadd.s32 $0xFFFFFFFF, v2  }
0x2bd: {  	[tilespmem:$0x1610] =	vst v2  }
0x2be: {  	[tilespmem:v1+s12+$0x0] =	vst.idx.add.s32.msk $0xffff, v0  }
0x2bf: {  	v1 =	vld [tilespmem:$0x220];
	_ =	sdelay $0x4  }
0x2c0: {  	(xrf1) =	vunique.msk.u32 $0xffff, v1;
	_ =	sdelay $0x9  }
0x2c1: {  	v2 =	vld.idx.msk [tilespmem:v1+s12+$0x0], $0xffff;
	_ =	sdelay $0x3  }
0x2c2: {  	_, v32, _ =	vpop (xrf1)  }
0x2c3: {  	v2 =	vadd.s32 v32, v2  }
0x2c4: {  	v2 =	vadd.s32 $0xFFFFFFFF, v2  }
0x2c5: {  	[tilespmem:$0x1620] =	vst v2  }
0x2c6: {  	[tilespmem:v1+s12+$0x0] =	vst.idx.add.s32.msk $0xffff, v0  }
0x2c7: {  	v1 =	vld [tilespmem:$0x230];
	_ =	sdelay $0x4  }
0x2c8: {  	(xrf1) =	vunique.msk.u32 $0xffff, v1;
	_ =	sdelay $0x9  }
0x2c9: {  	v2 =	vld.idx.msk [tilespmem:v1+s12+$0x0], $0xffff;
	_ =	sdelay $0x3  }
0x2ca: {  	_, v33, _ =	vpop (xrf1)  }
0x2cb: {  	v2 =	vadd.s32 v33, v2  }
0x2cc: {  	v2 =	vadd.s32 $0xFFFFFFFF, v2  }
0x2cd: {  	[tilespmem:$0x1630] =	vst v2  }
0x2ce: {  	[tilespmem:v1+s12+$0x0] =	vst.idx.add.s32.msk $0xffff, v0  }
0x2cf: {  	v1 =	vld [tilespmem:$0x240];
	_ =	sdelay $0x4  }
0x2d0: {  	(xrf1) =	vunique.msk.u32 $0xffff, v1;
	_ =	sdelay $0x9  }
0x2d1: {  	v2 =	vld.idx.msk [tilespmem:v1+s12+$0x0], $0xffff;
	_ =	sdelay $0x3  }
0x2d2: {  	_, v34, _ =	vpop (xrf1)  }
0x2d3: {  	v2 =	vadd.s32 v34, v2  }
0x2d4: {  	v2 =	vadd.s32 $0xFFFFFFFF, v2  }
0x2d5: {  	[tilespmem:$0x1640] =	vst v2  }
0x2d6: {  	[tilespmem:v1+s12+$0x0] =	vst.idx.add.s32.msk $0xffff, v0  }
0x2d7: {  	v1 =	vld [tilespmem:$0x250];
	_ =	sdelay $0x4  }
0x2d8: {  	(xrf1) =	vunique.msk.u32 $0xffff, v1;
	_ =	sdelay $0x9  }
0x2d9: {  	v2 =	vld.idx.msk [tilespmem:v1+s12+$0x0], $0xffff;
	_ =	sdelay $0x3  }
0x2da: {  	_, v35, _ =	vpop (xrf1)  }
0x2db: {  	v2 =	vadd.s32 v35, v2  }
0x2dc: {  	v2 =	vadd.s32 $0xFFFFFFFF, v2  }
0x2dd: {  	[tilespmem:$0x1650] =	vst v2  }
0x2de: {  	[tilespmem:v1+s12+$0x0] =	vst.idx.add.s32.msk $0xffff, v0  }
0x2df: {  	v1 =	vld [tilespmem:$0x260];
	_ =	sdelay $0x4  }
0x2e0: {  	(xrf1) =	vunique.msk.u32 $0xffff, v1;
	_ =	sdelay $0x9  }
0x2e1: {  	v2 =	vld.idx.msk [tilespmem:v1+s12+$0x0], $0xffff;
	_ =	sdelay $0x3  }
0x2e2: {  	_, v36, _ =	vpop (xrf1)  }
0x2e3: {  	v2 =	vadd.s32 v36, v2  }
0x2e4: {  	v2 =	vadd.s32 $0xFFFFFFFF, v2  }
0x2e5: {  	[tilespmem:$0x1660] =	vst v2  }
0x2e6: {  	[tilespmem:v1+s12+$0x0] =	vst.idx.add.s32.msk $0xffff, v0  }
0x2e7: {  	v1 =	vld [tilespmem:$0x270];
	_ =	sdelay $0x4  }
0x2e8: {  	(xrf1) =	vunique.msk.u32 $0xffff, v1;
	_ =	sdelay $0x9  }
0x2e9: {  	v2 =	vld.idx.msk [tilespmem:v1+s12+$0x0], $0xffff;
	_ =	sdelay $0x3  }
0x2ea: {  	_, v37, _ =	vpop (xrf1)  }
0x2eb: {  	v2 =	vadd.s32 v37, v2  }
0x2ec: {  	v2 =	vadd.s32 $0xFFFFFFFF, v2  }
0x2ed: {  	[tilespmem:$0x1670] =	vst v2  }
0x2ee: {  	[tilespmem:v1+s12+$0x0] =	vst.idx.add.s32.msk $0xffff, v0  }
0x2ef: {  	v1 =	vld [tilespmem:$0x280];
	_ =	sdelay $0x4  }
0x2f0: {  	(xrf1) =	vunique.msk.u32 $0xffff, v1;
	_ =	sdelay $0x9  }
0x2f1: {  	v2 =	vld.idx.msk [tilespmem:v1+s12+$0x0], $0xffff;
	_ =	sdelay $0x3  }
0x2f2: {  	_, v38, _ =	vpop (xrf1)  }
0x2f3: {  	v2 =	vadd.s32 v38, v2  }
0x2f4: {  	v2 =	vadd.s32 $0xFFFFFFFF, v2  }
0x2f5: {  	[tilespmem:$0x1680] =	vst v2  }
0x2f6: {  	[tilespmem:v1+s12+$0x0] =	vst.idx.add.s32.msk $0xffff, v0  }
0x2f7: {  	v1 =	vld [tilespmem:$0x290];
	_ =	sdelay $0x4  }
0x2f8: {  	(xrf1) =	vunique.msk.u32 $0xffff, v1;
	_ =	sdelay $0x9  }
0x2f9: {  	v2 =	vld.idx.msk [tilespmem:v1+s12+$0x0], $0xffff;
	_ =	sdelay $0x3  }
0x2fa: {  	_, v39, _ =	vpop (xrf1)  }
0x2fb: {  	v2 =	vadd.s32 v39, v2  }
0x2fc: {  	v2 =	vadd.s32 $0xFFFFFFFF, v2  }
0x2fd: {  	[tilespmem:$0x1690] =	vst v2  }
0x2fe: {  	[tilespmem:v1+s12+$0x0] =	vst.idx.add.s32.msk $0xffff, v0  }
0x2ff: {  	v1 =	vld [tilespmem:$0x2A0];
	_ =	sdelay $0x4  }
0x300: {  	(xrf1) =	vunique.msk.u32 $0xffff, v1;
	_ =	sdelay $0x9  }
0x301: {  	v2 =	vld.idx.msk [tilespmem:v1+s12+$0x0], $0xffff;
	_ =	sdelay $0x3  }
0x302: {  	_, v40, _ =	vpop (xrf1)  }
0x303: {  	v2 =	vadd.s32 v40, v2  }
0x304: {  	v2 =	vadd.s32 $0xFFFFFFFF, v2  }
0x305: {  	[tilespmem:$0x16A0] =	vst v2  }
0x306: {  	[tilespmem:v1+s12+$0x0] =	vst.idx.add.s32.msk $0xffff, v0  }
0x307: {  	v1 =	vld [tilespmem:$0x2B0];
	_ =	sdelay $0x4  }
0x308: {  	(xrf1) =	vunique.msk.u32 $0xffff, v1;
	_ =	sdelay $0x9  }
0x309: {  	v2 =	vld.idx.msk [tilespmem:v1+s12+$0x0], $0xffff;
	_ =	sdelay $0x3  }
0x30a: {  	_, v41, _ =	vpop (xrf1)  }
0x30b: {  	v2 =	vadd.s32 v41, v2  }
0x30c: {  	v2 =	vadd.s32 $0xFFFFFFFF, v2  }
0x30d: {  	[tilespmem:$0x16B0] =	vst v2  }
0x30e: {  	[tilespmem:v1+s12+$0x0] =	vst.idx.add.s32.msk $0xffff, v0  }
0x30f: {  	v1 =	vld [tilespmem:$0x2C0];
	_ =	sdelay $0x4  }
0x310: {  	(xrf1) =	vunique.msk.u32 $0xffff, v1;
	_ =	sdelay $0x9  }
0x311: {  	v2 =	vld.idx.msk [tilespmem:v1+s12+$0x0], $0xffff;
	_ =	sdelay $0x3  }
0x312: {  	_, v42, _ =	vpop (xrf1)  }
0x313: {  	v2 =	vadd.s32 v42, v2  }
0x314: {  	v2 =	vadd.s32 $0xFFFFFFFF, v2  }
0x315: {  	[tilespmem:$0x16C0] =	vst v2  }
0x316: {  	[tilespmem:v1+s12+$0x0] =	vst.idx.add.s32.msk $0xffff, v0  }
0x317: {  	v1 =	vld [tilespmem:$0x2D0];
	_ =	sdelay $0x4  }
0x318: {  	(xrf1) =	vunique.msk.u32 $0xffff, v1;
	_ =	sdelay $0x9  }
0x319: {  	v2 =	vld.idx.msk [tilespmem:v1+s12+$0x0], $0xffff;
	_ =	sdelay $0x3  }
0x31a: {  	_, v43, _ =	vpop (xrf1)  }
0x31b: {  	v2 =	vadd.s32 v43, v2  }
0x31c: {  	v2 =	vadd.s32 $0xFFFFFFFF, v2  }
0x31d: {  	[tilespmem:$0x16D0] =	vst v2  }
0x31e: {  	[tilespmem:v1+s12+$0x0] =	vst.idx.add.s32.msk $0xffff, v0  }
0x31f: {  	v1 =	vld [tilespmem:$0x2E0];
	_ =	sdelay $0x4  }
0x320: {  	(xrf1) =	vunique.msk.u32 $0xffff, v1;
	_ =	sdelay $0x9  }
0x321: {  	v2 =	vld.idx.msk [tilespmem:v1+s12+$0x0], $0xffff;
	_ =	sdelay $0x3  }
0x322: {  	_, v44, _ =	vpop (xrf1)  }
0x323: {  	v2 =	vadd.s32 v44, v2  }
0x324: {  	v2 =	vadd.s32 $0xFFFFFFFF, v2  }
0x325: {  	[tilespmem:$0x16E0] =	vst v2  }
0x326: {  	[tilespmem:v1+s12+$0x0] =	vst.idx.add.s32.msk $0xffff, v0  }
0x327: {  	v1 =	vld [tilespmem:$0x2F0];
	_ =	sdelay $0x4  }
0x328: {  	(xrf1) =	vunique.msk.u32 $0xffff, v1;
	_ =	sdelay $0x9  }
0x329: {  	v2 =	vld.idx.msk [tilespmem:v1+s12+$0x0], $0xffff;
	_ =	sdelay $0x3  }
0x32a: {  	_, v45, _ =	vpop (xrf1)  }
0x32b: {  	v2 =	vadd.s32 v45, v2  }
0x32c: {  	v2 =	vadd.s32 $0xFFFFFFFF, v2  }
0x32d: {  	[tilespmem:$0x16F0] =	vst v2  }
0x32e: {  	[tilespmem:v1+s12+$0x0] =	vst.idx.add.s32.msk $0xffff, v0  }
0x32f: {  	v1 =	vld [tilespmem:$0x300];
	_ =	sdelay $0x4  }
0x330: {  	(xrf1) =	vunique.msk.u32 $0xffff, v1;
	_ =	sdelay $0x9  }
0x331: {  	v2 =	vld.idx.msk [tilespmem:v1+s12+$0x0], $0xffff;
	_ =	sdelay $0x3  }
0x332: {  	_, v46, _ =	vpop (xrf1)  }
0x333: {  	v2 =	vadd.s32 v46, v2  }
0x334: {  	v2 =	vadd.s32 $0xFFFFFFFF, v2  }
0x335: {  	[tilespmem:$0x1700] =	vst v2  }
0x336: {  	[tilespmem:v1+s12+$0x0] =	vst.idx.add.s32.msk $0xffff, v0  }
0x337: {  	v1 =	vld [tilespmem:$0x310];
	_ =	sdelay $0x4  }
0x338: {  	(xrf1) =	vunique.msk.u32 $0xffff, v1;
	_ =	sdelay $0x9  }
0x339: {  	v2 =	vld.idx.msk [tilespmem:v1+s12+$0x0], $0xffff;
	_ =	sdelay $0x3  }
0x33a: {  	_, v47, _ =	vpop (xrf1)  }
0x33b: {  	v2 =	vadd.s32 v47, v2  }
0x33c: {  	v2 =	vadd.s32 $0xFFFFFFFF, v2  }
0x33d: {  	[tilespmem:$0x1710] =	vst v2  }
0x33e: {  	[tilespmem:v1+s12+$0x0] =	vst.idx.add.s32.msk $0xffff, v0  }
0x33f: {  	v1 =	vld [tilespmem:$0x320];
	_ =	sdelay $0x4  }
0x340: {  	(xrf1) =	vunique.msk.u32 $0xffff, v1;
	_ =	sdelay $0x9  }
0x341: {  	v2 =	vld.idx.msk [tilespmem:v1+s12+$0x0], $0xffff;
	_ =	sdelay $0x3  }
0x342: {  	_, v48, _ =	vpop (xrf1)  }
0x343: {  	v2 =	vadd.s32 v48, v2  }
0x344: {  	v2 =	vadd.s32 $0xFFFFFFFF, v2  }
0x345: {  	[tilespmem:$0x1720] =	vst v2  }
0x346: {  	[tilespmem:v1+s12+$0x0] =	vst.idx.add.s32.msk $0xffff, v0  }
0x347: {  	v1 =	vld [tilespmem:$0x330];
	_ =	sdelay $0x4  }
0x348: {  	(xrf1) =	vunique.msk.u32 $0xffff, v1;
	_ =	sdelay $0x9  }
0x349: {  	v2 =	vld.idx.msk [tilespmem:v1+s12+$0x0], $0xffff;
	_ =	sdelay $0x3  }
0x34a: {  	_, v49, _ =	vpop (xrf1)  }
0x34b: {  	v2 =	vadd.s32 v49, v2  }
0x34c: {  	v2 =	vadd.s32 $0xFFFFFFFF, v2  }
0x34d: {  	[tilespmem:$0x1730] =	vst v2  }
0x34e: {  	[tilespmem:v1+s12+$0x0] =	vst.idx.add.s32.msk $0xffff, v0  }
0x34f: {  	v1 =	vld [tilespmem:$0x340];
	_ =	sdelay $0x4  }
0x350: {  	(xrf1) =	vunique.msk.u32 $0xffff, v1;
	_ =	sdelay $0x9  }
0x351: {  	v2 =	vld.idx.msk [tilespmem:v1+s12+$0x0], $0xffff;
	_ =	sdelay $0x3  }
0x352: {  	_, v50, _ =	vpop (xrf1)  }
0x353: {  	v2 =	vadd.s32 v50, v2  }
0x354: {  	v2 =	vadd.s32 $0xFFFFFFFF, v2  }
0x355: {  	[tilespmem:$0x1740] =	vst v2  }
0x356: {  	[tilespmem:v1+s12+$0x0] =	vst.idx.add.s32.msk $0xffff, v0  }
0x357: {  	v1 =	vld [tilespmem:$0x350];
	_ =	sdelay $0x4  }
0x358: {  	(xrf1) =	vunique.msk.u32 $0xffff, v1;
	_ =	sdelay $0x9  }
0x359: {  	v2 =	vld.idx.msk [tilespmem:v1+s12+$0x0], $0xffff;
	_ =	sdelay $0x3  }
0x35a: {  	_, v51, _ =	vpop (xrf1)  }
0x35b: {  	v2 =	vadd.s32 v51, v2  }
0x35c: {  	v2 =	vadd.s32 $0xFFFFFFFF, v2  }
0x35d: {  	[tilespmem:$0x1750] =	vst v2  }
0x35e: {  	[tilespmem:v1+s12+$0x0] =	vst.idx.add.s32.msk $0xffff, v0  }
0x35f: {  	v1 =	vld [tilespmem:$0x360];
	_ =	sdelay $0x4  }
0x360: {  	(xrf1) =	vunique.msk.u32 $0xffff, v1;
	_ =	sdelay $0x9  }
0x361: {  	v2 =	vld.idx.msk [tilespmem:v1+s12+$0x0], $0xffff;
	_ =	sdelay $0x3  }
0x362: {  	_, v52, _ =	vpop (xrf1)  }
0x363: {  	v2 =	vadd.s32 v52, v2  }
0x364: {  	v2 =	vadd.s32 $0xFFFFFFFF, v2  }
0x365: {  	[tilespmem:$0x1760] =	vst v2  }
0x366: {  	[tilespmem:v1+s12+$0x0] =	vst.idx.add.s32.msk $0xffff, v0  }
0x367: {  	v1 =	vld [tilespmem:$0x370];
	_ =	sdelay $0x4  }
0x368: {  	(xrf1) =	vunique.msk.u32 $0xffff, v1;
	_ =	sdelay $0x9  }
0x369: {  	v2 =	vld.idx.msk [tilespmem:v1+s12+$0x0], $0xffff;
	_ =	sdelay $0x3  }
0x36a: {  	_, v53, _ =	vpop (xrf1)  }
0x36b: {  	v2 =	vadd.s32 v53, v2  }
0x36c: {  	v2 =	vadd.s32 $0xFFFFFFFF, v2  }
0x36d: {  	[tilespmem:$0x1770] =	vst v2  }
0x36e: {  	[tilespmem:v1+s12+$0x0] =	vst.idx.add.s32.msk $0xffff, v0  }
0x36f: {  	v1 =	vld [tilespmem:$0x380];
	_ =	sdelay $0x4  }
0x370: {  	(xrf1) =	vunique.msk.u32 $0xffff, v1;
	_ =	sdelay $0x9  }
0x371: {  	v2 =	vld.idx.msk [tilespmem:v1+s12+$0x0], $0xffff;
	_ =	sdelay $0x3  }
0x372: {  	_, v54, _ =	vpop (xrf1)  }
0x373: {  	v2 =	vadd.s32 v54, v2  }
0x374: {  	v2 =	vadd.s32 $0xFFFFFFFF, v2  }
0x375: {  	[tilespmem:$0x1780] =	vst v2  }
0x376: {  	[tilespmem:v1+s12+$0x0] =	vst.idx.add.s32.msk $0xffff, v0  }
0x377: {  	v1 =	vld [tilespmem:$0x390];
	_ =	sdelay $0x4  }
0x378: {  	(xrf1) =	vunique.msk.u32 $0xffff, v1;
	_ =	sdelay $0x9  }
0x379: {  	v2 =	vld.idx.msk [tilespmem:v1+s12+$0x0], $0xffff;
	_ =	sdelay $0x3  }
0x37a: {  	_, v55, _ =	vpop (xrf1)  }
0x37b: {  	v2 =	vadd.s32 v55, v2  }
0x37c: {  	v2 =	vadd.s32 $0xFFFFFFFF, v2  }
0x37d: {  	[tilespmem:$0x1790] =	vst v2  }
0x37e: {  	[tilespmem:v1+s12+$0x0] =	vst.idx.add.s32.msk $0xffff, v0  }
0x37f: {  	v1 =	vld [tilespmem:$0x3A0];
	_ =	sdelay $0x4  }
0x380: {  	(xrf1) =	vunique.msk.u32 $0xffff, v1;
	_ =	sdelay $0x9  }
0x381: {  	v2 =	vld.idx.msk [tilespmem:v1+s12+$0x0], $0xffff;
	_ =	sdelay $0x3  }
0x382: {  	_, v56, _ =	vpop (xrf1)  }
0x383: {  	v2 =	vadd.s32 v56, v2  }
0x384: {  	v2 =	vadd.s32 $0xFFFFFFFF, v2  }
0x385: {  	[tilespmem:$0x17A0] =	vst v2  }
0x386: {  	[tilespmem:v1+s12+$0x0] =	vst.idx.add.s32.msk $0xffff, v0  }
0x387: {  	v1 =	vld [tilespmem:$0x3B0];
	_ =	sdelay $0x4  }
0x388: {  	(xrf1) =	vunique.msk.u32 $0xffff, v1;
	_ =	sdelay $0x9  }
0x389: {  	v2 =	vld.idx.msk [tilespmem:v1+s12+$0x0], $0xffff;
	_ =	sdelay $0x3  }
0x38a: {  	_, v57, _ =	vpop (xrf1)  }
0x38b: {  	v2 =	vadd.s32 v57, v2  }
0x38c: {  	v2 =	vadd.s32 $0xFFFFFFFF, v2  }
0x38d: {  	[tilespmem:$0x17B0] =	vst v2  }
0x38e: {  	[tilespmem:v1+s12+$0x0] =	vst.idx.add.s32.msk $0xffff, v0  }
0x38f: {  	v1 =	vld [tilespmem:$0x3C0];
	_ =	sdelay $0x4  }
0x390: {  	(xrf1) =	vunique.msk.u32 $0xffff, v1;
	_ =	sdelay $0x9  }
0x391: {  	v2 =	vld.idx.msk [tilespmem:v1+s12+$0x0], $0xffff;
	_ =	sdelay $0x3  }
0x392: {  	_, v58, _ =	vpop (xrf1)  }
0x393: {  	v2 =	vadd.s32 v58, v2  }
0x394: {  	v2 =	vadd.s32 $0xFFFFFFFF, v2  }
0x395: {  	[tilespmem:$0x17C0] =	vst v2  }
0x396: {  	[tilespmem:v1+s12+$0x0] =	vst.idx.add.s32.msk $0xffff, v0  }
0x397: {  	v1 =	vld [tilespmem:$0x3D0];
	_ =	sdelay $0x4  }
0x398: {  	(xrf1) =	vunique.msk.u32 $0xffff, v1;
	_ =	sdelay $0x9  }
0x399: {  	v2 =	vld.idx.msk [tilespmem:v1+s12+$0x0], $0xffff;
	_ =	sdelay $0x3  }
0x39a: {  	_, v59, _ =	vpop (xrf1)  }
0x39b: {  	v2 =	vadd.s32 v59, v2  }
0x39c: {  	v2 =	vadd.s32 $0xFFFFFFFF, v2  }
0x39d: {  	[tilespmem:$0x17D0] =	vst v2  }
0x39e: {  	[tilespmem:v1+s12+$0x0] =	vst.idx.add.s32.msk $0xffff, v0  }
0x39f: {  	v1 =	vld [tilespmem:$0x3E0];
	_ =	sdelay $0x4  }
0x3a0: {  	(xrf1) =	vunique.msk.u32 $0xffff, v1;
	_ =	sdelay $0x9  }
0x3a1: {  	v2 =	vld.idx.msk [tilespmem:v1+s12+$0x0], $0xffff;
	_ =	sdelay $0x3  }
0x3a2: {  	_, v60, _ =	vpop (xrf1)  }
0x3a3: {  	v2 =	vadd.s32 v60, v2  }
0x3a4: {  	v2 =	vadd.s32 $0xFFFFFFFF, v2  }
0x3a5: {  	[tilespmem:$0x17E0] =	vst v2  }
0x3a6: {  	[tilespmem:v1+s12+$0x0] =	vst.idx.add.s32.msk $0xffff, v0  }
0x3a7: {  	v1 =	vld [tilespmem:$0x3F0];
	_ =	sdelay $0x4  }
0x3a8: {  	(xrf1) =	vunique.msk.u32 $0xffff, v1;
	_ =	sdelay $0x9  }
0x3a9: {  	v2 =	vld.idx.msk [tilespmem:v1+s12+$0x0], $0xffff;
	_ =	sdelay $0x3  }
0x3aa: {  	_, v61, _ =	vpop (xrf1)  }
0x3ab: {  	v2 =	vadd.s32 v61, v2  }
0x3ac: {  	v2 =	vadd.s32 $0xFFFFFFFF, v2  }
0x3ad: {  	[tilespmem:$0x17F0] =	vst v2  }
0x3ae: {  	s25 =	simm.s32 $0x1400;
	[tilespmem:v1+s12+$0x0] =	vst.idx.add.s32.msk $0xffff, v0  }
0x3af: {  	[spmem:s5] =	stream.indirect.scatter [tilespmem:s10], [sflag:$0x1], $0x1, s25, s7, $0xb8;
	[tilespmem:$0x17658] =	vst v63  }
0x3b0: {  	_ =	swait.ge [sflag:s6], $0x80  }
0x3b1: {  	[sflag:s6] =	ssyncset.done $0x0  }
0x3b2: {  	[sflag:s6] =	ssyncadd.s32 $0xFFFFFF80  }
0x3b3: {  	[spmem:s4] =	stream.indirect.scatter [tilespmem:s13], [sflag:$0x1], $0x1, s25, s7, $0xb8;
	[tilespmem:$0x17658] =	vst v63  }
0x3b4: {  	_ =	swait.ge [sflag:s6], $0x80  }
0x3b5: {  	[sflag:s6] =	ssyncset.done $0x0  }
0x3b6: {  	s26 =	simm.s32 $0x1480;
	s28 =	simm.s32 $0x480;
	[sflag:s6] =	ssyncadd.s32 $0xFFFFFF80  }
0x3b7: {  	[spmem:s5] =	stream.indirect.scatter [tilespmem:s28], [sflag:$0x1], $0x1, s26, s7, $0xb8;
	[tilespmem:$0x17658] =	vst v63  }
0x3b8: {  	_ =	swait.ge [sflag:s6], $0x80  }
0x3b9: {  	[sflag:s6] =	ssyncset.done $0x0  }
0x3ba: {  	s29 =	simm.s32 $0x880;
	[sflag:s6] =	ssyncadd.s32 $0xFFFFFF80  }
0x3bb: {  	[spmem:s4] =	stream.indirect.scatter [tilespmem:s29], [sflag:$0x1], $0x1, s26, s7, $0xb8;
	[tilespmem:$0x17658] =	vst v63  }
0x3bc: {  	_ =	swait.ge [sflag:s6], $0x80  }
0x3bd: {  	[sflag:s6] =	ssyncset.done $0x0  }
0x3be: {  	s30 =	simm.s32 $0x1500;
	s31 =	simm.s32 $0x500;
	[sflag:s6] =	ssyncadd.s32 $0xFFFFFF80  }
0x3bf: {  	[spmem:s5] =	stream.indirect.scatter [tilespmem:s31], [sflag:$0x1], $0x1, s30, s7, $0xb8;
	[tilespmem:$0x17658] =	vst v63  }
0x3c0: {  	_ =	swait.ge [sflag:s6], $0x80  }
0x3c1: {  	[sflag:s6] =	ssyncset.done $0x0  }
0x3c2: {  	s12 =	simm.s32 $0x900;
	[sflag:s6] =	ssyncadd.s32 $0xFFFFFF80  }
0x3c3: {  	[spmem:s4] =	stream.indirect.scatter [tilespmem:s12], [sflag:$0x1], $0x1, s30, s7, $0xb8;
	[tilespmem:$0x17658] =	vst v63  }
0x3c4: {  	_ =	swait.ge [sflag:s6], $0x80  }
0x3c5: {  	[sflag:s6] =	ssyncset.done $0x0  }
0x3c6: {  	s14 =	simm.s32 $0x580;
	s13 =	simm.s32 $0x1580;
	[sflag:s6] =	ssyncadd.s32 $0xFFFFFF80  }
0x3c7: {  	[spmem:s5] =	stream.indirect.scatter [tilespmem:s14], [sflag:$0x1], $0x1, s13, s7, $0xb8;
	[tilespmem:$0x17658] =	vst v63  }
0x3c8: {  	_ =	swait.ge [sflag:s6], $0x80  }
0x3c9: {  	[sflag:s6] =	ssyncset.done $0x0  }
0x3ca: {  	s15 =	simm.s32 $0x980;
	[sflag:s6] =	ssyncadd.s32 $0xFFFFFF80  }
0x3cb: {  	[spmem:s4] =	stream.indirect.scatter [tilespmem:s15], [sflag:$0x1], $0x1, s13, s7, $0xb8;
	[tilespmem:$0x17658] =	vst v63  }
0x3cc: {  	_ =	swait.ge [sflag:s6], $0x80  }
0x3cd: {  	[sflag:s6] =	ssyncset.done $0x0  }
0x3ce: {  	s17 =	simm.s32 $0x600;
	s16 =	simm.s32 $0x1600;
	[sflag:s6] =	ssyncadd.s32 $0xFFFFFF80  }
0x3cf: {  	[spmem:s5] =	stream.indirect.scatter [tilespmem:s17], [sflag:$0x1], $0x1, s16, s7, $0xb8;
	[tilespmem:$0x17658] =	vst v63  }
0x3d0: {  	_ =	swait.ge [sflag:s6], $0x80  }
0x3d1: {  	[sflag:s6] =	ssyncset.done $0x0  }
0x3d2: {  	s18 =	simm.s32 $0xA00;
	[sflag:s6] =	ssyncadd.s32 $0xFFFFFF80  }
0x3d3: {  	[spmem:s4] =	stream.indirect.scatter [tilespmem:s18], [sflag:$0x1], $0x1, s16, s7, $0xb8;
	[tilespmem:$0x17658] =	vst v63  }
0x3d4: {  	_ =	swait.ge [sflag:s6], $0x80  }
0x3d5: {  	[sflag:s6] =	ssyncset.done $0x0  }
0x3d6: {  	s19 =	simm.s32 $0x1680;
	s20 =	simm.s32 $0x680;
	[sflag:s6] =	ssyncadd.s32 $0xFFFFFF80  }
0x3d7: {  	[spmem:s5] =	stream.indirect.scatter [tilespmem:s20], [sflag:$0x1], $0x1, s19, s7, $0xb8;
	[tilespmem:$0x17658] =	vst v63  }
0x3d8: {  	_ =	swait.ge [sflag:s6], $0x80  }
0x3d9: {  	[sflag:s6] =	ssyncset.done $0x0  }
0x3da: {  	s21 =	simm.s32 $0xA80;
	[sflag:s6] =	ssyncadd.s32 $0xFFFFFF80  }
0x3db: {  	[spmem:s4] =	stream.indirect.scatter [tilespmem:s21], [sflag:$0x1], $0x1, s19, s7, $0xb8;
	[tilespmem:$0x17658] =	vst v63  }
0x3dc: {  	_ =	swait.ge [sflag:s6], $0x80  }
0x3dd: {  	[sflag:s6] =	ssyncset.done $0x0  }
0x3de: {  	s22 =	simm.s32 $0x1700;
	s23 =	simm.s32 $0x700;
	[sflag:s6] =	ssyncadd.s32 $0xFFFFFF80  }
0x3df: {  	[spmem:s5] =	stream.indirect.scatter [tilespmem:s23], [sflag:$0x1], $0x1, s22, s7, $0xb8;
	[tilespmem:$0x17658] =	vst v63  }
0x3e0: {  	_ =	swait.ge [sflag:s6], $0x80  }
0x3e1: {  	[sflag:s6] =	ssyncset.done $0x0  }
0x3e2: {  	s24 =	simm.s32 $0xB00;
	[sflag:s6] =	ssyncadd.s32 $0xFFFFFF80  }
0x3e3: {  	[spmem:s4] =	stream.indirect.scatter [tilespmem:s24], [sflag:$0x1], $0x1, s22, s7, $0xb8;
	[tilespmem:$0x17658] =	vst v63  }
0x3e4: {  	_ =	swait.ge [sflag:s6], $0x80  }
0x3e5: {  	[sflag:s6] =	ssyncset.done $0x0  }
0x3e6: {  	s25 =	simm.s32 $0x1780;
	s26 =	simm.s32 $0x780;
	[sflag:s6] =	ssyncadd.s32 $0xFFFFFF80  }
0x3e7: {  	[spmem:s5] =	stream.indirect.scatter [tilespmem:s26], [sflag:$0x1], $0x1, s25, s7, $0xb8;
	[tilespmem:$0x17658] =	vst v63  }
0x3e8: {  	_ =	swait.ge [sflag:s6], $0x80  }
0x3e9: {  	[sflag:s6] =	ssyncset.done $0x0  }
0x3ea: {  	s28 =	simm.s32 $0xB80;
	[sflag:s6] =	ssyncadd.s32 $0xFFFFFF80  }
0x3eb: {  	[spmem:s4] =	stream.indirect.scatter [tilespmem:s28], [sflag:$0x1], $0x1, s25, s7, $0xb8;
	[tilespmem:$0x17658] =	vst v63  }
0x3ec: {  	_ =	swait.ge [sflag:s6], $0x80  }
0x3ed: {  	[sflag:s6] =	ssyncset.done $0x0  }
0x3ee: {  	[sflag:s6] =	ssyncadd.s32 $0xFFFFFF80  }
0x3ef: {  	s29 =	simm.s32 $0x5800;
	[bflag:$0x0] =	sbarrier.arrive $0xFFFF  }
0x3f0: {  	[tilespmem:s29], [sflag:$0x1] =	stream.linear.gather [spmem:s9], $0x40, $0x38;
	[tilespmem:$0x17658] =	vst v63  }
0x3f1: {  	_ =	swait.ge [sflag:s6], $0x40  }
0x3f2: {  	[sflag:s6] =	ssyncset.done $0x0  }
0x3f3: {  	s30 =	simm.s32 $0x5880;
	[sflag:s6] =	ssyncadd.s32 $0xFFFFFFC0  }
0x3f4: {  	[tilespmem:s30], [sflag:$0x1] =	stream.linear.gather [spmem:s8], $0x48, $0x38;
	[tilespmem:$0x17658] =	vst v63  }
0x3f5: {  	_ =	swait.ge [sflag:s6], $0x48  }
0x3f6: {  	[sflag:s6] =	ssyncset.done $0x0  }
0x3f7: {  	[sflag:s6] =	ssyncadd.s32 $0xFFFFFFB8  }
0x3f8: {  	v62 =	vld [tilespmem:$0x5880]  }
0x3f9: {  	v63 =	vld [tilespmem:$0x58B8];
	_ =	sdelay $0x3  }
0x3fa: {  	(v2sf) =	vpush v62, $0x0  }
0x3fb: {  	(v2sf) =	vpush v63, $0x8;
	_ =	sdelay $0xd  }
0x3fc: {  	s6 =	spop (v2sf)  }
0x3fd: {  	s31 =	spop (v2sf)  }
0x3fe: {  	s7 =	ssub.s32 s31, s6  }
0x3ff: {  	s7 =	sadd.s32 $0x1FF, s7  }
0x400: {  	s9 =	sshra.s32 s7, $0x9  }
0x401: {  	p1 =	slt.s32 s9, $0x1  }
.Ltmp4:
0x402: {  	_ = 	snop;
	(pc) =	sbr.rel @p1 .LBB2_12-.Ltmp4, $2  }
0x403: {  	_ =	sdelay $0x2  }
0x404: {  	s7 =	sshll.u32 s6, $0x2  }
0x405: {  	s10 =	sshra.s32 s7, $0x2  }
0x406: {  	s8 =	simm.s32 $0x5A00;
	s11 =	sadd.s32 s10, s5;
	s5 =	simm.s32 $0x1  }
0x407: {  	[tilespmem:s8], [sflag:$0x1] =	stream.linear.gather [spmem:s11], $0x200, $0x38;
	[tilespmem:$0x17658] =	vst v63  }
0x408: {  	p1 =	sne.s32 s9, $0x1;
	_ =	swait.ge [sflag:s5], $0x200  }
.Ltmp5:
0x409: {  	[sflag:s5] =	ssyncset.done $0x0;
	(pc) =	sbr.rel @!p1 .LBB2_11-.Ltmp5, $4  }
0x40a: {  	s10 =	sadd.s32 s10, s4;
	s4 =	simm.s32 $0xD800;
	[sflag:s5] =	ssyncadd.s32 $0xFFFFFE00  }
0x40b: {  	[tilespmem:s4], [sflag:$0x1] =	stream.linear.gather [spmem:s10], $0x200, $0x38;
	[tilespmem:$0x17658] =	vst v63  }
0x40c: {  	s9 =	sadd.s32 $0xFFFFFFFF, s9;
	_ =	swait.ge [sflag:s5], $0x200  }
0x40d: {  	s11 =	sadd.s32 $0x200, s11;
	s10 =	sadd.s32 $0x200, s10;
	[sflag:s5] =	ssyncset.done $0x0  }
.LBB2_10:
0x40e: {  	[sflag:s5] =	ssyncadd.s32 $0xFFFFFE00;
	s8 =	sadd.s32 $0x200, s8;
	s4 =	sadd.s32 $0x200, s4  }
0x40f: {  	[tilespmem:s8], [sflag:$0x1] =	stream.linear.gather [spmem:s11], $0x200, $0x38;
	[tilespmem:$0x17658] =	vst v63  }
0x410: {  	p1 =	sne.s32 s9, $0x1;
	s9 =	sadd.s32 $0xFFFFFFFF, s9;
	_ =	swait.ge [sflag:s5], $0x200  }
.Ltmp6:
0x411: {  	[sflag:s5] =	ssyncset.done $0x0;
	(pc) =	sbr.rel @p1 .LBB2_10-.Ltmp6, $4  }
0x412: {  	[sflag:s5] =	ssyncadd.s32 $0xFFFFFE00  }
0x413: {  	[tilespmem:s4], [sflag:$0x1] =	stream.linear.gather [spmem:s10], $0x200, $0x38;
	[tilespmem:$0x17658] =	vst v63  }
0x414: {  	_ =	swait.ge [sflag:s5], $0x200  }
0x415: {  	s11 =	sadd.s32 $0x200, s11;
	s10 =	sadd.s32 $0x200, s10;
	[sflag:s5] =	ssyncset.done $0x0  }
.LBB2_11:
0x416: {  	[sflag:s5] =	ssyncadd.s32 $0xFFFFFE00  }
.LBB2_12:
0x417: {  	v0 =	vld [tilespmem:$0x5900];
	_ =	sdelay $0x4  }
0x418: {  	(v2sf) =	vpush v0, $0x0;
	_ =	sdelay $0xe  }
0x419: {  	s4 =	spop (v2sf)  }
0x41a: {  	s5 =	scvt.s32.f32 s4;
	_ =	sdelay $0x1  }
0x41b: {  	v0 =	vmov s5  }
0x41c: {  	(erf) = vrcp.f32 v0;
	_ =	sdelay $0x4  }
.Ltmp7:
0x41d: {  	_ = 	snop;
	(pc) =	sbr.rel .LBB2_13-.Ltmp7, $4  }
0x41e: {  	_ = 	snop  }
0x41f: {  	s31 =	ssub.s32 $0x0, s7;
	s3 =	sadd.s32 s3, s2  }
0x420: {  	v2 =	vlaneseq.u32;
	s8 =	simm.s32 $0x0;
	s13 =	simm.s32 $0x0;
	s5 =	sshra.s32 s31, $0x2  }
0x421: {  	vm0 =	vmxor vm0, vm0;
	v3 =	vimm.s32 $0x0;
	p1 =	slt.s32 s4, $0x1;
	s7 =	sadd.s32 $0xD800, s5;
	v0 =	vimm.f32 $0.0e+00;
	s5 =	simm.s32 $0x0;
	v1 =	vpop (erf)  }
.LBB2_17:
0x422: {  	v4 =	vimm.f32 $0.0e+00  }
.LBB2_33:
0x423: {  	v4 =	vmul.f32 v4, v1  }
.LBB2_34:
0x424: {  	p2 =	sgt.s32 s9, $0x0;
	s9 =	simm.s32 $0x1;
	s8 =	sadd.s32 $0x1, s8  }
0x425: {  	s9 =	simm.s32 @!p2 $0x0;
	p2 =	sne.s32 s8, $0x40  }
.Ltmp8:
0x426: {  	_ = 	snop;
	(pc) =	sbr.rel @!p2 .LBB2_35-.Ltmp8, $2  }
0x427: {  	_ =	sdelay $0x2  }
0x428: {  	v0 =	vadd.f32 v4, v0;
	s5 =	sadd.s32 s9, s5  }
.LBB2_13:
0x429: {  	s9 =	sand.u32 $0x30, s8  }
0x42a: {  	v4 =	vld [tilespmem:s9+$0x5800];
	_ =	sdelay $0x1  }
0x42b: {  	s31 =	sand.u32 $0xF, s8  }
0x42c: {  	v6 =	vmov s31  }
0x42d: {  	v5 =	vld [tilespmem:s9+$0x5880];
	vm1 =	veq.s32 v6, v2  }
0x42e: {  	v4 =	vnsel vm1, $0x0, v4  }
0x42f: {  	(xrf0) =	vadd.scan.msk.s32 $0xffff, v4;
	_ =	sdelay $0x2  }
0x430: {  	v4 =	vnsel vm1, $0x0, v5;
	_ =	sdelay $0x1  }
0x431: {  	(xrf0) =	vadd.scan.msk.s32 $0xffff, v4  }
0x432: {  	v4, _, _ =	vpop (xrf0)  }
0x433: {  	(v2sf) =	vpush v4, $0xF;
	_ =	sdelay $0x3  }
0x434: {  	v5, _, _ =	vpop (xrf0)  }
0x435: {  	(v2sf) =	vpush v5, $0xF;
	_ =	sdelay $0x9  }
0x436: {  	s9 =	spop (v2sf)  }
0x437: {  	p2 =	sgt.s32 s9, s4  }
.Ltmp9:
0x438: {  	_ = 	snop;
	(pc) =	sbr.rel @!p2 .LBB2_14-.Ltmp9, $3  }
0x439: {  	_ =	sdelay $0x1  }
0x43a: {  	s12 =	spop (v2sf);
	s10 =	sadd.s32 $0xF, s9  }
0x43b: {  	s11 =	ssub.s32 s12, s6;
	s10 =	sshra.s32 s10, $0x4  }
.Ltmp10:
0x43c: {  	(pc) =	sbr.rel @p1 .LBB2_17-.Ltmp10, $1  }
0x43d: {  	_ =	sdelay $0x3  }
.Ltmp11:
0x43e: {  	(pc) =	sbr.rel .LBB2_23-.Ltmp11, $4  }
0x43f: {  	_ = 	snop  }
0x440: {  	s12 =	sshll.u32 s12, $0x2  }
0x441: {  	s11 =	sadd.s32 $0x5A00, s11;
	s12 =	sshra.s32 s12, $0x2  }
0x442: {  	v5 =	vbroadcast v4, $0xF;
	v4 =	vimm.f32 $0.0e+00;
	p2 =	slt.s32 s10, $0x1;
	s14 =	simm.s32 $0x0;
	s12 =	sadd.s32 s12, s7  }
.LBB2_14:
0x443: {  	p2 =	slt.s32 s10, $0x1  }
.Ltmp12:
0x444: {  	_ = 	snop;
	(pc) =	sbr.rel @p2 .LBB2_15-.Ltmp12, $1  }
0x445: {  	_ =	sdelay $0x3  }
0x446: {  	s12 =	sadd.s32 $0xD800, s11  }
0x447: {  	p2 =	sne.s32 s10, $0x1;
	v6 =	vld [tilespmem:s12+$0x0]  }
.Ltmp13:
0x448: {  	_ = 	snop;
	(pc) =	sbr.rel @!p2 .LBB2_20-.Ltmp13, $4  }
0x449: {  	v5 =	vbroadcast v4, $0xF;
	s11 =	simm.s32 $0x0  }
0x44a: {  	v7 =	vor.u32 s11, v2  }
0x44b: {  	vm1 =	vlt.s32 v7, v5  }
0x44c: {  	v4 =	vimm.f32 $0.0e+00;
	s10 =	sadd.s32 $0xFFFFFFFF, s10;
	s12 =	sadd.s32 $0x10, s12;
	v6 =	vnsel vm1, $0x0, v6  }
.LBB2_19:
0x44d: {  	v7 =	vld [tilespmem:s12+$0x0];
	p2 =	sne.s32 s10, $0x1;
	s10 =	sadd.s32 $0xFFFFFFFF, s10;
	v4 =	vadd.f32 v6, v4  }
.Ltmp14:
0x44e: {  	(pc) =	sbr.rel @p2 .LBB2_19-.Ltmp14, $4  }
0x44f: {  	s11 =	sadd.s32 $0x10, s11  }
0x450: {  	v6 =	vor.u32 s11, v2  }
0x451: {  	vm1 =	vlt.s32 v6, v5  }
0x452: {  	s12 =	sadd.s32 $0x10, s12;
	v6 =	vnsel vm1, $0x0, v7  }
.LBB2_20:
.Ltmp15:
0x453: {  	(pc) =	sbr.rel .LBB2_21-.Ltmp15, $2  }
0x454: {  	_ =	sdelay $0x2  }
0x455: {  	v4 =	vadd.f32 v6, v4  }
.LBB2_15:
0x456: {  	v4 =	vimm.f32 $0.0e+00  }
.LBB2_21:
0x457: {  	p2 =	sgt.s32 s9, $0x1;
	s10 =	smov.u32 s9  }
0x458: {  	s10 =	simm.s32 @!p2 $0x1  }
0x459: {  	s10 =	scvt.s32.f32 s10;
	_ =	sdelay $0x1  }
0x45a: {  	v5 =	vmov s10  }
0x45b: {  	(erf) = vrcp.f32 v5;
	_ =	sdelay $0x5  }
.Ltmp16:
0x45c: {  	_ = 	snop;
	(pc) =	sbr.rel .LBB2_34-.Ltmp16, $3  }
0x45d: {  	_ =	sdelay $0x1  }
0x45e: {  	v5 =	vpop (erf)  }
0x45f: {  	v4 =	vmul.f32 v4, v5  }
.LBB2_27:
0x460: {  	s18 =	simm.s32 $0x0  }
0x461: {  	s19 =	simm.s32 $0x0;
	s17 =	smov.u32 s12;
	s16 =	smov.u32 s11  }
.LBB2_31:
0x462: {  	s20 =	spop @p3 (v2sf)  }
0x463: {  	s18 =	sadd.s32 @p3 $0x10, s18;
	s21 =	simm.s32 $0x0;
	s20 =	sxor.u32 @p3 $0x80000000, s20  }
0x464: {  	s21 =	smov.u32 @p3 s18;
	s18 =	sor.u32 @p3 s19, s20  }
0x465: {  	v8 =	vor.u32 s21, v2;
	s15 =	smov.u32 @p3 s18  }
0x466: {  	vm2 =	veq.f32 v7, v6;
	vm3 =	vmmov vm0;
	vm1 =	vlt.s32 v8, v5;
	p4 =	seq.s32 s15, $0x0  }
0x467: {  	vm1 =	vmand vm1, vm2;
	vm3 =	vmneg @p4 vm3  }
0x468: {  	vm1 =	vmand vm3, vm1  }
0x469: {  	v6 =	vsel vm1, $0x1, v3  }
0x46a: {  	v6 =	vor.u32 $0x80000000, v6  }
0x46b: {  	(xrf0) =	vmax.scan.msk.u32 $0xffff, v6;
	_ =	sdelay $0x5  }
0x46c: {  	v6, _, _ =	vpop (xrf0)  }
0x46d: {  	(v2sf) =	vpush v6, $0xF;
	_ =	sdelay $0x5  }
0x46e: {  	s15 =	sadd.s32 @p3 $0x10, s17;
	s17 =	smov.u32 s12  }
0x46f: {  	s17 =	smov.u32 @p3 s15  }
0x470: {  	v6 =	vld [tilespmem:s17+$0x0]  }
0x471: {  	v63 =	vmctz.xlane vm1;
	_ =	sdelay $0x1  }
0x472: {  	vm2 =	veq.s32 v63, v2  }
0x473: {  	vm1 =	vmand vm2, vm1  }
0x474: {  	v6 =	vnsel vm1, $0x0, v6  }
0x475: {  	v7 =	vsel vm1, $0xC0000000, v7;
	v4 =	vadd.f32 v6, v4  }
0x476: {  	[tilespmem:s16+$0x0] =	vst v7;
	s31 =	spop (v2sf)  }
.LBB2_32:
0x477: {  	s14 =	sadd.s32 $0x1, s14  }
0x478: {  	p3 =	sne.s32 s14, s4  }
.Ltmp17:
0x479: {  	_ = 	snop;
	(pc) =	sbr.rel @!p3 .LBB2_33-.Ltmp17, $1  }
0x47a: {  	_ =	sdelay $0x3  }
.LBB2_23:
.Ltmp18:
0x47b: {  	(pc) =	sbr.rel @p2 .LBB2_32-.Ltmp18, $2  }
0x47c: {  	_ =	sdelay $0x2  }
0x47d: {  	v6 =	vimm.f32 $-1.000000000e+00  }
0x47e: {  	v7 =	vld [tilespmem:s11+$0x0];
	p3 =	sne.s32 s10, $0x1  }
.Ltmp19:
0x47f: {  	_ = 	snop;
	(pc) =	sbr.rel @!p3 .LBB2_26-.Ltmp19, $4  }
0x480: {  	_ = 	snop  }
0x481: {  	v8 =	vor.u32 s13, v2  }
0x482: {  	vm1 =	vlt.s32 v8, v5  }
0x483: {  	s15 =	sadd.s32 $0xFFFFFFFF, s10;
	s16 =	sadd.s32 $0x10, s11;
	s17 =	simm.s32 $0x0;
	v7 =	vnsel vm1, $0xBF800000, v7  }
.LBB2_25:
0x484: {  	v8 =	vld [tilespmem:s16+$0x0];
	p3 =	sne.s32 s15, $0x1;
	s15 =	sadd.s32 $0xFFFFFFFF, s15;
	v6 =	vmax.f32 v6, v7  }
.Ltmp20:
0x485: {  	(pc) =	sbr.rel @p3 .LBB2_25-.Ltmp20, $4  }
0x486: {  	s17 =	sadd.s32 $0x10, s17  }
0x487: {  	v7 =	vor.u32 s17, v2  }
0x488: {  	vm1 =	vlt.s32 v7, v5  }
0x489: {  	s16 =	sadd.s32 $0x10, s16;
	v7 =	vnsel vm1, $0xBF800000, v8  }
.LBB2_26:
0x48a: {  	v6 =	vmax.f32 v6, v7  }
0x48b: {  	(xrf0) =	vmax.scan.msk.f32 $0xffff, v6;
	_ =	sdelay $0x1  }
0x48c: {  	p4 =	sne.s32 s10, $0x1  }
.Ltmp21:
0x48d: {  	_ = 	snop;
	(pc) =	sbr.rel @!p4 .LBB2_27-.Ltmp21, $3  }
0x48e: {  	_ =	sdelay $0x1  }
0x48f: {  	v6, _, _ =	vpop (xrf0)  }
0x490: {  	s15 =	simm.s32 $0x0;
	v7 =	vld [tilespmem:s11+$0x0];
	s17 =	sadd.s32 $0xFFFFFFFF, s10;
	p3 =	por $0x0, $0x0;
	v6 =	vbroadcast v6, $0xF  }
0x491: {  	_ =	sdelay $0x2  }
0x492: {  	v8 =	vor.u32 s15, v2  }
0x493: {  	p3 =	por $0x1, $0x1;
	vm3 =	vmmov vm0;
	vm1 =	vlt.s32 v8, v5;
	vm2 =	veq.f32 v7, v6  }
0x494: {  	vm3 =	vmneg @p3 vm3;
	vm1 =	vmand vm1, vm2  }
0x495: {  	vm1 =	vmand vm3, vm1  }
0x496: {  	v8 =	vsel vm1, $0x1, v3  }
0x497: {  	v8 =	vor.u32 $0x80000000, v8  }
0x498: {  	(xrf0) =	vmax.scan.msk.u32 $0xffff, v8;
	v8 =	vmctz.xlane vm1;
	_ =	sdelay $0x1  }
0x499: {  	vm2 =	veq.s32 v8, v2  }
0x49a: {  	vm1 =	vmand vm2, vm1  }
0x49b: {  	v7 =	vsel vm1, $0xC0000000, v7;
	_ =	sdelay $0x2  }
0x49c: {  	v9 =	vld [tilespmem:s12+$0x0];
	[tilespmem:s11+$0x0] =	vst v7;
	v7, _, _ =	vpop (xrf0)  }
0x49d: {  	(v2sf) =	vpush v7, $0xF;
	_ =	sdelay $0x8  }
0x49e: {  	p4 =	sne.s32 s17, $0x1  }
.Ltmp22:
0x49f: {  	_ = 	snop;
	(pc) =	sbr.rel @!p4 .LBB2_29-.Ltmp22, $4  }
0x4a0: {  	_ = 	snop  }
0x4a1: {  	s16 =	sadd.s32 $0x10, s11  }
0x4a2: {  	s20 =	sadd.s32 $0xFFFFFFFF, s17;
	s18 =	simm.s32 $0x0;
	v8 =	vnsel vm1, $0x0, v9;
	v7 =	vld [tilespmem:s16+$0x0]  }
0x4a3: {  	s19 =	simm.s32 $0x0;
	s17 =	smov.u32 s12;
	p3 =	por $0x1, $0x1;
	v4 =	vadd.f32 v8, v4  }
.LBB2_30:
0x4a4: {  	p4 =	sne.s32 s20, $0x1  }
0x4a5: {  	s18 =	sadd.s32 $0x10, s18;
	s21 =	spop (v2sf)  }
0x4a6: {  	v8 =	vor.u32 s18, v2;
	s21 =	sxor.u32 $0x80000000, s21  }
0x4a7: {  	vm2 =	veq.f32 v7, v6;
	vm1 =	vlt.s32 v8, v5;
	s19 =	sor.u32 s19, s21  }
0x4a8: {  	vm1 =	vmand vm1, vm2;
	vm2 =	vmmov vm0;
	p5 =	seq.s32 s19, $0x0  }
0x4a9: {  	vm2 =	vmneg @p5 vm2  }
0x4aa: {  	vm1 =	vmand vm2, vm1  }
0x4ab: {  	v8 =	vmctz.xlane vm1;
	v9 =	vsel vm1, $0x1, v3  }
0x4ac: {  	v9 =	vor.u32 $0x80000000, v9  }
0x4ad: {  	vm2 =	veq.s32 v8, v2;
	(xrf0) =	vmax.scan.msk.u32 $0xffff, v9  }
0x4ae: {  	vm1 =	vmand vm2, vm1  }
0x4af: {  	s17 =	sadd.s32 $0x10, s17;
	v7 =	vsel vm1, $0xC0000000, v7  }
0x4b0: {  	v8 =	vld [tilespmem:s17+$0x0];
	[tilespmem:s16+$0x0] =	vst v7;
	_ =	sdelay $0x2  }
0x4b1: {  	v7, _, _ =	vpop (xrf0)  }
0x4b2: {  	(v2sf) =	vpush v7, $0xF  }
0x4b3: {  	v7 =	vnsel vm1, $0x0, v8  }
0x4b4: {  	v4 =	vadd.f32 v7, v4;
	_ =	sdelay $0x6  }
.Ltmp23:
0x4b5: {  	(pc) =	sbr.rel @p4 .LBB2_30-.Ltmp23, $3  }
0x4b6: {  	_ =	sdelay $0x1  }
0x4b7: {  	s16 =	sadd.s32 $0x10, s16  }
0x4b8: {  	s20 =	sadd.s32 $0xFFFFFFFF, s20;
	v7 =	vld [tilespmem:s16+$0x0]  }
.Ltmp24:
0x4b9: {  	_ = 	snop;
	(pc) =	sbr.rel .LBB2_31-.Ltmp24, $1  }
0x4ba: {  	_ =	sdelay $0x3  }
.LBB2_29:
.Ltmp25:
0x4bb: {  	(pc) =	sbr.rel .LBB2_31-.Ltmp25, $2  }
0x4bc: {  	_ =	sdelay $0x2  }
0x4bd: {  	s18 =	simm.s32 $0x0;
	s19 =	simm.s32 $0x0;
	s17 =	smov.u32 s12  }
.LBB2_35:
0x4be: {  	_ = 	snop  }
0x4bf: {  	(xrf2) =	vadd.scan.msk.f32 $0xffff, v0;
	_ =	sdelay $0x9  }
0x4c0: {  	v0, _, _ =	vpop (xrf2)  }
0x4c1: {  	s4 =	scvt.s32.f32 s5;
	v0 =	vadd.f32 $0.0e+00, v0;
	_ =	sdelay $0x1  }
0x4c2: {  	vm0 =	vcmask $0x704;
	v1 =	vmov s4;
	v0 =	vbroadcast v0, $0xF  }
0x4c3: {  	v1 =	vnsel vm0, $0x0, v1;
	vm0 =	vmmov $0x1  }
0x4c4: {  	v0 =	vsel vm0, v0, v1  }
0x4c5: {  	s4 =	simm.s32 $0x5980;
	[tilespmem:$0x5980] =	vst v0  }
0x4c6: {  	[spmem:s3] =	stream.linear.scatter [tilespmem:s4], [sflag:$0x1], $0x80, $0x38;
	[tilespmem:$0x17658] =	vst v63  }
0x4c7: {  	s3 =	simm.s32 $0x1  }
0x4c8: {  	_ =	swait.ge [sflag:s3], $0x80  }
0x4c9: {  	[sflag:s3] =	ssyncset.done $0x0  }
0x4ca: {  	[sflag:s3] =	ssyncadd.s32 $0xFFFFFF80  }
0x4cb: {  	[bflag:$0x0] =	sbarrier.arrive $0xFFFF  }
0x4cc: {  	_ =	sfence.sel @p0 $0x180000  }
0x4cd: {  	[bflag:$0x0] =	sbarrier.arrive @p0 $0xFFFF  }
0x4ce: {  	_ =	strace @p0 $0x90000047  }
0x4cf: {  	[bflag:$0x2] =	sbarrier.arrive @p0 $0xFFFF  }
0x4d0: {  	_ =	shalt @p0  }
.LBB2_36:
0x4d1: {  	s5 =	simm.s32 $0x15600  }
0x4d2: {  	[tilespmem:s5], [sflag:$0x1] =	stream.linear.gather [spmem:s2], $0x800, $0x38;
	[tilespmem:$0x17658] =	vst v63  }
0x4d3: {  	_ =	swait.ge [sflag:s3], $0x800  }
0x4d4: {  	[sflag:s3] =	ssyncset.done $0x0  }
0x4d5: {  	[sflag:s3] =	ssyncadd.s32 $0xFFFFF800  }
0x4d6: {  	v0 =	vld [tilespmem:$0x15600];
	_ =	sdelay $0x1  }
0x4d7: {  	v1 =	vld [tilespmem:$0x15680];
	_ =	sdelay $0x1  }
0x4d8: {  	v2 =	vld [tilespmem:$0x15700]  }
0x4d9: {  	v0 =	vadd.f32 $0.0e+00, v0  }
0x4da: {  	v3 =	vld [tilespmem:$0x15780]  }
0x4db: {  	v0 =	vadd.f32 v1, v0  }
0x4dc: {  	v49 =	vld [tilespmem:$0x15800]  }
0x4dd: {  	v0 =	vadd.f32 v2, v0  }
0x4de: {  	v50 =	vld [tilespmem:$0x15880]  }
0x4df: {  	v0 =	vadd.f32 v3, v0  }
0x4e0: {  	v51 =	vld [tilespmem:$0x15900]  }
0x4e1: {  	v0 =	vadd.f32 v49, v0  }
0x4e2: {  	v52 =	vld [tilespmem:$0x15980]  }
0x4e3: {  	v0 =	vadd.f32 v50, v0  }
0x4e4: {  	v53 =	vld [tilespmem:$0x15A00]  }
0x4e5: {  	v0 =	vadd.f32 v51, v0  }
0x4e6: {  	v54 =	vld [tilespmem:$0x15A80]  }
0x4e7: {  	v0 =	vadd.f32 v52, v0  }
0x4e8: {  	v55 =	vld [tilespmem:$0x15B00]  }
0x4e9: {  	v0 =	vadd.f32 v53, v0  }
0x4ea: {  	v56 =	vld [tilespmem:$0x15B80]  }
0x4eb: {  	v0 =	vadd.f32 v54, v0  }
0x4ec: {  	v57 =	vld [tilespmem:$0x15C00]  }
0x4ed: {  	v0 =	vadd.f32 v55, v0  }
0x4ee: {  	v58 =	vld [tilespmem:$0x15C80]  }
0x4ef: {  	v0 =	vadd.f32 v56, v0  }
0x4f0: {  	v59 =	vld [tilespmem:$0x15D00]  }
0x4f1: {  	v0 =	vadd.f32 v57, v0  }
0x4f2: {  	v60 =	vld [tilespmem:$0x15D80]  }
0x4f3: {  	v0 =	vadd.f32 v58, v0;
	_ =	sdelay $0x1  }
0x4f4: {  	v0 =	vadd.f32 v59, v0;
	_ =	sdelay $0x1  }
0x4f5: {  	v0 =	vadd.f32 v60, v0;
	_ =	sdelay $0x1  }
0x4f6: {  	vm15 =	vcmask $0x308;
	v61 =	vnsel vm0, $0x0, v0  }
0x4f7: {  	v0 =	vsel vm15, $0x0, v0;
	(xrf2) =	vadd.scan.msk.f32 $0xffff, v61  }
0x4f8: {  	(xrf2) =	vadd.scan.msk.f32 $0xffff, v0;
	_ =	sdelay $0x8  }
0x4f9: {  	v62, _, _ =	vpop (xrf2)  }
0x4fa: {  	v63, _, _ =	vpop (xrf2)  }
0x4fb: {  	v1 =	vadd.f32 $0.0e+00, v63;
	_ =	sdelay $0x1  }
0x4fc: {  	v1 =	vbroadcast v1, $0xF;
	_ =	sdelay $0x1  }
0x4fd: {  	(erf) = vrcp.f32 v1;
	_ =	sdelay $0x5  }
0x4fe: {  	v0 =	vadd.f32 $0.0e+00, v62;
	_ =	sdelay $0x1  }
0x4ff: {  	v0 =	vbroadcast v0, $0xF  }
0x500: {  	v1 =	vpop (erf)  }
0x501: {  	v0 =	vmul.f32 v1, v0;
	_ =	sdelay $0x1  }
0x502: {  	s31 =	simm.s32 $0x0;
	[tilespmem:$0x5980] =	vst v0  }
0x503: {  	[hbm4b:s1+s31] =	stream.linear.scatter [tilespmem:s4], [sflag:$0x1], $0x80, $0x38;
	[tilespmem:$0x17658] =	vst v63  }
0x504: {  	_ =	swait.ge [sflag:s3], $0x80  }
0x505: {  	[sflag:s3] =	ssyncset.done $0x0  }
0x506: {  	[sflag:s3] =	ssyncadd.s32 $0xFFFFFF80  }
0x507: {  	_ =	sfence.sel $0x180000  }
0x508: {  	[bflag:$0x0] =	sbarrier.arrive $0xFFFF  }
0x509: {  	_ =	strace $0x90000047  }
0x50a: {  	s0 =	sadd.s32 $0x100000, s0;
	[bflag:$0x2] =	sbarrier.arrive $0xFFFF  }
0x50b: {  	[sflag:s0] =	ssyncadd.tile.s32 $0x1;
	_ =	shalt  }
.Lfunc_end2:
_tile_overlayer_lowered:
.L_overlay_start_2:
0x50c: {  	(tag) =	ssettag $0x2  }
0x50d: {  	s0 =	rddreg [dreg:$0x0];
	s2 =	stileid.u32  }
0x50e: {  	s1 =	rddreg [dreg:$0x1];
	p0 =	sne.s32 s2, $0x0  }
0x50f: {  	s3 =	rddreg [dreg:$0x2];
	[bflag:$0x3] =	sbarrier.arrive $0xFFFF;
	s2 =	simm.s32 @!p0 $0x1C01  }
0x510: {  	[timem:s3], [sflag:s2] =	dma.local @!p0 [hbm:s0], s1  }
0x511: {  	s0 =	simm.s32 @!p0 $0x1  }
0x512: {  	_ =	swait.ge @!p0 [sflag:s0], s1  }
0x513: {  	s1 =	ssub.s32 @!p0 $0x0, s1;
	[sflag:s0] =	ssyncset.done @!p0 $0x0  }
0x514: {  	[sflag:s0] =	ssyncadd.s32 @!p0 s1  }
0x515: {  	[bflag:$0x3] =	sbarrier.arrive $0xFFFF  }
0x516: {  	_ =	shalt  }

</sc_bundles>
